<compile_context>
chip_gen: v7x
topology: tpu7x:2x2x1
jax: 0.10.2.dev20260603
libtpu: 0.0.44.dev20260713+nightly
codegen_flags: <defaults>
</compile_context>

<pallas_src>
import functools

import jax
import jax.numpy as jnp
from jax import lax
from jax.experimental import pallas as pl
from jax.experimental.pallas import tpu as pltpu
from jax.experimental.pallas import tpu_sc as plsc

NC = 2
NS = 16
NW = NC * NS
L = 16

DP = 128
NBUF = 2
RPC = 2

GROUP_STARTS = tuple(range(0, 192, 16)) + (184,)
RUNS = ((0, 128), (128, 72))


def kernel(input_ids, table):
    B, S = input_ids.shape
    V, D = table.shape
    rows_per_w = B // NW
    n_chunks = rows_per_w // RPC

    t2 = jnp.pad(table, ((0, 0), (0, DP - D))).reshape(2 * V, D)

    mesh = plsc.VectorSubcoreMesh(core_axis_name="c", subcore_axis_name="s")

    @functools.partial(
        pl.kernel,
        mesh=mesh,
        out_type=jax.ShapeDtypeStruct((B, S, DP), jnp.float32),
        scratch_types=[
            pltpu.VMEM((rows_per_w, S), jnp.int32),
            pltpu.VMEM((NBUF, RPC, S), jnp.int32),
            pltpu.VMEM((NBUF, RPC, S, D), jnp.float32),
            pltpu.SemaphoreType.DMA,
            pltpu.SemaphoreType.DMA,
            pltpu.SemaphoreType.DMA,
            pltpu.SemaphoreType.DMA,
        ],
        compiler_params=pltpu.CompilerParams(
            needs_layout_passes=False, use_tc_tiling_on_sc=False
        ),
    )
    def emb_kernel(idx_hbm, table_hbm, out_hbm, idx_v, idx2_v, rows_v,
                   sg0, sg1, so0, so1):
        wid = lax.axis_index("s") * NC + lax.axis_index("c")
        b0w = wid * rows_per_w
        sem_g = (sg0, sg1)
        sem_o = (so0, so1)

        pltpu.sync_copy(idx_hbm.at[pl.ds(b0w, rows_per_w)], idx_v)

        def start_gather(c, b):
            for r in range(RPC):
                for off in GROUP_STARTS:
                    iv = idx_v[c * RPC + r, pl.ds(off, L)]
                    idx2_v[b, r, pl.ds(off, L)] = iv + iv
                for off, n in RUNS:
                    pltpu.async_copy(
                        table_hbm.at[idx2_v.at[b, r, pl.ds(off, n)]],
                        rows_v.at[b, r].at[pl.ds(off, n)],
                        sem_g[b],
                    )

        def wait_gather(b):
            for r in range(RPC):
                for off, n in RUNS:
                    pltpu.make_async_copy(
                        table_hbm.at[pl.ds(0, n)],
                        rows_v.at[b, r].at[pl.ds(off, n)],
                        sem_g[b],
                    ).wait()

        def start_out(c, b):
            pltpu.async_copy(
                rows_v.at[b],
                out_hbm.at[pl.ds(b0w + c * RPC, RPC)].at[:, :, pl.ds(0, D)],
                sem_o[b],
            )

        def wait_out(b):
            pltpu.make_async_copy(
                table_hbm.at[pl.ds(0, RPC * S)],
                rows_v.at[b],
                sem_o[b],
            ).wait()

        def fixup(c, b):
            m = None
            for r in range(RPC):
                for off in GROUP_STARTS:
                    iv = idx_v[c * RPC + r, pl.ds(off, L)]
                    m = iv if m is None else jnp.minimum(m, iv)
            pad_cnt = plsc.all_reduce_population_count(m == 0)

            @pl.when(pad_cnt[0] != 0)
            def _fixup():
                zeros = jnp.zeros((L,), jnp.float32)
                lane = lax.iota(jnp.int32, L)

                for r in range(RPC):
                    def group_body(g, carry2, r=r):
                        off = jnp.minimum(g * L, S - L)
                        iv = idx_v[c * RPC + r, pl.ds(off, L)]
                        is_pad = iv == 0
                        gcnt = plsc.all_reduce_population_count(is_pad)

                        @pl.when(gcnt[0] != 0)
                        def _zero_rows():
                            srow = off + lane
                            for col in range(D):
                                plsc.store_scatter(
                                    rows_v.at[b, r],
                                    [srow, jnp.full((L,), col, jnp.int32)],
                                    zeros,
                                    mask=is_pad,
                                )

                        return carry2

                    lax.fori_loop(0, len(GROUP_STARTS), group_body, 0)

        start_gather(0, 0)

        def pair_body(i0, carry):
            c0 = i0 * 2
            c1 = c0 + 1

            @pl.when(c0 > 0)
            def _():
                wait_out(1)
            start_gather(c1, 1)
            wait_gather(0)
            fixup(c0, 0)
            start_out(c0, 0)

            @pl.when(c1 < n_chunks - 1)
            def _():
                wait_out(0)
                start_gather(c1 + 1, 0)
            wait_gather(1)
            fixup(c1, 1)
            start_out(c1, 1)
            return carry

        lax.fori_loop(0, n_chunks // 2, pair_body, 0)
        wait_out(0)
        wait_out(1)

    return emb_kernel(input_ids, t2)[:, :, :D]

# --- scband reference (transcript-rebuilt; emitter-appended) ---
"""Pipeline reference for scband-token-embedding-15015205667628 (READ-ONLY COPY).

The authoritative reference and input builder live on the scoring server;
editing this copy changes nothing except your own understanding.
"""

import jax, jax.numpy as jnp
import numpy as np

VOCAB = 1000000
HIDDEN = 64
BATCH = 4096
SEQ = 200
PAD_IDX = 0
INIT_RANGE = 0.02


def setup_inputs(seed: int = 0) -> dict:
    key = jax.random.key(seed)
    k_idx, k_tab = jax.random.split(key)
    input_ids = jax.random.randint(k_idx, (BATCH, SEQ), 0, VOCAB, dtype=jnp.int32)
    # nn.Embedding weight initialized with normal_(mean=0, std=initializer_range)
    table = jax.random.normal(k_tab, (VOCAB, HIDDEN), dtype=jnp.float32) * INIT_RANGE
    return {"input_ids": input_ids, "table": table}


def reference(input_ids, table):
    # padding_idx=0 -> row 0 of the embedding table acts as zeros
    emb = table.at[PAD_IDX].set(0.0)
    return jnp.take(emb, input_ids, axis=0)

if __name__ == "__main__":
    import jax
    _d = setup_inputs()
    print(jax.jit(kernel)(*tuple(_d.values())))

</pallas_src>

<mosaic_0001>
#map = affine_map<(d0, d1) -> (0, 0)>
#map1 = affine_map<(d0, d1) -> (0, 0, 0)>
module attributes {stable_mosaic.version = 14 : i64} {
  func.func @emb_kernel(%arg0: i32, %arg1: i32, %arg2: memref<4096x200xi32, #tpu.memory_space<hbm>>, %arg3: memref<2000000x64xf32, #tpu.memory_space<hbm>>, %arg4: memref<4096x200x128xf32, #tpu.memory_space<hbm>>, %arg5: memref<128x200xi32, #tpu.memory_space<vmem>>, %arg6: memref<2x2x200xi32, #tpu.memory_space<vmem>>, %arg7: memref<2x2x200x64xf32, #tpu.memory_space<vmem>>, %arg8: memref<!tpu.dma_semaphore, #tpu.memory_space<semaphore_mem>>, %arg9: memref<!tpu.dma_semaphore, #tpu.memory_space<semaphore_mem>>, %arg10: memref<!tpu.dma_semaphore, #tpu.memory_space<semaphore_mem>>, %arg11: memref<!tpu.dma_semaphore, #tpu.memory_space<semaphore_mem>>) attributes {dimension_semantics = [#tpu.dimension_semantics<core_parallel>, #tpu.dimension_semantics<subcore_parallel>], iteration_bounds = array<i64: 2, 16>, scalar_prefetch = 0 : i64, scratch_operands = 7 : i64, tpu.core_type = #tpu.core_type<sc_vector_subcore>, window_params = [{transform_indices = #map}, {transform_indices = #map}, {transform_indices = #map1}]} {
    %mul3A = arith.constant 2 : i32
    %mul3A_0 = arith.muli %arg1, %mul3A : i32
    %add3A = arith.addi %mul3A_0, %arg0 : i32
    %mul3A_1 = arith.constant 128 : i32
    %mul3A_2 = arith.muli %add3A, %mul3A_1 : i32
    "tpu.region"() ({
      %run_scoped3A = tpu.sem_alloc : memref<!tpu.dma_semaphore, #tpu.memory_space<semaphore_mem>>
      %dma_start3A_392 = arith.constant 0 : i32
      %dma_start3A_393 = tpu.memref_slice %arg2[%mul3A_2, %dma_start3A_392] : memref<4096x200xi32, #tpu.memory_space<hbm>> -> memref<128x200xi32, #tpu.memory_space<hbm>>
      %dma_start3A_394 = arith.constant 0 : i32
      %dma_start3A_395 = tpu.memref_slice %arg2[%mul3A_2, %dma_start3A_394] : memref<4096x200xi32, #tpu.memory_space<hbm>> -> memref<128x200xi32, #tpu.memory_space<hbm>>
      tpu.enqueue_dma source(%dma_start3A_395 : memref<128x200xi32, #tpu.memory_space<hbm>>) target(%arg5 : memref<128x200xi32, #tpu.memory_space<vmem>>) target_semaphore(%run_scoped3A : memref<!tpu.dma_semaphore, #tpu.memory_space<semaphore_mem>>)
      %dma_wait3A_396 = arith.constant 0 : i32
      %dma_wait3A_397 = tpu.memref_slice %arg2[%mul3A_2, %dma_wait3A_396] : memref<4096x200xi32, #tpu.memory_space<hbm>> -> memref<128x200xi32, #tpu.memory_space<hbm>>
      %dma_wait3A_398 = arith.constant 0 : i32
      %dma_wait3A_399 = tpu.memref_slice %arg2[%mul3A_2, %dma_wait3A_398] : memref<4096x200xi32, #tpu.memory_space<hbm>> -> memref<128x200xi32, #tpu.memory_space<hbm>>
      tpu.wait_dma2 semaphore(%run_scoped3A : memref<!tpu.dma_semaphore, #tpu.memory_space<semaphore_mem>>) src(%dma_wait3A_399 : memref<128x200xi32, #tpu.memory_space<hbm>>) dst(%arg5 : memref<128x200xi32, #tpu.memory_space<vmem>>)
      tpu.yield
    }) : () -> ()
    %get3A = arith.constant 0 : i32
    %get3A_3 = arith.index_cast %get3A : i32 to index
    %get3A_4 = arith.constant 0 : index
    %get3A_5 = tpu.vector_load %arg5[%get3A_3, %get3A_4] {strides = array<i32>} : memref<128x200xi32, #tpu.memory_space<vmem>>, vector<16xi32>,
    %add3A_6 = arith.addi %get3A_5, %get3A_5 : vector<16xi32>
    %swap3A = arith.constant 0 : i32
    %swap3A_7 = arith.constant 0 : i32
    %swap3A_8 = arith.index_cast %swap3A : i32 to index
    %swap3A_9 = arith.index_cast %swap3A_7 : i32 to index
    %swap3A_10 = arith.constant 0 : index
    %swap3A_11 = tpu.vector_load %arg6[%swap3A_8, %swap3A_9, %swap3A_10] {strides = array<i32>} : memref<2x2x200xi32, #tpu.memory_space<vmem>>, vector<16xi32>,
    tpu.vector_store %arg6[%swap3A_8, %swap3A_9, %swap3A_10], %add3A_6 {strides = array<i32>} : memref<2x2x200xi32, #tpu.memory_space<vmem>>, vector<16xi32>,
    %get3A_12 = arith.constant 0 : i32
    %get3A_13 = arith.index_cast %get3A_12 : i32 to index
    %get3A_14 = arith.constant 16 : index
    %get3A_15 = tpu.vector_load %arg5[%get3A_13, %get3A_14] {strides = array<i32>} : memref<128x200xi32, #tpu.memory_space<vmem>>, vector<16xi32>,
    %add3A_16 = arith.addi %get3A_15, %get3A_15 : vector<16xi32>
    %swap3A_17 = arith.constant 0 : i32
    %swap3A_18 = arith.constant 0 : i32
    %swap3A_19 = arith.index_cast %swap3A_17 : i32 to index
    %swap3A_20 = arith.index_cast %swap3A_18 : i32 to index
    %swap3A_21 = arith.constant 16 : index
    %swap3A_22 = tpu.vector_load %arg6[%swap3A_19, %swap3A_20, %swap3A_21] {strides = array<i32>} : memref<2x2x200xi32, #tpu.memory_space<vmem>>, vector<16xi32>,
    tpu.vector_store %arg6[%swap3A_19, %swap3A_20, %swap3A_21], %add3A_16 {strides = array<i32>} : memref<2x2x200xi32, #tpu.memory_space<vmem>>, vector<16xi32>,
    %get3A_23 = arith.constant 0 : i32
    %get3A_24 = arith.index_cast %get3A_23 : i32 to index
    %get3A_25 = arith.constant 32 : index
    %get3A_26 = tpu.vector_load %arg5[%get3A_24, %get3A_25] {strides = array<i32>} : memref<128x200xi32, #tpu.memory_space<vmem>>, vector<16xi32>,
    %add3A_27 = arith.addi %get3A_26, %get3A_26 : vector<16xi32>
    %swap3A_28 = arith.constant 0 : i32
    %swap3A_29 = arith.constant 0 : i32
    %swap3A_30 = arith.index_cast %swap3A_28 : i32 to index
    %swap3A_31 = arith.index_cast %swap3A_29 : i32 to index
    %swap3A_32 = arith.constant 32 : index
    %swap3A_33 = tpu.vector_load %arg6[%swap3A_30, %swap3A_31, %swap3A_32] {strides = array<i32>} : memref<2x2x200xi32, #tpu.memory_space<vmem>>, vector<16xi32>,
    tpu.vector_store %arg6[%swap3A_30, %swap3A_31, %swap3A_32], %add3A_27 {strides = array<i32>} : memref<2x2x200xi32, #tpu.memory_space<vmem>>, vector<16xi32>,
    %get3A_34 = arith.constant 0 : i32
    %get3A_35 = arith.index_cast %get3A_34 : i32 to index
    %get3A_36 = arith.constant 48 : index
    %get3A_37 = tpu.vector_load %arg5[%get3A_35, %get3A_36] {strides = array<i32>} : memref<128x200xi32, #tpu.memory_space<vmem>>, vector<16xi32>,
    %add3A_38 = arith.addi %get3A_37, %get3A_37 : vector<16xi32>
    %swap3A_39 = arith.constant 0 : i32
    %swap3A_40 = arith.constant 0 : i32
    %swap3A_41 = arith.index_cast %swap3A_39 : i32 to index
    %swap3A_42 = arith.index_cast %swap3A_40 : i32 to index
    %swap3A_43 = arith.constant 48 : index
    %swap3A_44 = tpu.vector_load %arg6[%swap3A_41, %swap3A_42, %swap3A_43] {strides = array<i32>} : memref<2x2x200xi32, #tpu.memory_space<vmem>>, vector<16xi32>,
    tpu.vector_store %arg6[%swap3A_41, %swap3A_42, %swap3A_43], %add3A_38 {strides = array<i32>} : memref<2x2x200xi32, #tpu.memory_space<vmem>>, vector<16xi32>,
    %get3A_45 = arith.constant 0 : i32
    %get3A_46 = arith.index_cast %get3A_45 : i32 to index
    %get3A_47 = arith.constant 64 : index
    %get3A_48 = tpu.vector_load %arg5[%get3A_46, %get3A_47] {strides = array<i32>} : memref<128x200xi32, #tpu.memory_space<vmem>>, vector<16xi32>,
    %add3A_49 = arith.addi %get3A_48, %get3A_48 : vector<16xi32>
    %swap3A_50 = arith.constant 0 : i32
    %swap3A_51 = arith.constant 0 : i32
    %swap3A_52 = arith.index_cast %swap3A_50 : i32 to index
    %swap3A_53 = arith.index_cast %swap3A_51 : i32 to index
    %swap3A_54 = arith.constant 64 : index
    %swap3A_55 = tpu.vector_load %arg6[%swap3A_52, %swap3A_53, %swap3A_54] {strides = array<i32>} : memref<2x2x200xi32, #tpu.memory_space<vmem>>, vector<16xi32>,
    tpu.vector_store %arg6[%swap3A_52, %swap3A_53, %swap3A_54], %add3A_49 {strides = array<i32>} : memref<2x2x200xi32, #tpu.memory_space<vmem>>, vector<16xi32>,
    %get3A_56 = arith.constant 0 : i32
    %get3A_57 = arith.index_cast %get3A_56 : i32 to index
    %get3A_58 = arith.constant 80 : index
    %get3A_59 = tpu.vector_load %arg5[%get3A_57, %get3A_58] {strides = array<i32>} : memref<128x200xi32, #tpu.memory_space<vmem>>, vector<16xi32>,
    %add3A_60 = arith.addi %get3A_59, %get3A_59 : vector<16xi32>
    %swap3A_61 = arith.constant 0 : i32
    %swap3A_62 = arith.constant 0 : i32
    %swap3A_63 = arith.index_cast %swap3A_61 : i32 to index
    %swap3A_64 = arith.index_cast %swap3A_62 : i32 to index
    %swap3A_65 = arith.constant 80 : index
    %swap3A_66 = tpu.vector_load %arg6[%swap3A_63, %swap3A_64, %swap3A_65] {strides = array<i32>} : memref<2x2x200xi32, #tpu.memory_space<vmem>>, vector<16xi32>,
    tpu.vector_store %arg6[%swap3A_63, %swap3A_64, %swap3A_65], %add3A_60 {strides = array<i32>} : memref<2x2x200xi32, #tpu.memory_space<vmem>>, vector<16xi32>,
    %get3A_67 = arith.constant 0 : i32
    %get3A_68 = arith.index_cast %get3A_67 : i32 to index
    %get3A_69 = arith.constant 96 : index
    %get3A_70 = tpu.vector_load %arg5[%get3A_68, %get3A_69] {strides = array<i32>} : memref<128x200xi32, #tpu.memory_space<vmem>>, vector<16xi32>,
    %add3A_71 = arith.addi %get3A_70, %get3A_70 : vector<16xi32>
    %swap3A_72 = arith.constant 0 : i32
    %swap3A_73 = arith.constant 0 : i32
    %swap3A_74 = arith.index_cast %swap3A_72 : i32 to index
    %swap3A_75 = arith.index_cast %swap3A_73 : i32 to index
    %swap3A_76 = arith.constant 96 : index
    %swap3A_77 = tpu.vector_load %arg6[%swap3A_74, %swap3A_75, %swap3A_76] {strides = array<i32>} : memref<2x2x200xi32, #tpu.memory_space<vmem>>, vector<16xi32>,
    tpu.vector_store %arg6[%swap3A_74, %swap3A_75, %swap3A_76], %add3A_71 {strides = array<i32>} : memref<2x2x200xi32, #tpu.memory_space<vmem>>, vector<16xi32>,
    %get3A_78 = arith.constant 0 : i32
    %get3A_79 = arith.index_cast %get3A_78 : i32 to index
    %get3A_80 = arith.constant 112 : index
    %get3A_81 = tpu.vector_load %arg5[%get3A_79, %get3A_80] {strides = array<i32>} : memref<128x200xi32, #tpu.memory_space<vmem>>, vector<16xi32>,
    %add3A_82 = arith.addi %get3A_81, %get3A_81 : vector<16xi32>
    %swap3A_83 = arith.constant 0 : i32
    %swap3A_84 = arith.constant 0 : i32
    %swap3A_85 = arith.index_cast %swap3A_83 : i32 to index
    %swap3A_86 = arith.index_cast %swap3A_84 : i32 to index
    %swap3A_87 = arith.constant 112 : index
    %swap3A_88 = tpu.vector_load %arg6[%swap3A_85, %swap3A_86, %swap3A_87] {strides = array<i32>} : memref<2x2x200xi32, #tpu.memory_space<vmem>>, vector<16xi32>,
    tpu.vector_store %arg6[%swap3A_85, %swap3A_86, %swap3A_87], %add3A_82 {strides = array<i32>} : memref<2x2x200xi32, #tpu.memory_space<vmem>>, vector<16xi32>,
    %get3A_89 = arith.constant 0 : i32
    %get3A_90 = arith.index_cast %get3A_89 : i32 to index
    %get3A_91 = arith.constant 128 : index
    %get3A_92 = tpu.vector_load %arg5[%get3A_90, %get3A_91] {strides = array<i32>} : memref<128x200xi32, #tpu.memory_space<vmem>>, vector<16xi32>,
    %add3A_93 = arith.addi %get3A_92, %get3A_92 : vector<16xi32>
    %swap3A_94 = arith.constant 0 : i32
    %swap3A_95 = arith.constant 0 : i32
    %swap3A_96 = arith.index_cast %swap3A_94 : i32 to index
    %swap3A_97 = arith.index_cast %swap3A_95 : i32 to index
    %swap3A_98 = arith.constant 128 : index
    %swap3A_99 = tpu.vector_load %arg6[%swap3A_96, %swap3A_97, %swap3A_98] {strides = array<i32>} : memref<2x2x200xi32, #tpu.memory_space<vmem>>, vector<16xi32>,
    tpu.vector_store %arg6[%swap3A_96, %swap3A_97, %swap3A_98], %add3A_93 {strides = array<i32>} : memref<2x2x200xi32, #tpu.memory_space<vmem>>, vector<16xi32>,
    %get3A_100 = arith.constant 0 : i32
    %get3A_101 = arith.index_cast %get3A_100 : i32 to index
    %get3A_102 = arith.constant 144 : index
    %get3A_103 = tpu.vector_load %arg5[%get3A_101, %get3A_102] {strides = array<i32>} : memref<128x200xi32, #tpu.memory_space<vmem>>, vector<16xi32>,
    %add3A_104 = arith.addi %get3A_103, %get3A_103 : vector<16xi32>
    %swap3A_105 = arith.constant 0 : i32
    %swap3A_106 = arith.constant 0 : i32
    %swap3A_107 = arith.index_cast %swap3A_105 : i32 to index
    %swap3A_108 = arith.index_cast %swap3A_106 : i32 to index
    %swap3A_109 = arith.constant 144 : index
    %swap3A_110 = tpu.vector_load %arg6[%swap3A_107, %swap3A_108, %swap3A_109] {strides = array<i32>} : memref<2x2x200xi32, #tpu.memory_space<vmem>>, vector<16xi32>,
    tpu.vector_store %arg6[%swap3A_107, %swap3A_108, %swap3A_109], %add3A_104 {strides = array<i32>} : memref<2x2x200xi32, #tpu.memory_space<vmem>>, vector<16xi32>,
    %get3A_111 = arith.constant 0 : i32
    %get3A_112 = arith.index_cast %get3A_111 : i32 to index
    %get3A_113 = arith.constant 160 : index
    %get3A_114 = tpu.vector_load %arg5[%get3A_112, %get3A_113] {strides = array<i32>} : memref<128x200xi32, #tpu.memory_space<vmem>>, vector<16xi32>,
    %add3A_115 = arith.addi %get3A_114, %get3A_114 : vector<16xi32>
    %swap3A_116 = arith.constant 0 : i32
    %swap3A_117 = arith.constant 0 : i32
    %swap3A_118 = arith.index_cast %swap3A_116 : i32 to index
    %swap3A_119 = arith.index_cast %swap3A_117 : i32 to index
    %swap3A_120 = arith.constant 160 : index
    %swap3A_121 = tpu.vector_load %arg6[%swap3A_118, %swap3A_119, %swap3A_120] {strides = array<i32>} : memref<2x2x200xi32, #tpu.memory_space<vmem>>, vector<16xi32>,
    tpu.vector_store %arg6[%swap3A_118, %swap3A_119, %swap3A_120], %add3A_115 {strides = array<i32>} : memref<2x2x200xi32, #tpu.memory_space<vmem>>, vector<16xi32>,
    %get3A_122 = arith.constant 0 : i32
    %get3A_123 = arith.index_cast %get3A_122 : i32 to index
    %get3A_124 = arith.constant 176 : index
    %get3A_125 = tpu.vector_load %arg5[%get3A_123, %get3A_124] {strides = array<i32>} : memref<128x200xi32, #tpu.memory_space<vmem>>, vector<16xi32>,
    %add3A_126 = arith.addi %get3A_125, %get3A_125 : vector<16xi32>
    %swap3A_127 = arith.constant 0 : i32
    %swap3A_128 = arith.constant 0 : i32
    %swap3A_129 = arith.index_cast %swap3A_127 : i32 to index
    %swap3A_130 = arith.index_cast %swap3A_128 : i32 to index
    %swap3A_131 = arith.constant 176 : index
    %swap3A_132 = tpu.vector_load %arg6[%swap3A_129, %swap3A_130, %swap3A_131] {strides = array<i32>} : memref<2x2x200xi32, #tpu.memory_space<vmem>>, vector<16xi32>,
    tpu.vector_store %arg6[%swap3A_129, %swap3A_130, %swap3A_131], %add3A_126 {strides = array<i32>} : memref<2x2x200xi32, #tpu.memory_space<vmem>>, vector<16xi32>,
    %get3A_133 = arith.constant 0 : i32
    %get3A_134 = arith.index_cast %get3A_133 : i32 to index
    %get3A_135 = arith.constant 184 : index
    %get3A_136 = tpu.vector_load %arg5[%get3A_134, %get3A_135] {strides = array<i32>} : memref<128x200xi32, #tpu.memory_space<vmem>>, vector<16xi32>,
    %add3A_137 = arith.addi %get3A_136, %get3A_136 : vector<16xi32>
    %swap3A_138 = arith.constant 0 : i32
    %swap3A_139 = arith.constant 0 : i32
    %swap3A_140 = arith.index_cast %swap3A_138 : i32 to index
    %swap3A_141 = arith.index_cast %swap3A_139 : i32 to index
    %swap3A_142 = arith.constant 184 : index
    %swap3A_143 = tpu.vector_load %arg6[%swap3A_140, %swap3A_141, %swap3A_142] {strides = array<i32>} : memref<2x2x200xi32, #tpu.memory_space<vmem>>, vector<16xi32>,
    tpu.vector_store %arg6[%swap3A_140, %swap3A_141, %swap3A_142], %add3A_137 {strides = array<i32>} : memref<2x2x200xi32, #tpu.memory_space<vmem>>, vector<16xi32>,
    %dma_start3A = arith.constant 0 : i32
    %dma_start3A_144 = arith.constant 0 : i32
    %dma_start3A_145 = arith.constant 0 : i32
    %dma_start3A_146 = arith.constant 0 : i32
    %dma_start3A_147 = arith.constant 0 : i32
    %dma_start3A_148 = arith.constant 0 : i32
    %dma_start3A_149 = tpu.memref_slice %arg7[%dma_start3A_145, %dma_start3A_146, %dma_start3A_147, %dma_start3A_148] : memref<2x2x200x64xf32, #tpu.memory_space<vmem>> -> memref<1x1x200x64xf32, #tpu.memory_space<vmem>>
    %dma_start3A_150 = tpu.memref_squeeze %dma_start3A_149 : memref<1x1x200x64xf32, #tpu.memory_space<vmem>> -> memref<200x64xf32, #tpu.memory_space<vmem>>
    %dma_start3A_151 = arith.constant 0 : i32
    %dma_start3A_152 = arith.constant 0 : i32
    %dma_start3A_153 = tpu.memref_slice %dma_start3A_150[%dma_start3A_151, %dma_start3A_152] : memref<200x64xf32, #tpu.memory_space<vmem>> -> memref<128x64xf32, #tpu.memory_space<vmem>>
    %dma_start3A_154 = arith.constant 0 : i32
    %dma_start3A_155 = tpu.memref_slice %arg6[%dma_start3A, %dma_start3A_144, %dma_start3A_154] : memref<2x2x200xi32, #tpu.memory_space<vmem>> -> memref<1x1x128xi32, #tpu.memory_space<vmem>>
    %dma_start3A_156 = tpu.memref_squeeze %dma_start3A_155 : memref<1x1x128xi32, #tpu.memory_space<vmem>> -> memref<128xi32, #tpu.memory_space<vmem>>
    %dma_start3A_157 = arith.constant 0 : i32
    %dma_start3A_158 = arith.constant 0 : i32
    %dma_start3A_159 = tpu.memref_slice %arg3[%dma_start3A_157, %dma_start3A_158] : memref<2000000x64xf32, #tpu.memory_space<hbm>> -> memref<2000000x64xf32, #tpu.memory_space<hbm>>
    tpu.enqueue_indirect_dma source(%dma_start3A_159 : memref<2000000x64xf32, #tpu.memory_space<hbm>>) target(%dma_start3A_153 : memref<128x64xf32, #tpu.memory_space<vmem>>) offsets(%dma_start3A_156 : memref<128xi32, #tpu.memory_space<vmem>>) semaphore(%arg8 : memref<!tpu.dma_semaphore, #tpu.memory_space<semaphore_mem>>)
    %dma_start3A_160 = arith.constant 0 : i32
    %dma_start3A_161 = arith.constant 0 : i32
    %dma_start3A_162 = arith.constant 0 : i32
    %dma_start3A_163 = arith.constant 0 : i32
    %dma_start3A_164 = arith.constant 0 : i32
    %dma_start3A_165 = arith.constant 0 : i32
    %dma_start3A_166 = tpu.memref_slice %arg7[%dma_start3A_162, %dma_start3A_163, %dma_start3A_164, %dma_start3A_165] : memref<2x2x200x64xf32, #tpu.memory_space<vmem>> -> memref<1x1x200x64xf32, #tpu.memory_space<vmem>>
    %dma_start3A_167 = tpu.memref_squeeze %dma_start3A_166 : memref<1x1x200x64xf32, #tpu.memory_space<vmem>> -> memref<200x64xf32, #tpu.memory_space<vmem>>
    %dma_start3A_168 = arith.constant 128 : i32
    %dma_start3A_169 = arith.constant 0 : i32
    %dma_start3A_170 = tpu.memref_slice %dma_start3A_167[%dma_start3A_168, %dma_start3A_169] : memref<200x64xf32, #tpu.memory_space<vmem>> -> memref<72x64xf32, #tpu.memory_space<vmem>>
    %dma_start3A_171 = arith.constant 128 : i32
    %dma_start3A_172 = tpu.memref_slice %arg6[%dma_start3A_160, %dma_start3A_161, %dma_start3A_171] : memref<2x2x200xi32, #tpu.memory_space<vmem>> -> memref<1x1x72xi32, #tpu.memory_space<vmem>>
    %dma_start3A_173 = tpu.memref_squeeze %dma_start3A_172 : memref<1x1x72xi32, #tpu.memory_space<vmem>> -> memref<72xi32, #tpu.memory_space<vmem>>
    %dma_start3A_174 = arith.constant 0 : i32
    %dma_start3A_175 = arith.constant 0 : i32
    %dma_start3A_176 = tpu.memref_slice %arg3[%dma_start3A_174, %dma_start3A_175] : memref<2000000x64xf32, #tpu.memory_space<hbm>> -> memref<2000000x64xf32, #tpu.memory_space<hbm>>
    tpu.enqueue_indirect_dma source(%dma_start3A_176 : memref<2000000x64xf32, #tpu.memory_space<hbm>>) target(%dma_start3A_170 : memref<72x64xf32, #tpu.memory_space<vmem>>) offsets(%dma_start3A_173 : memref<72xi32, #tpu.memory_space<vmem>>) semaphore(%arg8 : memref<!tpu.dma_semaphore, #tpu.memory_space<semaphore_mem>>)
    %get3A_177 = arith.constant 1 : i32
    %get3A_178 = arith.index_cast %get3A_177 : i32 to index
    %get3A_179 = arith.constant 0 : index
    %get3A_180 = tpu.vector_load %arg5[%get3A_178, %get3A_179] {strides = array<i32>} : memref<128x200xi32, #tpu.memory_space<vmem>>, vector<16xi32>,
    %add3A_181 = arith.addi %get3A_180, %get3A_180 : vector<16xi32>
    %swap3A_182 = arith.constant 0 : i32
    %swap3A_183 = arith.constant 1 : i32
    %swap3A_184 = arith.index_cast %swap3A_182 : i32 to index
    %swap3A_185 = arith.index_cast %swap3A_183 : i32 to index
    %swap3A_186 = arith.constant 0 : index
    %swap3A_187 = tpu.vector_load %arg6[%swap3A_184, %swap3A_185, %swap3A_186] {strides = array<i32>} : memref<2x2x200xi32, #tpu.memory_space<vmem>>, vector<16xi32>,
    tpu.vector_store %arg6[%swap3A_184, %swap3A_185, %swap3A_186], %add3A_181 {strides = array<i32>} : memref<2x2x200xi32, #tpu.memory_space<vmem>>, vector<16xi32>,
    %get3A_188 = arith.constant 1 : i32
    %get3A_189 = arith.index_cast %get3A_188 : i32 to index
    %get3A_190 = arith.constant 16 : index
    %get3A_191 = tpu.vector_load %arg5[%get3A_189, %get3A_190] {strides = array<i32>} : memref<128x200xi32, #tpu.memory_space<vmem>>, vector<16xi32>,
    %add3A_192 = arith.addi %get3A_191, %get3A_191 : vector<16xi32>
    %swap3A_193 = arith.constant 0 : i32
    %swap3A_194 = arith.constant 1 : i32
    %swap3A_195 = arith.index_cast %swap3A_193 : i32 to index
    %swap3A_196 = arith.index_cast %swap3A_194 : i32 to index
    %swap3A_197 = arith.constant 16 : index
    %swap3A_198 = tpu.vector_load %arg6[%swap3A_195, %swap3A_196, %swap3A_197] {strides = array<i32>} : memref<2x2x200xi32, #tpu.memory_space<vmem>>, vector<16xi32>,
    tpu.vector_store %arg6[%swap3A_195, %swap3A_196, %swap3A_197], %add3A_192 {strides = array<i32>} : memref<2x2x200xi32, #tpu.memory_space<vmem>>, vector<16xi32>,
    %get3A_199 = arith.constant 1 : i32
    %get3A_200 = arith.index_cast %get3A_199 : i32 to index
    %get3A_201 = arith.constant 32 : index
    %get3A_202 = tpu.vector_load %arg5[%get3A_200, %get3A_201] {strides = array<i32>} : memref<128x200xi32, #tpu.memory_space<vmem>>, vector<16xi32>,
    %add3A_203 = arith.addi %get3A_202, %get3A_202 : vector<16xi32>
    %swap3A_204 = arith.constant 0 : i32
    %swap3A_205 = arith.constant 1 : i32
    %swap3A_206 = arith.index_cast %swap3A_204 : i32 to index
    %swap3A_207 = arith.index_cast %swap3A_205 : i32 to index
    %swap3A_208 = arith.constant 32 : index
    %swap3A_209 = tpu.vector_load %arg6[%swap3A_206, %swap3A_207, %swap3A_208] {strides = array<i32>} : memref<2x2x200xi32, #tpu.memory_space<vmem>>, vector<16xi32>,
    tpu.vector_store %arg6[%swap3A_206, %swap3A_207, %swap3A_208], %add3A_203 {strides = array<i32>} : memref<2x2x200xi32, #tpu.memory_space<vmem>>, vector<16xi32>,
    %get3A_210 = arith.constant 1 : i32
    %get3A_211 = arith.index_cast %get3A_210 : i32 to index
    %get3A_212 = arith.constant 48 : index
    %get3A_213 = tpu.vector_load %arg5[%get3A_211, %get3A_212] {strides = array<i32>} : memref<128x200xi32, #tpu.memory_space<vmem>>, vector<16xi32>,
    %add3A_214 = arith.addi %get3A_213, %get3A_213 : vector<16xi32>
    %swap3A_215 = arith.constant 0 : i32
    %swap3A_216 = arith.constant 1 : i32
    %swap3A_217 = arith.index_cast %swap3A_215 : i32 to index
    %swap3A_218 = arith.index_cast %swap3A_216 : i32 to index
    %swap3A_219 = arith.constant 48 : index
    %swap3A_220 = tpu.vector_load %arg6[%swap3A_217, %swap3A_218, %swap3A_219] {strides = array<i32>} : memref<2x2x200xi32, #tpu.memory_space<vmem>>, vector<16xi32>,
    tpu.vector_store %arg6[%swap3A_217, %swap3A_218, %swap3A_219], %add3A_214 {strides = array<i32>} : memref<2x2x200xi32, #tpu.memory_space<vmem>>, vector<16xi32>,
    %get3A_221 = arith.constant 1 : i32
    %get3A_222 = arith.index_cast %get3A_221 : i32 to index
    %get3A_223 = arith.constant 64 : index
    %get3A_224 = tpu.vector_load %arg5[%get3A_222, %get3A_223] {strides = array<i32>} : memref<128x200xi32, #tpu.memory_space<vmem>>, vector<16xi32>,
    %add3A_225 = arith.addi %get3A_224, %get3A_224 : vector<16xi32>
    %swap3A_226 = arith.constant 0 : i32
    %swap3A_227 = arith.constant 1 : i32
    %swap3A_228 = arith.index_cast %swap3A_226 : i32 to index
    %swap3A_229 = arith.index_cast %swap3A_227 : i32 to index
    %swap3A_230 = arith.constant 64 : index
    %swap3A_231 = tpu.vector_load %arg6[%swap3A_228, %swap3A_229, %swap3A_230] {strides = array<i32>} : memref<2x2x200xi32, #tpu.memory_space<vmem>>, vector<16xi32>,
    tpu.vector_store %arg6[%swap3A_228, %swap3A_229, %swap3A_230], %add3A_225 {strides = array<i32>} : memref<2x2x200xi32, #tpu.memory_space<vmem>>, vector<16xi32>,
    %get3A_232 = arith.constant 1 : i32
    %get3A_233 = arith.index_cast %get3A_232 : i32 to index
    %get3A_234 = arith.constant 80 : index
    %get3A_235 = tpu.vector_load %arg5[%get3A_233, %get3A_234] {strides = array<i32>} : memref<128x200xi32, #tpu.memory_space<vmem>>, vector<16xi32>,
    %add3A_236 = arith.addi %get3A_235, %get3A_235 : vector<16xi32>
    %swap3A_237 = arith.constant 0 : i32
    %swap3A_238 = arith.constant 1 : i32
    %swap3A_239 = arith.index_cast %swap3A_237 : i32 to index
    %swap3A_240 = arith.index_cast %swap3A_238 : i32 to index
    %swap3A_241 = arith.constant 80 : index
    %swap3A_242 = tpu.vector_load %arg6[%swap3A_239, %swap3A_240, %swap3A_241] {strides = array<i32>} : memref<2x2x200xi32, #tpu.memory_space<vmem>>, vector<16xi32>,
    tpu.vector_store %arg6[%swap3A_239, %swap3A_240, %swap3A_241], %add3A_236 {strides = array<i32>} : memref<2x2x200xi32, #tpu.memory_space<vmem>>, vector<16xi32>,
    %get3A_243 = arith.constant 1 : i32
    %get3A_244 = arith.index_cast %get3A_243 : i32 to index
    %get3A_245 = arith.constant 96 : index
    %get3A_246 = tpu.vector_load %arg5[%get3A_244, %get3A_245] {strides = array<i32>} : memref<128x200xi32, #tpu.memory_space<vmem>>, vector<16xi32>,
    %add3A_247 = arith.addi %get3A_246, %get3A_246 : vector<16xi32>
    %swap3A_248 = arith.constant 0 : i32
    %swap3A_249 = arith.constant 1 : i32
    %swap3A_250 = arith.index_cast %swap3A_248 : i32 to index
    %swap3A_251 = arith.index_cast %swap3A_249 : i32 to index
    %swap3A_252 = arith.constant 96 : index
    %swap3A_253 = tpu.vector_load %arg6[%swap3A_250, %swap3A_251, %swap3A_252] {strides = array<i32>} : memref<2x2x200xi32, #tpu.memory_space<vmem>>, vector<16xi32>,
    tpu.vector_store %arg6[%swap3A_250, %swap3A_251, %swap3A_252], %add3A_247 {strides = array<i32>} : memref<2x2x200xi32, #tpu.memory_space<vmem>>, vector<16xi32>,
    %get3A_254 = arith.constant 1 : i32
    %get3A_255 = arith.index_cast %get3A_254 : i32 to index
    %get3A_256 = arith.constant 112 : index
    %get3A_257 = tpu.vector_load %arg5[%get3A_255, %get3A_256] {strides = array<i32>} : memref<128x200xi32, #tpu.memory_space<vmem>>, vector<16xi32>,
    %add3A_258 = arith.addi %get3A_257, %get3A_257 : vector<16xi32>
    %swap3A_259 = arith.constant 0 : i32
    %swap3A_260 = arith.constant 1 : i32
    %swap3A_261 = arith.index_cast %swap3A_259 : i32 to index
    %swap3A_262 = arith.index_cast %swap3A_260 : i32 to index
    %swap3A_263 = arith.constant 112 : index
    %swap3A_264 = tpu.vector_load %arg6[%swap3A_261, %swap3A_262, %swap3A_263] {strides = array<i32>} : memref<2x2x200xi32, #tpu.memory_space<vmem>>, vector<16xi32>,
    tpu.vector_store %arg6[%swap3A_261, %swap3A_262, %swap3A_263], %add3A_258 {strides = array<i32>} : memref<2x2x200xi32, #tpu.memory_space<vmem>>, vector<16xi32>,
    %get3A_265 = arith.constant 1 : i32
    %get3A_266 = arith.index_cast %get3A_265 : i32 to index
    %get3A_267 = arith.constant 128 : index
    %get3A_268 = tpu.vector_load %arg5[%get3A_266, %get3A_267] {strides = array<i32>} : memref<128x200xi32, #tpu.memory_space<vmem>>, vector<16xi32>,
    %add3A_269 = arith.addi %get3A_268, %get3A_268 : vector<16xi32>
    %swap3A_270 = arith.constant 0 : i32
    %swap3A_271 = arith.constant 1 : i32
    %swap3A_272 = arith.index_cast %swap3A_270 : i32 to index
    %swap3A_273 = arith.index_cast %swap3A_271 : i32 to index
    %swap3A_274 = arith.constant 128 : index
    %swap3A_275 = tpu.vector_load %arg6[%swap3A_272, %swap3A_273, %swap3A_274] {strides = array<i32>} : memref<2x2x200xi32, #tpu.memory_space<vmem>>, vector<16xi32>,
    tpu.vector_store %arg6[%swap3A_272, %swap3A_273, %swap3A_274], %add3A_269 {strides = array<i32>} : memref<2x2x200xi32, #tpu.memory_space<vmem>>, vector<16xi32>,
    %get3A_276 = arith.constant 1 : i32
    %get3A_277 = arith.index_cast %get3A_276 : i32 to index
    %get3A_278 = arith.constant 144 : index
    %get3A_279 = tpu.vector_load %arg5[%get3A_277, %get3A_278] {strides = array<i32>} : memref<128x200xi32, #tpu.memory_space<vmem>>, vector<16xi32>,
    %add3A_280 = arith.addi %get3A_279, %get3A_279 : vector<16xi32>
    %swap3A_281 = arith.constant 0 : i32
    %swap3A_282 = arith.constant 1 : i32
    %swap3A_283 = arith.index_cast %swap3A_281 : i32 to index
    %swap3A_284 = arith.index_cast %swap3A_282 : i32 to index
    %swap3A_285 = arith.constant 144 : index
    %swap3A_286 = tpu.vector_load %arg6[%swap3A_283, %swap3A_284, %swap3A_285] {strides = array<i32>} : memref<2x2x200xi32, #tpu.memory_space<vmem>>, vector<16xi32>,
    tpu.vector_store %arg6[%swap3A_283, %swap3A_284, %swap3A_285], %add3A_280 {strides = array<i32>} : memref<2x2x200xi32, #tpu.memory_space<vmem>>, vector<16xi32>,
    %get3A_287 = arith.constant 1 : i32
    %get3A_288 = arith.index_cast %get3A_287 : i32 to index
    %get3A_289 = arith.constant 160 : index
    %get3A_290 = tpu.vector_load %arg5[%get3A_288, %get3A_289] {strides = array<i32>} : memref<128x200xi32, #tpu.memory_space<vmem>>, vector<16xi32>,
    %add3A_291 = arith.addi %get3A_290, %get3A_290 : vector<16xi32>
    %swap3A_292 = arith.constant 0 : i32
    %swap3A_293 = arith.constant 1 : i32
    %swap3A_294 = arith.index_cast %swap3A_292 : i32 to index
    %swap3A_295 = arith.index_cast %swap3A_293 : i32 to index
    %swap3A_296 = arith.constant 160 : index
    %swap3A_297 = tpu.vector_load %arg6[%swap3A_294, %swap3A_295, %swap3A_296] {strides = array<i32>} : memref<2x2x200xi32, #tpu.memory_space<vmem>>, vector<16xi32>,
    tpu.vector_store %arg6[%swap3A_294, %swap3A_295, %swap3A_296], %add3A_291 {strides = array<i32>} : memref<2x2x200xi32, #tpu.memory_space<vmem>>, vector<16xi32>,
    %get3A_298 = arith.constant 1 : i32
    %get3A_299 = arith.index_cast %get3A_298 : i32 to index
    %get3A_300 = arith.constant 176 : index
    %get3A_301 = tpu.vector_load %arg5[%get3A_299, %get3A_300] {strides = array<i32>} : memref<128x200xi32, #tpu.memory_space<vmem>>, vector<16xi32>,
    %add3A_302 = arith.addi %get3A_301, %get3A_301 : vector<16xi32>
    %swap3A_303 = arith.constant 0 : i32
    %swap3A_304 = arith.constant 1 : i32
    %swap3A_305 = arith.index_cast %swap3A_303 : i32 to index
    %swap3A_306 = arith.index_cast %swap3A_304 : i32 to index
    %swap3A_307 = arith.constant 176 : index
    %swap3A_308 = tpu.vector_load %arg6[%swap3A_305, %swap3A_306, %swap3A_307] {strides = array<i32>} : memref<2x2x200xi32, #tpu.memory_space<vmem>>, vector<16xi32>,
    tpu.vector_store %arg6[%swap3A_305, %swap3A_306, %swap3A_307], %add3A_302 {strides = array<i32>} : memref<2x2x200xi32, #tpu.memory_space<vmem>>, vector<16xi32>,
    %get3A_309 = arith.constant 1 : i32
    %get3A_310 = arith.index_cast %get3A_309 : i32 to index
    %get3A_311 = arith.constant 184 : index
    %get3A_312 = tpu.vector_load %arg5[%get3A_310, %get3A_311] {strides = array<i32>} : memref<128x200xi32, #tpu.memory_space<vmem>>, vector<16xi32>,
    %add3A_313 = arith.addi %get3A_312, %get3A_312 : vector<16xi32>
    %swap3A_314 = arith.constant 0 : i32
    %swap3A_315 = arith.constant 1 : i32
    %swap3A_316 = arith.index_cast %swap3A_314 : i32 to index
    %swap3A_317 = arith.index_cast %swap3A_315 : i32 to index
    %swap3A_318 = arith.constant 184 : index
    %swap3A_319 = tpu.vector_load %arg6[%swap3A_316, %swap3A_317, %swap3A_318] {strides = array<i32>} : memref<2x2x200xi32, #tpu.memory_space<vmem>>, vector<16xi32>,
    tpu.vector_store %arg6[%swap3A_316, %swap3A_317, %swap3A_318], %add3A_313 {strides = array<i32>} : memref<2x2x200xi32, #tpu.memory_space<vmem>>, vector<16xi32>,
    %dma_start3A_320 = arith.constant 0 : i32
    %dma_start3A_321 = arith.constant 1 : i32
    %dma_start3A_322 = arith.constant 0 : i32
    %dma_start3A_323 = arith.constant 1 : i32
    %dma_start3A_324 = arith.constant 0 : i32
    %dma_start3A_325 = arith.constant 0 : i32
    %dma_start3A_326 = tpu.memref_slice %arg7[%dma_start3A_322, %dma_start3A_323, %dma_start3A_324, %dma_start3A_325] : memref<2x2x200x64xf32, #tpu.memory_space<vmem>> -> memref<1x1x200x64xf32, #tpu.memory_space<vmem>>
    %dma_start3A_327 = tpu.memref_squeeze %dma_start3A_326 : memref<1x1x200x64xf32, #tpu.memory_space<vmem>> -> memref<200x64xf32, #tpu.memory_space<vmem>>
    %dma_start3A_328 = arith.constant 0 : i32
    %dma_start3A_329 = arith.constant 0 : i32
    %dma_start3A_330 = tpu.memref_slice %dma_start3A_327[%dma_start3A_328, %dma_start3A_329] : memref<200x64xf32, #tpu.memory_space<vmem>> -> memref<128x64xf32, #tpu.memory_space<vmem>>
    %dma_start3A_331 = arith.constant 0 : i32
    %dma_start3A_332 = tpu.memref_slice %arg6[%dma_start3A_320, %dma_start3A_321, %dma_start3A_331] : memref<2x2x200xi32, #tpu.memory_space<vmem>> -> memref<1x1x128xi32, #tpu.memory_space<vmem>>
    %dma_start3A_333 = tpu.memref_squeeze %dma_start3A_332 : memref<1x1x128xi32, #tpu.memory_space<vmem>> -> memref<128xi32, #tpu.memory_space<vmem>>
    %dma_start3A_334 = arith.constant 0 : i32
    %dma_start3A_335 = arith.constant 0 : i32
    %dma_start3A_336 = tpu.memref_slice %arg3[%dma_start3A_334, %dma_start3A_335] : memref<2000000x64xf32, #tpu.memory_space<hbm>> -> memref<2000000x64xf32, #tpu.memory_space<hbm>>
    tpu.enqueue_indirect_dma source(%dma_start3A_336 : memref<2000000x64xf32, #tpu.memory_space<hbm>>) target(%dma_start3A_330 : memref<128x64xf32, #tpu.memory_space<vmem>>) offsets(%dma_start3A_333 : memref<128xi32, #tpu.memory_space<vmem>>) semaphore(%arg8 : memref<!tpu.dma_semaphore, #tpu.memory_space<semaphore_mem>>)
    %dma_start3A_337 = arith.constant 0 : i32
    %dma_start3A_338 = arith.constant 1 : i32
    %dma_start3A_339 = arith.constant 0 : i32
    %dma_start3A_340 = arith.constant 1 : i32
    %dma_start3A_341 = arith.constant 0 : i32
    %dma_start3A_342 = arith.constant 0 : i32
    %dma_start3A_343 = tpu.memref_slice %arg7[%dma_start3A_339, %dma_start3A_340, %dma_start3A_341, %dma_start3A_342] : memref<2x2x200x64xf32, #tpu.memory_space<vmem>> -> memref<1x1x200x64xf32, #tpu.memory_space<vmem>>
    %dma_start3A_344 = tpu.memref_squeeze %dma_start3A_343 : memref<1x1x200x64xf32, #tpu.memory_space<vmem>> -> memref<200x64xf32, #tpu.memory_space<vmem>>
    %dma_start3A_345 = arith.constant 128 : i32
    %dma_start3A_346 = arith.constant 0 : i32
    %dma_start3A_347 = tpu.memref_slice %dma_start3A_344[%dma_start3A_345, %dma_start3A_346] : memref<200x64xf32, #tpu.memory_space<vmem>> -> memref<72x64xf32, #tpu.memory_space<vmem>>
    %dma_start3A_348 = arith.constant 128 : i32
    %dma_start3A_349 = tpu.memref_slice %arg6[%dma_start3A_337, %dma_start3A_338, %dma_start3A_348] : memref<2x2x200xi32, #tpu.memory_space<vmem>> -> memref<1x1x72xi32, #tpu.memory_space<vmem>>
    %dma_start3A_350 = tpu.memref_squeeze %dma_start3A_349 : memref<1x1x72xi32, #tpu.memory_space<vmem>> -> memref<72xi32, #tpu.memory_space<vmem>>
    %dma_start3A_351 = arith.constant 0 : i32
    %dma_start3A_352 = arith.constant 0 : i32
    %dma_start3A_353 = tpu.memref_slice %arg3[%dma_start3A_351, %dma_start3A_352] : memref<2000000x64xf32, #tpu.memory_space<hbm>> -> memref<2000000x64xf32, #tpu.memory_space<hbm>>
    tpu.enqueue_indirect_dma source(%dma_start3A_353 : memref<2000000x64xf32, #tpu.memory_space<hbm>>) target(%dma_start3A_347 : memref<72x64xf32, #tpu.memory_space<vmem>>) offsets(%dma_start3A_350 : memref<72xi32, #tpu.memory_space<vmem>>) semaphore(%arg8 : memref<!tpu.dma_semaphore, #tpu.memory_space<semaphore_mem>>)
    %scan3A = arith.constant 0 : i32
    %scan3A_354 = arith.constant 0 : i32
    %scan3A_355 = arith.constant 32 : i32
    %scan3A_356 = arith.addi %scan3A_354, %scan3A_355 : i32
    %scan3A_357 = arith.constant 1 : i32
    scf.for %scan3A_392 = %scan3A_354 to %scan3A_356 step %scan3A_357  : i32 {
      %mul3A_393 = arith.constant 2 : i32
      %mul3A_394 = arith.muli %scan3A_392, %mul3A_393 : i32
      %add3A_395 = arith.constant 1 : i32
      %add3A_396 = arith.addi %mul3A_394, %add3A_395 : i32
      %gt3A = arith.constant 0 : i32
      %gt3A_397 = arith.cmpi sgt, %mul3A_394, %gt3A : i32
      %convert_element_type3A = arith.extui %gt3A_397 : i1 to i32
      %cond3A = arith.constant 0 : i32
      %cond3A_398 = arith.cmpi ne, %convert_element_type3A, %cond3A : i32
      scf.if %cond3A_398 {
        %dma_wait3A_1497 = arith.constant 1 : i32
        %dma_wait3A_1498 = arith.constant 0 : i32
        %dma_wait3A_1499 = arith.constant 0 : i32
        %dma_wait3A_1500 = arith.constant 0 : i32
        %dma_wait3A_1501 = tpu.memref_slice %arg7[%dma_wait3A_1497, %dma_wait3A_1498, %dma_wait3A_1499, %dma_wait3A_1500] : memref<2x2x200x64xf32, #tpu.memory_space<vmem>> -> memref<1x2x200x64xf32, #tpu.memory_space<vmem>>
        %dma_wait3A_1502 = tpu.memref_squeeze %dma_wait3A_1501 : memref<1x2x200x64xf32, #tpu.memory_space<vmem>> -> memref<2x200x64xf32, #tpu.memory_space<vmem>>
        %dma_wait3A_1503 = arith.constant 0 : i32
        %dma_wait3A_1504 = arith.constant 0 : i32
        %dma_wait3A_1505 = tpu.memref_slice %arg3[%dma_wait3A_1503, %dma_wait3A_1504] : memref<2000000x64xf32, #tpu.memory_space<hbm>> -> memref<400x64xf32, #tpu.memory_space<hbm>>
        %dma_wait3A_1506 = arith.constant 0 : i32
        %dma_wait3A_1507 = arith.constant 0 : i32
        %dma_wait3A_1508 = arith.constant 0 : i32
        %dma_wait3A_1509 = tpu.memref_slice %arg7[%dma_wait3A_1497, %dma_wait3A_1506, %dma_wait3A_1507, %dma_wait3A_1508] : memref<2x2x200x64xf32, #tpu.memory_space<vmem>> -> memref<1x2x200x64xf32, #tpu.memory_space<vmem>>
        %dma_wait3A_1510 = tpu.memref_squeeze %dma_wait3A_1509 : memref<1x2x200x64xf32, #tpu.memory_space<vmem>> -> memref<2x200x64xf32, #tpu.memory_space<vmem>>
        %dma_wait3A_1511 = arith.constant 0 : i32
        %dma_wait3A_1512 = arith.constant 0 : i32
        %dma_wait3A_1513 = tpu.memref_slice %arg3[%dma_wait3A_1511, %dma_wait3A_1512] : memref<2000000x64xf32, #tpu.memory_space<hbm>> -> memref<400x64xf32, #tpu.memory_space<hbm>>
        tpu.wait_dma2 semaphore(%arg11 : memref<!tpu.dma_semaphore, #tpu.memory_space<semaphore_mem>>) src(%dma_wait3A_1513 : memref<400x64xf32, #tpu.memory_space<hbm>>) dst(%dma_wait3A_1510 : memref<2x200x64xf32, #tpu.memory_space<vmem>>)
      } else {
      }
      %mul3A_399 = arith.constant 2 : i32
      %mul3A_400 = arith.muli %add3A_396, %mul3A_399 : i32
      %add3A_401 = arith.constant 0 : i32
      %add3A_402 = arith.addi %mul3A_400, %add3A_401 : i32
      %get3A_403 = arith.index_cast %add3A_402 : i32 to index
      %get3A_404 = arith.constant 0 : index
      %get3A_405 = tpu.vector_load %arg5[%get3A_403, %get3A_404] {strides = array<i32>} : memref<128x200xi32, #tpu.memory_space<vmem>>, vector<16xi32>,
      %add3A_406 = arith.addi %get3A_405, %get3A_405 : vector<16xi32>
      %swap3A_407 = arith.constant 1 : i32
      %swap3A_408 = arith.constant 0 : i32
      %swap3A_409 = arith.index_cast %swap3A_407 : i32 to index
      %swap3A_410 = arith.index_cast %swap3A_408 : i32 to index
      %swap3A_411 = arith.constant 0 : index
      %swap3A_412 = tpu.vector_load %arg6[%swap3A_409, %swap3A_410, %swap3A_411] {strides = array<i32>} : memref<2x2x200xi32, #tpu.memory_space<vmem>>, vector<16xi32>,
      tpu.vector_store %arg6[%swap3A_409, %swap3A_410, %swap3A_411], %add3A_406 {strides = array<i32>} : memref<2x2x200xi32, #tpu.memory_space<vmem>>, vector<16xi32>,
      %mul3A_413 = arith.constant 2 : i32
      %mul3A_414 = arith.muli %add3A_396, %mul3A_413 : i32
      %add3A_415 = arith.constant 0 : i32
      %add3A_416 = arith.addi %mul3A_414, %add3A_415 : i32
      %get3A_417 = arith.index_cast %add3A_416 : i32 to index
      %get3A_418 = arith.constant 16 : index
      %get3A_419 = tpu.vector_load %arg5[%get3A_417, %get3A_418] {strides = array<i32>} : memref<128x200xi32, #tpu.memory_space<vmem>>, vector<16xi32>,
      %add3A_420 = arith.addi %get3A_419, %get3A_419 : vector<16xi32>
      %swap3A_421 = arith.constant 1 : i32
      %swap3A_422 = arith.constant 0 : i32
      %swap3A_423 = arith.index_cast %swap3A_421 : i32 to index
      %swap3A_424 = arith.index_cast %swap3A_422 : i32 to index
      %swap3A_425 = arith.constant 16 : index
      %swap3A_426 = tpu.vector_load %arg6[%swap3A_423, %swap3A_424, %swap3A_425] {strides = array<i32>} : memref<2x2x200xi32, #tpu.memory_space<vmem>>, vector<16xi32>,
      tpu.vector_store %arg6[%swap3A_423, %swap3A_424, %swap3A_425], %add3A_420 {strides = array<i32>} : memref<2x2x200xi32, #tpu.memory_space<vmem>>, vector<16xi32>,
      %mul3A_427 = arith.constant 2 : i32
      %mul3A_428 = arith.muli %add3A_396, %mul3A_427 : i32
      %add3A_429 = arith.constant 0 : i32
      %add3A_430 = arith.addi %mul3A_428, %add3A_429 : i32
      %get3A_431 = arith.index_cast %add3A_430 : i32 to index
      %get3A_432 = arith.constant 32 : index
      %get3A_433 = tpu.vector_load %arg5[%get3A_431, %get3A_432] {strides = array<i32>} : memref<128x200xi32, #tpu.memory_space<vmem>>, vector<16xi32>,
      %add3A_434 = arith.addi %get3A_433, %get3A_433 : vector<16xi32>
      %swap3A_435 = arith.constant 1 : i32
      %swap3A_436 = arith.constant 0 : i32
      %swap3A_437 = arith.index_cast %swap3A_435 : i32 to index
      %swap3A_438 = arith.index_cast %swap3A_436 : i32 to index
      %swap3A_439 = arith.constant 32 : index
      %swap3A_440 = tpu.vector_load %arg6[%swap3A_437, %swap3A_438, %swap3A_439] {strides = array<i32>} : memref<2x2x200xi32, #tpu.memory_space<vmem>>, vector<16xi32>,
      tpu.vector_store %arg6[%swap3A_437, %swap3A_438, %swap3A_439], %add3A_434 {strides = array<i32>} : memref<2x2x200xi32, #tpu.memory_space<vmem>>, vector<16xi32>,
      %mul3A_441 = arith.constant 2 : i32
      %mul3A_442 = arith.muli %add3A_396, %mul3A_441 : i32
      %add3A_443 = arith.constant 0 : i32
      %add3A_444 = arith.addi %mul3A_442, %add3A_443 : i32
      %get3A_445 = arith.index_cast %add3A_444 : i32 to index
      %get3A_446 = arith.constant 48 : index
      %get3A_447 = tpu.vector_load %arg5[%get3A_445, %get3A_446] {strides = array<i32>} : memref<128x200xi32, #tpu.memory_space<vmem>>, vector<16xi32>,
      %add3A_448 = arith.addi %get3A_447, %get3A_447 : vector<16xi32>
      %swap3A_449 = arith.constant 1 : i32
      %swap3A_450 = arith.constant 0 : i32
      %swap3A_451 = arith.index_cast %swap3A_449 : i32 to index
      %swap3A_452 = arith.index_cast %swap3A_450 : i32 to index
      %swap3A_453 = arith.constant 48 : index
      %swap3A_454 = tpu.vector_load %arg6[%swap3A_451, %swap3A_452, %swap3A_453] {strides = array<i32>} : memref<2x2x200xi32, #tpu.memory_space<vmem>>, vector<16xi32>,
      tpu.vector_store %arg6[%swap3A_451, %swap3A_452, %swap3A_453], %add3A_448 {strides = array<i32>} : memref<2x2x200xi32, #tpu.memory_space<vmem>>, vector<16xi32>,
      %mul3A_455 = arith.constant 2 : i32
      %mul3A_456 = arith.muli %add3A_396, %mul3A_455 : i32
      %add3A_457 = arith.constant 0 : i32
      %add3A_458 = arith.addi %mul3A_456, %add3A_457 : i32
      %get3A_459 = arith.index_cast %add3A_458 : i32 to index
      %get3A_460 = arith.constant 64 : index
      %get3A_461 = tpu.vector_load %arg5[%get3A_459, %get3A_460] {strides = array<i32>} : memref<128x200xi32, #tpu.memory_space<vmem>>, vector<16xi32>,
      %add3A_462 = arith.addi %get3A_461, %get3A_461 : vector<16xi32>
      %swap3A_463 = arith.constant 1 : i32
      %swap3A_464 = arith.constant 0 : i32
      %swap3A_465 = arith.index_cast %swap3A_463 : i32 to index
      %swap3A_466 = arith.index_cast %swap3A_464 : i32 to index
      %swap3A_467 = arith.constant 64 : index
      %swap3A_468 = tpu.vector_load %arg6[%swap3A_465, %swap3A_466, %swap3A_467] {strides = array<i32>} : memref<2x2x200xi32, #tpu.memory_space<vmem>>, vector<16xi32>,
      tpu.vector_store %arg6[%swap3A_465, %swap3A_466, %swap3A_467], %add3A_462 {strides = array<i32>} : memref<2x2x200xi32, #tpu.memory_space<vmem>>, vector<16xi32>,
      %mul3A_469 = arith.constant 2 : i32
      %mul3A_470 = arith.muli %add3A_396, %mul3A_469 : i32
      %add3A_471 = arith.constant 0 : i32
      %add3A_472 = arith.addi %mul3A_470, %add3A_471 : i32
      %get3A_473 = arith.index_cast %add3A_472 : i32 to index
      %get3A_474 = arith.constant 80 : index
      %get3A_475 = tpu.vector_load %arg5[%get3A_473, %get3A_474] {strides = array<i32>} : memref<128x200xi32, #tpu.memory_space<vmem>>, vector<16xi32>,
      %add3A_476 = arith.addi %get3A_475, %get3A_475 : vector<16xi32>
      %swap3A_477 = arith.constant 1 : i32
      %swap3A_478 = arith.constant 0 : i32
      %swap3A_479 = arith.index_cast %swap3A_477 : i32 to index
      %swap3A_480 = arith.index_cast %swap3A_478 : i32 to index
      %swap3A_481 = arith.constant 80 : index
      %swap3A_482 = tpu.vector_load %arg6[%swap3A_479, %swap3A_480, %swap3A_481] {strides = array<i32>} : memref<2x2x200xi32, #tpu.memory_space<vmem>>, vector<16xi32>,
      tpu.vector_store %arg6[%swap3A_479, %swap3A_480, %swap3A_481], %add3A_476 {strides = array<i32>} : memref<2x2x200xi32, #tpu.memory_space<vmem>>, vector<16xi32>,
      %mul3A_483 = arith.constant 2 : i32
      %mul3A_484 = arith.muli %add3A_396, %mul3A_483 : i32
      %add3A_485 = arith.constant 0 : i32
      %add3A_486 = arith.addi %mul3A_484, %add3A_485 : i32
      %get3A_487 = arith.index_cast %add3A_486 : i32 to index
      %get3A_488 = arith.constant 96 : index
      %get3A_489 = tpu.vector_load %arg5[%get3A_487, %get3A_488] {strides = array<i32>} : memref<128x200xi32, #tpu.memory_space<vmem>>, vector<16xi32>,
      %add3A_490 = arith.addi %get3A_489, %get3A_489 : vector<16xi32>
      %swap3A_491 = arith.constant 1 : i32
      %swap3A_492 = arith.constant 0 : i32
      %swap3A_493 = arith.index_cast %swap3A_491 : i32 to index
      %swap3A_494 = arith.index_cast %swap3A_492 : i32 to index
      %swap3A_495 = arith.constant 96 : index
      %swap3A_496 = tpu.vector_load %arg6[%swap3A_493, %swap3A_494, %swap3A_495] {strides = array<i32>} : memref<2x2x200xi32, #tpu.memory_space<vmem>>, vector<16xi32>,
      tpu.vector_store %arg6[%swap3A_493, %swap3A_494, %swap3A_495], %add3A_490 {strides = array<i32>} : memref<2x2x200xi32, #tpu.memory_space<vmem>>, vector<16xi32>,
      %mul3A_497 = arith.constant 2 : i32
      %mul3A_498 = arith.muli %add3A_396, %mul3A_497 : i32
      %add3A_499 = arith.constant 0 : i32
      %add3A_500 = arith.addi %mul3A_498, %add3A_499 : i32
      %get3A_501 = arith.index_cast %add3A_500 : i32 to index
      %get3A_502 = arith.constant 112 : index
      %get3A_503 = tpu.vector_load %arg5[%get3A_501, %get3A_502] {strides = array<i32>} : memref<128x200xi32, #tpu.memory_space<vmem>>, vector<16xi32>,
      %add3A_504 = arith.addi %get3A_503, %get3A_503 : vector<16xi32>
      %swap3A_505 = arith.constant 1 : i32
      %swap3A_506 = arith.constant 0 : i32
      %swap3A_507 = arith.index_cast %swap3A_505 : i32 to index
      %swap3A_508 = arith.index_cast %swap3A_506 : i32 to index
      %swap3A_509 = arith.constant 112 : index
      %swap3A_510 = tpu.vector_load %arg6[%swap3A_507, %swap3A_508, %swap3A_509] {strides = array<i32>} : memref<2x2x200xi32, #tpu.memory_space<vmem>>, vector<16xi32>,
      tpu.vector_store %arg6[%swap3A_507, %swap3A_508, %swap3A_509], %add3A_504 {strides = array<i32>} : memref<2x2x200xi32, #tpu.memory_space<vmem>>, vector<16xi32>,
      %mul3A_511 = arith.constant 2 : i32
      %mul3A_512 = arith.muli %add3A_396, %mul3A_511 : i32
      %add3A_513 = arith.constant 0 : i32
      %add3A_514 = arith.addi %mul3A_512, %add3A_513 : i32
      %get3A_515 = arith.index_cast %add3A_514 : i32 to index
      %get3A_516 = arith.constant 128 : index
      %get3A_517 = tpu.vector_load %arg5[%get3A_515, %get3A_516] {strides = array<i32>} : memref<128x200xi32, #tpu.memory_space<vmem>>, vector<16xi32>,
      %add3A_518 = arith.addi %get3A_517, %get3A_517 : vector<16xi32>
      %swap3A_519 = arith.constant 1 : i32
      %swap3A_520 = arith.constant 0 : i32
      %swap3A_521 = arith.index_cast %swap3A_519 : i32 to index
      %swap3A_522 = arith.index_cast %swap3A_520 : i32 to index
      %swap3A_523 = arith.constant 128 : index
      %swap3A_524 = tpu.vector_load %arg6[%swap3A_521, %swap3A_522, %swap3A_523] {strides = array<i32>} : memref<2x2x200xi32, #tpu.memory_space<vmem>>, vector<16xi32>,
      tpu.vector_store %arg6[%swap3A_521, %swap3A_522, %swap3A_523], %add3A_518 {strides = array<i32>} : memref<2x2x200xi32, #tpu.memory_space<vmem>>, vector<16xi32>,
      %mul3A_525 = arith.constant 2 : i32
      %mul3A_526 = arith.muli %add3A_396, %mul3A_525 : i32
      %add3A_527 = arith.constant 0 : i32
      %add3A_528 = arith.addi %mul3A_526, %add3A_527 : i32
      %get3A_529 = arith.index_cast %add3A_528 : i32 to index
      %get3A_530 = arith.constant 144 : index
      %get3A_531 = tpu.vector_load %arg5[%get3A_529, %get3A_530] {strides = array<i32>} : memref<128x200xi32, #tpu.memory_space<vmem>>, vector<16xi32>,
      %add3A_532 = arith.addi %get3A_531, %get3A_531 : vector<16xi32>
      %swap3A_533 = arith.constant 1 : i32
      %swap3A_534 = arith.constant 0 : i32
      %swap3A_535 = arith.index_cast %swap3A_533 : i32 to index
      %swap3A_536 = arith.index_cast %swap3A_534 : i32 to index
      %swap3A_537 = arith.constant 144 : index
      %swap3A_538 = tpu.vector_load %arg6[%swap3A_535, %swap3A_536, %swap3A_537] {strides = array<i32>} : memref<2x2x200xi32, #tpu.memory_space<vmem>>, vector<16xi32>,
      tpu.vector_store %arg6[%swap3A_535, %swap3A_536, %swap3A_537], %add3A_532 {strides = array<i32>} : memref<2x2x200xi32, #tpu.memory_space<vmem>>, vector<16xi32>,
      %mul3A_539 = arith.constant 2 : i32
      %mul3A_540 = arith.muli %add3A_396, %mul3A_539 : i32
      %add3A_541 = arith.constant 0 : i32
      %add3A_542 = arith.addi %mul3A_540, %add3A_541 : i32
      %get3A_543 = arith.index_cast %add3A_542 : i32 to index
      %get3A_544 = arith.constant 160 : index
      %get3A_545 = tpu.vector_load %arg5[%get3A_543, %get3A_544] {strides = array<i32>} : memref<128x200xi32, #tpu.memory_space<vmem>>, vector<16xi32>,
      %add3A_546 = arith.addi %get3A_545, %get3A_545 : vector<16xi32>
      %swap3A_547 = arith.constant 1 : i32
      %swap3A_548 = arith.constant 0 : i32
      %swap3A_549 = arith.index_cast %swap3A_547 : i32 to index
      %swap3A_550 = arith.index_cast %swap3A_548 : i32 to index
      %swap3A_551 = arith.constant 160 : index
      %swap3A_552 = tpu.vector_load %arg6[%swap3A_549, %swap3A_550, %swap3A_551] {strides = array<i32>} : memref<2x2x200xi32, #tpu.memory_space<vmem>>, vector<16xi32>,
      tpu.vector_store %arg6[%swap3A_549, %swap3A_550, %swap3A_551], %add3A_546 {strides = array<i32>} : memref<2x2x200xi32, #tpu.memory_space<vmem>>, vector<16xi32>,
      %mul3A_553 = arith.constant 2 : i32
      %mul3A_554 = arith.muli %add3A_396, %mul3A_553 : i32
      %add3A_555 = arith.constant 0 : i32
      %add3A_556 = arith.addi %mul3A_554, %add3A_555 : i32
      %get3A_557 = arith.index_cast %add3A_556 : i32 to index
      %get3A_558 = arith.constant 176 : index
      %get3A_559 = tpu.vector_load %arg5[%get3A_557, %get3A_558] {strides = array<i32>} : memref<128x200xi32, #tpu.memory_space<vmem>>, vector<16xi32>,
      %add3A_560 = arith.addi %get3A_559, %get3A_559 : vector<16xi32>
      %swap3A_561 = arith.constant 1 : i32
      %swap3A_562 = arith.constant 0 : i32
      %swap3A_563 = arith.index_cast %swap3A_561 : i32 to index
      %swap3A_564 = arith.index_cast %swap3A_562 : i32 to index
      %swap3A_565 = arith.constant 176 : index
      %swap3A_566 = tpu.vector_load %arg6[%swap3A_563, %swap3A_564, %swap3A_565] {strides = array<i32>} : memref<2x2x200xi32, #tpu.memory_space<vmem>>, vector<16xi32>,
      tpu.vector_store %arg6[%swap3A_563, %swap3A_564, %swap3A_565], %add3A_560 {strides = array<i32>} : memref<2x2x200xi32, #tpu.memory_space<vmem>>, vector<16xi32>,
      %mul3A_567 = arith.constant 2 : i32
      %mul3A_568 = arith.muli %add3A_396, %mul3A_567 : i32
      %add3A_569 = arith.constant 0 : i32
      %add3A_570 = arith.addi %mul3A_568, %add3A_569 : i32
      %get3A_571 = arith.index_cast %add3A_570 : i32 to index
      %get3A_572 = arith.constant 184 : index
      %get3A_573 = tpu.vector_load %arg5[%get3A_571, %get3A_572] {strides = array<i32>} : memref<128x200xi32, #tpu.memory_space<vmem>>, vector<16xi32>,
      %add3A_574 = arith.addi %get3A_573, %get3A_573 : vector<16xi32>
      %swap3A_575 = arith.constant 1 : i32
      %swap3A_576 = arith.constant 0 : i32
      %swap3A_577 = arith.index_cast %swap3A_575 : i32 to index
      %swap3A_578 = arith.index_cast %swap3A_576 : i32 to index
      %swap3A_579 = arith.constant 184 : index
      %swap3A_580 = tpu.vector_load %arg6[%swap3A_577, %swap3A_578, %swap3A_579] {strides = array<i32>} : memref<2x2x200xi32, #tpu.memory_space<vmem>>, vector<16xi32>,
      tpu.vector_store %arg6[%swap3A_577, %swap3A_578, %swap3A_579], %add3A_574 {strides = array<i32>} : memref<2x2x200xi32, #tpu.memory_space<vmem>>, vector<16xi32>,
      %dma_start3A_581 = arith.constant 1 : i32
      %dma_start3A_582 = arith.constant 0 : i32
      %dma_start3A_583 = arith.constant 1 : i32
      %dma_start3A_584 = arith.constant 0 : i32
      %dma_start3A_585 = arith.constant 0 : i32
      %dma_start3A_586 = arith.constant 0 : i32
      %dma_start3A_587 = tpu.memref_slice %arg7[%dma_start3A_583, %dma_start3A_584, %dma_start3A_585, %dma_start3A_586] : memref<2x2x200x64xf32, #tpu.memory_space<vmem>> -> memref<1x1x200x64xf32, #tpu.memory_space<vmem>>
      %dma_start3A_588 = tpu.memref_squeeze %dma_start3A_587 : memref<1x1x200x64xf32, #tpu.memory_space<vmem>> -> memref<200x64xf32, #tpu.memory_space<vmem>>
      %dma_start3A_589 = arith.constant 0 : i32
      %dma_start3A_590 = arith.constant 0 : i32
      %dma_start3A_591 = tpu.memref_slice %dma_start3A_588[%dma_start3A_589, %dma_start3A_590] : memref<200x64xf32, #tpu.memory_space<vmem>> -> memref<128x64xf32, #tpu.memory_space<vmem>>
      %dma_start3A_592 = arith.constant 0 : i32
      %dma_start3A_593 = tpu.memref_slice %arg6[%dma_start3A_581, %dma_start3A_582, %dma_start3A_592] : memref<2x2x200xi32, #tpu.memory_space<vmem>> -> memref<1x1x128xi32, #tpu.memory_space<vmem>>
      %dma_start3A_594 = tpu.memref_squeeze %dma_start3A_593 : memref<1x1x128xi32, #tpu.memory_space<vmem>> -> memref<128xi32, #tpu.memory_space<vmem>>
      %dma_start3A_595 = arith.constant 0 : i32
      %dma_start3A_596 = arith.constant 0 : i32
      %dma_start3A_597 = tpu.memref_slice %arg3[%dma_start3A_595, %dma_start3A_596] : memref<2000000x64xf32, #tpu.memory_space<hbm>> -> memref<2000000x64xf32, #tpu.memory_space<hbm>>
      tpu.enqueue_indirect_dma source(%dma_start3A_597 : memref<2000000x64xf32, #tpu.memory_space<hbm>>) target(%dma_start3A_591 : memref<128x64xf32, #tpu.memory_space<vmem>>) offsets(%dma_start3A_594 : memref<128xi32, #tpu.memory_space<vmem>>) semaphore(%arg9 : memref<!tpu.dma_semaphore, #tpu.memory_space<semaphore_mem>>)
      %dma_start3A_598 = arith.constant 1 : i32
      %dma_start3A_599 = arith.constant 0 : i32
      %dma_start3A_600 = arith.constant 1 : i32
      %dma_start3A_601 = arith.constant 0 : i32
      %dma_start3A_602 = arith.constant 0 : i32
      %dma_start3A_603 = arith.constant 0 : i32
      %dma_start3A_604 = tpu.memref_slice %arg7[%dma_start3A_600, %dma_start3A_601, %dma_start3A_602, %dma_start3A_603] : memref<2x2x200x64xf32, #tpu.memory_space<vmem>> -> memref<1x1x200x64xf32, #tpu.memory_space<vmem>>
      %dma_start3A_605 = tpu.memref_squeeze %dma_start3A_604 : memref<1x1x200x64xf32, #tpu.memory_space<vmem>> -> memref<200x64xf32, #tpu.memory_space<vmem>>
      %dma_start3A_606 = arith.constant 128 : i32
      %dma_start3A_607 = arith.constant 0 : i32
      %dma_start3A_608 = tpu.memref_slice %dma_start3A_605[%dma_start3A_606, %dma_start3A_607] : memref<200x64xf32, #tpu.memory_space<vmem>> -> memref<72x64xf32, #tpu.memory_space<vmem>>
      %dma_start3A_609 = arith.constant 128 : i32
      %dma_start3A_610 = tpu.memref_slice %arg6[%dma_start3A_598, %dma_start3A_599, %dma_start3A_609] : memref<2x2x200xi32, #tpu.memory_space<vmem>> -> memref<1x1x72xi32, #tpu.memory_space<vmem>>
      %dma_start3A_611 = tpu.memref_squeeze %dma_start3A_610 : memref<1x1x72xi32, #tpu.memory_space<vmem>> -> memref<72xi32, #tpu.memory_space<vmem>>
      %dma_start3A_612 = arith.constant 0 : i32
      %dma_start3A_613 = arith.constant 0 : i32
      %dma_start3A_614 = tpu.memref_slice %arg3[%dma_start3A_612, %dma_start3A_613] : memref<2000000x64xf32, #tpu.memory_space<hbm>> -> memref<2000000x64xf32, #tpu.memory_space<hbm>>
      tpu.enqueue_indirect_dma source(%dma_start3A_614 : memref<2000000x64xf32, #tpu.memory_space<hbm>>) target(%dma_start3A_608 : memref<72x64xf32, #tpu.memory_space<vmem>>) offsets(%dma_start3A_611 : memref<72xi32, #tpu.memory_space<vmem>>) semaphore(%arg9 : memref<!tpu.dma_semaphore, #tpu.memory_space<semaphore_mem>>)
      %mul3A_615 = arith.constant 2 : i32
      %mul3A_616 = arith.muli %add3A_396, %mul3A_615 : i32
      %add3A_617 = arith.constant 1 : i32
      %add3A_618 = arith.addi %mul3A_616, %add3A_617 : i32
      %get3A_619 = arith.index_cast %add3A_618 : i32 to index
      %get3A_620 = arith.constant 0 : index
      %get3A_621 = tpu.vector_load %arg5[%get3A_619, %get3A_620] {strides = array<i32>} : memref<128x200xi32, #tpu.memory_space<vmem>>, vector<16xi32>,
      %add3A_622 = arith.addi %get3A_621, %get3A_621 : vector<16xi32>
      %swap3A_623 = arith.constant 1 : i32
      %swap3A_624 = arith.constant 1 : i32
      %swap3A_625 = arith.index_cast %swap3A_623 : i32 to index
      %swap3A_626 = arith.index_cast %swap3A_624 : i32 to index
      %swap3A_627 = arith.constant 0 : index
      %swap3A_628 = tpu.vector_load %arg6[%swap3A_625, %swap3A_626, %swap3A_627] {strides = array<i32>} : memref<2x2x200xi32, #tpu.memory_space<vmem>>, vector<16xi32>,
      tpu.vector_store %arg6[%swap3A_625, %swap3A_626, %swap3A_627], %add3A_622 {strides = array<i32>} : memref<2x2x200xi32, #tpu.memory_space<vmem>>, vector<16xi32>,
      %mul3A_629 = arith.constant 2 : i32
      %mul3A_630 = arith.muli %add3A_396, %mul3A_629 : i32
      %add3A_631 = arith.constant 1 : i32
      %add3A_632 = arith.addi %mul3A_630, %add3A_631 : i32
      %get3A_633 = arith.index_cast %add3A_632 : i32 to index
      %get3A_634 = arith.constant 16 : index
      %get3A_635 = tpu.vector_load %arg5[%get3A_633, %get3A_634] {strides = array<i32>} : memref<128x200xi32, #tpu.memory_space<vmem>>, vector<16xi32>,
      %add3A_636 = arith.addi %get3A_635, %get3A_635 : vector<16xi32>
      %swap3A_637 = arith.constant 1 : i32
      %swap3A_638 = arith.constant 1 : i32
      %swap3A_639 = arith.index_cast %swap3A_637 : i32 to index
      %swap3A_640 = arith.index_cast %swap3A_638 : i32 to index
      %swap3A_641 = arith.constant 16 : index
      %swap3A_642 = tpu.vector_load %arg6[%swap3A_639, %swap3A_640, %swap3A_641] {strides = array<i32>} : memref<2x2x200xi32, #tpu.memory_space<vmem>>, vector<16xi32>,
      tpu.vector_store %arg6[%swap3A_639, %swap3A_640, %swap3A_641], %add3A_636 {strides = array<i32>} : memref<2x2x200xi32, #tpu.memory_space<vmem>>, vector<16xi32>,
      %mul3A_643 = arith.constant 2 : i32
      %mul3A_644 = arith.muli %add3A_396, %mul3A_643 : i32
      %add3A_645 = arith.constant 1 : i32
      %add3A_646 = arith.addi %mul3A_644, %add3A_645 : i32
      %get3A_647 = arith.index_cast %add3A_646 : i32 to index
      %get3A_648 = arith.constant 32 : index
      %get3A_649 = tpu.vector_load %arg5[%get3A_647, %get3A_648] {strides = array<i32>} : memref<128x200xi32, #tpu.memory_space<vmem>>, vector<16xi32>,
      %add3A_650 = arith.addi %get3A_649, %get3A_649 : vector<16xi32>
      %swap3A_651 = arith.constant 1 : i32
      %swap3A_652 = arith.constant 1 : i32
      %swap3A_653 = arith.index_cast %swap3A_651 : i32 to index
      %swap3A_654 = arith.index_cast %swap3A_652 : i32 to index
      %swap3A_655 = arith.constant 32 : index
      %swap3A_656 = tpu.vector_load %arg6[%swap3A_653, %swap3A_654, %swap3A_655] {strides = array<i32>} : memref<2x2x200xi32, #tpu.memory_space<vmem>>, vector<16xi32>,
      tpu.vector_store %arg6[%swap3A_653, %swap3A_654, %swap3A_655], %add3A_650 {strides = array<i32>} : memref<2x2x200xi32, #tpu.memory_space<vmem>>, vector<16xi32>,
      %mul3A_657 = arith.constant 2 : i32
      %mul3A_658 = arith.muli %add3A_396, %mul3A_657 : i32
      %add3A_659 = arith.constant 1 : i32
      %add3A_660 = arith.addi %mul3A_658, %add3A_659 : i32
      %get3A_661 = arith.index_cast %add3A_660 : i32 to index
      %get3A_662 = arith.constant 48 : index
      %get3A_663 = tpu.vector_load %arg5[%get3A_661, %get3A_662] {strides = array<i32>} : memref<128x200xi32, #tpu.memory_space<vmem>>, vector<16xi32>,
      %add3A_664 = arith.addi %get3A_663, %get3A_663 : vector<16xi32>
      %swap3A_665 = arith.constant 1 : i32
      %swap3A_666 = arith.constant 1 : i32
      %swap3A_667 = arith.index_cast %swap3A_665 : i32 to index
      %swap3A_668 = arith.index_cast %swap3A_666 : i32 to index
      %swap3A_669 = arith.constant 48 : index
      %swap3A_670 = tpu.vector_load %arg6[%swap3A_667, %swap3A_668, %swap3A_669] {strides = array<i32>} : memref<2x2x200xi32, #tpu.memory_space<vmem>>, vector<16xi32>,
      tpu.vector_store %arg6[%swap3A_667, %swap3A_668, %swap3A_669], %add3A_664 {strides = array<i32>} : memref<2x2x200xi32, #tpu.memory_space<vmem>>, vector<16xi32>,
      %mul3A_671 = arith.constant 2 : i32
      %mul3A_672 = arith.muli %add3A_396, %mul3A_671 : i32
      %add3A_673 = arith.constant 1 : i32
      %add3A_674 = arith.addi %mul3A_672, %add3A_673 : i32
      %get3A_675 = arith.index_cast %add3A_674 : i32 to index
      %get3A_676 = arith.constant 64 : index
      %get3A_677 = tpu.vector_load %arg5[%get3A_675, %get3A_676] {strides = array<i32>} : memref<128x200xi32, #tpu.memory_space<vmem>>, vector<16xi32>,
      %add3A_678 = arith.addi %get3A_677, %get3A_677 : vector<16xi32>
      %swap3A_679 = arith.constant 1 : i32
      %swap3A_680 = arith.constant 1 : i32
      %swap3A_681 = arith.index_cast %swap3A_679 : i32 to index
      %swap3A_682 = arith.index_cast %swap3A_680 : i32 to index
      %swap3A_683 = arith.constant 64 : index
      %swap3A_684 = tpu.vector_load %arg6[%swap3A_681, %swap3A_682, %swap3A_683] {strides = array<i32>} : memref<2x2x200xi32, #tpu.memory_space<vmem>>, vector<16xi32>,
      tpu.vector_store %arg6[%swap3A_681, %swap3A_682, %swap3A_683], %add3A_678 {strides = array<i32>} : memref<2x2x200xi32, #tpu.memory_space<vmem>>, vector<16xi32>,
      %mul3A_685 = arith.constant 2 : i32
      %mul3A_686 = arith.muli %add3A_396, %mul3A_685 : i32
      %add3A_687 = arith.constant 1 : i32
      %add3A_688 = arith.addi %mul3A_686, %add3A_687 : i32
      %get3A_689 = arith.index_cast %add3A_688 : i32 to index
      %get3A_690 = arith.constant 80 : index
      %get3A_691 = tpu.vector_load %arg5[%get3A_689, %get3A_690] {strides = array<i32>} : memref<128x200xi32, #tpu.memory_space<vmem>>, vector<16xi32>,
      %add3A_692 = arith.addi %get3A_691, %get3A_691 : vector<16xi32>
      %swap3A_693 = arith.constant 1 : i32
      %swap3A_694 = arith.constant 1 : i32
      %swap3A_695 = arith.index_cast %swap3A_693 : i32 to index
      %swap3A_696 = arith.index_cast %swap3A_694 : i32 to index
      %swap3A_697 = arith.constant 80 : index
      %swap3A_698 = tpu.vector_load %arg6[%swap3A_695, %swap3A_696, %swap3A_697] {strides = array<i32>} : memref<2x2x200xi32, #tpu.memory_space<vmem>>, vector<16xi32>,
      tpu.vector_store %arg6[%swap3A_695, %swap3A_696, %swap3A_697], %add3A_692 {strides = array<i32>} : memref<2x2x200xi32, #tpu.memory_space<vmem>>, vector<16xi32>,
      %mul3A_699 = arith.constant 2 : i32
      %mul3A_700 = arith.muli %add3A_396, %mul3A_699 : i32
      %add3A_701 = arith.constant 1 : i32
      %add3A_702 = arith.addi %mul3A_700, %add3A_701 : i32
      %get3A_703 = arith.index_cast %add3A_702 : i32 to index
      %get3A_704 = arith.constant 96 : index
      %get3A_705 = tpu.vector_load %arg5[%get3A_703, %get3A_704] {strides = array<i32>} : memref<128x200xi32, #tpu.memory_space<vmem>>, vector<16xi32>,
      %add3A_706 = arith.addi %get3A_705, %get3A_705 : vector<16xi32>
      %swap3A_707 = arith.constant 1 : i32
      %swap3A_708 = arith.constant 1 : i32
      %swap3A_709 = arith.index_cast %swap3A_707 : i32 to index
      %swap3A_710 = arith.index_cast %swap3A_708 : i32 to index
      %swap3A_711 = arith.constant 96 : index
      %swap3A_712 = tpu.vector_load %arg6[%swap3A_709, %swap3A_710, %swap3A_711] {strides = array<i32>} : memref<2x2x200xi32, #tpu.memory_space<vmem>>, vector<16xi32>,
      tpu.vector_store %arg6[%swap3A_709, %swap3A_710, %swap3A_711], %add3A_706 {strides = array<i32>} : memref<2x2x200xi32, #tpu.memory_space<vmem>>, vector<16xi32>,
      %mul3A_713 = arith.constant 2 : i32
      %mul3A_714 = arith.muli %add3A_396, %mul3A_713 : i32
      %add3A_715 = arith.constant 1 : i32
      %add3A_716 = arith.addi %mul3A_714, %add3A_715 : i32
      %get3A_717 = arith.index_cast %add3A_716 : i32 to index
      %get3A_718 = arith.constant 112 : index
      %get3A_719 = tpu.vector_load %arg5[%get3A_717, %get3A_718] {strides = array<i32>} : memref<128x200xi32, #tpu.memory_space<vmem>>, vector<16xi32>,
      %add3A_720 = arith.addi %get3A_719, %get3A_719 : vector<16xi32>
      %swap3A_721 = arith.constant 1 : i32
      %swap3A_722 = arith.constant 1 : i32
      %swap3A_723 = arith.index_cast %swap3A_721 : i32 to index
      %swap3A_724 = arith.index_cast %swap3A_722 : i32 to index
      %swap3A_725 = arith.constant 112 : index
      %swap3A_726 = tpu.vector_load %arg6[%swap3A_723, %swap3A_724, %swap3A_725] {strides = array<i32>} : memref<2x2x200xi32, #tpu.memory_space<vmem>>, vector<16xi32>,
      tpu.vector_store %arg6[%swap3A_723, %swap3A_724, %swap3A_725], %add3A_720 {strides = array<i32>} : memref<2x2x200xi32, #tpu.memory_space<vmem>>, vector<16xi32>,
      %mul3A_727 = arith.constant 2 : i32
      %mul3A_728 = arith.muli %add3A_396, %mul3A_727 : i32
      %add3A_729 = arith.constant 1 : i32
      %add3A_730 = arith.addi %mul3A_728, %add3A_729 : i32
      %get3A_731 = arith.index_cast %add3A_730 : i32 to index
      %get3A_732 = arith.constant 128 : index
      %get3A_733 = tpu.vector_load %arg5[%get3A_731, %get3A_732] {strides = array<i32>} : memref<128x200xi32, #tpu.memory_space<vmem>>, vector<16xi32>,
      %add3A_734 = arith.addi %get3A_733, %get3A_733 : vector<16xi32>
      %swap3A_735 = arith.constant 1 : i32
      %swap3A_736 = arith.constant 1 : i32
      %swap3A_737 = arith.index_cast %swap3A_735 : i32 to index
      %swap3A_738 = arith.index_cast %swap3A_736 : i32 to index
      %swap3A_739 = arith.constant 128 : index
      %swap3A_740 = tpu.vector_load %arg6[%swap3A_737, %swap3A_738, %swap3A_739] {strides = array<i32>} : memref<2x2x200xi32, #tpu.memory_space<vmem>>, vector<16xi32>,
      tpu.vector_store %arg6[%swap3A_737, %swap3A_738, %swap3A_739], %add3A_734 {strides = array<i32>} : memref<2x2x200xi32, #tpu.memory_space<vmem>>, vector<16xi32>,
      %mul3A_741 = arith.constant 2 : i32
      %mul3A_742 = arith.muli %add3A_396, %mul3A_741 : i32
      %add3A_743 = arith.constant 1 : i32
      %add3A_744 = arith.addi %mul3A_742, %add3A_743 : i32
      %get3A_745 = arith.index_cast %add3A_744 : i32 to index
      %get3A_746 = arith.constant 144 : index
      %get3A_747 = tpu.vector_load %arg5[%get3A_745, %get3A_746] {strides = array<i32>} : memref<128x200xi32, #tpu.memory_space<vmem>>, vector<16xi32>,
      %add3A_748 = arith.addi %get3A_747, %get3A_747 : vector<16xi32>
      %swap3A_749 = arith.constant 1 : i32
      %swap3A_750 = arith.constant 1 : i32
      %swap3A_751 = arith.index_cast %swap3A_749 : i32 to index
      %swap3A_752 = arith.index_cast %swap3A_750 : i32 to index
      %swap3A_753 = arith.constant 144 : index
      %swap3A_754 = tpu.vector_load %arg6[%swap3A_751, %swap3A_752, %swap3A_753] {strides = array<i32>} : memref<2x2x200xi32, #tpu.memory_space<vmem>>, vector<16xi32>,
      tpu.vector_store %arg6[%swap3A_751, %swap3A_752, %swap3A_753], %add3A_748 {strides = array<i32>} : memref<2x2x200xi32, #tpu.memory_space<vmem>>, vector<16xi32>,
      %mul3A_755 = arith.constant 2 : i32
      %mul3A_756 = arith.muli %add3A_396, %mul3A_755 : i32
      %add3A_757 = arith.constant 1 : i32
      %add3A_758 = arith.addi %mul3A_756, %add3A_757 : i32
      %get3A_759 = arith.index_cast %add3A_758 : i32 to index
      %get3A_760 = arith.constant 160 : index
      %get3A_761 = tpu.vector_load %arg5[%get3A_759, %get3A_760] {strides = array<i32>} : memref<128x200xi32, #tpu.memory_space<vmem>>, vector<16xi32>,
      %add3A_762 = arith.addi %get3A_761, %get3A_761 : vector<16xi32>
      %swap3A_763 = arith.constant 1 : i32
      %swap3A_764 = arith.constant 1 : i32
      %swap3A_765 = arith.index_cast %swap3A_763 : i32 to index
      %swap3A_766 = arith.index_cast %swap3A_764 : i32 to index
      %swap3A_767 = arith.constant 160 : index
      %swap3A_768 = tpu.vector_load %arg6[%swap3A_765, %swap3A_766, %swap3A_767] {strides = array<i32>} : memref<2x2x200xi32, #tpu.memory_space<vmem>>, vector<16xi32>,
      tpu.vector_store %arg6[%swap3A_765, %swap3A_766, %swap3A_767], %add3A_762 {strides = array<i32>} : memref<2x2x200xi32, #tpu.memory_space<vmem>>, vector<16xi32>,
      %mul3A_769 = arith.constant 2 : i32
      %mul3A_770 = arith.muli %add3A_396, %mul3A_769 : i32
      %add3A_771 = arith.constant 1 : i32
      %add3A_772 = arith.addi %mul3A_770, %add3A_771 : i32
      %get3A_773 = arith.index_cast %add3A_772 : i32 to index
      %get3A_774 = arith.constant 176 : index
      %get3A_775 = tpu.vector_load %arg5[%get3A_773, %get3A_774] {strides = array<i32>} : memref<128x200xi32, #tpu.memory_space<vmem>>, vector<16xi32>,
      %add3A_776 = arith.addi %get3A_775, %get3A_775 : vector<16xi32>
      %swap3A_777 = arith.constant 1 : i32
      %swap3A_778 = arith.constant 1 : i32
      %swap3A_779 = arith.index_cast %swap3A_777 : i32 to index
      %swap3A_780 = arith.index_cast %swap3A_778 : i32 to index
      %swap3A_781 = arith.constant 176 : index
      %swap3A_782 = tpu.vector_load %arg6[%swap3A_779, %swap3A_780, %swap3A_781] {strides = array<i32>} : memref<2x2x200xi32, #tpu.memory_space<vmem>>, vector<16xi32>,
      tpu.vector_store %arg6[%swap3A_779, %swap3A_780, %swap3A_781], %add3A_776 {strides = array<i32>} : memref<2x2x200xi32, #tpu.memory_space<vmem>>, vector<16xi32>,
      %mul3A_783 = arith.constant 2 : i32
      %mul3A_784 = arith.muli %add3A_396, %mul3A_783 : i32
      %add3A_785 = arith.constant 1 : i32
      %add3A_786 = arith.addi %mul3A_784, %add3A_785 : i32
      %get3A_787 = arith.index_cast %add3A_786 : i32 to index
      %get3A_788 = arith.constant 184 : index
      %get3A_789 = tpu.vector_load %arg5[%get3A_787, %get3A_788] {strides = array<i32>} : memref<128x200xi32, #tpu.memory_space<vmem>>, vector<16xi32>,
      %add3A_790 = arith.addi %get3A_789, %get3A_789 : vector<16xi32>
      %swap3A_791 = arith.constant 1 : i32
      %swap3A_792 = arith.constant 1 : i32
      %swap3A_793 = arith.index_cast %swap3A_791 : i32 to index
      %swap3A_794 = arith.index_cast %swap3A_792 : i32 to index
      %swap3A_795 = arith.constant 184 : index
      %swap3A_796 = tpu.vector_load %arg6[%swap3A_793, %swap3A_794, %swap3A_795] {strides = array<i32>} : memref<2x2x200xi32, #tpu.memory_space<vmem>>, vector<16xi32>,
      tpu.vector_store %arg6[%swap3A_793, %swap3A_794, %swap3A_795], %add3A_790 {strides = array<i32>} : memref<2x2x200xi32, #tpu.memory_space<vmem>>, vector<16xi32>,
      %dma_start3A_797 = arith.constant 1 : i32
      %dma_start3A_798 = arith.constant 1 : i32
      %dma_start3A_799 = arith.constant 1 : i32
      %dma_start3A_800 = arith.constant 1 : i32
      %dma_start3A_801 = arith.constant 0 : i32
      %dma_start3A_802 = arith.constant 0 : i32
      %dma_start3A_803 = tpu.memref_slice %arg7[%dma_start3A_799, %dma_start3A_800, %dma_start3A_801, %dma_start3A_802] : memref<2x2x200x64xf32, #tpu.memory_space<vmem>> -> memref<1x1x200x64xf32, #tpu.memory_space<vmem>>
      %dma_start3A_804 = tpu.memref_squeeze %dma_start3A_803 : memref<1x1x200x64xf32, #tpu.memory_space<vmem>> -> memref<200x64xf32, #tpu.memory_space<vmem>>
      %dma_start3A_805 = arith.constant 0 : i32
      %dma_start3A_806 = arith.constant 0 : i32
      %dma_start3A_807 = tpu.memref_slice %dma_start3A_804[%dma_start3A_805, %dma_start3A_806] : memref<200x64xf32, #tpu.memory_space<vmem>> -> memref<128x64xf32, #tpu.memory_space<vmem>>
      %dma_start3A_808 = arith.constant 0 : i32
      %dma_start3A_809 = tpu.memref_slice %arg6[%dma_start3A_797, %dma_start3A_798, %dma_start3A_808] : memref<2x2x200xi32, #tpu.memory_space<vmem>> -> memref<1x1x128xi32, #tpu.memory_space<vmem>>
      %dma_start3A_810 = tpu.memref_squeeze %dma_start3A_809 : memref<1x1x128xi32, #tpu.memory_space<vmem>> -> memref<128xi32, #tpu.memory_space<vmem>>
      %dma_start3A_811 = arith.constant 0 : i32
      %dma_start3A_812 = arith.constant 0 : i32
      %dma_start3A_813 = tpu.memref_slice %arg3[%dma_start3A_811, %dma_start3A_812] : memref<2000000x64xf32, #tpu.memory_space<hbm>> -> memref<2000000x64xf32, #tpu.memory_space<hbm>>
      tpu.enqueue_indirect_dma source(%dma_start3A_813 : memref<2000000x64xf32, #tpu.memory_space<hbm>>) target(%dma_start3A_807 : memref<128x64xf32, #tpu.memory_space<vmem>>) offsets(%dma_start3A_810 : memref<128xi32, #tpu.memory_space<vmem>>) semaphore(%arg9 : memref<!tpu.dma_semaphore, #tpu.memory_space<semaphore_mem>>)
      %dma_start3A_814 = arith.constant 1 : i32
      %dma_start3A_815 = arith.constant 1 : i32
      %dma_start3A_816 = arith.constant 1 : i32
      %dma_start3A_817 = arith.constant 1 : i32
      %dma_start3A_818 = arith.constant 0 : i32
      %dma_start3A_819 = arith.constant 0 : i32
      %dma_start3A_820 = tpu.memref_slice %arg7[%dma_start3A_816, %dma_start3A_817, %dma_start3A_818, %dma_start3A_819] : memref<2x2x200x64xf32, #tpu.memory_space<vmem>> -> memref<1x1x200x64xf32, #tpu.memory_space<vmem>>
      %dma_start3A_821 = tpu.memref_squeeze %dma_start3A_820 : memref<1x1x200x64xf32, #tpu.memory_space<vmem>> -> memref<200x64xf32, #tpu.memory_space<vmem>>
      %dma_start3A_822 = arith.constant 128 : i32
      %dma_start3A_823 = arith.constant 0 : i32
      %dma_start3A_824 = tpu.memref_slice %dma_start3A_821[%dma_start3A_822, %dma_start3A_823] : memref<200x64xf32, #tpu.memory_space<vmem>> -> memref<72x64xf32, #tpu.memory_space<vmem>>
      %dma_start3A_825 = arith.constant 128 : i32
      %dma_start3A_826 = tpu.memref_slice %arg6[%dma_start3A_814, %dma_start3A_815, %dma_start3A_825] : memref<2x2x200xi32, #tpu.memory_space<vmem>> -> memref<1x1x72xi32, #tpu.memory_space<vmem>>
      %dma_start3A_827 = tpu.memref_squeeze %dma_start3A_826 : memref<1x1x72xi32, #tpu.memory_space<vmem>> -> memref<72xi32, #tpu.memory_space<vmem>>
      %dma_start3A_828 = arith.constant 0 : i32
      %dma_start3A_829 = arith.constant 0 : i32
      %dma_start3A_830 = tpu.memref_slice %arg3[%dma_start3A_828, %dma_start3A_829] : memref<2000000x64xf32, #tpu.memory_space<hbm>> -> memref<2000000x64xf32, #tpu.memory_space<hbm>>
      tpu.enqueue_indirect_dma source(%dma_start3A_830 : memref<2000000x64xf32, #tpu.memory_space<hbm>>) target(%dma_start3A_824 : memref<72x64xf32, #tpu.memory_space<vmem>>) offsets(%dma_start3A_827 : memref<72xi32, #tpu.memory_space<vmem>>) semaphore(%arg9 : memref<!tpu.dma_semaphore, #tpu.memory_space<semaphore_mem>>)
      %dma_wait3A_831 = arith.constant 0 : i32
      %dma_wait3A_832 = arith.constant 0 : i32
      %dma_wait3A_833 = arith.constant 0 : i32
      %dma_wait3A_834 = arith.constant 0 : i32
      %dma_wait3A_835 = tpu.memref_slice %arg7[%dma_wait3A_831, %dma_wait3A_832, %dma_wait3A_833, %dma_wait3A_834] : memref<2x2x200x64xf32, #tpu.memory_space<vmem>> -> memref<1x1x200x64xf32, #tpu.memory_space<vmem>>
      %dma_wait3A_836 = tpu.memref_squeeze %dma_wait3A_835 : memref<1x1x200x64xf32, #tpu.memory_space<vmem>> -> memref<200x64xf32, #tpu.memory_space<vmem>>
      %dma_wait3A_837 = arith.constant 0 : i32
      %dma_wait3A_838 = arith.constant 0 : i32
      %dma_wait3A_839 = tpu.memref_slice %dma_wait3A_836[%dma_wait3A_837, %dma_wait3A_838] : memref<200x64xf32, #tpu.memory_space<vmem>> -> memref<128x64xf32, #tpu.memory_space<vmem>>
      %dma_wait3A_840 = arith.constant 0 : i32
      %dma_wait3A_841 = arith.constant 0 : i32
      %dma_wait3A_842 = tpu.memref_slice %arg3[%dma_wait3A_840, %dma_wait3A_841] : memref<2000000x64xf32, #tpu.memory_space<hbm>> -> memref<128x64xf32, #tpu.memory_space<hbm>>
      %dma_wait3A_843 = arith.constant 0 : i32
      %dma_wait3A_844 = arith.constant 0 : i32
      %dma_wait3A_845 = tpu.memref_slice %arg7[%dma_wait3A_831, %dma_wait3A_832, %dma_wait3A_843, %dma_wait3A_844] : memref<2x2x200x64xf32, #tpu.memory_space<vmem>> -> memref<1x1x200x64xf32, #tpu.memory_space<vmem>>
      %dma_wait3A_846 = tpu.memref_squeeze %dma_wait3A_845 : memref<1x1x200x64xf32, #tpu.memory_space<vmem>> -> memref<200x64xf32, #tpu.memory_space<vmem>>
      %dma_wait3A_847 = arith.constant 0 : i32
      %dma_wait3A_848 = arith.constant 0 : i32
      %dma_wait3A_849 = tpu.memref_slice %dma_wait3A_846[%dma_wait3A_847, %dma_wait3A_848] : memref<200x64xf32, #tpu.memory_space<vmem>> -> memref<128x64xf32, #tpu.memory_space<vmem>>
      %dma_wait3A_850 = arith.constant 0 : i32
      %dma_wait3A_851 = arith.constant 0 : i32
      %dma_wait3A_852 = tpu.memref_slice %arg3[%dma_wait3A_850, %dma_wait3A_851] : memref<2000000x64xf32, #tpu.memory_space<hbm>> -> memref<128x64xf32, #tpu.memory_space<hbm>>
      tpu.wait_dma2 semaphore(%arg8 : memref<!tpu.dma_semaphore, #tpu.memory_space<semaphore_mem>>) src(%dma_wait3A_852 : memref<128x64xf32, #tpu.memory_space<hbm>>) dst(%dma_wait3A_849 : memref<128x64xf32, #tpu.memory_space<vmem>>)
      %dma_wait3A_853 = arith.constant 0 : i32
      %dma_wait3A_854 = arith.constant 0 : i32
      %dma_wait3A_855 = arith.constant 0 : i32
      %dma_wait3A_856 = arith.constant 0 : i32
      %dma_wait3A_857 = tpu.memref_slice %arg7[%dma_wait3A_853, %dma_wait3A_854, %dma_wait3A_855, %dma_wait3A_856] : memref<2x2x200x64xf32, #tpu.memory_space<vmem>> -> memref<1x1x200x64xf32, #tpu.memory_space<vmem>>
      %dma_wait3A_858 = tpu.memref_squeeze %dma_wait3A_857 : memref<1x1x200x64xf32, #tpu.memory_space<vmem>> -> memref<200x64xf32, #tpu.memory_space<vmem>>
      %dma_wait3A_859 = arith.constant 128 : i32
      %dma_wait3A_860 = arith.constant 0 : i32
      %dma_wait3A_861 = tpu.memref_slice %dma_wait3A_858[%dma_wait3A_859, %dma_wait3A_860] : memref<200x64xf32, #tpu.memory_space<vmem>> -> memref<72x64xf32, #tpu.memory_space<vmem>>
      %dma_wait3A_862 = arith.constant 0 : i32
      %dma_wait3A_863 = arith.constant 0 : i32
      %dma_wait3A_864 = tpu.memref_slice %arg3[%dma_wait3A_862, %dma_wait3A_863] : memref<2000000x64xf32, #tpu.memory_space<hbm>> -> memref<72x64xf32, #tpu.memory_space<hbm>>
      %dma_wait3A_865 = arith.constant 0 : i32
      %dma_wait3A_866 = arith.constant 0 : i32
      %dma_wait3A_867 = tpu.memref_slice %arg7[%dma_wait3A_853, %dma_wait3A_854, %dma_wait3A_865, %dma_wait3A_866] : memref<2x2x200x64xf32, #tpu.memory_space<vmem>> -> memref<1x1x200x64xf32, #tpu.memory_space<vmem>>
      %dma_wait3A_868 = tpu.memref_squeeze %dma_wait3A_867 : memref<1x1x200x64xf32, #tpu.memory_space<vmem>> -> memref<200x64xf32, #tpu.memory_space<vmem>>
      %dma_wait3A_869 = arith.constant 128 : i32
      %dma_wait3A_870 = arith.constant 0 : i32
      %dma_wait3A_871 = tpu.memref_slice %dma_wait3A_868[%dma_wait3A_869, %dma_wait3A_870] : memref<200x64xf32, #tpu.memory_space<vmem>> -> memref<72x64xf32, #tpu.memory_space<vmem>>
      %dma_wait3A_872 = arith.constant 0 : i32
      %dma_wait3A_873 = arith.constant 0 : i32
      %dma_wait3A_874 = tpu.memref_slice %arg3[%dma_wait3A_872, %dma_wait3A_873] : memref<2000000x64xf32, #tpu.memory_space<hbm>> -> memref<72x64xf32, #tpu.memory_space<hbm>>
      tpu.wait_dma2 semaphore(%arg8 : memref<!tpu.dma_semaphore, #tpu.memory_space<semaphore_mem>>) src(%dma_wait3A_874 : memref<72x64xf32, #tpu.memory_space<hbm>>) dst(%dma_wait3A_871 : memref<72x64xf32, #tpu.memory_space<vmem>>)
      %dma_wait3A_875 = arith.constant 0 : i32
      %dma_wait3A_876 = arith.constant 1 : i32
      %dma_wait3A_877 = arith.constant 0 : i32
      %dma_wait3A_878 = arith.constant 0 : i32
      %dma_wait3A_879 = tpu.memref_slice %arg7[%dma_wait3A_875, %dma_wait3A_876, %dma_wait3A_877, %dma_wait3A_878] : memref<2x2x200x64xf32, #tpu.memory_space<vmem>> -> memref<1x1x200x64xf32, #tpu.memory_space<vmem>>
      %dma_wait3A_880 = tpu.memref_squeeze %dma_wait3A_879 : memref<1x1x200x64xf32, #tpu.memory_space<vmem>> -> memref<200x64xf32, #tpu.memory_space<vmem>>
      %dma_wait3A_881 = arith.constant 0 : i32
      %dma_wait3A_882 = arith.constant 0 : i32
      %dma_wait3A_883 = tpu.memref_slice %dma_wait3A_880[%dma_wait3A_881, %dma_wait3A_882] : memref<200x64xf32, #tpu.memory_space<vmem>> -> memref<128x64xf32, #tpu.memory_space<vmem>>
      %dma_wait3A_884 = arith.constant 0 : i32
      %dma_wait3A_885 = arith.constant 0 : i32
      %dma_wait3A_886 = tpu.memref_slice %arg3[%dma_wait3A_884, %dma_wait3A_885] : memref<2000000x64xf32, #tpu.memory_space<hbm>> -> memref<128x64xf32, #tpu.memory_space<hbm>>
      %dma_wait3A_887 = arith.constant 0 : i32
      %dma_wait3A_888 = arith.constant 0 : i32
      %dma_wait3A_889 = tpu.memref_slice %arg7[%dma_wait3A_875, %dma_wait3A_876, %dma_wait3A_887, %dma_wait3A_888] : memref<2x2x200x64xf32, #tpu.memory_space<vmem>> -> memref<1x1x200x64xf32, #tpu.memory_space<vmem>>
      %dma_wait3A_890 = tpu.memref_squeeze %dma_wait3A_889 : memref<1x1x200x64xf32, #tpu.memory_space<vmem>> -> memref<200x64xf32, #tpu.memory_space<vmem>>
      %dma_wait3A_891 = arith.constant 0 : i32
      %dma_wait3A_892 = arith.constant 0 : i32
      %dma_wait3A_893 = tpu.memref_slice %dma_wait3A_890[%dma_wait3A_891, %dma_wait3A_892] : memref<200x64xf32, #tpu.memory_space<vmem>> -> memref<128x64xf32, #tpu.memory_space<vmem>>
      %dma_wait3A_894 = arith.constant 0 : i32
      %dma_wait3A_895 = arith.constant 0 : i32
      %dma_wait3A_896 = tpu.memref_slice %arg3[%dma_wait3A_894, %dma_wait3A_895] : memref<2000000x64xf32, #tpu.memory_space<hbm>> -> memref<128x64xf32, #tpu.memory_space<hbm>>
      tpu.wait_dma2 semaphore(%arg8 : memref<!tpu.dma_semaphore, #tpu.memory_space<semaphore_mem>>) src(%dma_wait3A_896 : memref<128x64xf32, #tpu.memory_space<hbm>>) dst(%dma_wait3A_893 : memref<128x64xf32, #tpu.memory_space<vmem>>)
      %dma_wait3A_897 = arith.constant 0 : i32
      %dma_wait3A_898 = arith.constant 1 : i32
      %dma_wait3A_899 = arith.constant 0 : i32
      %dma_wait3A_900 = arith.constant 0 : i32
      %dma_wait3A_901 = tpu.memref_slice %arg7[%dma_wait3A_897, %dma_wait3A_898, %dma_wait3A_899, %dma_wait3A_900] : memref<2x2x200x64xf32, #tpu.memory_space<vmem>> -> memref<1x1x200x64xf32, #tpu.memory_space<vmem>>
      %dma_wait3A_902 = tpu.memref_squeeze %dma_wait3A_901 : memref<1x1x200x64xf32, #tpu.memory_space<vmem>> -> memref<200x64xf32, #tpu.memory_space<vmem>>
      %dma_wait3A_903 = arith.constant 128 : i32
      %dma_wait3A_904 = arith.constant 0 : i32
      %dma_wait3A_905 = tpu.memref_slice %dma_wait3A_902[%dma_wait3A_903, %dma_wait3A_904] : memref<200x64xf32, #tpu.memory_space<vmem>> -> memref<72x64xf32, #tpu.memory_space<vmem>>
      %dma_wait3A_906 = arith.constant 0 : i32
      %dma_wait3A_907 = arith.constant 0 : i32
      %dma_wait3A_908 = tpu.memref_slice %arg3[%dma_wait3A_906, %dma_wait3A_907] : memref<2000000x64xf32, #tpu.memory_space<hbm>> -> memref<72x64xf32, #tpu.memory_space<hbm>>
      %dma_wait3A_909 = arith.constant 0 : i32
      %dma_wait3A_910 = arith.constant 0 : i32
      %dma_wait3A_911 = tpu.memref_slice %arg7[%dma_wait3A_897, %dma_wait3A_898, %dma_wait3A_909, %dma_wait3A_910] : memref<2x2x200x64xf32, #tpu.memory_space<vmem>> -> memref<1x1x200x64xf32, #tpu.memory_space<vmem>>
      %dma_wait3A_912 = tpu.memref_squeeze %dma_wait3A_911 : memref<1x1x200x64xf32, #tpu.memory_space<vmem>> -> memref<200x64xf32, #tpu.memory_space<vmem>>
      %dma_wait3A_913 = arith.constant 128 : i32
      %dma_wait3A_914 = arith.constant 0 : i32
      %dma_wait3A_915 = tpu.memref_slice %dma_wait3A_912[%dma_wait3A_913, %dma_wait3A_914] : memref<200x64xf32, #tpu.memory_space<vmem>> -> memref<72x64xf32, #tpu.memory_space<vmem>>
      %dma_wait3A_916 = arith.constant 0 : i32
      %dma_wait3A_917 = arith.constant 0 : i32
      %dma_wait3A_918 = tpu.memref_slice %arg3[%dma_wait3A_916, %dma_wait3A_917] : memref<2000000x64xf32, #tpu.memory_space<hbm>> -> memref<72x64xf32, #tpu.memory_space<hbm>>
      tpu.wait_dma2 semaphore(%arg8 : memref<!tpu.dma_semaphore, #tpu.memory_space<semaphore_mem>>) src(%dma_wait3A_918 : memref<72x64xf32, #tpu.memory_space<hbm>>) dst(%dma_wait3A_915 : memref<72x64xf32, #tpu.memory_space<vmem>>)
      %mul3A_919 = arith.constant 2 : i32
      %mul3A_920 = arith.muli %mul3A_394, %mul3A_919 : i32
      %add3A_921 = arith.constant 0 : i32
      %add3A_922 = arith.addi %mul3A_920, %add3A_921 : i32
      %get3A_923 = arith.index_cast %add3A_922 : i32 to index
      %get3A_924 = arith.constant 0 : index
      %get3A_925 = tpu.vector_load %arg5[%get3A_923, %get3A_924] {strides = array<i32>} : memref<128x200xi32, #tpu.memory_space<vmem>>, vector<16xi32>,
      %mul3A_926 = arith.constant 2 : i32
      %mul3A_927 = arith.muli %mul3A_394, %mul3A_926 : i32
      %add3A_928 = arith.constant 0 : i32
      %add3A_929 = arith.addi %mul3A_927, %add3A_928 : i32
      %get3A_930 = arith.index_cast %add3A_929 : i32 to index
      %get3A_931 = arith.constant 16 : index
      %get3A_932 = tpu.vector_load %arg5[%get3A_930, %get3A_931] {strides = array<i32>} : memref<128x200xi32, #tpu.memory_space<vmem>>, vector<16xi32>,
      %min3A = arith.minsi %get3A_925, %get3A_932 : vector<16xi32>
      %mul3A_933 = arith.constant 2 : i32
      %mul3A_934 = arith.muli %mul3A_394, %mul3A_933 : i32
      %add3A_935 = arith.constant 0 : i32
      %add3A_936 = arith.addi %mul3A_934, %add3A_935 : i32
      %get3A_937 = arith.index_cast %add3A_936 : i32 to index
      %get3A_938 = arith.constant 32 : index
      %get3A_939 = tpu.vector_load %arg5[%get3A_937, %get3A_938] {strides = array<i32>} : memref<128x200xi32, #tpu.memory_space<vmem>>, vector<16xi32>,
      %min3A_940 = arith.minsi %min3A, %get3A_939 : vector<16xi32>
      %mul3A_941 = arith.constant 2 : i32
      %mul3A_942 = arith.muli %mul3A_394, %mul3A_941 : i32
      %add3A_943 = arith.constant 0 : i32
      %add3A_944 = arith.addi %mul3A_942, %add3A_943 : i32
      %get3A_945 = arith.index_cast %add3A_944 : i32 to index
      %get3A_946 = arith.constant 48 : index
      %get3A_947 = tpu.vector_load %arg5[%get3A_945, %get3A_946] {strides = array<i32>} : memref<128x200xi32, #tpu.memory_space<vmem>>, vector<16xi32>,
      %min3A_948 = arith.minsi %min3A_940, %get3A_947 : vector<16xi32>
      %mul3A_949 = arith.constant 2 : i32
      %mul3A_950 = arith.muli %mul3A_394, %mul3A_949 : i32
      %add3A_951 = arith.constant 0 : i32
      %add3A_952 = arith.addi %mul3A_950, %add3A_951 : i32
      %get3A_953 = arith.index_cast %add3A_952 : i32 to index
      %get3A_954 = arith.constant 64 : index
      %get3A_955 = tpu.vector_load %arg5[%get3A_953, %get3A_954] {strides = array<i32>} : memref<128x200xi32, #tpu.memory_space<vmem>>, vector<16xi32>,
      %min3A_956 = arith.minsi %min3A_948, %get3A_955 : vector<16xi32>
      %mul3A_957 = arith.constant 2 : i32
      %mul3A_958 = arith.muli %mul3A_394, %mul3A_957 : i32
      %add3A_959 = arith.constant 0 : i32
      %add3A_960 = arith.addi %mul3A_958, %add3A_959 : i32
      %get3A_961 = arith.index_cast %add3A_960 : i32 to index
      %get3A_962 = arith.constant 80 : index
      %get3A_963 = tpu.vector_load %arg5[%get3A_961, %get3A_962] {strides = array<i32>} : memref<128x200xi32, #tpu.memory_space<vmem>>, vector<16xi32>,
      %min3A_964 = arith.minsi %min3A_956, %get3A_963 : vector<16xi32>
      %mul3A_965 = arith.constant 2 : i32
      %mul3A_966 = arith.muli %mul3A_394, %mul3A_965 : i32
      %add3A_967 = arith.constant 0 : i32
      %add3A_968 = arith.addi %mul3A_966, %add3A_967 : i32
      %get3A_969 = arith.index_cast %add3A_968 : i32 to index
      %get3A_970 = arith.constant 96 : index
      %get3A_971 = tpu.vector_load %arg5[%get3A_969, %get3A_970] {strides = array<i32>} : memref<128x200xi32, #tpu.memory_space<vmem>>, vector<16xi32>,
      %min3A_972 = arith.minsi %min3A_964, %get3A_971 : vector<16xi32>
      %mul3A_973 = arith.constant 2 : i32
      %mul3A_974 = arith.muli %mul3A_394, %mul3A_973 : i32
      %add3A_975 = arith.constant 0 : i32
      %add3A_976 = arith.addi %mul3A_974, %add3A_975 : i32
      %get3A_977 = arith.index_cast %add3A_976 : i32 to index
      %get3A_978 = arith.constant 112 : index
      %get3A_979 = tpu.vector_load %arg5[%get3A_977, %get3A_978] {strides = array<i32>} : memref<128x200xi32, #tpu.memory_space<vmem>>, vector<16xi32>,
      %min3A_980 = arith.minsi %min3A_972, %get3A_979 : vector<16xi32>
      %mul3A_981 = arith.constant 2 : i32
      %mul3A_982 = arith.muli %mul3A_394, %mul3A_981 : i32
      %add3A_983 = arith.constant 0 : i32
      %add3A_984 = arith.addi %mul3A_982, %add3A_983 : i32
      %get3A_985 = arith.index_cast %add3A_984 : i32 to index
      %get3A_986 = arith.constant 128 : index
      %get3A_987 = tpu.vector_load %arg5[%get3A_985, %get3A_986] {strides = array<i32>} : memref<128x200xi32, #tpu.memory_space<vmem>>, vector<16xi32>,
      %min3A_988 = arith.minsi %min3A_980, %get3A_987 : vector<16xi32>
      %mul3A_989 = arith.constant 2 : i32
      %mul3A_990 = arith.muli %mul3A_394, %mul3A_989 : i32
      %add3A_991 = arith.constant 0 : i32
      %add3A_992 = arith.addi %mul3A_990, %add3A_991 : i32
      %get3A_993 = arith.index_cast %add3A_992 : i32 to index
      %get3A_994 = arith.constant 144 : index
      %get3A_995 = tpu.vector_load %arg5[%get3A_993, %get3A_994] {strides = array<i32>} : memref<128x200xi32, #tpu.memory_space<vmem>>, vector<16xi32>,
      %min3A_996 = arith.minsi %min3A_988, %get3A_995 : vector<16xi32>
      %mul3A_997 = arith.constant 2 : i32
      %mul3A_998 = arith.muli %mul3A_394, %mul3A_997 : i32
      %add3A_999 = arith.constant 0 : i32
      %add3A_1000 = arith.addi %mul3A_998, %add3A_999 : i32
      %get3A_1001 = arith.index_cast %add3A_1000 : i32 to index
      %get3A_1002 = arith.constant 160 : index
      %get3A_1003 = tpu.vector_load %arg5[%get3A_1001, %get3A_1002] {strides = array<i32>} : memref<128x200xi32, #tpu.memory_space<vmem>>, vector<16xi32>,
      %min3A_1004 = arith.minsi %min3A_996, %get3A_1003 : vector<16xi32>
      %mul3A_1005 = arith.constant 2 : i32
      %mul3A_1006 = arith.muli %mul3A_394, %mul3A_1005 : i32
      %add3A_1007 = arith.constant 0 : i32
      %add3A_1008 = arith.addi %mul3A_1006, %add3A_1007 : i32
      %get3A_1009 = arith.index_cast %add3A_1008 : i32 to index
      %get3A_1010 = arith.constant 176 : index
      %get3A_1011 = tpu.vector_load %arg5[%get3A_1009, %get3A_1010] {strides = array<i32>} : memref<128x200xi32, #tpu.memory_space<vmem>>, vector<16xi32>,
      %min3A_1012 = arith.minsi %min3A_1004, %get3A_1011 : vector<16xi32>
      %mul3A_1013 = arith.constant 2 : i32
      %mul3A_1014 = arith.muli %mul3A_394, %mul3A_1013 : i32
      %add3A_1015 = arith.constant 0 : i32
      %add3A_1016 = arith.addi %mul3A_1014, %add3A_1015 : i32
      %get3A_1017 = arith.index_cast %add3A_1016 : i32 to index
      %get3A_1018 = arith.constant 184 : index
      %get3A_1019 = tpu.vector_load %arg5[%get3A_1017, %get3A_1018] {strides = array<i32>} : memref<128x200xi32, #tpu.memory_space<vmem>>, vector<16xi32>,
      %min3A_1020 = arith.minsi %min3A_1012, %get3A_1019 : vector<16xi32>
      %mul3A_1021 = arith.constant 2 : i32
      %mul3A_1022 = arith.muli %mul3A_394, %mul3A_1021 : i32
      %add3A_1023 = arith.constant 1 : i32
      %add3A_1024 = arith.addi %mul3A_1022, %add3A_1023 : i32
      %get3A_1025 = arith.index_cast %add3A_1024 : i32 to index
      %get3A_1026 = arith.constant 0 : index
      %get3A_1027 = tpu.vector_load %arg5[%get3A_1025, %get3A_1026] {strides = array<i32>} : memref<128x200xi32, #tpu.memory_space<vmem>>, vector<16xi32>,
      %min3A_1028 = arith.minsi %min3A_1020, %get3A_1027 : vector<16xi32>
      %mul3A_1029 = arith.constant 2 : i32
      %mul3A_1030 = arith.muli %mul3A_394, %mul3A_1029 : i32
      %add3A_1031 = arith.constant 1 : i32
      %add3A_1032 = arith.addi %mul3A_1030, %add3A_1031 : i32
      %get3A_1033 = arith.index_cast %add3A_1032 : i32 to index
      %get3A_1034 = arith.constant 16 : index
      %get3A_1035 = tpu.vector_load %arg5[%get3A_1033, %get3A_1034] {strides = array<i32>} : memref<128x200xi32, #tpu.memory_space<vmem>>, vector<16xi32>,
      %min3A_1036 = arith.minsi %min3A_1028, %get3A_1035 : vector<16xi32>
      %mul3A_1037 = arith.constant 2 : i32
      %mul3A_1038 = arith.muli %mul3A_394, %mul3A_1037 : i32
      %add3A_1039 = arith.constant 1 : i32
      %add3A_1040 = arith.addi %mul3A_1038, %add3A_1039 : i32
      %get3A_1041 = arith.index_cast %add3A_1040 : i32 to index
      %get3A_1042 = arith.constant 32 : index
      %get3A_1043 = tpu.vector_load %arg5[%get3A_1041, %get3A_1042] {strides = array<i32>} : memref<128x200xi32, #tpu.memory_space<vmem>>, vector<16xi32>,
      %min3A_1044 = arith.minsi %min3A_1036, %get3A_1043 : vector<16xi32>
      %mul3A_1045 = arith.constant 2 : i32
      %mul3A_1046 = arith.muli %mul3A_394, %mul3A_1045 : i32
      %add3A_1047 = arith.constant 1 : i32
      %add3A_1048 = arith.addi %mul3A_1046, %add3A_1047 : i32
      %get3A_1049 = arith.index_cast %add3A_1048 : i32 to index
      %get3A_1050 = arith.constant 48 : index
      %get3A_1051 = tpu.vector_load %arg5[%get3A_1049, %get3A_1050] {strides = array<i32>} : memref<128x200xi32, #tpu.memory_space<vmem>>, vector<16xi32>,
      %min3A_1052 = arith.minsi %min3A_1044, %get3A_1051 : vector<16xi32>
      %mul3A_1053 = arith.constant 2 : i32
      %mul3A_1054 = arith.muli %mul3A_394, %mul3A_1053 : i32
      %add3A_1055 = arith.constant 1 : i32
      %add3A_1056 = arith.addi %mul3A_1054, %add3A_1055 : i32
      %get3A_1057 = arith.index_cast %add3A_1056 : i32 to index
      %get3A_1058 = arith.constant 64 : index
      %get3A_1059 = tpu.vector_load %arg5[%get3A_1057, %get3A_1058] {strides = array<i32>} : memref<128x200xi32, #tpu.memory_space<vmem>>, vector<16xi32>,
      %min3A_1060 = arith.minsi %min3A_1052, %get3A_1059 : vector<16xi32>
      %mul3A_1061 = arith.constant 2 : i32
      %mul3A_1062 = arith.muli %mul3A_394, %mul3A_1061 : i32
      %add3A_1063 = arith.constant 1 : i32
      %add3A_1064 = arith.addi %mul3A_1062, %add3A_1063 : i32
      %get3A_1065 = arith.index_cast %add3A_1064 : i32 to index
      %get3A_1066 = arith.constant 80 : index
      %get3A_1067 = tpu.vector_load %arg5[%get3A_1065, %get3A_1066] {strides = array<i32>} : memref<128x200xi32, #tpu.memory_space<vmem>>, vector<16xi32>,
      %min3A_1068 = arith.minsi %min3A_1060, %get3A_1067 : vector<16xi32>
      %mul3A_1069 = arith.constant 2 : i32
      %mul3A_1070 = arith.muli %mul3A_394, %mul3A_1069 : i32
      %add3A_1071 = arith.constant 1 : i32
      %add3A_1072 = arith.addi %mul3A_1070, %add3A_1071 : i32
      %get3A_1073 = arith.index_cast %add3A_1072 : i32 to index
      %get3A_1074 = arith.constant 96 : index
      %get3A_1075 = tpu.vector_load %arg5[%get3A_1073, %get3A_1074] {strides = array<i32>} : memref<128x200xi32, #tpu.memory_space<vmem>>, vector<16xi32>,
      %min3A_1076 = arith.minsi %min3A_1068, %get3A_1075 : vector<16xi32>
      %mul3A_1077 = arith.constant 2 : i32
      %mul3A_1078 = arith.muli %mul3A_394, %mul3A_1077 : i32
      %add3A_1079 = arith.constant 1 : i32
      %add3A_1080 = arith.addi %mul3A_1078, %add3A_1079 : i32
      %get3A_1081 = arith.index_cast %add3A_1080 : i32 to index
      %get3A_1082 = arith.constant 112 : index
      %get3A_1083 = tpu.vector_load %arg5[%get3A_1081, %get3A_1082] {strides = array<i32>} : memref<128x200xi32, #tpu.memory_space<vmem>>, vector<16xi32>,
      %min3A_1084 = arith.minsi %min3A_1076, %get3A_1083 : vector<16xi32>
      %mul3A_1085 = arith.constant 2 : i32
      %mul3A_1086 = arith.muli %mul3A_394, %mul3A_1085 : i32
      %add3A_1087 = arith.constant 1 : i32
      %add3A_1088 = arith.addi %mul3A_1086, %add3A_1087 : i32
      %get3A_1089 = arith.index_cast %add3A_1088 : i32 to index
      %get3A_1090 = arith.constant 128 : index
      %get3A_1091 = tpu.vector_load %arg5[%get3A_1089, %get3A_1090] {strides = array<i32>} : memref<128x200xi32, #tpu.memory_space<vmem>>, vector<16xi32>,
      %min3A_1092 = arith.minsi %min3A_1084, %get3A_1091 : vector<16xi32>
      %mul3A_1093 = arith.constant 2 : i32
      %mul3A_1094 = arith.muli %mul3A_394, %mul3A_1093 : i32
      %add3A_1095 = arith.constant 1 : i32
      %add3A_1096 = arith.addi %mul3A_1094, %add3A_1095 : i32
      %get3A_1097 = arith.index_cast %add3A_1096 : i32 to index
      %get3A_1098 = arith.constant 144 : index
      %get3A_1099 = tpu.vector_load %arg5[%get3A_1097, %get3A_1098] {strides = array<i32>} : memref<128x200xi32, #tpu.memory_space<vmem>>, vector<16xi32>,
      %min3A_1100 = arith.minsi %min3A_1092, %get3A_1099 : vector<16xi32>
      %mul3A_1101 = arith.constant 2 : i32
      %mul3A_1102 = arith.muli %mul3A_394, %mul3A_1101 : i32
      %add3A_1103 = arith.constant 1 : i32
      %add3A_1104 = arith.addi %mul3A_1102, %add3A_1103 : i32
      %get3A_1105 = arith.index_cast %add3A_1104 : i32 to index
      %get3A_1106 = arith.constant 160 : index
      %get3A_1107 = tpu.vector_load %arg5[%get3A_1105, %get3A_1106] {strides = array<i32>} : memref<128x200xi32, #tpu.memory_space<vmem>>, vector<16xi32>,
      %min3A_1108 = arith.minsi %min3A_1100, %get3A_1107 : vector<16xi32>
      %mul3A_1109 = arith.constant 2 : i32
      %mul3A_1110 = arith.muli %mul3A_394, %mul3A_1109 : i32
      %add3A_1111 = arith.constant 1 : i32
      %add3A_1112 = arith.addi %mul3A_1110, %add3A_1111 : i32
      %get3A_1113 = arith.index_cast %add3A_1112 : i32 to index
      %get3A_1114 = arith.constant 176 : index
      %get3A_1115 = tpu.vector_load %arg5[%get3A_1113, %get3A_1114] {strides = array<i32>} : memref<128x200xi32, #tpu.memory_space<vmem>>, vector<16xi32>,
      %min3A_1116 = arith.minsi %min3A_1108, %get3A_1115 : vector<16xi32>
      %mul3A_1117 = arith.constant 2 : i32
      %mul3A_1118 = arith.muli %mul3A_394, %mul3A_1117 : i32
      %add3A_1119 = arith.constant 1 : i32
      %add3A_1120 = arith.addi %mul3A_1118, %add3A_1119 : i32
      %get3A_1121 = arith.index_cast %add3A_1120 : i32 to index
      %get3A_1122 = arith.constant 184 : index
      %get3A_1123 = tpu.vector_load %arg5[%get3A_1121, %get3A_1122] {strides = array<i32>} : memref<128x200xi32, #tpu.memory_space<vmem>>, vector<16xi32>,
      %min3A_1124 = arith.minsi %min3A_1116, %get3A_1123 : vector<16xi32>
      %eq3A = arith.constant 0 : i32
      %eq3A_1125 = vector.broadcast %eq3A : i32 to vector<16xi32>
      %eq3A_1126 = arith.cmpi eq, %min3A_1124, %eq3A_1125 : vector<16xi32>
      %all_reduce_population_count3A = tpu.all_reduce %eq3A_1126 {dim = 0 : i64, kind = #tpu.reduction_kind<sum>} : vector<16xi1> -> vector<16xi32>
      %slice3A = vector.extract_strided_slice %all_reduce_population_count3A {offsets = [0], sizes = [1], strides = [1]} : vector<16xi32> to vector<1xi32>
      %squeeze3A = vector.extract %slice3A[0] : i32 from vector<1xi32>
      %ne3A = arith.constant 0 : i32
      %ne3A_1127 = arith.cmpi ne, %squeeze3A, %ne3A : i32
      %convert_element_type3A_1128 = arith.extui %ne3A_1127 : i1 to i32
      %cond3A_1129 = arith.constant 0 : i32
      %cond3A_1130 = arith.cmpi ne, %convert_element_type3A_1128, %cond3A_1129 : i32
      scf.if %cond3A_1130 {
        %broadcast_in_dim3A = arith.constant 0.000000e+00 : f32
        %broadcast_in_dim3A_1497 = vector.broadcast %broadcast_in_dim3A : f32 to vector<16xf32>
        %iota3A = tpu.iota {dimensions = array<i32: 0>} : vector<16xi32>
        %scan3A_1498 = arith.constant 0 : i32
        %scan3A_1499 = arith.constant 0 : i32
        %scan3A_1500 = arith.constant 13 : i32
        %scan3A_1501 = arith.addi %scan3A_1499, %scan3A_1500 : i32
        %scan3A_1502 = arith.constant 1 : i32
        scf.for %scan3A_1510 = %scan3A_1499 to %scan3A_1501 step %scan3A_1502  : i32 {
          %mul3A_1511 = arith.constant 16 : i32
          %mul3A_1512 = arith.muli %scan3A_1510, %mul3A_1511 : i32
          %min3A_1513 = arith.constant 184 : i32
          %min3A_1514 = arith.minsi %mul3A_1512, %min3A_1513 : i32
          %mul3A_1515 = arith.constant 2 : i32
          %mul3A_1516 = arith.muli %mul3A_394, %mul3A_1515 : i32
          %add3A_1517 = arith.constant 0 : i32
          %add3A_1518 = arith.addi %mul3A_1516, %add3A_1517 : i32
          %get3A_1519 = arith.index_cast %add3A_1518 : i32 to index
          %get3A_1520 = arith.index_cast %min3A_1514 : i32 to index
          %get3A_1521 = tpu.vector_load %arg5[%get3A_1519, %get3A_1520] {strides = array<i32>} : memref<128x200xi32, #tpu.memory_space<vmem>>, vector<16xi32>,
          %eq3A_1522 = arith.constant 0 : i32
          %eq3A_1523 = vector.broadcast %eq3A_1522 : i32 to vector<16xi32>
          %eq3A_1524 = arith.cmpi eq, %get3A_1521, %eq3A_1523 : vector<16xi32>
          %all_reduce_population_count3A_1525 = tpu.all_reduce %eq3A_1524 {dim = 0 : i64, kind = #tpu.reduction_kind<sum>} : vector<16xi1> -> vector<16xi32>
          %slice3A_1526 = vector.extract_strided_slice %all_reduce_population_count3A_1525 {offsets = [0], sizes = [1], strides = [1]} : vector<16xi32> to vector<1xi32>
          %squeeze3A_1527 = vector.extract %slice3A_1526[0] : i32 from vector<1xi32>
          %ne3A_1528 = arith.constant 0 : i32
          %ne3A_1529 = arith.cmpi ne, %squeeze3A_1527, %ne3A_1528 : i32
          %convert_element_type3A_1530 = arith.extui %ne3A_1529 : i1 to i32
          %cond3A_1531 = arith.constant 0 : i32
          %cond3A_1532 = arith.cmpi ne, %convert_element_type3A_1530, %cond3A_1531 : i32
          scf.if %cond3A_1532 {
            %add3A_1533 = vector.broadcast %min3A_1514 : i32 to vector<16xi32>
            %add3A_1534 = arith.addi %add3A_1533, %iota3A : vector<16xi32>
            %broadcast_in_dim3A_1535 = arith.constant 0 : i32
            %broadcast_in_dim3A_1536 = vector.broadcast %broadcast_in_dim3A_1535 : i32 to vector<16xi32>
            %scatter3A = arith.constant 0 : i32
            %scatter3A_1537 = arith.constant 0 : i32
            %scatter3A_1538 = arith.constant 0 : i32
            %scatter3A_1539 = arith.constant 0 : i32
            %scatter3A_1540 = tpu.memref_slice %arg7[%scatter3A, %scatter3A_1537, %scatter3A_1538, %scatter3A_1539] : memref<2x2x200x64xf32, #tpu.memory_space<vmem>> -> memref<1x1x200x64xf32, #tpu.memory_space<vmem>>
            %scatter3A_1541 = tpu.memref_squeeze %scatter3A_1540 : memref<1x1x200x64xf32, #tpu.memory_space<vmem>> -> memref<200x64xf32, #tpu.memory_space<vmem>>
            tpu.vector_store_idx %scatter3A_1541[%add3A_1534, %broadcast_in_dim3A_1536], %broadcast_in_dim3A_1497 masked %eq3A_1524 : memref<200x64xf32, #tpu.memory_space<vmem>>[vector<16xi32>, vector<16xi32>], vector<16xf32>, vector<16xi1>
            %broadcast_in_dim3A_1542 = arith.constant 1 : i32
            %broadcast_in_dim3A_1543 = vector.broadcast %broadcast_in_dim3A_1542 : i32 to vector<16xi32>
            %scatter3A_1544 = arith.constant 0 : i32
            %scatter3A_1545 = arith.constant 0 : i32
            %scatter3A_1546 = arith.constant 0 : i32
            %scatter3A_1547 = arith.constant 0 : i32
            %scatter3A_1548 = tpu.memref_slice %arg7[%scatter3A_1544, %scatter3A_1545, %scatter3A_1546, %scatter3A_1547] : memref<2x2x200x64xf32, #tpu.memory_space<vmem>> -> memref<1x1x200x64xf32, #tpu.memory_space<vmem>>
            %scatter3A_1549 = tpu.memref_squeeze %scatter3A_1548 : memref<1x1x200x64xf32, #tpu.memory_space<vmem>> -> memref<200x64xf32, #tpu.memory_space<vmem>>
            tpu.vector_store_idx %scatter3A_1549[%add3A_1534, %broadcast_in_dim3A_1543], %broadcast_in_dim3A_1497 masked %eq3A_1524 : memref<200x64xf32, #tpu.memory_space<vmem>>[vector<16xi32>, vector<16xi32>], vector<16xf32>, vector<16xi1>
            %broadcast_in_dim3A_1550 = arith.constant 2 : i32
            %broadcast_in_dim3A_1551 = vector.broadcast %broadcast_in_dim3A_1550 : i32 to vector<16xi32>
            %scatter3A_1552 = arith.constant 0 : i32
            %scatter3A_1553 = arith.constant 0 : i32
            %scatter3A_1554 = arith.constant 0 : i32
            %scatter3A_1555 = arith.constant 0 : i32
            %scatter3A_1556 = tpu.memref_slice %arg7[%scatter3A_1552, %scatter3A_1553, %scatter3A_1554, %scatter3A_1555] : memref<2x2x200x64xf32, #tpu.memory_space<vmem>> -> memref<1x1x200x64xf32, #tpu.memory_space<vmem>>
            %scatter3A_1557 = tpu.memref_squeeze %scatter3A_1556 : memref<1x1x200x64xf32, #tpu.memory_space<vmem>> -> memref<200x64xf32, #tpu.memory_space<vmem>>
            tpu.vector_store_idx %scatter3A_1557[%add3A_1534, %broadcast_in_dim3A_1551], %broadcast_in_dim3A_1497 masked %eq3A_1524 : memref<200x64xf32, #tpu.memory_space<vmem>>[vector<16xi32>, vector<16xi32>], vector<16xf32>, vector<16xi1>
            %broadcast_in_dim3A_1558 = arith.constant 3 : i32
            %broadcast_in_dim3A_1559 = vector.broadcast %broadcast_in_dim3A_1558 : i32 to vector<16xi32>
            %scatter3A_1560 = arith.constant 0 : i32
            %scatter3A_1561 = arith.constant 0 : i32
            %scatter3A_1562 = arith.constant 0 : i32
            %scatter3A_1563 = arith.constant 0 : i32
            %scatter3A_1564 = tpu.memref_slice %arg7[%scatter3A_1560, %scatter3A_1561, %scatter3A_1562, %scatter3A_1563] : memref<2x2x200x64xf32, #tpu.memory_space<vmem>> -> memref<1x1x200x64xf32, #tpu.memory_space<vmem>>
            %scatter3A_1565 = tpu.memref_squeeze %scatter3A_1564 : memref<1x1x200x64xf32, #tpu.memory_space<vmem>> -> memref<200x64xf32, #tpu.memory_space<vmem>>
            tpu.vector_store_idx %scatter3A_1565[%add3A_1534, %broadcast_in_dim3A_1559], %broadcast_in_dim3A_1497 masked %eq3A_1524 : memref<200x64xf32, #tpu.memory_space<vmem>>[vector<16xi32>, vector<16xi32>], vector<16xf32>, vector<16xi1>
            %broadcast_in_dim3A_1566 = arith.constant 4 : i32
            %broadcast_in_dim3A_1567 = vector.broadcast %broadcast_in_dim3A_1566 : i32 to vector<16xi32>
            %scatter3A_1568 = arith.constant 0 : i32
            %scatter3A_1569 = arith.constant 0 : i32
            %scatter3A_1570 = arith.constant 0 : i32
            %scatter3A_1571 = arith.constant 0 : i32
            %scatter3A_1572 = tpu.memref_slice %arg7[%scatter3A_1568, %scatter3A_1569, %scatter3A_1570, %scatter3A_1571] : memref<2x2x200x64xf32, #tpu.memory_space<vmem>> -> memref<1x1x200x64xf32, #tpu.memory_space<vmem>>
            %scatter3A_1573 = tpu.memref_squeeze %scatter3A_1572 : memref<1x1x200x64xf32, #tpu.memory_space<vmem>> -> memref<200x64xf32, #tpu.memory_space<vmem>>
            tpu.vector_store_idx %scatter3A_1573[%add3A_1534, %broadcast_in_dim3A_1567], %broadcast_in_dim3A_1497 masked %eq3A_1524 : memref<200x64xf32, #tpu.memory_space<vmem>>[vector<16xi32>, vector<16xi32>], vector<16xf32>, vector<16xi1>
            %broadcast_in_dim3A_1574 = arith.constant 5 : i32
            %broadcast_in_dim3A_1575 = vector.broadcast %broadcast_in_dim3A_1574 : i32 to vector<16xi32>
            %scatter3A_1576 = arith.constant 0 : i32
            %scatter3A_1577 = arith.constant 0 : i32
            %scatter3A_1578 = arith.constant 0 : i32
            %scatter3A_1579 = arith.constant 0 : i32
            %scatter3A_1580 = tpu.memref_slice %arg7[%scatter3A_1576, %scatter3A_1577, %scatter3A_1578, %scatter3A_1579] : memref<2x2x200x64xf32, #tpu.memory_space<vmem>> -> memref<1x1x200x64xf32, #tpu.memory_space<vmem>>
            %scatter3A_1581 = tpu.memref_squeeze %scatter3A_1580 : memref<1x1x200x64xf32, #tpu.memory_space<vmem>> -> memref<200x64xf32, #tpu.memory_space<vmem>>
            tpu.vector_store_idx %scatter3A_1581[%add3A_1534, %broadcast_in_dim3A_1575], %broadcast_in_dim3A_1497 masked %eq3A_1524 : memref<200x64xf32, #tpu.memory_space<vmem>>[vector<16xi32>, vector<16xi32>], vector<16xf32>, vector<16xi1>
            %broadcast_in_dim3A_1582 = arith.constant 6 : i32
            %broadcast_in_dim3A_1583 = vector.broadcast %broadcast_in_dim3A_1582 : i32 to vector<16xi32>
            %scatter3A_1584 = arith.constant 0 : i32
            %scatter3A_1585 = arith.constant 0 : i32
            %scatter3A_1586 = arith.constant 0 : i32
            %scatter3A_1587 = arith.constant 0 : i32
            %scatter3A_1588 = tpu.memref_slice %arg7[%scatter3A_1584, %scatter3A_1585, %scatter3A_1586, %scatter3A_1587] : memref<2x2x200x64xf32, #tpu.memory_space<vmem>> -> memref<1x1x200x64xf32, #tpu.memory_space<vmem>>
            %scatter3A_1589 = tpu.memref_squeeze %scatter3A_1588 : memref<1x1x200x64xf32, #tpu.memory_space<vmem>> -> memref<200x64xf32, #tpu.memory_space<vmem>>
            tpu.vector_store_idx %scatter3A_1589[%add3A_1534, %broadcast_in_dim3A_1583], %broadcast_in_dim3A_1497 masked %eq3A_1524 : memref<200x64xf32, #tpu.memory_space<vmem>>[vector<16xi32>, vector<16xi32>], vector<16xf32>, vector<16xi1>
            %broadcast_in_dim3A_1590 = arith.constant 7 : i32
            %broadcast_in_dim3A_1591 = vector.broadcast %broadcast_in_dim3A_1590 : i32 to vector<16xi32>
            %scatter3A_1592 = arith.constant 0 : i32
            %scatter3A_1593 = arith.constant 0 : i32
            %scatter3A_1594 = arith.constant 0 : i32
            %scatter3A_1595 = arith.constant 0 : i32
            %scatter3A_1596 = tpu.memref_slice %arg7[%scatter3A_1592, %scatter3A_1593, %scatter3A_1594, %scatter3A_1595] : memref<2x2x200x64xf32, #tpu.memory_space<vmem>> -> memref<1x1x200x64xf32, #tpu.memory_space<vmem>>
            %scatter3A_1597 = tpu.memref_squeeze %scatter3A_1596 : memref<1x1x200x64xf32, #tpu.memory_space<vmem>> -> memref<200x64xf32, #tpu.memory_space<vmem>>
            tpu.vector_store_idx %scatter3A_1597[%add3A_1534, %broadcast_in_dim3A_1591], %broadcast_in_dim3A_1497 masked %eq3A_1524 : memref<200x64xf32, #tpu.memory_space<vmem>>[vector<16xi32>, vector<16xi32>], vector<16xf32>, vector<16xi1>
            %broadcast_in_dim3A_1598 = arith.constant 8 : i32
            %broadcast_in_dim3A_1599 = vector.broadcast %broadcast_in_dim3A_1598 : i32 to vector<16xi32>
            %scatter3A_1600 = arith.constant 0 : i32
            %scatter3A_1601 = arith.constant 0 : i32
            %scatter3A_1602 = arith.constant 0 : i32
            %scatter3A_1603 = arith.constant 0 : i32
            %scatter3A_1604 = tpu.memref_slice %arg7[%scatter3A_1600, %scatter3A_1601, %scatter3A_1602, %scatter3A_1603] : memref<2x2x200x64xf32, #tpu.memory_space<vmem>> -> memref<1x1x200x64xf32, #tpu.memory_space<vmem>>
            %scatter3A_1605 = tpu.memref_squeeze %scatter3A_1604 : memref<1x1x200x64xf32, #tpu.memory_space<vmem>> -> memref<200x64xf32, #tpu.memory_space<vmem>>
            tpu.vector_store_idx %scatter3A_1605[%add3A_1534, %broadcast_in_dim3A_1599], %broadcast_in_dim3A_1497 masked %eq3A_1524 : memref<200x64xf32, #tpu.memory_space<vmem>>[vector<16xi32>, vector<16xi32>], vector<16xf32>, vector<16xi1>
            %broadcast_in_dim3A_1606 = arith.constant 9 : i32
            %broadcast_in_dim3A_1607 = vector.broadcast %broadcast_in_dim3A_1606 : i32 to vector<16xi32>
            %scatter3A_1608 = arith.constant 0 : i32
            %scatter3A_1609 = arith.constant 0 : i32
            %scatter3A_1610 = arith.constant 0 : i32
            %scatter3A_1611 = arith.constant 0 : i32
            %scatter3A_1612 = tpu.memref_slice %arg7[%scatter3A_1608, %scatter3A_1609, %scatter3A_1610, %scatter3A_1611] : memref<2x2x200x64xf32, #tpu.memory_space<vmem>> -> memref<1x1x200x64xf32, #tpu.memory_space<vmem>>
            %scatter3A_1613 = tpu.memref_squeeze %scatter3A_1612 : memref<1x1x200x64xf32, #tpu.memory_space<vmem>> -> memref<200x64xf32, #tpu.memory_space<vmem>>
            tpu.vector_store_idx %scatter3A_1613[%add3A_1534, %broadcast_in_dim3A_1607], %broadcast_in_dim3A_1497 masked %eq3A_1524 : memref<200x64xf32, #tpu.memory_space<vmem>>[vector<16xi32>, vector<16xi32>], vector<16xf32>, vector<16xi1>
            %broadcast_in_dim3A_1614 = arith.constant 10 : i32
            %broadcast_in_dim3A_1615 = vector.broadcast %broadcast_in_dim3A_1614 : i32 to vector<16xi32>
            %scatter3A_1616 = arith.constant 0 : i32
            %scatter3A_1617 = arith.constant 0 : i32
            %scatter3A_1618 = arith.constant 0 : i32
            %scatter3A_1619 = arith.constant 0 : i32
            %scatter3A_1620 = tpu.memref_slice %arg7[%scatter3A_1616, %scatter3A_1617, %scatter3A_1618, %scatter3A_1619] : memref<2x2x200x64xf32, #tpu.memory_space<vmem>> -> memref<1x1x200x64xf32, #tpu.memory_space<vmem>>
            %scatter3A_1621 = tpu.memref_squeeze %scatter3A_1620 : memref<1x1x200x64xf32, #tpu.memory_space<vmem>> -> memref<200x64xf32, #tpu.memory_space<vmem>>
            tpu.vector_store_idx %scatter3A_1621[%add3A_1534, %broadcast_in_dim3A_1615], %broadcast_in_dim3A_1497 masked %eq3A_1524 : memref<200x64xf32, #tpu.memory_space<vmem>>[vector<16xi32>, vector<16xi32>], vector<16xf32>, vector<16xi1>
            %broadcast_in_dim3A_1622 = arith.constant 11 : i32
            %broadcast_in_dim3A_1623 = vector.broadcast %broadcast_in_dim3A_1622 : i32 to vector<16xi32>
            %scatter3A_1624 = arith.constant 0 : i32
            %scatter3A_1625 = arith.constant 0 : i32
            %scatter3A_1626 = arith.constant 0 : i32
            %scatter3A_1627 = arith.constant 0 : i32
            %scatter3A_1628 = tpu.memref_slice %arg7[%scatter3A_1624, %scatter3A_1625, %scatter3A_1626, %scatter3A_1627] : memref<2x2x200x64xf32, #tpu.memory_space<vmem>> -> memref<1x1x200x64xf32, #tpu.memory_space<vmem>>
            %scatter3A_1629 = tpu.memref_squeeze %scatter3A_1628 : memref<1x1x200x64xf32, #tpu.memory_space<vmem>> -> memref<200x64xf32, #tpu.memory_space<vmem>>
            tpu.vector_store_idx %scatter3A_1629[%add3A_1534, %broadcast_in_dim3A_1623], %broadcast_in_dim3A_1497 masked %eq3A_1524 : memref<200x64xf32, #tpu.memory_space<vmem>>[vector<16xi32>, vector<16xi32>], vector<16xf32>, vector<16xi1>
            %broadcast_in_dim3A_1630 = arith.constant 12 : i32
            %broadcast_in_dim3A_1631 = vector.broadcast %broadcast_in_dim3A_1630 : i32 to vector<16xi32>
            %scatter3A_1632 = arith.constant 0 : i32
            %scatter3A_1633 = arith.constant 0 : i32
            %scatter3A_1634 = arith.constant 0 : i32
            %scatter3A_1635 = arith.constant 0 : i32
            %scatter3A_1636 = tpu.memref_slice %arg7[%scatter3A_1632, %scatter3A_1633, %scatter3A_1634, %scatter3A_1635] : memref<2x2x200x64xf32, #tpu.memory_space<vmem>> -> memref<1x1x200x64xf32, #tpu.memory_space<vmem>>
            %scatter3A_1637 = tpu.memref_squeeze %scatter3A_1636 : memref<1x1x200x64xf32, #tpu.memory_space<vmem>> -> memref<200x64xf32, #tpu.memory_space<vmem>>
            tpu.vector_store_idx %scatter3A_1637[%add3A_1534, %broadcast_in_dim3A_1631], %broadcast_in_dim3A_1497 masked %eq3A_1524 : memref<200x64xf32, #tpu.memory_space<vmem>>[vector<16xi32>, vector<16xi32>], vector<16xf32>, vector<16xi1>
            %broadcast_in_dim3A_1638 = arith.constant 13 : i32
            %broadcast_in_dim3A_1639 = vector.broadcast %broadcast_in_dim3A_1638 : i32 to vector<16xi32>
            %scatter3A_1640 = arith.constant 0 : i32
            %scatter3A_1641 = arith.constant 0 : i32
            %scatter3A_1642 = arith.constant 0 : i32
            %scatter3A_1643 = arith.constant 0 : i32
            %scatter3A_1644 = tpu.memref_slice %arg7[%scatter3A_1640, %scatter3A_1641, %scatter3A_1642, %scatter3A_1643] : memref<2x2x200x64xf32, #tpu.memory_space<vmem>> -> memref<1x1x200x64xf32, #tpu.memory_space<vmem>>
            %scatter3A_1645 = tpu.memref_squeeze %scatter3A_1644 : memref<1x1x200x64xf32, #tpu.memory_space<vmem>> -> memref<200x64xf32, #tpu.memory_space<vmem>>
            tpu.vector_store_idx %scatter3A_1645[%add3A_1534, %broadcast_in_dim3A_1639], %broadcast_in_dim3A_1497 masked %eq3A_1524 : memref<200x64xf32, #tpu.memory_space<vmem>>[vector<16xi32>, vector<16xi32>], vector<16xf32>, vector<16xi1>
            %broadcast_in_dim3A_1646 = arith.constant 14 : i32
            %broadcast_in_dim3A_1647 = vector.broadcast %broadcast_in_dim3A_1646 : i32 to vector<16xi32>
            %scatter3A_1648 = arith.constant 0 : i32
            %scatter3A_1649 = arith.constant 0 : i32
            %scatter3A_1650 = arith.constant 0 : i32
            %scatter3A_1651 = arith.constant 0 : i32
            %scatter3A_1652 = tpu.memref_slice %arg7[%scatter3A_1648, %scatter3A_1649, %scatter3A_1650, %scatter3A_1651] : memref<2x2x200x64xf32, #tpu.memory_space<vmem>> -> memref<1x1x200x64xf32, #tpu.memory_space<vmem>>
            %scatter3A_1653 = tpu.memref_squeeze %scatter3A_1652 : memref<1x1x200x64xf32, #tpu.memory_space<vmem>> -> memref<200x64xf32, #tpu.memory_space<vmem>>
            tpu.vector_store_idx %scatter3A_1653[%add3A_1534, %broadcast_in_dim3A_1647], %broadcast_in_dim3A_1497 masked %eq3A_1524 : memref<200x64xf32, #tpu.memory_space<vmem>>[vector<16xi32>, vector<16xi32>], vector<16xf32>, vector<16xi1>
            %broadcast_in_dim3A_1654 = arith.constant 15 : i32
            %broadcast_in_dim3A_1655 = vector.broadcast %broadcast_in_dim3A_1654 : i32 to vector<16xi32>
            %scatter3A_1656 = arith.constant 0 : i32
            %scatter3A_1657 = arith.constant 0 : i32
            %scatter3A_1658 = arith.constant 0 : i32
            %scatter3A_1659 = arith.constant 0 : i32
            %scatter3A_1660 = tpu.memref_slice %arg7[%scatter3A_1656, %scatter3A_1657, %scatter3A_1658, %scatter3A_1659] : memref<2x2x200x64xf32, #tpu.memory_space<vmem>> -> memref<1x1x200x64xf32, #tpu.memory_space<vmem>>
            %scatter3A_1661 = tpu.memref_squeeze %scatter3A_1660 : memref<1x1x200x64xf32, #tpu.memory_space<vmem>> -> memref<200x64xf32, #tpu.memory_space<vmem>>
            tpu.vector_store_idx %scatter3A_1661[%add3A_1534, %broadcast_in_dim3A_1655], %broadcast_in_dim3A_1497 masked %eq3A_1524 : memref<200x64xf32, #tpu.memory_space<vmem>>[vector<16xi32>, vector<16xi32>], vector<16xf32>, vector<16xi1>
            %broadcast_in_dim3A_1662 = arith.constant 16 : i32
            %broadcast_in_dim3A_1663 = vector.broadcast %broadcast_in_dim3A_1662 : i32 to vector<16xi32>
            %scatter3A_1664 = arith.constant 0 : i32
            %scatter3A_1665 = arith.constant 0 : i32
            %scatter3A_1666 = arith.constant 0 : i32
            %scatter3A_1667 = arith.constant 0 : i32
            %scatter3A_1668 = tpu.memref_slice %arg7[%scatter3A_1664, %scatter3A_1665, %scatter3A_1666, %scatter3A_1667] : memref<2x2x200x64xf32, #tpu.memory_space<vmem>> -> memref<1x1x200x64xf32, #tpu.memory_space<vmem>>
            %scatter3A_1669 = tpu.memref_squeeze %scatter3A_1668 : memref<1x1x200x64xf32, #tpu.memory_space<vmem>> -> memref<200x64xf32, #tpu.memory_space<vmem>>
            tpu.vector_store_idx %scatter3A_1669[%add3A_1534, %broadcast_in_dim3A_1663], %broadcast_in_dim3A_1497 masked %eq3A_1524 : memref<200x64xf32, #tpu.memory_space<vmem>>[vector<16xi32>, vector<16xi32>], vector<16xf32>, vector<16xi1>
            %broadcast_in_dim3A_1670 = arith.constant 17 : i32
            %broadcast_in_dim3A_1671 = vector.broadcast %broadcast_in_dim3A_1670 : i32 to vector<16xi32>
            %scatter3A_1672 = arith.constant 0 : i32
            %scatter3A_1673 = arith.constant 0 : i32
            %scatter3A_1674 = arith.constant 0 : i32
            %scatter3A_1675 = arith.constant 0 : i32
            %scatter3A_1676 = tpu.memref_slice %arg7[%scatter3A_1672, %scatter3A_1673, %scatter3A_1674, %scatter3A_1675] : memref<2x2x200x64xf32, #tpu.memory_space<vmem>> -> memref<1x1x200x64xf32, #tpu.memory_space<vmem>>
            %scatter3A_1677 = tpu.memref_squeeze %scatter3A_1676 : memref<1x1x200x64xf32, #tpu.memory_space<vmem>> -> memref<200x64xf32, #tpu.memory_space<vmem>>
            tpu.vector_store_idx %scatter3A_1677[%add3A_1534, %broadcast_in_dim3A_1671], %broadcast_in_dim3A_1497 masked %eq3A_1524 : memref<200x64xf32, #tpu.memory_space<vmem>>[vector<16xi32>, vector<16xi32>], vector<16xf32>, vector<16xi1>
            %broadcast_in_dim3A_1678 = arith.constant 18 : i32
            %broadcast_in_dim3A_1679 = vector.broadcast %broadcast_in_dim3A_1678 : i32 to vector<16xi32>
            %scatter3A_1680 = arith.constant 0 : i32
            %scatter3A_1681 = arith.constant 0 : i32
            %scatter3A_1682 = arith.constant 0 : i32
            %scatter3A_1683 = arith.constant 0 : i32
            %scatter3A_1684 = tpu.memref_slice %arg7[%scatter3A_1680, %scatter3A_1681, %scatter3A_1682, %scatter3A_1683] : memref<2x2x200x64xf32, #tpu.memory_space<vmem>> -> memref<1x1x200x64xf32, #tpu.memory_space<vmem>>
            %scatter3A_1685 = tpu.memref_squeeze %scatter3A_1684 : memref<1x1x200x64xf32, #tpu.memory_space<vmem>> -> memref<200x64xf32, #tpu.memory_space<vmem>>
            tpu.vector_store_idx %scatter3A_1685[%add3A_1534, %broadcast_in_dim3A_1679], %broadcast_in_dim3A_1497 masked %eq3A_1524 : memref<200x64xf32, #tpu.memory_space<vmem>>[vector<16xi32>, vector<16xi32>], vector<16xf32>, vector<16xi1>
            %broadcast_in_dim3A_1686 = arith.constant 19 : i32
            %broadcast_in_dim3A_1687 = vector.broadcast %broadcast_in_dim3A_1686 : i32 to vector<16xi32>
            %scatter3A_1688 = arith.constant 0 : i32
            %scatter3A_1689 = arith.constant 0 : i32
            %scatter3A_1690 = arith.constant 0 : i32
            %scatter3A_1691 = arith.constant 0 : i32
            %scatter3A_1692 = tpu.memref_slice %arg7[%scatter3A_1688, %scatter3A_1689, %scatter3A_1690, %scatter3A_1691] : memref<2x2x200x64xf32, #tpu.memory_space<vmem>> -> memref<1x1x200x64xf32, #tpu.memory_space<vmem>>
            %scatter3A_1693 = tpu.memref_squeeze %scatter3A_1692 : memref<1x1x200x64xf32, #tpu.memory_space<vmem>> -> memref<200x64xf32, #tpu.memory_space<vmem>>
            tpu.vector_store_idx %scatter3A_1693[%add3A_1534, %broadcast_in_dim3A_1687], %broadcast_in_dim3A_1497 masked %eq3A_1524 : memref<200x64xf32, #tpu.memory_space<vmem>>[vector<16xi32>, vector<16xi32>], vector<16xf32>, vector<16xi1>
            %broadcast_in_dim3A_1694 = arith.constant 20 : i32
            %broadcast_in_dim3A_1695 = vector.broadcast %broadcast_in_dim3A_1694 : i32 to vector<16xi32>
            %scatter3A_1696 = arith.constant 0 : i32
            %scatter3A_1697 = arith.constant 0 : i32
            %scatter3A_1698 = arith.constant 0 : i32
            %scatter3A_1699 = arith.constant 0 : i32
            %scatter3A_1700 = tpu.memref_slice %arg7[%scatter3A_1696, %scatter3A_1697, %scatter3A_1698, %scatter3A_1699] : memref<2x2x200x64xf32, #tpu.memory_space<vmem>> -> memref<1x1x200x64xf32, #tpu.memory_space<vmem>>
            %scatter3A_1701 = tpu.memref_squeeze %scatter3A_1700 : memref<1x1x200x64xf32, #tpu.memory_space<vmem>> -> memref<200x64xf32, #tpu.memory_space<vmem>>
            tpu.vector_store_idx %scatter3A_1701[%add3A_1534, %broadcast_in_dim3A_1695], %broadcast_in_dim3A_1497 masked %eq3A_1524 : memref<200x64xf32, #tpu.memory_space<vmem>>[vector<16xi32>, vector<16xi32>], vector<16xf32>, vector<16xi1>
            %broadcast_in_dim3A_1702 = arith.constant 21 : i32
            %broadcast_in_dim3A_1703 = vector.broadcast %broadcast_in_dim3A_1702 : i32 to vector<16xi32>
            %scatter3A_1704 = arith.constant 0 : i32
            %scatter3A_1705 = arith.constant 0 : i32
            %scatter3A_1706 = arith.constant 0 : i32
            %scatter3A_1707 = arith.constant 0 : i32
            %scatter3A_1708 = tpu.memref_slice %arg7[%scatter3A_1704, %scatter3A_1705, %scatter3A_1706, %scatter3A_1707] : memref<2x2x200x64xf32, #tpu.memory_space<vmem>> -> memref<1x1x200x64xf32, #tpu.memory_space<vmem>>
            %scatter3A_1709 = tpu.memref_squeeze %scatter3A_1708 : memref<1x1x200x64xf32, #tpu.memory_space<vmem>> -> memref<200x64xf32, #tpu.memory_space<vmem>>
            tpu.vector_store_idx %scatter3A_1709[%add3A_1534, %broadcast_in_dim3A_1703], %broadcast_in_dim3A_1497 masked %eq3A_1524 : memref<200x64xf32, #tpu.memory_space<vmem>>[vector<16xi32>, vector<16xi32>], vector<16xf32>, vector<16xi1>
            %broadcast_in_dim3A_1710 = arith.constant 22 : i32
            %broadcast_in_dim3A_1711 = vector.broadcast %broadcast_in_dim3A_1710 : i32 to vector<16xi32>
            %scatter3A_1712 = arith.constant 0 : i32
            %scatter3A_1713 = arith.constant 0 : i32
            %scatter3A_1714 = arith.constant 0 : i32
            %scatter3A_1715 = arith.constant 0 : i32
            %scatter3A_1716 = tpu.memref_slice %arg7[%scatter3A_1712, %scatter3A_1713, %scatter3A_1714, %scatter3A_1715] : memref<2x2x200x64xf32, #tpu.memory_space<vmem>> -> memref<1x1x200x64xf32, #tpu.memory_space<vmem>>
            %scatter3A_1717 = tpu.memref_squeeze %scatter3A_1716 : memref<1x1x200x64xf32, #tpu.memory_space<vmem>> -> memref<200x64xf32, #tpu.memory_space<vmem>>
            tpu.vector_store_idx %scatter3A_1717[%add3A_1534, %broadcast_in_dim3A_1711], %broadcast_in_dim3A_1497 masked %eq3A_1524 : memref<200x64xf32, #tpu.memory_space<vmem>>[vector<16xi32>, vector<16xi32>], vector<16xf32>, vector<16xi1>
            %broadcast_in_dim3A_1718 = arith.constant 23 : i32
            %broadcast_in_dim3A_1719 = vector.broadcast %broadcast_in_dim3A_1718 : i32 to vector<16xi32>
            %scatter3A_1720 = arith.constant 0 : i32
            %scatter3A_1721 = arith.constant 0 : i32
            %scatter3A_1722 = arith.constant 0 : i32
            %scatter3A_1723 = arith.constant 0 : i32
            %scatter3A_1724 = tpu.memref_slice %arg7[%scatter3A_1720, %scatter3A_1721, %scatter3A_1722, %scatter3A_1723] : memref<2x2x200x64xf32, #tpu.memory_space<vmem>> -> memref<1x1x200x64xf32, #tpu.memory_space<vmem>>
            %scatter3A_1725 = tpu.memref_squeeze %scatter3A_1724 : memref<1x1x200x64xf32, #tpu.memory_space<vmem>> -> memref<200x64xf32, #tpu.memory_space<vmem>>
            tpu.vector_store_idx %scatter3A_1725[%add3A_1534, %broadcast_in_dim3A_1719], %broadcast_in_dim3A_1497 masked %eq3A_1524 : memref<200x64xf32, #tpu.memory_space<vmem>>[vector<16xi32>, vector<16xi32>], vector<16xf32>, vector<16xi1>
            %broadcast_in_dim3A_1726 = arith.constant 24 : i32
            %broadcast_in_dim3A_1727 = vector.broadcast %broadcast_in_dim3A_1726 : i32 to vector<16xi32>
            %scatter3A_1728 = arith.constant 0 : i32
            %scatter3A_1729 = arith.constant 0 : i32
            %scatter3A_1730 = arith.constant 0 : i32
            %scatter3A_1731 = arith.constant 0 : i32
            %scatter3A_1732 = tpu.memref_slice %arg7[%scatter3A_1728, %scatter3A_1729, %scatter3A_1730, %scatter3A_1731] : memref<2x2x200x64xf32, #tpu.memory_space<vmem>> -> memref<1x1x200x64xf32, #tpu.memory_space<vmem>>
            %scatter3A_1733 = tpu.memref_squeeze %scatter3A_1732 : memref<1x1x200x64xf32, #tpu.memory_space<vmem>> -> memref<200x64xf32, #tpu.memory_space<vmem>>
            tpu.vector_store_idx %scatter3A_1733[%add3A_1534, %broadcast_in_dim3A_1727], %broadcast_in_dim3A_1497 masked %eq3A_1524 : memref<200x64xf32, #tpu.memory_space<vmem>>[vector<16xi32>, vector<16xi32>], vector<16xf32>, vector<16xi1>
            %broadcast_in_dim3A_1734 = arith.constant 25 : i32
            %broadcast_in_dim3A_1735 = vector.broadcast %broadcast_in_dim3A_1734 : i32 to vector<16xi32>
            %scatter3A_1736 = arith.constant 0 : i32
            %scatter3A_1737 = arith.constant 0 : i32
            %scatter3A_1738 = arith.constant 0 : i32
            %scatter3A_1739 = arith.constant 0 : i32
            %scatter3A_1740 = tpu.memref_slice %arg7[%scatter3A_1736, %scatter3A_1737, %scatter3A_1738, %scatter3A_1739] : memref<2x2x200x64xf32, #tpu.memory_space<vmem>> -> memref<1x1x200x64xf32, #tpu.memory_space<vmem>>
            %scatter3A_1741 = tpu.memref_squeeze %scatter3A_1740 : memref<1x1x200x64xf32, #tpu.memory_space<vmem>> -> memref<200x64xf32, #tpu.memory_space<vmem>>
            tpu.vector_store_idx %scatter3A_1741[%add3A_1534, %broadcast_in_dim3A_1735], %broadcast_in_dim3A_1497 masked %eq3A_1524 : memref<200x64xf32, #tpu.memory_space<vmem>>[vector<16xi32>, vector<16xi32>], vector<16xf32>, vector<16xi1>
            %broadcast_in_dim3A_1742 = arith.constant 26 : i32
            %broadcast_in_dim3A_1743 = vector.broadcast %broadcast_in_dim3A_1742 : i32 to vector<16xi32>
            %scatter3A_1744 = arith.constant 0 : i32
            %scatter3A_1745 = arith.constant 0 : i32
            %scatter3A_1746 = arith.constant 0 : i32
            %scatter3A_1747 = arith.constant 0 : i32
            %scatter3A_1748 = tpu.memref_slice %arg7[%scatter3A_1744, %scatter3A_1745, %scatter3A_1746, %scatter3A_1747] : memref<2x2x200x64xf32, #tpu.memory_space<vmem>> -> memref<1x1x200x64xf32, #tpu.memory_space<vmem>>
            %scatter3A_1749 = tpu.memref_squeeze %scatter3A_1748 : memref<1x1x200x64xf32, #tpu.memory_space<vmem>> -> memref<200x64xf32, #tpu.memory_space<vmem>>
            tpu.vector_store_idx %scatter3A_1749[%add3A_1534, %broadcast_in_dim3A_1743], %broadcast_in_dim3A_1497 masked %eq3A_1524 : memref<200x64xf32, #tpu.memory_space<vmem>>[vector<16xi32>, vector<16xi32>], vector<16xf32>, vector<16xi1>
            %broadcast_in_dim3A_1750 = arith.constant 27 : i32
            %broadcast_in_dim3A_1751 = vector.broadcast %broadcast_in_dim3A_1750 : i32 to vector<16xi32>
            %scatter3A_1752 = arith.constant 0 : i32
            %scatter3A_1753 = arith.constant 0 : i32
            %scatter3A_1754 = arith.constant 0 : i32
            %scatter3A_1755 = arith.constant 0 : i32
            %scatter3A_1756 = tpu.memref_slice %arg7[%scatter3A_1752, %scatter3A_1753, %scatter3A_1754, %scatter3A_1755] : memref<2x2x200x64xf32, #tpu.memory_space<vmem>> -> memref<1x1x200x64xf32, #tpu.memory_space<vmem>>
            %scatter3A_1757 = tpu.memref_squeeze %scatter3A_1756 : memref<1x1x200x64xf32, #tpu.memory_space<vmem>> -> memref<200x64xf32, #tpu.memory_space<vmem>>
            tpu.vector_store_idx %scatter3A_1757[%add3A_1534, %broadcast_in_dim3A_1751], %broadcast_in_dim3A_1497 masked %eq3A_1524 : memref<200x64xf32, #tpu.memory_space<vmem>>[vector<16xi32>, vector<16xi32>], vector<16xf32>, vector<16xi1>
            %broadcast_in_dim3A_1758 = arith.constant 28 : i32
            %broadcast_in_dim3A_1759 = vector.broadcast %broadcast_in_dim3A_1758 : i32 to vector<16xi32>
            %scatter3A_1760 = arith.constant 0 : i32
            %scatter3A_1761 = arith.constant 0 : i32
            %scatter3A_1762 = arith.constant 0 : i32
            %scatter3A_1763 = arith.constant 0 : i32
            %scatter3A_1764 = tpu.memref_slice %arg7[%scatter3A_1760, %scatter3A_1761, %scatter3A_1762, %scatter3A_1763] : memref<2x2x200x64xf32, #tpu.memory_space<vmem>> -> memref<1x1x200x64xf32, #tpu.memory_space<vmem>>
            %scatter3A_1765 = tpu.memref_squeeze %scatter3A_1764 : memref<1x1x200x64xf32, #tpu.memory_space<vmem>> -> memref<200x64xf32, #tpu.memory_space<vmem>>
            tpu.vector_store_idx %scatter3A_1765[%add3A_1534, %broadcast_in_dim3A_1759], %broadcast_in_dim3A_1497 masked %eq3A_1524 : memref<200x64xf32, #tpu.memory_space<vmem>>[vector<16xi32>, vector<16xi32>], vector<16xf32>, vector<16xi1>
            %broadcast_in_dim3A_1766 = arith.constant 29 : i32
            %broadcast_in_dim3A_1767 = vector.broadcast %broadcast_in_dim3A_1766 : i32 to vector<16xi32>
            %scatter3A_1768 = arith.constant 0 : i32
            %scatter3A_1769 = arith.constant 0 : i32
            %scatter3A_1770 = arith.constant 0 : i32
            %scatter3A_1771 = arith.constant 0 : i32
            %scatter3A_1772 = tpu.memref_slice %arg7[%scatter3A_1768, %scatter3A_1769, %scatter3A_1770, %scatter3A_1771] : memref<2x2x200x64xf32, #tpu.memory_space<vmem>> -> memref<1x1x200x64xf32, #tpu.memory_space<vmem>>
            %scatter3A_1773 = tpu.memref_squeeze %scatter3A_1772 : memref<1x1x200x64xf32, #tpu.memory_space<vmem>> -> memref<200x64xf32, #tpu.memory_space<vmem>>
            tpu.vector_store_idx %scatter3A_1773[%add3A_1534, %broadcast_in_dim3A_1767], %broadcast_in_dim3A_1497 masked %eq3A_1524 : memref<200x64xf32, #tpu.memory_space<vmem>>[vector<16xi32>, vector<16xi32>], vector<16xf32>, vector<16xi1>
            %broadcast_in_dim3A_1774 = arith.constant 30 : i32
            %broadcast_in_dim3A_1775 = vector.broadcast %broadcast_in_dim3A_1774 : i32 to vector<16xi32>
            %scatter3A_1776 = arith.constant 0 : i32
            %scatter3A_1777 = arith.constant 0 : i32
            %scatter3A_1778 = arith.constant 0 : i32
            %scatter3A_1779 = arith.constant 0 : i32
            %scatter3A_1780 = tpu.memref_slice %arg7[%scatter3A_1776, %scatter3A_1777, %scatter3A_1778, %scatter3A_1779] : memref<2x2x200x64xf32, #tpu.memory_space<vmem>> -> memref<1x1x200x64xf32, #tpu.memory_space<vmem>>
            %scatter3A_1781 = tpu.memref_squeeze %scatter3A_1780 : memref<1x1x200x64xf32, #tpu.memory_space<vmem>> -> memref<200x64xf32, #tpu.memory_space<vmem>>
            tpu.vector_store_idx %scatter3A_1781[%add3A_1534, %broadcast_in_dim3A_1775], %broadcast_in_dim3A_1497 masked %eq3A_1524 : memref<200x64xf32, #tpu.memory_space<vmem>>[vector<16xi32>, vector<16xi32>], vector<16xf32>, vector<16xi1>
            %broadcast_in_dim3A_1782 = arith.constant 31 : i32
            %broadcast_in_dim3A_1783 = vector.broadcast %broadcast_in_dim3A_1782 : i32 to vector<16xi32>
            %scatter3A_1784 = arith.constant 0 : i32
            %scatter3A_1785 = arith.constant 0 : i32
            %scatter3A_1786 = arith.constant 0 : i32
            %scatter3A_1787 = arith.constant 0 : i32
            %scatter3A_1788 = tpu.memref_slice %arg7[%scatter3A_1784, %scatter3A_1785, %scatter3A_1786, %scatter3A_1787] : memref<2x2x200x64xf32, #tpu.memory_space<vmem>> -> memref<1x1x200x64xf32, #tpu.memory_space<vmem>>
            %scatter3A_1789 = tpu.memref_squeeze %scatter3A_1788 : memref<1x1x200x64xf32, #tpu.memory_space<vmem>> -> memref<200x64xf32, #tpu.memory_space<vmem>>
            tpu.vector_store_idx %scatter3A_1789[%add3A_1534, %broadcast_in_dim3A_1783], %broadcast_in_dim3A_1497 masked %eq3A_1524 : memref<200x64xf32, #tpu.memory_space<vmem>>[vector<16xi32>, vector<16xi32>], vector<16xf32>, vector<16xi1>
            %broadcast_in_dim3A_1790 = arith.constant 32 : i32
            %broadcast_in_dim3A_1791 = vector.broadcast %broadcast_in_dim3A_1790 : i32 to vector<16xi32>
            %scatter3A_1792 = arith.constant 0 : i32
            %scatter3A_1793 = arith.constant 0 : i32
            %scatter3A_1794 = arith.constant 0 : i32
            %scatter3A_1795 = arith.constant 0 : i32
            %scatter3A_1796 = tpu.memref_slice %arg7[%scatter3A_1792, %scatter3A_1793, %scatter3A_1794, %scatter3A_1795] : memref<2x2x200x64xf32, #tpu.memory_space<vmem>> -> memref<1x1x200x64xf32, #tpu.memory_space<vmem>>
            %scatter3A_1797 = tpu.memref_squeeze %scatter3A_1796 : memref<1x1x200x64xf32, #tpu.memory_space<vmem>> -> memref<200x64xf32, #tpu.memory_space<vmem>>
            tpu.vector_store_idx %scatter3A_1797[%add3A_1534, %broadcast_in_dim3A_1791], %broadcast_in_dim3A_1497 masked %eq3A_1524 : memref<200x64xf32, #tpu.memory_space<vmem>>[vector<16xi32>, vector<16xi32>], vector<16xf32>, vector<16xi1>
            %broadcast_in_dim3A_1798 = arith.constant 33 : i32
            %broadcast_in_dim3A_1799 = vector.broadcast %broadcast_in_dim3A_1798 : i32 to vector<16xi32>
            %scatter3A_1800 = arith.constant 0 : i32
            %scatter3A_1801 = arith.constant 0 : i32
            %scatter3A_1802 = arith.constant 0 : i32
            %scatter3A_1803 = arith.constant 0 : i32
            %scatter3A_1804 = tpu.memref_slice %arg7[%scatter3A_1800, %scatter3A_1801, %scatter3A_1802, %scatter3A_1803] : memref<2x2x200x64xf32, #tpu.memory_space<vmem>> -> memref<1x1x200x64xf32, #tpu.memory_space<vmem>>
            %scatter3A_1805 = tpu.memref_squeeze %scatter3A_1804 : memref<1x1x200x64xf32, #tpu.memory_space<vmem>> -> memref<200x64xf32, #tpu.memory_space<vmem>>
            tpu.vector_store_idx %scatter3A_1805[%add3A_1534, %broadcast_in_dim3A_1799], %broadcast_in_dim3A_1497 masked %eq3A_1524 : memref<200x64xf32, #tpu.memory_space<vmem>>[vector<16xi32>, vector<16xi32>], vector<16xf32>, vector<16xi1>
            %broadcast_in_dim3A_1806 = arith.constant 34 : i32
            %broadcast_in_dim3A_1807 = vector.broadcast %broadcast_in_dim3A_1806 : i32 to vector<16xi32>
            %scatter3A_1808 = arith.constant 0 : i32
            %scatter3A_1809 = arith.constant 0 : i32
            %scatter3A_1810 = arith.constant 0 : i32
            %scatter3A_1811 = arith.constant 0 : i32
            %scatter3A_1812 = tpu.memref_slice %arg7[%scatter3A_1808, %scatter3A_1809, %scatter3A_1810, %scatter3A_1811] : memref<2x2x200x64xf32, #tpu.memory_space<vmem>> -> memref<1x1x200x64xf32, #tpu.memory_space<vmem>>
            %scatter3A_1813 = tpu.memref_squeeze %scatter3A_1812 : memref<1x1x200x64xf32, #tpu.memory_space<vmem>> -> memref<200x64xf32, #tpu.memory_space<vmem>>
            tpu.vector_store_idx %scatter3A_1813[%add3A_1534, %broadcast_in_dim3A_1807], %broadcast_in_dim3A_1497 masked %eq3A_1524 : memref<200x64xf32, #tpu.memory_space<vmem>>[vector<16xi32>, vector<16xi32>], vector<16xf32>, vector<16xi1>
            %broadcast_in_dim3A_1814 = arith.constant 35 : i32
            %broadcast_in_dim3A_1815 = vector.broadcast %broadcast_in_dim3A_1814 : i32 to vector<16xi32>
            %scatter3A_1816 = arith.constant 0 : i32
            %scatter3A_1817 = arith.constant 0 : i32
            %scatter3A_1818 = arith.constant 0 : i32
            %scatter3A_1819 = arith.constant 0 : i32
            %scatter3A_1820 = tpu.memref_slice %arg7[%scatter3A_1816, %scatter3A_1817, %scatter3A_1818, %scatter3A_1819] : memref<2x2x200x64xf32, #tpu.memory_space<vmem>> -> memref<1x1x200x64xf32, #tpu.memory_space<vmem>>
            %scatter3A_1821 = tpu.memref_squeeze %scatter3A_1820 : memref<1x1x200x64xf32, #tpu.memory_space<vmem>> -> memref<200x64xf32, #tpu.memory_space<vmem>>
            tpu.vector_store_idx %scatter3A_1821[%add3A_1534, %broadcast_in_dim3A_1815], %broadcast_in_dim3A_1497 masked %eq3A_1524 : memref<200x64xf32, #tpu.memory_space<vmem>>[vector<16xi32>, vector<16xi32>], vector<16xf32>, vector<16xi1>
            %broadcast_in_dim3A_1822 = arith.constant 36 : i32
            %broadcast_in_dim3A_1823 = vector.broadcast %broadcast_in_dim3A_1822 : i32 to vector<16xi32>
            %scatter3A_1824 = arith.constant 0 : i32
            %scatter3A_1825 = arith.constant 0 : i32
            %scatter3A_1826 = arith.constant 0 : i32
            %scatter3A_1827 = arith.constant 0 : i32
            %scatter3A_1828 = tpu.memref_slice %arg7[%scatter3A_1824, %scatter3A_1825, %scatter3A_1826, %scatter3A_1827] : memref<2x2x200x64xf32, #tpu.memory_space<vmem>> -> memref<1x1x200x64xf32, #tpu.memory_space<vmem>>
            %scatter3A_1829 = tpu.memref_squeeze %scatter3A_1828 : memref<1x1x200x64xf32, #tpu.memory_space<vmem>> -> memref<200x64xf32, #tpu.memory_space<vmem>>
            tpu.vector_store_idx %scatter3A_1829[%add3A_1534, %broadcast_in_dim3A_1823], %broadcast_in_dim3A_1497 masked %eq3A_1524 : memref<200x64xf32, #tpu.memory_space<vmem>>[vector<16xi32>, vector<16xi32>], vector<16xf32>, vector<16xi1>
            %broadcast_in_dim3A_1830 = arith.constant 37 : i32
            %broadcast_in_dim3A_1831 = vector.broadcast %broadcast_in_dim3A_1830 : i32 to vector<16xi32>
            %scatter3A_1832 = arith.constant 0 : i32
            %scatter3A_1833 = arith.constant 0 : i32
            %scatter3A_1834 = arith.constant 0 : i32
            %scatter3A_1835 = arith.constant 0 : i32
            %scatter3A_1836 = tpu.memref_slice %arg7[%scatter3A_1832, %scatter3A_1833, %scatter3A_1834, %scatter3A_1835] : memref<2x2x200x64xf32, #tpu.memory_space<vmem>> -> memref<1x1x200x64xf32, #tpu.memory_space<vmem>>
            %scatter3A_1837 = tpu.memref_squeeze %scatter3A_1836 : memref<1x1x200x64xf32, #tpu.memory_space<vmem>> -> memref<200x64xf32, #tpu.memory_space<vmem>>
            tpu.vector_store_idx %scatter3A_1837[%add3A_1534, %broadcast_in_dim3A_1831], %broadcast_in_dim3A_1497 masked %eq3A_1524 : memref<200x64xf32, #tpu.memory_space<vmem>>[vector<16xi32>, vector<16xi32>], vector<16xf32>, vector<16xi1>
            %broadcast_in_dim3A_1838 = arith.constant 38 : i32
            %broadcast_in_dim3A_1839 = vector.broadcast %broadcast_in_dim3A_1838 : i32 to vector<16xi32>
            %scatter3A_1840 = arith.constant 0 : i32
            %scatter3A_1841 = arith.constant 0 : i32
            %scatter3A_1842 = arith.constant 0 : i32
            %scatter3A_1843 = arith.constant 0 : i32
            %scatter3A_1844 = tpu.memref_slice %arg7[%scatter3A_1840, %scatter3A_1841, %scatter3A_1842, %scatter3A_1843] : memref<2x2x200x64xf32, #tpu.memory_space<vmem>> -> memref<1x1x200x64xf32, #tpu.memory_space<vmem>>
            %scatter3A_1845 = tpu.memref_squeeze %scatter3A_1844 : memref<1x1x200x64xf32, #tpu.memory_space<vmem>> -> memref<200x64xf32, #tpu.memory_space<vmem>>
            tpu.vector_store_idx %scatter3A_1845[%add3A_1534, %broadcast_in_dim3A_1839], %broadcast_in_dim3A_1497 masked %eq3A_1524 : memref<200x64xf32, #tpu.memory_space<vmem>>[vector<16xi32>, vector<16xi32>], vector<16xf32>, vector<16xi1>
            %broadcast_in_dim3A_1846 = arith.constant 39 : i32
            %broadcast_in_dim3A_1847 = vector.broadcast %broadcast_in_dim3A_1846 : i32 to vector<16xi32>
            %scatter3A_1848 = arith.constant 0 : i32
            %scatter3A_1849 = arith.constant 0 : i32
            %scatter3A_1850 = arith.constant 0 : i32
            %scatter3A_1851 = arith.constant 0 : i32
            %scatter3A_1852 = tpu.memref_slice %arg7[%scatter3A_1848, %scatter3A_1849, %scatter3A_1850, %scatter3A_1851] : memref<2x2x200x64xf32, #tpu.memory_space<vmem>> -> memref<1x1x200x64xf32, #tpu.memory_space<vmem>>
            %scatter3A_1853 = tpu.memref_squeeze %scatter3A_1852 : memref<1x1x200x64xf32, #tpu.memory_space<vmem>> -> memref<200x64xf32, #tpu.memory_space<vmem>>
            tpu.vector_store_idx %scatter3A_1853[%add3A_1534, %broadcast_in_dim3A_1847], %broadcast_in_dim3A_1497 masked %eq3A_1524 : memref<200x64xf32, #tpu.memory_space<vmem>>[vector<16xi32>, vector<16xi32>], vector<16xf32>, vector<16xi1>
            %broadcast_in_dim3A_1854 = arith.constant 40 : i32
            %broadcast_in_dim3A_1855 = vector.broadcast %broadcast_in_dim3A_1854 : i32 to vector<16xi32>
            %scatter3A_1856 = arith.constant 0 : i32
            %scatter3A_1857 = arith.constant 0 : i32
            %scatter3A_1858 = arith.constant 0 : i32
            %scatter3A_1859 = arith.constant 0 : i32
            %scatter3A_1860 = tpu.memref_slice %arg7[%scatter3A_1856, %scatter3A_1857, %scatter3A_1858, %scatter3A_1859] : memref<2x2x200x64xf32, #tpu.memory_space<vmem>> -> memref<1x1x200x64xf32, #tpu.memory_space<vmem>>
            %scatter3A_1861 = tpu.memref_squeeze %scatter3A_1860 : memref<1x1x200x64xf32, #tpu.memory_space<vmem>> -> memref<200x64xf32, #tpu.memory_space<vmem>>
            tpu.vector_store_idx %scatter3A_1861[%add3A_1534, %broadcast_in_dim3A_1855], %broadcast_in_dim3A_1497 masked %eq3A_1524 : memref<200x64xf32, #tpu.memory_space<vmem>>[vector<16xi32>, vector<16xi32>], vector<16xf32>, vector<16xi1>
            %broadcast_in_dim3A_1862 = arith.constant 41 : i32
            %broadcast_in_dim3A_1863 = vector.broadcast %broadcast_in_dim3A_1862 : i32 to vector<16xi32>
            %scatter3A_1864 = arith.constant 0 : i32
            %scatter3A_1865 = arith.constant 0 : i32
            %scatter3A_1866 = arith.constant 0 : i32
            %scatter3A_1867 = arith.constant 0 : i32
            %scatter3A_1868 = tpu.memref_slice %arg7[%scatter3A_1864, %scatter3A_1865, %scatter3A_1866, %scatter3A_1867] : memref<2x2x200x64xf32, #tpu.memory_space<vmem>> -> memref<1x1x200x64xf32, #tpu.memory_space<vmem>>
            %scatter3A_1869 = tpu.memref_squeeze %scatter3A_1868 : memref<1x1x200x64xf32, #tpu.memory_space<vmem>> -> memref<200x64xf32, #tpu.memory_space<vmem>>
            tpu.vector_store_idx %scatter3A_1869[%add3A_1534, %broadcast_in_dim3A_1863], %broadcast_in_dim3A_1497 masked %eq3A_1524 : memref<200x64xf32, #tpu.memory_space<vmem>>[vector<16xi32>, vector<16xi32>], vector<16xf32>, vector<16xi1>
            %broadcast_in_dim3A_1870 = arith.constant 42 : i32
            %broadcast_in_dim3A_1871 = vector.broadcast %broadcast_in_dim3A_1870 : i32 to vector<16xi32>
            %scatter3A_1872 = arith.constant 0 : i32
            %scatter3A_1873 = arith.constant 0 : i32
            %scatter3A_1874 = arith.constant 0 : i32
            %scatter3A_1875 = arith.constant 0 : i32
            %scatter3A_1876 = tpu.memref_slice %arg7[%scatter3A_1872, %scatter3A_1873, %scatter3A_1874, %scatter3A_1875] : memref<2x2x200x64xf32, #tpu.memory_space<vmem>> -> memref<1x1x200x64xf32, #tpu.memory_space<vmem>>
            %scatter3A_1877 = tpu.memref_squeeze %scatter3A_1876 : memref<1x1x200x64xf32, #tpu.memory_space<vmem>> -> memref<200x64xf32, #tpu.memory_space<vmem>>
            tpu.vector_store_idx %scatter3A_1877[%add3A_1534, %broadcast_in_dim3A_1871], %broadcast_in_dim3A_1497 masked %eq3A_1524 : memref<200x64xf32, #tpu.memory_space<vmem>>[vector<16xi32>, vector<16xi32>], vector<16xf32>, vector<16xi1>
            %broadcast_in_dim3A_1878 = arith.constant 43 : i32
            %broadcast_in_dim3A_1879 = vector.broadcast %broadcast_in_dim3A_1878 : i32 to vector<16xi32>
            %scatter3A_1880 = arith.constant 0 : i32
            %scatter3A_1881 = arith.constant 0 : i32
            %scatter3A_1882 = arith.constant 0 : i32
            %scatter3A_1883 = arith.constant 0 : i32
            %scatter3A_1884 = tpu.memref_slice %arg7[%scatter3A_1880, %scatter3A_1881, %scatter3A_1882, %scatter3A_1883] : memref<2x2x200x64xf32, #tpu.memory_space<vmem>> -> memref<1x1x200x64xf32, #tpu.memory_space<vmem>>
            %scatter3A_1885 = tpu.memref_squeeze %scatter3A_1884 : memref<1x1x200x64xf32, #tpu.memory_space<vmem>> -> memref<200x64xf32, #tpu.memory_space<vmem>>
            tpu.vector_store_idx %scatter3A_1885[%add3A_1534, %broadcast_in_dim3A_1879], %broadcast_in_dim3A_1497 masked %eq3A_1524 : memref<200x64xf32, #tpu.memory_space<vmem>>[vector<16xi32>, vector<16xi32>], vector<16xf32>, vector<16xi1>
            %broadcast_in_dim3A_1886 = arith.constant 44 : i32
            %broadcast_in_dim3A_1887 = vector.broadcast %broadcast_in_dim3A_1886 : i32 to vector<16xi32>
            %scatter3A_1888 = arith.constant 0 : i32
            %scatter3A_1889 = arith.constant 0 : i32
            %scatter3A_1890 = arith.constant 0 : i32
            %scatter3A_1891 = arith.constant 0 : i32
            %scatter3A_1892 = tpu.memref_slice %arg7[%scatter3A_1888, %scatter3A_1889, %scatter3A_1890, %scatter3A_1891] : memref<2x2x200x64xf32, #tpu.memory_space<vmem>> -> memref<1x1x200x64xf32, #tpu.memory_space<vmem>>
            %scatter3A_1893 = tpu.memref_squeeze %scatter3A_1892 : memref<1x1x200x64xf32, #tpu.memory_space<vmem>> -> memref<200x64xf32, #tpu.memory_space<vmem>>
            tpu.vector_store_idx %scatter3A_1893[%add3A_1534, %broadcast_in_dim3A_1887], %broadcast_in_dim3A_1497 masked %eq3A_1524 : memref<200x64xf32, #tpu.memory_space<vmem>>[vector<16xi32>, vector<16xi32>], vector<16xf32>, vector<16xi1>
            %broadcast_in_dim3A_1894 = arith.constant 45 : i32
            %broadcast_in_dim3A_1895 = vector.broadcast %broadcast_in_dim3A_1894 : i32 to vector<16xi32>
            %scatter3A_1896 = arith.constant 0 : i32
            %scatter3A_1897 = arith.constant 0 : i32
            %scatter3A_1898 = arith.constant 0 : i32
            %scatter3A_1899 = arith.constant 0 : i32
            %scatter3A_1900 = tpu.memref_slice %arg7[%scatter3A_1896, %scatter3A_1897, %scatter3A_1898, %scatter3A_1899] : memref<2x2x200x64xf32, #tpu.memory_space<vmem>> -> memref<1x1x200x64xf32, #tpu.memory_space<vmem>>
            %scatter3A_1901 = tpu.memref_squeeze %scatter3A_1900 : memref<1x1x200x64xf32, #tpu.memory_space<vmem>> -> memref<200x64xf32, #tpu.memory_space<vmem>>
            tpu.vector_store_idx %scatter3A_1901[%add3A_1534, %broadcast_in_dim3A_1895], %broadcast_in_dim3A_1497 masked %eq3A_1524 : memref<200x64xf32, #tpu.memory_space<vmem>>[vector<16xi32>, vector<16xi32>], vector<16xf32>, vector<16xi1>
            %broadcast_in_dim3A_1902 = arith.constant 46 : i32
            %broadcast_in_dim3A_1903 = vector.broadcast %broadcast_in_dim3A_1902 : i32 to vector<16xi32>
            %scatter3A_1904 = arith.constant 0 : i32
            %scatter3A_1905 = arith.constant 0 : i32
            %scatter3A_1906 = arith.constant 0 : i32
            %scatter3A_1907 = arith.constant 0 : i32
            %scatter3A_1908 = tpu.memref_slice %arg7[%scatter3A_1904, %scatter3A_1905, %scatter3A_1906, %scatter3A_1907] : memref<2x2x200x64xf32, #tpu.memory_space<vmem>> -> memref<1x1x200x64xf32, #tpu.memory_space<vmem>>
            %scatter3A_1909 = tpu.memref_squeeze %scatter3A_1908 : memref<1x1x200x64xf32, #tpu.memory_space<vmem>> -> memref<200x64xf32, #tpu.memory_space<vmem>>
            tpu.vector_store_idx %scatter3A_1909[%add3A_1534, %broadcast_in_dim3A_1903], %broadcast_in_dim3A_1497 masked %eq3A_1524 : memref<200x64xf32, #tpu.memory_space<vmem>>[vector<16xi32>, vector<16xi32>], vector<16xf32>, vector<16xi1>
            %broadcast_in_dim3A_1910 = arith.constant 47 : i32
            %broadcast_in_dim3A_1911 = vector.broadcast %broadcast_in_dim3A_1910 : i32 to vector<16xi32>
            %scatter3A_1912 = arith.constant 0 : i32
            %scatter3A_1913 = arith.constant 0 : i32
            %scatter3A_1914 = arith.constant 0 : i32
            %scatter3A_1915 = arith.constant 0 : i32
            %scatter3A_1916 = tpu.memref_slice %arg7[%scatter3A_1912, %scatter3A_1913, %scatter3A_1914, %scatter3A_1915] : memref<2x2x200x64xf32, #tpu.memory_space<vmem>> -> memref<1x1x200x64xf32, #tpu.memory_space<vmem>>
            %scatter3A_1917 = tpu.memref_squeeze %scatter3A_1916 : memref<1x1x200x64xf32, #tpu.memory_space<vmem>> -> memref<200x64xf32, #tpu.memory_space<vmem>>
            tpu.vector_store_idx %scatter3A_1917[%add3A_1534, %broadcast_in_dim3A_1911], %broadcast_in_dim3A_1497 masked %eq3A_1524 : memref<200x64xf32, #tpu.memory_space<vmem>>[vector<16xi32>, vector<16xi32>], vector<16xf32>, vector<16xi1>
            %broadcast_in_dim3A_1918 = arith.constant 48 : i32
            %broadcast_in_dim3A_1919 = vector.broadcast %broadcast_in_dim3A_1918 : i32 to vector<16xi32>
            %scatter3A_1920 = arith.constant 0 : i32
            %scatter3A_1921 = arith.constant 0 : i32
            %scatter3A_1922 = arith.constant 0 : i32
            %scatter3A_1923 = arith.constant 0 : i32
            %scatter3A_1924 = tpu.memref_slice %arg7[%scatter3A_1920, %scatter3A_1921, %scatter3A_1922, %scatter3A_1923] : memref<2x2x200x64xf32, #tpu.memory_space<vmem>> -> memref<1x1x200x64xf32, #tpu.memory_space<vmem>>
            %scatter3A_1925 = tpu.memref_squeeze %scatter3A_1924 : memref<1x1x200x64xf32, #tpu.memory_space<vmem>> -> memref<200x64xf32, #tpu.memory_space<vmem>>
            tpu.vector_store_idx %scatter3A_1925[%add3A_1534, %broadcast_in_dim3A_1919], %broadcast_in_dim3A_1497 masked %eq3A_1524 : memref<200x64xf32, #tpu.memory_space<vmem>>[vector<16xi32>, vector<16xi32>], vector<16xf32>, vector<16xi1>
            %broadcast_in_dim3A_1926 = arith.constant 49 : i32
            %broadcast_in_dim3A_1927 = vector.broadcast %broadcast_in_dim3A_1926 : i32 to vector<16xi32>
            %scatter3A_1928 = arith.constant 0 : i32
            %scatter3A_1929 = arith.constant 0 : i32
            %scatter3A_1930 = arith.constant 0 : i32
            %scatter3A_1931 = arith.constant 0 : i32
            %scatter3A_1932 = tpu.memref_slice %arg7[%scatter3A_1928, %scatter3A_1929, %scatter3A_1930, %scatter3A_1931] : memref<2x2x200x64xf32, #tpu.memory_space<vmem>> -> memref<1x1x200x64xf32, #tpu.memory_space<vmem>>
            %scatter3A_1933 = tpu.memref_squeeze %scatter3A_1932 : memref<1x1x200x64xf32, #tpu.memory_space<vmem>> -> memref<200x64xf32, #tpu.memory_space<vmem>>
            tpu.vector_store_idx %scatter3A_1933[%add3A_1534, %broadcast_in_dim3A_1927], %broadcast_in_dim3A_1497 masked %eq3A_1524 : memref<200x64xf32, #tpu.memory_space<vmem>>[vector<16xi32>, vector<16xi32>], vector<16xf32>, vector<16xi1>
            %broadcast_in_dim3A_1934 = arith.constant 50 : i32
            %broadcast_in_dim3A_1935 = vector.broadcast %broadcast_in_dim3A_1934 : i32 to vector<16xi32>
            %scatter3A_1936 = arith.constant 0 : i32
            %scatter3A_1937 = arith.constant 0 : i32
            %scatter3A_1938 = arith.constant 0 : i32
            %scatter3A_1939 = arith.constant 0 : i32
            %scatter3A_1940 = tpu.memref_slice %arg7[%scatter3A_1936, %scatter3A_1937, %scatter3A_1938, %scatter3A_1939] : memref<2x2x200x64xf32, #tpu.memory_space<vmem>> -> memref<1x1x200x64xf32, #tpu.memory_space<vmem>>
            %scatter3A_1941 = tpu.memref_squeeze %scatter3A_1940 : memref<1x1x200x64xf32, #tpu.memory_space<vmem>> -> memref<200x64xf32, #tpu.memory_space<vmem>>
            tpu.vector_store_idx %scatter3A_1941[%add3A_1534, %broadcast_in_dim3A_1935], %broadcast_in_dim3A_1497 masked %eq3A_1524 : memref<200x64xf32, #tpu.memory_space<vmem>>[vector<16xi32>, vector<16xi32>], vector<16xf32>, vector<16xi1>
            %broadcast_in_dim3A_1942 = arith.constant 51 : i32
            %broadcast_in_dim3A_1943 = vector.broadcast %broadcast_in_dim3A_1942 : i32 to vector<16xi32>
            %scatter3A_1944 = arith.constant 0 : i32
            %scatter3A_1945 = arith.constant 0 : i32
            %scatter3A_1946 = arith.constant 0 : i32
            %scatter3A_1947 = arith.constant 0 : i32
            %scatter3A_1948 = tpu.memref_slice %arg7[%scatter3A_1944, %scatter3A_1945, %scatter3A_1946, %scatter3A_1947] : memref<2x2x200x64xf32, #tpu.memory_space<vmem>> -> memref<1x1x200x64xf32, #tpu.memory_space<vmem>>
            %scatter3A_1949 = tpu.memref_squeeze %scatter3A_1948 : memref<1x1x200x64xf32, #tpu.memory_space<vmem>> -> memref<200x64xf32, #tpu.memory_space<vmem>>
            tpu.vector_store_idx %scatter3A_1949[%add3A_1534, %broadcast_in_dim3A_1943], %broadcast_in_dim3A_1497 masked %eq3A_1524 : memref<200x64xf32, #tpu.memory_space<vmem>>[vector<16xi32>, vector<16xi32>], vector<16xf32>, vector<16xi1>
            %broadcast_in_dim3A_1950 = arith.constant 52 : i32
            %broadcast_in_dim3A_1951 = vector.broadcast %broadcast_in_dim3A_1950 : i32 to vector<16xi32>
            %scatter3A_1952 = arith.constant 0 : i32
            %scatter3A_1953 = arith.constant 0 : i32
            %scatter3A_1954 = arith.constant 0 : i32
            %scatter3A_1955 = arith.constant 0 : i32
            %scatter3A_1956 = tpu.memref_slice %arg7[%scatter3A_1952, %scatter3A_1953, %scatter3A_1954, %scatter3A_1955] : memref<2x2x200x64xf32, #tpu.memory_space<vmem>> -> memref<1x1x200x64xf32, #tpu.memory_space<vmem>>
            %scatter3A_1957 = tpu.memref_squeeze %scatter3A_1956 : memref<1x1x200x64xf32, #tpu.memory_space<vmem>> -> memref<200x64xf32, #tpu.memory_space<vmem>>
            tpu.vector_store_idx %scatter3A_1957[%add3A_1534, %broadcast_in_dim3A_1951], %broadcast_in_dim3A_1497 masked %eq3A_1524 : memref<200x64xf32, #tpu.memory_space<vmem>>[vector<16xi32>, vector<16xi32>], vector<16xf32>, vector<16xi1>
            %broadcast_in_dim3A_1958 = arith.constant 53 : i32
            %broadcast_in_dim3A_1959 = vector.broadcast %broadcast_in_dim3A_1958 : i32 to vector<16xi32>
            %scatter3A_1960 = arith.constant 0 : i32
            %scatter3A_1961 = arith.constant 0 : i32
            %scatter3A_1962 = arith.constant 0 : i32
            %scatter3A_1963 = arith.constant 0 : i32
            %scatter3A_1964 = tpu.memref_slice %arg7[%scatter3A_1960, %scatter3A_1961, %scatter3A_1962, %scatter3A_1963] : memref<2x2x200x64xf32, #tpu.memory_space<vmem>> -> memref<1x1x200x64xf32, #tpu.memory_space<vmem>>
            %scatter3A_1965 = tpu.memref_squeeze %scatter3A_1964 : memref<1x1x200x64xf32, #tpu.memory_space<vmem>> -> memref<200x64xf32, #tpu.memory_space<vmem>>
            tpu.vector_store_idx %scatter3A_1965[%add3A_1534, %broadcast_in_dim3A_1959], %broadcast_in_dim3A_1497 masked %eq3A_1524 : memref<200x64xf32, #tpu.memory_space<vmem>>[vector<16xi32>, vector<16xi32>], vector<16xf32>, vector<16xi1>
            %broadcast_in_dim3A_1966 = arith.constant 54 : i32
            %broadcast_in_dim3A_1967 = vector.broadcast %broadcast_in_dim3A_1966 : i32 to vector<16xi32>
            %scatter3A_1968 = arith.constant 0 : i32
            %scatter3A_1969 = arith.constant 0 : i32
            %scatter3A_1970 = arith.constant 0 : i32
            %scatter3A_1971 = arith.constant 0 : i32
            %scatter3A_1972 = tpu.memref_slice %arg7[%scatter3A_1968, %scatter3A_1969, %scatter3A_1970, %scatter3A_1971] : memref<2x2x200x64xf32, #tpu.memory_space<vmem>> -> memref<1x1x200x64xf32, #tpu.memory_space<vmem>>
            %scatter3A_1973 = tpu.memref_squeeze %scatter3A_1972 : memref<1x1x200x64xf32, #tpu.memory_space<vmem>> -> memref<200x64xf32, #tpu.memory_space<vmem>>
            tpu.vector_store_idx %scatter3A_1973[%add3A_1534, %broadcast_in_dim3A_1967], %broadcast_in_dim3A_1497 masked %eq3A_1524 : memref<200x64xf32, #tpu.memory_space<vmem>>[vector<16xi32>, vector<16xi32>], vector<16xf32>, vector<16xi1>
            %broadcast_in_dim3A_1974 = arith.constant 55 : i32
            %broadcast_in_dim3A_1975 = vector.broadcast %broadcast_in_dim3A_1974 : i32 to vector<16xi32>
            %scatter3A_1976 = arith.constant 0 : i32
            %scatter3A_1977 = arith.constant 0 : i32
            %scatter3A_1978 = arith.constant 0 : i32
            %scatter3A_1979 = arith.constant 0 : i32
            %scatter3A_1980 = tpu.memref_slice %arg7[%scatter3A_1976, %scatter3A_1977, %scatter3A_1978, %scatter3A_1979] : memref<2x2x200x64xf32, #tpu.memory_space<vmem>> -> memref<1x1x200x64xf32, #tpu.memory_space<vmem>>
            %scatter3A_1981 = tpu.memref_squeeze %scatter3A_1980 : memref<1x1x200x64xf32, #tpu.memory_space<vmem>> -> memref<200x64xf32, #tpu.memory_space<vmem>>
            tpu.vector_store_idx %scatter3A_1981[%add3A_1534, %broadcast_in_dim3A_1975], %broadcast_in_dim3A_1497 masked %eq3A_1524 : memref<200x64xf32, #tpu.memory_space<vmem>>[vector<16xi32>, vector<16xi32>], vector<16xf32>, vector<16xi1>
            %broadcast_in_dim3A_1982 = arith.constant 56 : i32
            %broadcast_in_dim3A_1983 = vector.broadcast %broadcast_in_dim3A_1982 : i32 to vector<16xi32>
            %scatter3A_1984 = arith.constant 0 : i32
            %scatter3A_1985 = arith.constant 0 : i32
            %scatter3A_1986 = arith.constant 0 : i32
            %scatter3A_1987 = arith.constant 0 : i32
            %scatter3A_1988 = tpu.memref_slice %arg7[%scatter3A_1984, %scatter3A_1985, %scatter3A_1986, %scatter3A_1987] : memref<2x2x200x64xf32, #tpu.memory_space<vmem>> -> memref<1x1x200x64xf32, #tpu.memory_space<vmem>>
            %scatter3A_1989 = tpu.memref_squeeze %scatter3A_1988 : memref<1x1x200x64xf32, #tpu.memory_space<vmem>> -> memref<200x64xf32, #tpu.memory_space<vmem>>
            tpu.vector_store_idx %scatter3A_1989[%add3A_1534, %broadcast_in_dim3A_1983], %broadcast_in_dim3A_1497 masked %eq3A_1524 : memref<200x64xf32, #tpu.memory_space<vmem>>[vector<16xi32>, vector<16xi32>], vector<16xf32>, vector<16xi1>
            %broadcast_in_dim3A_1990 = arith.constant 57 : i32
            %broadcast_in_dim3A_1991 = vector.broadcast %broadcast_in_dim3A_1990 : i32 to vector<16xi32>
            %scatter3A_1992 = arith.constant 0 : i32
            %scatter3A_1993 = arith.constant 0 : i32
            %scatter3A_1994 = arith.constant 0 : i32
            %scatter3A_1995 = arith.constant 0 : i32
            %scatter3A_1996 = tpu.memref_slice %arg7[%scatter3A_1992, %scatter3A_1993, %scatter3A_1994, %scatter3A_1995] : memref<2x2x200x64xf32, #tpu.memory_space<vmem>> -> memref<1x1x200x64xf32, #tpu.memory_space<vmem>>
            %scatter3A_1997 = tpu.memref_squeeze %scatter3A_1996 : memref<1x1x200x64xf32, #tpu.memory_space<vmem>> -> memref<200x64xf32, #tpu.memory_space<vmem>>
            tpu.vector_store_idx %scatter3A_1997[%add3A_1534, %broadcast_in_dim3A_1991], %broadcast_in_dim3A_1497 masked %eq3A_1524 : memref<200x64xf32, #tpu.memory_space<vmem>>[vector<16xi32>, vector<16xi32>], vector<16xf32>, vector<16xi1>
            %broadcast_in_dim3A_1998 = arith.constant 58 : i32
            %broadcast_in_dim3A_1999 = vector.broadcast %broadcast_in_dim3A_1998 : i32 to vector<16xi32>
            %scatter3A_2000 = arith.constant 0 : i32
            %scatter3A_2001 = arith.constant 0 : i32
            %scatter3A_2002 = arith.constant 0 : i32
            %scatter3A_2003 = arith.constant 0 : i32
            %scatter3A_2004 = tpu.memref_slice %arg7[%scatter3A_2000, %scatter3A_2001, %scatter3A_2002, %scatter3A_2003] : memref<2x2x200x64xf32, #tpu.memory_space<vmem>> -> memref<1x1x200x64xf32, #tpu.memory_space<vmem>>
            %scatter3A_2005 = tpu.memref_squeeze %scatter3A_2004 : memref<1x1x200x64xf32, #tpu.memory_space<vmem>> -> memref<200x64xf32, #tpu.memory_space<vmem>>
            tpu.vector_store_idx %scatter3A_2005[%add3A_1534, %broadcast_in_dim3A_1999], %broadcast_in_dim3A_1497 masked %eq3A_1524 : memref<200x64xf32, #tpu.memory_space<vmem>>[vector<16xi32>, vector<16xi32>], vector<16xf32>, vector<16xi1>
            %broadcast_in_dim3A_2006 = arith.constant 59 : i32
            %broadcast_in_dim3A_2007 = vector.broadcast %broadcast_in_dim3A_2006 : i32 to vector<16xi32>
            %scatter3A_2008 = arith.constant 0 : i32
            %scatter3A_2009 = arith.constant 0 : i32
            %scatter3A_2010 = arith.constant 0 : i32
            %scatter3A_2011 = arith.constant 0 : i32
            %scatter3A_2012 = tpu.memref_slice %arg7[%scatter3A_2008, %scatter3A_2009, %scatter3A_2010, %scatter3A_2011] : memref<2x2x200x64xf32, #tpu.memory_space<vmem>> -> memref<1x1x200x64xf32, #tpu.memory_space<vmem>>
            %scatter3A_2013 = tpu.memref_squeeze %scatter3A_2012 : memref<1x1x200x64xf32, #tpu.memory_space<vmem>> -> memref<200x64xf32, #tpu.memory_space<vmem>>
            tpu.vector_store_idx %scatter3A_2013[%add3A_1534, %broadcast_in_dim3A_2007], %broadcast_in_dim3A_1497 masked %eq3A_1524 : memref<200x64xf32, #tpu.memory_space<vmem>>[vector<16xi32>, vector<16xi32>], vector<16xf32>, vector<16xi1>
            %broadcast_in_dim3A_2014 = arith.constant 60 : i32
            %broadcast_in_dim3A_2015 = vector.broadcast %broadcast_in_dim3A_2014 : i32 to vector<16xi32>
            %scatter3A_2016 = arith.constant 0 : i32
            %scatter3A_2017 = arith.constant 0 : i32
            %scatter3A_2018 = arith.constant 0 : i32
            %scatter3A_2019 = arith.constant 0 : i32
            %scatter3A_2020 = tpu.memref_slice %arg7[%scatter3A_2016, %scatter3A_2017, %scatter3A_2018, %scatter3A_2019] : memref<2x2x200x64xf32, #tpu.memory_space<vmem>> -> memref<1x1x200x64xf32, #tpu.memory_space<vmem>>
            %scatter3A_2021 = tpu.memref_squeeze %scatter3A_2020 : memref<1x1x200x64xf32, #tpu.memory_space<vmem>> -> memref<200x64xf32, #tpu.memory_space<vmem>>
            tpu.vector_store_idx %scatter3A_2021[%add3A_1534, %broadcast_in_dim3A_2015], %broadcast_in_dim3A_1497 masked %eq3A_1524 : memref<200x64xf32, #tpu.memory_space<vmem>>[vector<16xi32>, vector<16xi32>], vector<16xf32>, vector<16xi1>
            %broadcast_in_dim3A_2022 = arith.constant 61 : i32
            %broadcast_in_dim3A_2023 = vector.broadcast %broadcast_in_dim3A_2022 : i32 to vector<16xi32>
            %scatter3A_2024 = arith.constant 0 : i32
            %scatter3A_2025 = arith.constant 0 : i32
            %scatter3A_2026 = arith.constant 0 : i32
            %scatter3A_2027 = arith.constant 0 : i32
            %scatter3A_2028 = tpu.memref_slice %arg7[%scatter3A_2024, %scatter3A_2025, %scatter3A_2026, %scatter3A_2027] : memref<2x2x200x64xf32, #tpu.memory_space<vmem>> -> memref<1x1x200x64xf32, #tpu.memory_space<vmem>>
            %scatter3A_2029 = tpu.memref_squeeze %scatter3A_2028 : memref<1x1x200x64xf32, #tpu.memory_space<vmem>> -> memref<200x64xf32, #tpu.memory_space<vmem>>
            tpu.vector_store_idx %scatter3A_2029[%add3A_1534, %broadcast_in_dim3A_2023], %broadcast_in_dim3A_1497 masked %eq3A_1524 : memref<200x64xf32, #tpu.memory_space<vmem>>[vector<16xi32>, vector<16xi32>], vector<16xf32>, vector<16xi1>
            %broadcast_in_dim3A_2030 = arith.constant 62 : i32
            %broadcast_in_dim3A_2031 = vector.broadcast %broadcast_in_dim3A_2030 : i32 to vector<16xi32>
            %scatter3A_2032 = arith.constant 0 : i32
            %scatter3A_2033 = arith.constant 0 : i32
            %scatter3A_2034 = arith.constant 0 : i32
            %scatter3A_2035 = arith.constant 0 : i32
            %scatter3A_2036 = tpu.memref_slice %arg7[%scatter3A_2032, %scatter3A_2033, %scatter3A_2034, %scatter3A_2035] : memref<2x2x200x64xf32, #tpu.memory_space<vmem>> -> memref<1x1x200x64xf32, #tpu.memory_space<vmem>>
            %scatter3A_2037 = tpu.memref_squeeze %scatter3A_2036 : memref<1x1x200x64xf32, #tpu.memory_space<vmem>> -> memref<200x64xf32, #tpu.memory_space<vmem>>
            tpu.vector_store_idx %scatter3A_2037[%add3A_1534, %broadcast_in_dim3A_2031], %broadcast_in_dim3A_1497 masked %eq3A_1524 : memref<200x64xf32, #tpu.memory_space<vmem>>[vector<16xi32>, vector<16xi32>], vector<16xf32>, vector<16xi1>
            %broadcast_in_dim3A_2038 = arith.constant 63 : i32
            %broadcast_in_dim3A_2039 = vector.broadcast %broadcast_in_dim3A_2038 : i32 to vector<16xi32>
            %scatter3A_2040 = arith.constant 0 : i32
            %scatter3A_2041 = arith.constant 0 : i32
            %scatter3A_2042 = arith.constant 0 : i32
            %scatter3A_2043 = arith.constant 0 : i32
            %scatter3A_2044 = tpu.memref_slice %arg7[%scatter3A_2040, %scatter3A_2041, %scatter3A_2042, %scatter3A_2043] : memref<2x2x200x64xf32, #tpu.memory_space<vmem>> -> memref<1x1x200x64xf32, #tpu.memory_space<vmem>>
            %scatter3A_2045 = tpu.memref_squeeze %scatter3A_2044 : memref<1x1x200x64xf32, #tpu.memory_space<vmem>> -> memref<200x64xf32, #tpu.memory_space<vmem>>
            tpu.vector_store_idx %scatter3A_2045[%add3A_1534, %broadcast_in_dim3A_2039], %broadcast_in_dim3A_1497 masked %eq3A_1524 : memref<200x64xf32, #tpu.memory_space<vmem>>[vector<16xi32>, vector<16xi32>], vector<16xf32>, vector<16xi1>
          } else {
          }
        }
        %scan3A_1503 = arith.constant 13 : i32
        %scan3A_1504 = arith.constant 0 : i32
        %scan3A_1505 = arith.constant 0 : i32
        %scan3A_1506 = arith.constant 13 : i32
        %scan3A_1507 = arith.addi %scan3A_1505, %scan3A_1506 : i32
        %scan3A_1508 = arith.constant 1 : i32
        scf.for %scan3A_1510 = %scan3A_1505 to %scan3A_1507 step %scan3A_1508  : i32 {
          %mul3A_1511 = arith.constant 16 : i32
          %mul3A_1512 = arith.muli %scan3A_1510, %mul3A_1511 : i32
          %min3A_1513 = arith.constant 184 : i32
          %min3A_1514 = arith.minsi %mul3A_1512, %min3A_1513 : i32
          %mul3A_1515 = arith.constant 2 : i32
          %mul3A_1516 = arith.muli %mul3A_394, %mul3A_1515 : i32
          %add3A_1517 = arith.constant 1 : i32
          %add3A_1518 = arith.addi %mul3A_1516, %add3A_1517 : i32
          %get3A_1519 = arith.index_cast %add3A_1518 : i32 to index
          %get3A_1520 = arith.index_cast %min3A_1514 : i32 to index
          %get3A_1521 = tpu.vector_load %arg5[%get3A_1519, %get3A_1520] {strides = array<i32>} : memref<128x200xi32, #tpu.memory_space<vmem>>, vector<16xi32>,
          %eq3A_1522 = arith.constant 0 : i32
          %eq3A_1523 = vector.broadcast %eq3A_1522 : i32 to vector<16xi32>
          %eq3A_1524 = arith.cmpi eq, %get3A_1521, %eq3A_1523 : vector<16xi32>
          %all_reduce_population_count3A_1525 = tpu.all_reduce %eq3A_1524 {dim = 0 : i64, kind = #tpu.reduction_kind<sum>} : vector<16xi1> -> vector<16xi32>
          %slice3A_1526 = vector.extract_strided_slice %all_reduce_population_count3A_1525 {offsets = [0], sizes = [1], strides = [1]} : vector<16xi32> to vector<1xi32>
          %squeeze3A_1527 = vector.extract %slice3A_1526[0] : i32 from vector<1xi32>
          %ne3A_1528 = arith.constant 0 : i32
          %ne3A_1529 = arith.cmpi ne, %squeeze3A_1527, %ne3A_1528 : i32
          %convert_element_type3A_1530 = arith.extui %ne3A_1529 : i1 to i32
          %cond3A_1531 = arith.constant 0 : i32
          %cond3A_1532 = arith.cmpi ne, %convert_element_type3A_1530, %cond3A_1531 : i32
          scf.if %cond3A_1532 {
            %add3A_1533 = vector.broadcast %min3A_1514 : i32 to vector<16xi32>
            %add3A_1534 = arith.addi %add3A_1533, %iota3A : vector<16xi32>
            %broadcast_in_dim3A_1535 = arith.constant 0 : i32
            %broadcast_in_dim3A_1536 = vector.broadcast %broadcast_in_dim3A_1535 : i32 to vector<16xi32>
            %scatter3A = arith.constant 0 : i32
            %scatter3A_1537 = arith.constant 1 : i32
            %scatter3A_1538 = arith.constant 0 : i32
            %scatter3A_1539 = arith.constant 0 : i32
            %scatter3A_1540 = tpu.memref_slice %arg7[%scatter3A, %scatter3A_1537, %scatter3A_1538, %scatter3A_1539] : memref<2x2x200x64xf32, #tpu.memory_space<vmem>> -> memref<1x1x200x64xf32, #tpu.memory_space<vmem>>
            %scatter3A_1541 = tpu.memref_squeeze %scatter3A_1540 : memref<1x1x200x64xf32, #tpu.memory_space<vmem>> -> memref<200x64xf32, #tpu.memory_space<vmem>>
            tpu.vector_store_idx %scatter3A_1541[%add3A_1534, %broadcast_in_dim3A_1536], %broadcast_in_dim3A_1497 masked %eq3A_1524 : memref<200x64xf32, #tpu.memory_space<vmem>>[vector<16xi32>, vector<16xi32>], vector<16xf32>, vector<16xi1>
            %broadcast_in_dim3A_1542 = arith.constant 1 : i32
            %broadcast_in_dim3A_1543 = vector.broadcast %broadcast_in_dim3A_1542 : i32 to vector<16xi32>
            %scatter3A_1544 = arith.constant 0 : i32
            %scatter3A_1545 = arith.constant 1 : i32
            %scatter3A_1546 = arith.constant 0 : i32
            %scatter3A_1547 = arith.constant 0 : i32
            %scatter3A_1548 = tpu.memref_slice %arg7[%scatter3A_1544, %scatter3A_1545, %scatter3A_1546, %scatter3A_1547] : memref<2x2x200x64xf32, #tpu.memory_space<vmem>> -> memref<1x1x200x64xf32, #tpu.memory_space<vmem>>
            %scatter3A_1549 = tpu.memref_squeeze %scatter3A_1548 : memref<1x1x200x64xf32, #tpu.memory_space<vmem>> -> memref<200x64xf32, #tpu.memory_space<vmem>>
            tpu.vector_store_idx %scatter3A_1549[%add3A_1534, %broadcast_in_dim3A_1543], %broadcast_in_dim3A_1497 masked %eq3A_1524 : memref<200x64xf32, #tpu.memory_space<vmem>>[vector<16xi32>, vector<16xi32>], vector<16xf32>, vector<16xi1>
            %broadcast_in_dim3A_1550 = arith.constant 2 : i32
            %broadcast_in_dim3A_1551 = vector.broadcast %broadcast_in_dim3A_1550 : i32 to vector<16xi32>
            %scatter3A_1552 = arith.constant 0 : i32
            %scatter3A_1553 = arith.constant 1 : i32
            %scatter3A_1554 = arith.constant 0 : i32
            %scatter3A_1555 = arith.constant 0 : i32
            %scatter3A_1556 = tpu.memref_slice %arg7[%scatter3A_1552, %scatter3A_1553, %scatter3A_1554, %scatter3A_1555] : memref<2x2x200x64xf32, #tpu.memory_space<vmem>> -> memref<1x1x200x64xf32, #tpu.memory_space<vmem>>
            %scatter3A_1557 = tpu.memref_squeeze %scatter3A_1556 : memref<1x1x200x64xf32, #tpu.memory_space<vmem>> -> memref<200x64xf32, #tpu.memory_space<vmem>>
            tpu.vector_store_idx %scatter3A_1557[%add3A_1534, %broadcast_in_dim3A_1551], %broadcast_in_dim3A_1497 masked %eq3A_1524 : memref<200x64xf32, #tpu.memory_space<vmem>>[vector<16xi32>, vector<16xi32>], vector<16xf32>, vector<16xi1>
            %broadcast_in_dim3A_1558 = arith.constant 3 : i32
            %broadcast_in_dim3A_1559 = vector.broadcast %broadcast_in_dim3A_1558 : i32 to vector<16xi32>
            %scatter3A_1560 = arith.constant 0 : i32
            %scatter3A_1561 = arith.constant 1 : i32
            %scatter3A_1562 = arith.constant 0 : i32
            %scatter3A_1563 = arith.constant 0 : i32
            %scatter3A_1564 = tpu.memref_slice %arg7[%scatter3A_1560, %scatter3A_1561, %scatter3A_1562, %scatter3A_1563] : memref<2x2x200x64xf32, #tpu.memory_space<vmem>> -> memref<1x1x200x64xf32, #tpu.memory_space<vmem>>
            %scatter3A_1565 = tpu.memref_squeeze %scatter3A_1564 : memref<1x1x200x64xf32, #tpu.memory_space<vmem>> -> memref<200x64xf32, #tpu.memory_space<vmem>>
            tpu.vector_store_idx %scatter3A_1565[%add3A_1534, %broadcast_in_dim3A_1559], %broadcast_in_dim3A_1497 masked %eq3A_1524 : memref<200x64xf32, #tpu.memory_space<vmem>>[vector<16xi32>, vector<16xi32>], vector<16xf32>, vector<16xi1>
            %broadcast_in_dim3A_1566 = arith.constant 4 : i32
            %broadcast_in_dim3A_1567 = vector.broadcast %broadcast_in_dim3A_1566 : i32 to vector<16xi32>
            %scatter3A_1568 = arith.constant 0 : i32
            %scatter3A_1569 = arith.constant 1 : i32
            %scatter3A_1570 = arith.constant 0 : i32
            %scatter3A_1571 = arith.constant 0 : i32
            %scatter3A_1572 = tpu.memref_slice %arg7[%scatter3A_1568, %scatter3A_1569, %scatter3A_1570, %scatter3A_1571] : memref<2x2x200x64xf32, #tpu.memory_space<vmem>> -> memref<1x1x200x64xf32, #tpu.memory_space<vmem>>
            %scatter3A_1573 = tpu.memref_squeeze %scatter3A_1572 : memref<1x1x200x64xf32, #tpu.memory_space<vmem>> -> memref<200x64xf32, #tpu.memory_space<vmem>>
            tpu.vector_store_idx %scatter3A_1573[%add3A_1534, %broadcast_in_dim3A_1567], %broadcast_in_dim3A_1497 masked %eq3A_1524 : memref<200x64xf32, #tpu.memory_space<vmem>>[vector<16xi32>, vector<16xi32>], vector<16xf32>, vector<16xi1>
            %broadcast_in_dim3A_1574 = arith.constant 5 : i32
            %broadcast_in_dim3A_1575 = vector.broadcast %broadcast_in_dim3A_1574 : i32 to vector<16xi32>
            %scatter3A_1576 = arith.constant 0 : i32
            %scatter3A_1577 = arith.constant 1 : i32
            %scatter3A_1578 = arith.constant 0 : i32
            %scatter3A_1579 = arith.constant 0 : i32
            %scatter3A_1580 = tpu.memref_slice %arg7[%scatter3A_1576, %scatter3A_1577, %scatter3A_1578, %scatter3A_1579] : memref<2x2x200x64xf32, #tpu.memory_space<vmem>> -> memref<1x1x200x64xf32, #tpu.memory_space<vmem>>
            %scatter3A_1581 = tpu.memref_squeeze %scatter3A_1580 : memref<1x1x200x64xf32, #tpu.memory_space<vmem>> -> memref<200x64xf32, #tpu.memory_space<vmem>>
            tpu.vector_store_idx %scatter3A_1581[%add3A_1534, %broadcast_in_dim3A_1575], %broadcast_in_dim3A_1497 masked %eq3A_1524 : memref<200x64xf32, #tpu.memory_space<vmem>>[vector<16xi32>, vector<16xi32>], vector<16xf32>, vector<16xi1>
            %broadcast_in_dim3A_1582 = arith.constant 6 : i32
            %broadcast_in_dim3A_1583 = vector.broadcast %broadcast_in_dim3A_1582 : i32 to vector<16xi32>
            %scatter3A_1584 = arith.constant 0 : i32
            %scatter3A_1585 = arith.constant 1 : i32
            %scatter3A_1586 = arith.constant 0 : i32
            %scatter3A_1587 = arith.constant 0 : i32
            %scatter3A_1588 = tpu.memref_slice %arg7[%scatter3A_1584, %scatter3A_1585, %scatter3A_1586, %scatter3A_1587] : memref<2x2x200x64xf32, #tpu.memory_space<vmem>> -> memref<1x1x200x64xf32, #tpu.memory_space<vmem>>
            %scatter3A_1589 = tpu.memref_squeeze %scatter3A_1588 : memref<1x1x200x64xf32, #tpu.memory_space<vmem>> -> memref<200x64xf32, #tpu.memory_space<vmem>>
            tpu.vector_store_idx %scatter3A_1589[%add3A_1534, %broadcast_in_dim3A_1583], %broadcast_in_dim3A_1497 masked %eq3A_1524 : memref<200x64xf32, #tpu.memory_space<vmem>>[vector<16xi32>, vector<16xi32>], vector<16xf32>, vector<16xi1>
            %broadcast_in_dim3A_1590 = arith.constant 7 : i32
            %broadcast_in_dim3A_1591 = vector.broadcast %broadcast_in_dim3A_1590 : i32 to vector<16xi32>
            %scatter3A_1592 = arith.constant 0 : i32
            %scatter3A_1593 = arith.constant 1 : i32
            %scatter3A_1594 = arith.constant 0 : i32
            %scatter3A_1595 = arith.constant 0 : i32
            %scatter3A_1596 = tpu.memref_slice %arg7[%scatter3A_1592, %scatter3A_1593, %scatter3A_1594, %scatter3A_1595] : memref<2x2x200x64xf32, #tpu.memory_space<vmem>> -> memref<1x1x200x64xf32, #tpu.memory_space<vmem>>
            %scatter3A_1597 = tpu.memref_squeeze %scatter3A_1596 : memref<1x1x200x64xf32, #tpu.memory_space<vmem>> -> memref<200x64xf32, #tpu.memory_space<vmem>>
            tpu.vector_store_idx %scatter3A_1597[%add3A_1534, %broadcast_in_dim3A_1591], %broadcast_in_dim3A_1497 masked %eq3A_1524 : memref<200x64xf32, #tpu.memory_space<vmem>>[vector<16xi32>, vector<16xi32>], vector<16xf32>, vector<16xi1>
            %broadcast_in_dim3A_1598 = arith.constant 8 : i32
            %broadcast_in_dim3A_1599 = vector.broadcast %broadcast_in_dim3A_1598 : i32 to vector<16xi32>
            %scatter3A_1600 = arith.constant 0 : i32
            %scatter3A_1601 = arith.constant 1 : i32
            %scatter3A_1602 = arith.constant 0 : i32
            %scatter3A_1603 = arith.constant 0 : i32
            %scatter3A_1604 = tpu.memref_slice %arg7[%scatter3A_1600, %scatter3A_1601, %scatter3A_1602, %scatter3A_1603] : memref<2x2x200x64xf32, #tpu.memory_space<vmem>> -> memref<1x1x200x64xf32, #tpu.memory_space<vmem>>
            %scatter3A_1605 = tpu.memref_squeeze %scatter3A_1604 : memref<1x1x200x64xf32, #tpu.memory_space<vmem>> -> memref<200x64xf32, #tpu.memory_space<vmem>>
            tpu.vector_store_idx %scatter3A_1605[%add3A_1534, %broadcast_in_dim3A_1599], %broadcast_in_dim3A_1497 masked %eq3A_1524 : memref<200x64xf32, #tpu.memory_space<vmem>>[vector<16xi32>, vector<16xi32>], vector<16xf32>, vector<16xi1>
            %broadcast_in_dim3A_1606 = arith.constant 9 : i32
            %broadcast_in_dim3A_1607 = vector.broadcast %broadcast_in_dim3A_1606 : i32 to vector<16xi32>
            %scatter3A_1608 = arith.constant 0 : i32
            %scatter3A_1609 = arith.constant 1 : i32
            %scatter3A_1610 = arith.constant 0 : i32
            %scatter3A_1611 = arith.constant 0 : i32
            %scatter3A_1612 = tpu.memref_slice %arg7[%scatter3A_1608, %scatter3A_1609, %scatter3A_1610, %scatter3A_1611] : memref<2x2x200x64xf32, #tpu.memory_space<vmem>> -> memref<1x1x200x64xf32, #tpu.memory_space<vmem>>
            %scatter3A_1613 = tpu.memref_squeeze %scatter3A_1612 : memref<1x1x200x64xf32, #tpu.memory_space<vmem>> -> memref<200x64xf32, #tpu.memory_space<vmem>>
            tpu.vector_store_idx %scatter3A_1613[%add3A_1534, %broadcast_in_dim3A_1607], %broadcast_in_dim3A_1497 masked %eq3A_1524 : memref<200x64xf32, #tpu.memory_space<vmem>>[vector<16xi32>, vector<16xi32>], vector<16xf32>, vector<16xi1>
            %broadcast_in_dim3A_1614 = arith.constant 10 : i32
            %broadcast_in_dim3A_1615 = vector.broadcast %broadcast_in_dim3A_1614 : i32 to vector<16xi32>
            %scatter3A_1616 = arith.constant 0 : i32
            %scatter3A_1617 = arith.constant 1 : i32
            %scatter3A_1618 = arith.constant 0 : i32
            %scatter3A_1619 = arith.constant 0 : i32
            %scatter3A_1620 = tpu.memref_slice %arg7[%scatter3A_1616, %scatter3A_1617, %scatter3A_1618, %scatter3A_1619] : memref<2x2x200x64xf32, #tpu.memory_space<vmem>> -> memref<1x1x200x64xf32, #tpu.memory_space<vmem>>
            %scatter3A_1621 = tpu.memref_squeeze %scatter3A_1620 : memref<1x1x200x64xf32, #tpu.memory_space<vmem>> -> memref<200x64xf32, #tpu.memory_space<vmem>>
            tpu.vector_store_idx %scatter3A_1621[%add3A_1534, %broadcast_in_dim3A_1615], %broadcast_in_dim3A_1497 masked %eq3A_1524 : memref<200x64xf32, #tpu.memory_space<vmem>>[vector<16xi32>, vector<16xi32>], vector<16xf32>, vector<16xi1>
            %broadcast_in_dim3A_1622 = arith.constant 11 : i32
            %broadcast_in_dim3A_1623 = vector.broadcast %broadcast_in_dim3A_1622 : i32 to vector<16xi32>
            %scatter3A_1624 = arith.constant 0 : i32
            %scatter3A_1625 = arith.constant 1 : i32
            %scatter3A_1626 = arith.constant 0 : i32
            %scatter3A_1627 = arith.constant 0 : i32
            %scatter3A_1628 = tpu.memref_slice %arg7[%scatter3A_1624, %scatter3A_1625, %scatter3A_1626, %scatter3A_1627] : memref<2x2x200x64xf32, #tpu.memory_space<vmem>> -> memref<1x1x200x64xf32, #tpu.memory_space<vmem>>
            %scatter3A_1629 = tpu.memref_squeeze %scatter3A_1628 : memref<1x1x200x64xf32, #tpu.memory_space<vmem>> -> memref<200x64xf32, #tpu.memory_space<vmem>>
            tpu.vector_store_idx %scatter3A_1629[%add3A_1534, %broadcast_in_dim3A_1623], %broadcast_in_dim3A_1497 masked %eq3A_1524 : memref<200x64xf32, #tpu.memory_space<vmem>>[vector<16xi32>, vector<16xi32>], vector<16xf32>, vector<16xi1>
            %broadcast_in_dim3A_1630 = arith.constant 12 : i32
            %broadcast_in_dim3A_1631 = vector.broadcast %broadcast_in_dim3A_1630 : i32 to vector<16xi32>
            %scatter3A_1632 = arith.constant 0 : i32
            %scatter3A_1633 = arith.constant 1 : i32
            %scatter3A_1634 = arith.constant 0 : i32
            %scatter3A_1635 = arith.constant 0 : i32
            %scatter3A_1636 = tpu.memref_slice %arg7[%scatter3A_1632, %scatter3A_1633, %scatter3A_1634, %scatter3A_1635] : memref<2x2x200x64xf32, #tpu.memory_space<vmem>> -> memref<1x1x200x64xf32, #tpu.memory_space<vmem>>
            %scatter3A_1637 = tpu.memref_squeeze %scatter3A_1636 : memref<1x1x200x64xf32, #tpu.memory_space<vmem>> -> memref<200x64xf32, #tpu.memory_space<vmem>>
            tpu.vector_store_idx %scatter3A_1637[%add3A_1534, %broadcast_in_dim3A_1631], %broadcast_in_dim3A_1497 masked %eq3A_1524 : memref<200x64xf32, #tpu.memory_space<vmem>>[vector<16xi32>, vector<16xi32>], vector<16xf32>, vector<16xi1>
            %broadcast_in_dim3A_1638 = arith.constant 13 : i32
            %broadcast_in_dim3A_1639 = vector.broadcast %broadcast_in_dim3A_1638 : i32 to vector<16xi32>
            %scatter3A_1640 = arith.constant 0 : i32
            %scatter3A_1641 = arith.constant 1 : i32
            %scatter3A_1642 = arith.constant 0 : i32
            %scatter3A_1643 = arith.constant 0 : i32
            %scatter3A_1644 = tpu.memref_slice %arg7[%scatter3A_1640, %scatter3A_1641, %scatter3A_1642, %scatter3A_1643] : memref<2x2x200x64xf32, #tpu.memory_space<vmem>> -> memref<1x1x200x64xf32, #tpu.memory_space<vmem>>
            %scatter3A_1645 = tpu.memref_squeeze %scatter3A_1644 : memref<1x1x200x64xf32, #tpu.memory_space<vmem>> -> memref<200x64xf32, #tpu.memory_space<vmem>>
            tpu.vector_store_idx %scatter3A_1645[%add3A_1534, %broadcast_in_dim3A_1639], %broadcast_in_dim3A_1497 masked %eq3A_1524 : memref<200x64xf32, #tpu.memory_space<vmem>>[vector<16xi32>, vector<16xi32>], vector<16xf32>, vector<16xi1>
            %broadcast_in_dim3A_1646 = arith.constant 14 : i32
            %broadcast_in_dim3A_1647 = vector.broadcast %broadcast_in_dim3A_1646 : i32 to vector<16xi32>
            %scatter3A_1648 = arith.constant 0 : i32
            %scatter3A_1649 = arith.constant 1 : i32
            %scatter3A_1650 = arith.constant 0 : i32
            %scatter3A_1651 = arith.constant 0 : i32
            %scatter3A_1652 = tpu.memref_slice %arg7[%scatter3A_1648, %scatter3A_1649, %scatter3A_1650, %scatter3A_1651] : memref<2x2x200x64xf32, #tpu.memory_space<vmem>> -> memref<1x1x200x64xf32, #tpu.memory_space<vmem>>
            %scatter3A_1653 = tpu.memref_squeeze %scatter3A_1652 : memref<1x1x200x64xf32, #tpu.memory_space<vmem>> -> memref<200x64xf32, #tpu.memory_space<vmem>>
            tpu.vector_store_idx %scatter3A_1653[%add3A_1534, %broadcast_in_dim3A_1647], %broadcast_in_dim3A_1497 masked %eq3A_1524 : memref<200x64xf32, #tpu.memory_space<vmem>>[vector<16xi32>, vector<16xi32>], vector<16xf32>, vector<16xi1>
            %broadcast_in_dim3A_1654 = arith.constant 15 : i32
            %broadcast_in_dim3A_1655 = vector.broadcast %broadcast_in_dim3A_1654 : i32 to vector<16xi32>
            %scatter3A_1656 = arith.constant 0 : i32
            %scatter3A_1657 = arith.constant 1 : i32
            %scatter3A_1658 = arith.constant 0 : i32
            %scatter3A_1659 = arith.constant 0 : i32
            %scatter3A_1660 = tpu.memref_slice %arg7[%scatter3A_1656, %scatter3A_1657, %scatter3A_1658, %scatter3A_1659] : memref<2x2x200x64xf32, #tpu.memory_space<vmem>> -> memref<1x1x200x64xf32, #tpu.memory_space<vmem>>
            %scatter3A_1661 = tpu.memref_squeeze %scatter3A_1660 : memref<1x1x200x64xf32, #tpu.memory_space<vmem>> -> memref<200x64xf32, #tpu.memory_space<vmem>>
            tpu.vector_store_idx %scatter3A_1661[%add3A_1534, %broadcast_in_dim3A_1655], %broadcast_in_dim3A_1497 masked %eq3A_1524 : memref<200x64xf32, #tpu.memory_space<vmem>>[vector<16xi32>, vector<16xi32>], vector<16xf32>, vector<16xi1>
            %broadcast_in_dim3A_1662 = arith.constant 16 : i32
            %broadcast_in_dim3A_1663 = vector.broadcast %broadcast_in_dim3A_1662 : i32 to vector<16xi32>
            %scatter3A_1664 = arith.constant 0 : i32
            %scatter3A_1665 = arith.constant 1 : i32
            %scatter3A_1666 = arith.constant 0 : i32
            %scatter3A_1667 = arith.constant 0 : i32
            %scatter3A_1668 = tpu.memref_slice %arg7[%scatter3A_1664, %scatter3A_1665, %scatter3A_1666, %scatter3A_1667] : memref<2x2x200x64xf32, #tpu.memory_space<vmem>> -> memref<1x1x200x64xf32, #tpu.memory_space<vmem>>
            %scatter3A_1669 = tpu.memref_squeeze %scatter3A_1668 : memref<1x1x200x64xf32, #tpu.memory_space<vmem>> -> memref<200x64xf32, #tpu.memory_space<vmem>>
            tpu.vector_store_idx %scatter3A_1669[%add3A_1534, %broadcast_in_dim3A_1663], %broadcast_in_dim3A_1497 masked %eq3A_1524 : memref<200x64xf32, #tpu.memory_space<vmem>>[vector<16xi32>, vector<16xi32>], vector<16xf32>, vector<16xi1>
            %broadcast_in_dim3A_1670 = arith.constant 17 : i32
            %broadcast_in_dim3A_1671 = vector.broadcast %broadcast_in_dim3A_1670 : i32 to vector<16xi32>
            %scatter3A_1672 = arith.constant 0 : i32
            %scatter3A_1673 = arith.constant 1 : i32
            %scatter3A_1674 = arith.constant 0 : i32
            %scatter3A_1675 = arith.constant 0 : i32
            %scatter3A_1676 = tpu.memref_slice %arg7[%scatter3A_1672, %scatter3A_1673, %scatter3A_1674, %scatter3A_1675] : memref<2x2x200x64xf32, #tpu.memory_space<vmem>> -> memref<1x1x200x64xf32, #tpu.memory_space<vmem>>
            %scatter3A_1677 = tpu.memref_squeeze %scatter3A_1676 : memref<1x1x200x64xf32, #tpu.memory_space<vmem>> -> memref<200x64xf32, #tpu.memory_space<vmem>>
            tpu.vector_store_idx %scatter3A_1677[%add3A_1534, %broadcast_in_dim3A_1671], %broadcast_in_dim3A_1497 masked %eq3A_1524 : memref<200x64xf32, #tpu.memory_space<vmem>>[vector<16xi32>, vector<16xi32>], vector<16xf32>, vector<16xi1>
            %broadcast_in_dim3A_1678 = arith.constant 18 : i32
            %broadcast_in_dim3A_1679 = vector.broadcast %broadcast_in_dim3A_1678 : i32 to vector<16xi32>
            %scatter3A_1680 = arith.constant 0 : i32
            %scatter3A_1681 = arith.constant 1 : i32
            %scatter3A_1682 = arith.constant 0 : i32
            %scatter3A_1683 = arith.constant 0 : i32
            %scatter3A_1684 = tpu.memref_slice %arg7[%scatter3A_1680, %scatter3A_1681, %scatter3A_1682, %scatter3A_1683] : memref<2x2x200x64xf32, #tpu.memory_space<vmem>> -> memref<1x1x200x64xf32, #tpu.memory_space<vmem>>
            %scatter3A_1685 = tpu.memref_squeeze %scatter3A_1684 : memref<1x1x200x64xf32, #tpu.memory_space<vmem>> -> memref<200x64xf32, #tpu.memory_space<vmem>>
            tpu.vector_store_idx %scatter3A_1685[%add3A_1534, %broadcast_in_dim3A_1679], %broadcast_in_dim3A_1497 masked %eq3A_1524 : memref<200x64xf32, #tpu.memory_space<vmem>>[vector<16xi32>, vector<16xi32>], vector<16xf32>, vector<16xi1>
            %broadcast_in_dim3A_1686 = arith.constant 19 : i32
            %broadcast_in_dim3A_1687 = vector.broadcast %broadcast_in_dim3A_1686 : i32 to vector<16xi32>
            %scatter3A_1688 = arith.constant 0 : i32
            %scatter3A_1689 = arith.constant 1 : i32
            %scatter3A_1690 = arith.constant 0 : i32
            %scatter3A_1691 = arith.constant 0 : i32
            %scatter3A_1692 = tpu.memref_slice %arg7[%scatter3A_1688, %scatter3A_1689, %scatter3A_1690, %scatter3A_1691] : memref<2x2x200x64xf32, #tpu.memory_space<vmem>> -> memref<1x1x200x64xf32, #tpu.memory_space<vmem>>
            %scatter3A_1693 = tpu.memref_squeeze %scatter3A_1692 : memref<1x1x200x64xf32, #tpu.memory_space<vmem>> -> memref<200x64xf32, #tpu.memory_space<vmem>>
            tpu.vector_store_idx %scatter3A_1693[%add3A_1534, %broadcast_in_dim3A_1687], %broadcast_in_dim3A_1497 masked %eq3A_1524 : memref<200x64xf32, #tpu.memory_space<vmem>>[vector<16xi32>, vector<16xi32>], vector<16xf32>, vector<16xi1>
            %broadcast_in_dim3A_1694 = arith.constant 20 : i32
            %broadcast_in_dim3A_1695 = vector.broadcast %broadcast_in_dim3A_1694 : i32 to vector<16xi32>
            %scatter3A_1696 = arith.constant 0 : i32
            %scatter3A_1697 = arith.constant 1 : i32
            %scatter3A_1698 = arith.constant 0 : i32
            %scatter3A_1699 = arith.constant 0 : i32
            %scatter3A_1700 = tpu.memref_slice %arg7[%scatter3A_1696, %scatter3A_1697, %scatter3A_1698, %scatter3A_1699] : memref<2x2x200x64xf32, #tpu.memory_space<vmem>> -> memref<1x1x200x64xf32, #tpu.memory_space<vmem>>
            %scatter3A_1701 = tpu.memref_squeeze %scatter3A_1700 : memref<1x1x200x64xf32, #tpu.memory_space<vmem>> -> memref<200x64xf32, #tpu.memory_space<vmem>>
            tpu.vector_store_idx %scatter3A_1701[%add3A_1534, %broadcast_in_dim3A_1695], %broadcast_in_dim3A_1497 masked %eq3A_1524 : memref<200x64xf32, #tpu.memory_space<vmem>>[vector<16xi32>, vector<16xi32>], vector<16xf32>, vector<16xi1>
            %broadcast_in_dim3A_1702 = arith.constant 21 : i32
            %broadcast_in_dim3A_1703 = vector.broadcast %broadcast_in_dim3A_1702 : i32 to vector<16xi32>
            %scatter3A_1704 = arith.constant 0 : i32
            %scatter3A_1705 = arith.constant 1 : i32
            %scatter3A_1706 = arith.constant 0 : i32
            %scatter3A_1707 = arith.constant 0 : i32
            %scatter3A_1708 = tpu.memref_slice %arg7[%scatter3A_1704, %scatter3A_1705, %scatter3A_1706, %scatter3A_1707] : memref<2x2x200x64xf32, #tpu.memory_space<vmem>> -> memref<1x1x200x64xf32, #tpu.memory_space<vmem>>
            %scatter3A_1709 = tpu.memref_squeeze %scatter3A_1708 : memref<1x1x200x64xf32, #tpu.memory_space<vmem>> -> memref<200x64xf32, #tpu.memory_space<vmem>>
            tpu.vector_store_idx %scatter3A_1709[%add3A_1534, %broadcast_in_dim3A_1703], %broadcast_in_dim3A_1497 masked %eq3A_1524 : memref<200x64xf32, #tpu.memory_space<vmem>>[vector<16xi32>, vector<16xi32>], vector<16xf32>, vector<16xi1>
            %broadcast_in_dim3A_1710 = arith.constant 22 : i32
            %broadcast_in_dim3A_1711 = vector.broadcast %broadcast_in_dim3A_1710 : i32 to vector<16xi32>
            %scatter3A_1712 = arith.constant 0 : i32
            %scatter3A_1713 = arith.constant 1 : i32
            %scatter3A_1714 = arith.constant 0 : i32
            %scatter3A_1715 = arith.constant 0 : i32
            %scatter3A_1716 = tpu.memref_slice %arg7[%scatter3A_1712, %scatter3A_1713, %scatter3A_1714, %scatter3A_1715] : memref<2x2x200x64xf32, #tpu.memory_space<vmem>> -> memref<1x1x200x64xf32, #tpu.memory_space<vmem>>
            %scatter3A_1717 = tpu.memref_squeeze %scatter3A_1716 : memref<1x1x200x64xf32, #tpu.memory_space<vmem>> -> memref<200x64xf32, #tpu.memory_space<vmem>>
            tpu.vector_store_idx %scatter3A_1717[%add3A_1534, %broadcast_in_dim3A_1711], %broadcast_in_dim3A_1497 masked %eq3A_1524 : memref<200x64xf32, #tpu.memory_space<vmem>>[vector<16xi32>, vector<16xi32>], vector<16xf32>, vector<16xi1>
            %broadcast_in_dim3A_1718 = arith.constant 23 : i32
            %broadcast_in_dim3A_1719 = vector.broadcast %broadcast_in_dim3A_1718 : i32 to vector<16xi32>
            %scatter3A_1720 = arith.constant 0 : i32
            %scatter3A_1721 = arith.constant 1 : i32
            %scatter3A_1722 = arith.constant 0 : i32
            %scatter3A_1723 = arith.constant 0 : i32
            %scatter3A_1724 = tpu.memref_slice %arg7[%scatter3A_1720, %scatter3A_1721, %scatter3A_1722, %scatter3A_1723] : memref<2x2x200x64xf32, #tpu.memory_space<vmem>> -> memref<1x1x200x64xf32, #tpu.memory_space<vmem>>
            %scatter3A_1725 = tpu.memref_squeeze %scatter3A_1724 : memref<1x1x200x64xf32, #tpu.memory_space<vmem>> -> memref<200x64xf32, #tpu.memory_space<vmem>>
            tpu.vector_store_idx %scatter3A_1725[%add3A_1534, %broadcast_in_dim3A_1719], %broadcast_in_dim3A_1497 masked %eq3A_1524 : memref<200x64xf32, #tpu.memory_space<vmem>>[vector<16xi32>, vector<16xi32>], vector<16xf32>, vector<16xi1>
            %broadcast_in_dim3A_1726 = arith.constant 24 : i32
            %broadcast_in_dim3A_1727 = vector.broadcast %broadcast_in_dim3A_1726 : i32 to vector<16xi32>
            %scatter3A_1728 = arith.constant 0 : i32
            %scatter3A_1729 = arith.constant 1 : i32
            %scatter3A_1730 = arith.constant 0 : i32
            %scatter3A_1731 = arith.constant 0 : i32
            %scatter3A_1732 = tpu.memref_slice %arg7[%scatter3A_1728, %scatter3A_1729, %scatter3A_1730, %scatter3A_1731] : memref<2x2x200x64xf32, #tpu.memory_space<vmem>> -> memref<1x1x200x64xf32, #tpu.memory_space<vmem>>
            %scatter3A_1733 = tpu.memref_squeeze %scatter3A_1732 : memref<1x1x200x64xf32, #tpu.memory_space<vmem>> -> memref<200x64xf32, #tpu.memory_space<vmem>>
            tpu.vector_store_idx %scatter3A_1733[%add3A_1534, %broadcast_in_dim3A_1727], %broadcast_in_dim3A_1497 masked %eq3A_1524 : memref<200x64xf32, #tpu.memory_space<vmem>>[vector<16xi32>, vector<16xi32>], vector<16xf32>, vector<16xi1>
            %broadcast_in_dim3A_1734 = arith.constant 25 : i32
            %broadcast_in_dim3A_1735 = vector.broadcast %broadcast_in_dim3A_1734 : i32 to vector<16xi32>
            %scatter3A_1736 = arith.constant 0 : i32
            %scatter3A_1737 = arith.constant 1 : i32
            %scatter3A_1738 = arith.constant 0 : i32
            %scatter3A_1739 = arith.constant 0 : i32
            %scatter3A_1740 = tpu.memref_slice %arg7[%scatter3A_1736, %scatter3A_1737, %scatter3A_1738, %scatter3A_1739] : memref<2x2x200x64xf32, #tpu.memory_space<vmem>> -> memref<1x1x200x64xf32, #tpu.memory_space<vmem>>
            %scatter3A_1741 = tpu.memref_squeeze %scatter3A_1740 : memref<1x1x200x64xf32, #tpu.memory_space<vmem>> -> memref<200x64xf32, #tpu.memory_space<vmem>>
            tpu.vector_store_idx %scatter3A_1741[%add3A_1534, %broadcast_in_dim3A_1735], %broadcast_in_dim3A_1497 masked %eq3A_1524 : memref<200x64xf32, #tpu.memory_space<vmem>>[vector<16xi32>, vector<16xi32>], vector<16xf32>, vector<16xi1>
            %broadcast_in_dim3A_1742 = arith.constant 26 : i32
            %broadcast_in_dim3A_1743 = vector.broadcast %broadcast_in_dim3A_1742 : i32 to vector<16xi32>
            %scatter3A_1744 = arith.constant 0 : i32
            %scatter3A_1745 = arith.constant 1 : i32
            %scatter3A_1746 = arith.constant 0 : i32
            %scatter3A_1747 = arith.constant 0 : i32
            %scatter3A_1748 = tpu.memref_slice %arg7[%scatter3A_1744, %scatter3A_1745, %scatter3A_1746, %scatter3A_1747] : memref<2x2x200x64xf32, #tpu.memory_space<vmem>> -> memref<1x1x200x64xf32, #tpu.memory_space<vmem>>
            %scatter3A_1749 = tpu.memref_squeeze %scatter3A_1748 : memref<1x1x200x64xf32, #tpu.memory_space<vmem>> -> memref<200x64xf32, #tpu.memory_space<vmem>>
            tpu.vector_store_idx %scatter3A_1749[%add3A_1534, %broadcast_in_dim3A_1743], %broadcast_in_dim3A_1497 masked %eq3A_1524 : memref<200x64xf32, #tpu.memory_space<vmem>>[vector<16xi32>, vector<16xi32>], vector<16xf32>, vector<16xi1>
            %broadcast_in_dim3A_1750 = arith.constant 27 : i32
            %broadcast_in_dim3A_1751 = vector.broadcast %broadcast_in_dim3A_1750 : i32 to vector<16xi32>
            %scatter3A_1752 = arith.constant 0 : i32
            %scatter3A_1753 = arith.constant 1 : i32
            %scatter3A_1754 = arith.constant 0 : i32
            %scatter3A_1755 = arith.constant 0 : i32
            %scatter3A_1756 = tpu.memref_slice %arg7[%scatter3A_1752, %scatter3A_1753, %scatter3A_1754, %scatter3A_1755] : memref<2x2x200x64xf32, #tpu.memory_space<vmem>> -> memref<1x1x200x64xf32, #tpu.memory_space<vmem>>
            %scatter3A_1757 = tpu.memref_squeeze %scatter3A_1756 : memref<1x1x200x64xf32, #tpu.memory_space<vmem>> -> memref<200x64xf32, #tpu.memory_space<vmem>>
            tpu.vector_store_idx %scatter3A_1757[%add3A_1534, %broadcast_in_dim3A_1751], %broadcast_in_dim3A_1497 masked %eq3A_1524 : memref<200x64xf32, #tpu.memory_space<vmem>>[vector<16xi32>, vector<16xi32>], vector<16xf32>, vector<16xi1>
            %broadcast_in_dim3A_1758 = arith.constant 28 : i32
            %broadcast_in_dim3A_1759 = vector.broadcast %broadcast_in_dim3A_1758 : i32 to vector<16xi32>
            %scatter3A_1760 = arith.constant 0 : i32
            %scatter3A_1761 = arith.constant 1 : i32
            %scatter3A_1762 = arith.constant 0 : i32
            %scatter3A_1763 = arith.constant 0 : i32
            %scatter3A_1764 = tpu.memref_slice %arg7[%scatter3A_1760, %scatter3A_1761, %scatter3A_1762, %scatter3A_1763] : memref<2x2x200x64xf32, #tpu.memory_space<vmem>> -> memref<1x1x200x64xf32, #tpu.memory_space<vmem>>
            %scatter3A_1765 = tpu.memref_squeeze %scatter3A_1764 : memref<1x1x200x64xf32, #tpu.memory_space<vmem>> -> memref<200x64xf32, #tpu.memory_space<vmem>>
            tpu.vector_store_idx %scatter3A_1765[%add3A_1534, %broadcast_in_dim3A_1759], %broadcast_in_dim3A_1497 masked %eq3A_1524 : memref<200x64xf32, #tpu.memory_space<vmem>>[vector<16xi32>, vector<16xi32>], vector<16xf32>, vector<16xi1>
            %broadcast_in_dim3A_1766 = arith.constant 29 : i32
            %broadcast_in_dim3A_1767 = vector.broadcast %broadcast_in_dim3A_1766 : i32 to vector<16xi32>
            %scatter3A_1768 = arith.constant 0 : i32
            %scatter3A_1769 = arith.constant 1 : i32
            %scatter3A_1770 = arith.constant 0 : i32
            %scatter3A_1771 = arith.constant 0 : i32
            %scatter3A_1772 = tpu.memref_slice %arg7[%scatter3A_1768, %scatter3A_1769, %scatter3A_1770, %scatter3A_1771] : memref<2x2x200x64xf32, #tpu.memory_space<vmem>> -> memref<1x1x200x64xf32, #tpu.memory_space<vmem>>
            %scatter3A_1773 = tpu.memref_squeeze %scatter3A_1772 : memref<1x1x200x64xf32, #tpu.memory_space<vmem>> -> memref<200x64xf32, #tpu.memory_space<vmem>>
            tpu.vector_store_idx %scatter3A_1773[%add3A_1534, %broadcast_in_dim3A_1767], %broadcast_in_dim3A_1497 masked %eq3A_1524 : memref<200x64xf32, #tpu.memory_space<vmem>>[vector<16xi32>, vector<16xi32>], vector<16xf32>, vector<16xi1>
            %broadcast_in_dim3A_1774 = arith.constant 30 : i32
            %broadcast_in_dim3A_1775 = vector.broadcast %broadcast_in_dim3A_1774 : i32 to vector<16xi32>
            %scatter3A_1776 = arith.constant 0 : i32
            %scatter3A_1777 = arith.constant 1 : i32
            %scatter3A_1778 = arith.constant 0 : i32
            %scatter3A_1779 = arith.constant 0 : i32
            %scatter3A_1780 = tpu.memref_slice %arg7[%scatter3A_1776, %scatter3A_1777, %scatter3A_1778, %scatter3A_1779] : memref<2x2x200x64xf32, #tpu.memory_space<vmem>> -> memref<1x1x200x64xf32, #tpu.memory_space<vmem>>
            %scatter3A_1781 = tpu.memref_squeeze %scatter3A_1780 : memref<1x1x200x64xf32, #tpu.memory_space<vmem>> -> memref<200x64xf32, #tpu.memory_space<vmem>>
            tpu.vector_store_idx %scatter3A_1781[%add3A_1534, %broadcast_in_dim3A_1775], %broadcast_in_dim3A_1497 masked %eq3A_1524 : memref<200x64xf32, #tpu.memory_space<vmem>>[vector<16xi32>, vector<16xi32>], vector<16xf32>, vector<16xi1>
            %broadcast_in_dim3A_1782 = arith.constant 31 : i32
            %broadcast_in_dim3A_1783 = vector.broadcast %broadcast_in_dim3A_1782 : i32 to vector<16xi32>
            %scatter3A_1784 = arith.constant 0 : i32
            %scatter3A_1785 = arith.constant 1 : i32
            %scatter3A_1786 = arith.constant 0 : i32
            %scatter3A_1787 = arith.constant 0 : i32
            %scatter3A_1788 = tpu.memref_slice %arg7[%scatter3A_1784, %scatter3A_1785, %scatter3A_1786, %scatter3A_1787] : memref<2x2x200x64xf32, #tpu.memory_space<vmem>> -> memref<1x1x200x64xf32, #tpu.memory_space<vmem>>
            %scatter3A_1789 = tpu.memref_squeeze %scatter3A_1788 : memref<1x1x200x64xf32, #tpu.memory_space<vmem>> -> memref<200x64xf32, #tpu.memory_space<vmem>>
            tpu.vector_store_idx %scatter3A_1789[%add3A_1534, %broadcast_in_dim3A_1783], %broadcast_in_dim3A_1497 masked %eq3A_1524 : memref<200x64xf32, #tpu.memory_space<vmem>>[vector<16xi32>, vector<16xi32>], vector<16xf32>, vector<16xi1>
            %broadcast_in_dim3A_1790 = arith.constant 32 : i32
            %broadcast_in_dim3A_1791 = vector.broadcast %broadcast_in_dim3A_1790 : i32 to vector<16xi32>
            %scatter3A_1792 = arith.constant 0 : i32
            %scatter3A_1793 = arith.constant 1 : i32
            %scatter3A_1794 = arith.constant 0 : i32
            %scatter3A_1795 = arith.constant 0 : i32
            %scatter3A_1796 = tpu.memref_slice %arg7[%scatter3A_1792, %scatter3A_1793, %scatter3A_1794, %scatter3A_1795] : memref<2x2x200x64xf32, #tpu.memory_space<vmem>> -> memref<1x1x200x64xf32, #tpu.memory_space<vmem>>
            %scatter3A_1797 = tpu.memref_squeeze %scatter3A_1796 : memref<1x1x200x64xf32, #tpu.memory_space<vmem>> -> memref<200x64xf32, #tpu.memory_space<vmem>>
            tpu.vector_store_idx %scatter3A_1797[%add3A_1534, %broadcast_in_dim3A_1791], %broadcast_in_dim3A_1497 masked %eq3A_1524 : memref<200x64xf32, #tpu.memory_space<vmem>>[vector<16xi32>, vector<16xi32>], vector<16xf32>, vector<16xi1>
            %broadcast_in_dim3A_1798 = arith.constant 33 : i32
            %broadcast_in_dim3A_1799 = vector.broadcast %broadcast_in_dim3A_1798 : i32 to vector<16xi32>
            %scatter3A_1800 = arith.constant 0 : i32
            %scatter3A_1801 = arith.constant 1 : i32
            %scatter3A_1802 = arith.constant 0 : i32
            %scatter3A_1803 = arith.constant 0 : i32
            %scatter3A_1804 = tpu.memref_slice %arg7[%scatter3A_1800, %scatter3A_1801, %scatter3A_1802, %scatter3A_1803] : memref<2x2x200x64xf32, #tpu.memory_space<vmem>> -> memref<1x1x200x64xf32, #tpu.memory_space<vmem>>
            %scatter3A_1805 = tpu.memref_squeeze %scatter3A_1804 : memref<1x1x200x64xf32, #tpu.memory_space<vmem>> -> memref<200x64xf32, #tpu.memory_space<vmem>>
            tpu.vector_store_idx %scatter3A_1805[%add3A_1534, %broadcast_in_dim3A_1799], %broadcast_in_dim3A_1497 masked %eq3A_1524 : memref<200x64xf32, #tpu.memory_space<vmem>>[vector<16xi32>, vector<16xi32>], vector<16xf32>, vector<16xi1>
            %broadcast_in_dim3A_1806 = arith.constant 34 : i32
            %broadcast_in_dim3A_1807 = vector.broadcast %broadcast_in_dim3A_1806 : i32 to vector<16xi32>
            %scatter3A_1808 = arith.constant 0 : i32
            %scatter3A_1809 = arith.constant 1 : i32
            %scatter3A_1810 = arith.constant 0 : i32
            %scatter3A_1811 = arith.constant 0 : i32
            %scatter3A_1812 = tpu.memref_slice %arg7[%scatter3A_1808, %scatter3A_1809, %scatter3A_1810, %scatter3A_1811] : memref<2x2x200x64xf32, #tpu.memory_space<vmem>> -> memref<1x1x200x64xf32, #tpu.memory_space<vmem>>
            %scatter3A_1813 = tpu.memref_squeeze %scatter3A_1812 : memref<1x1x200x64xf32, #tpu.memory_space<vmem>> -> memref<200x64xf32, #tpu.memory_space<vmem>>
            tpu.vector_store_idx %scatter3A_1813[%add3A_1534, %broadcast_in_dim3A_1807], %broadcast_in_dim3A_1497 masked %eq3A_1524 : memref<200x64xf32, #tpu.memory_space<vmem>>[vector<16xi32>, vector<16xi32>], vector<16xf32>, vector<16xi1>
            %broadcast_in_dim3A_1814 = arith.constant 35 : i32
            %broadcast_in_dim3A_1815 = vector.broadcast %broadcast_in_dim3A_1814 : i32 to vector<16xi32>
            %scatter3A_1816 = arith.constant 0 : i32
            %scatter3A_1817 = arith.constant 1 : i32
            %scatter3A_1818 = arith.constant 0 : i32
            %scatter3A_1819 = arith.constant 0 : i32
            %scatter3A_1820 = tpu.memref_slice %arg7[%scatter3A_1816, %scatter3A_1817, %scatter3A_1818, %scatter3A_1819] : memref<2x2x200x64xf32, #tpu.memory_space<vmem>> -> memref<1x1x200x64xf32, #tpu.memory_space<vmem>>
            %scatter3A_1821 = tpu.memref_squeeze %scatter3A_1820 : memref<1x1x200x64xf32, #tpu.memory_space<vmem>> -> memref<200x64xf32, #tpu.memory_space<vmem>>
            tpu.vector_store_idx %scatter3A_1821[%add3A_1534, %broadcast_in_dim3A_1815], %broadcast_in_dim3A_1497 masked %eq3A_1524 : memref<200x64xf32, #tpu.memory_space<vmem>>[vector<16xi32>, vector<16xi32>], vector<16xf32>, vector<16xi1>
            %broadcast_in_dim3A_1822 = arith.constant 36 : i32
            %broadcast_in_dim3A_1823 = vector.broadcast %broadcast_in_dim3A_1822 : i32 to vector<16xi32>
            %scatter3A_1824 = arith.constant 0 : i32
            %scatter3A_1825 = arith.constant 1 : i32
            %scatter3A_1826 = arith.constant 0 : i32
            %scatter3A_1827 = arith.constant 0 : i32
            %scatter3A_1828 = tpu.memref_slice %arg7[%scatter3A_1824, %scatter3A_1825, %scatter3A_1826, %scatter3A_1827] : memref<2x2x200x64xf32, #tpu.memory_space<vmem>> -> memref<1x1x200x64xf32, #tpu.memory_space<vmem>>
            %scatter3A_1829 = tpu.memref_squeeze %scatter3A_1828 : memref<1x1x200x64xf32, #tpu.memory_space<vmem>> -> memref<200x64xf32, #tpu.memory_space<vmem>>
            tpu.vector_store_idx %scatter3A_1829[%add3A_1534, %broadcast_in_dim3A_1823], %broadcast_in_dim3A_1497 masked %eq3A_1524 : memref<200x64xf32, #tpu.memory_space<vmem>>[vector<16xi32>, vector<16xi32>], vector<16xf32>, vector<16xi1>
            %broadcast_in_dim3A_1830 = arith.constant 37 : i32
            %broadcast_in_dim3A_1831 = vector.broadcast %broadcast_in_dim3A_1830 : i32 to vector<16xi32>
            %scatter3A_1832 = arith.constant 0 : i32
            %scatter3A_1833 = arith.constant 1 : i32
            %scatter3A_1834 = arith.constant 0 : i32
            %scatter3A_1835 = arith.constant 0 : i32
            %scatter3A_1836 = tpu.memref_slice %arg7[%scatter3A_1832, %scatter3A_1833, %scatter3A_1834, %scatter3A_1835] : memref<2x2x200x64xf32, #tpu.memory_space<vmem>> -> memref<1x1x200x64xf32, #tpu.memory_space<vmem>>
            %scatter3A_1837 = tpu.memref_squeeze %scatter3A_1836 : memref<1x1x200x64xf32, #tpu.memory_space<vmem>> -> memref<200x64xf32, #tpu.memory_space<vmem>>
            tpu.vector_store_idx %scatter3A_1837[%add3A_1534, %broadcast_in_dim3A_1831], %broadcast_in_dim3A_1497 masked %eq3A_1524 : memref<200x64xf32, #tpu.memory_space<vmem>>[vector<16xi32>, vector<16xi32>], vector<16xf32>, vector<16xi1>
            %broadcast_in_dim3A_1838 = arith.constant 38 : i32
            %broadcast_in_dim3A_1839 = vector.broadcast %broadcast_in_dim3A_1838 : i32 to vector<16xi32>
            %scatter3A_1840 = arith.constant 0 : i32
            %scatter3A_1841 = arith.constant 1 : i32
            %scatter3A_1842 = arith.constant 0 : i32
            %scatter3A_1843 = arith.constant 0 : i32
            %scatter3A_1844 = tpu.memref_slice %arg7[%scatter3A_1840, %scatter3A_1841, %scatter3A_1842, %scatter3A_1843] : memref<2x2x200x64xf32, #tpu.memory_space<vmem>> -> memref<1x1x200x64xf32, #tpu.memory_space<vmem>>
            %scatter3A_1845 = tpu.memref_squeeze %scatter3A_1844 : memref<1x1x200x64xf32, #tpu.memory_space<vmem>> -> memref<200x64xf32, #tpu.memory_space<vmem>>
            tpu.vector_store_idx %scatter3A_1845[%add3A_1534, %broadcast_in_dim3A_1839], %broadcast_in_dim3A_1497 masked %eq3A_1524 : memref<200x64xf32, #tpu.memory_space<vmem>>[vector<16xi32>, vector<16xi32>], vector<16xf32>, vector<16xi1>
            %broadcast_in_dim3A_1846 = arith.constant 39 : i32
            %broadcast_in_dim3A_1847 = vector.broadcast %broadcast_in_dim3A_1846 : i32 to vector<16xi32>
            %scatter3A_1848 = arith.constant 0 : i32
            %scatter3A_1849 = arith.constant 1 : i32
            %scatter3A_1850 = arith.constant 0 : i32
            %scatter3A_1851 = arith.constant 0 : i32
            %scatter3A_1852 = tpu.memref_slice %arg7[%scatter3A_1848, %scatter3A_1849, %scatter3A_1850, %scatter3A_1851] : memref<2x2x200x64xf32, #tpu.memory_space<vmem>> -> memref<1x1x200x64xf32, #tpu.memory_space<vmem>>
            %scatter3A_1853 = tpu.memref_squeeze %scatter3A_1852 : memref<1x1x200x64xf32, #tpu.memory_space<vmem>> -> memref<200x64xf32, #tpu.memory_space<vmem>>
            tpu.vector_store_idx %scatter3A_1853[%add3A_1534, %broadcast_in_dim3A_1847], %broadcast_in_dim3A_1497 masked %eq3A_1524 : memref<200x64xf32, #tpu.memory_space<vmem>>[vector<16xi32>, vector<16xi32>], vector<16xf32>, vector<16xi1>
            %broadcast_in_dim3A_1854 = arith.constant 40 : i32
            %broadcast_in_dim3A_1855 = vector.broadcast %broadcast_in_dim3A_1854 : i32 to vector<16xi32>
            %scatter3A_1856 = arith.constant 0 : i32
            %scatter3A_1857 = arith.constant 1 : i32
            %scatter3A_1858 = arith.constant 0 : i32
            %scatter3A_1859 = arith.constant 0 : i32
            %scatter3A_1860 = tpu.memref_slice %arg7[%scatter3A_1856, %scatter3A_1857, %scatter3A_1858, %scatter3A_1859] : memref<2x2x200x64xf32, #tpu.memory_space<vmem>> -> memref<1x1x200x64xf32, #tpu.memory_space<vmem>>
            %scatter3A_1861 = tpu.memref_squeeze %scatter3A_1860 : memref<1x1x200x64xf32, #tpu.memory_space<vmem>> -> memref<200x64xf32, #tpu.memory_space<vmem>>
            tpu.vector_store_idx %scatter3A_1861[%add3A_1534, %broadcast_in_dim3A_1855], %broadcast_in_dim3A_1497 masked %eq3A_1524 : memref<200x64xf32, #tpu.memory_space<vmem>>[vector<16xi32>, vector<16xi32>], vector<16xf32>, vector<16xi1>
            %broadcast_in_dim3A_1862 = arith.constant 41 : i32
            %broadcast_in_dim3A_1863 = vector.broadcast %broadcast_in_dim3A_1862 : i32 to vector<16xi32>
            %scatter3A_1864 = arith.constant 0 : i32
            %scatter3A_1865 = arith.constant 1 : i32
            %scatter3A_1866 = arith.constant 0 : i32
            %scatter3A_1867 = arith.constant 0 : i32
            %scatter3A_1868 = tpu.memref_slice %arg7[%scatter3A_1864, %scatter3A_1865, %scatter3A_1866, %scatter3A_1867] : memref<2x2x200x64xf32, #tpu.memory_space<vmem>> -> memref<1x1x200x64xf32, #tpu.memory_space<vmem>>
            %scatter3A_1869 = tpu.memref_squeeze %scatter3A_1868 : memref<1x1x200x64xf32, #tpu.memory_space<vmem>> -> memref<200x64xf32, #tpu.memory_space<vmem>>
            tpu.vector_store_idx %scatter3A_1869[%add3A_1534, %broadcast_in_dim3A_1863], %broadcast_in_dim3A_1497 masked %eq3A_1524 : memref<200x64xf32, #tpu.memory_space<vmem>>[vector<16xi32>, vector<16xi32>], vector<16xf32>, vector<16xi1>
            %broadcast_in_dim3A_1870 = arith.constant 42 : i32
            %broadcast_in_dim3A_1871 = vector.broadcast %broadcast_in_dim3A_1870 : i32 to vector<16xi32>
            %scatter3A_1872 = arith.constant 0 : i32
            %scatter3A_1873 = arith.constant 1 : i32
            %scatter3A_1874 = arith.constant 0 : i32
            %scatter3A_1875 = arith.constant 0 : i32
            %scatter3A_1876 = tpu.memref_slice %arg7[%scatter3A_1872, %scatter3A_1873, %scatter3A_1874, %scatter3A_1875] : memref<2x2x200x64xf32, #tpu.memory_space<vmem>> -> memref<1x1x200x64xf32, #tpu.memory_space<vmem>>
            %scatter3A_1877 = tpu.memref_squeeze %scatter3A_1876 : memref<1x1x200x64xf32, #tpu.memory_space<vmem>> -> memref<200x64xf32, #tpu.memory_space<vmem>>
            tpu.vector_store_idx %scatter3A_1877[%add3A_1534, %broadcast_in_dim3A_1871], %broadcast_in_dim3A_1497 masked %eq3A_1524 : memref<200x64xf32, #tpu.memory_space<vmem>>[vector<16xi32>, vector<16xi32>], vector<16xf32>, vector<16xi1>
            %broadcast_in_dim3A_1878 = arith.constant 43 : i32
            %broadcast_in_dim3A_1879 = vector.broadcast %broadcast_in_dim3A_1878 : i32 to vector<16xi32>
            %scatter3A_1880 = arith.constant 0 : i32
            %scatter3A_1881 = arith.constant 1 : i32
            %scatter3A_1882 = arith.constant 0 : i32
            %scatter3A_1883 = arith.constant 0 : i32
            %scatter3A_1884 = tpu.memref_slice %arg7[%scatter3A_1880, %scatter3A_1881, %scatter3A_1882, %scatter3A_1883] : memref<2x2x200x64xf32, #tpu.memory_space<vmem>> -> memref<1x1x200x64xf32, #tpu.memory_space<vmem>>
            %scatter3A_1885 = tpu.memref_squeeze %scatter3A_1884 : memref<1x1x200x64xf32, #tpu.memory_space<vmem>> -> memref<200x64xf32, #tpu.memory_space<vmem>>
            tpu.vector_store_idx %scatter3A_1885[%add3A_1534, %broadcast_in_dim3A_1879], %broadcast_in_dim3A_1497 masked %eq3A_1524 : memref<200x64xf32, #tpu.memory_space<vmem>>[vector<16xi32>, vector<16xi32>], vector<16xf32>, vector<16xi1>
            %broadcast_in_dim3A_1886 = arith.constant 44 : i32
            %broadcast_in_dim3A_1887 = vector.broadcast %broadcast_in_dim3A_1886 : i32 to vector<16xi32>
            %scatter3A_1888 = arith.constant 0 : i32
            %scatter3A_1889 = arith.constant 1 : i32
            %scatter3A_1890 = arith.constant 0 : i32
            %scatter3A_1891 = arith.constant 0 : i32
            %scatter3A_1892 = tpu.memref_slice %arg7[%scatter3A_1888, %scatter3A_1889, %scatter3A_1890, %scatter3A_1891] : memref<2x2x200x64xf32, #tpu.memory_space<vmem>> -> memref<1x1x200x64xf32, #tpu.memory_space<vmem>>
            %scatter3A_1893 = tpu.memref_squeeze %scatter3A_1892 : memref<1x1x200x64xf32, #tpu.memory_space<vmem>> -> memref<200x64xf32, #tpu.memory_space<vmem>>
            tpu.vector_store_idx %scatter3A_1893[%add3A_1534, %broadcast_in_dim3A_1887], %broadcast_in_dim3A_1497 masked %eq3A_1524 : memref<200x64xf32, #tpu.memory_space<vmem>>[vector<16xi32>, vector<16xi32>], vector<16xf32>, vector<16xi1>
            %broadcast_in_dim3A_1894 = arith.constant 45 : i32
            %broadcast_in_dim3A_1895 = vector.broadcast %broadcast_in_dim3A_1894 : i32 to vector<16xi32>
            %scatter3A_1896 = arith.constant 0 : i32
            %scatter3A_1897 = arith.constant 1 : i32
            %scatter3A_1898 = arith.constant 0 : i32
            %scatter3A_1899 = arith.constant 0 : i32
            %scatter3A_1900 = tpu.memref_slice %arg7[%scatter3A_1896, %scatter3A_1897, %scatter3A_1898, %scatter3A_1899] : memref<2x2x200x64xf32, #tpu.memory_space<vmem>> -> memref<1x1x200x64xf32, #tpu.memory_space<vmem>>
            %scatter3A_1901 = tpu.memref_squeeze %scatter3A_1900 : memref<1x1x200x64xf32, #tpu.memory_space<vmem>> -> memref<200x64xf32, #tpu.memory_space<vmem>>
            tpu.vector_store_idx %scatter3A_1901[%add3A_1534, %broadcast_in_dim3A_1895], %broadcast_in_dim3A_1497 masked %eq3A_1524 : memref<200x64xf32, #tpu.memory_space<vmem>>[vector<16xi32>, vector<16xi32>], vector<16xf32>, vector<16xi1>
            %broadcast_in_dim3A_1902 = arith.constant 46 : i32
            %broadcast_in_dim3A_1903 = vector.broadcast %broadcast_in_dim3A_1902 : i32 to vector<16xi32>
            %scatter3A_1904 = arith.constant 0 : i32
            %scatter3A_1905 = arith.constant 1 : i32
            %scatter3A_1906 = arith.constant 0 : i32
            %scatter3A_1907 = arith.constant 0 : i32
            %scatter3A_1908 = tpu.memref_slice %arg7[%scatter3A_1904, %scatter3A_1905, %scatter3A_1906, %scatter3A_1907] : memref<2x2x200x64xf32, #tpu.memory_space<vmem>> -> memref<1x1x200x64xf32, #tpu.memory_space<vmem>>
            %scatter3A_1909 = tpu.memref_squeeze %scatter3A_1908 : memref<1x1x200x64xf32, #tpu.memory_space<vmem>> -> memref<200x64xf32, #tpu.memory_space<vmem>>
            tpu.vector_store_idx %scatter3A_1909[%add3A_1534, %broadcast_in_dim3A_1903], %broadcast_in_dim3A_1497 masked %eq3A_1524 : memref<200x64xf32, #tpu.memory_space<vmem>>[vector<16xi32>, vector<16xi32>], vector<16xf32>, vector<16xi1>
            %broadcast_in_dim3A_1910 = arith.constant 47 : i32
            %broadcast_in_dim3A_1911 = vector.broadcast %broadcast_in_dim3A_1910 : i32 to vector<16xi32>
            %scatter3A_1912 = arith.constant 0 : i32
            %scatter3A_1913 = arith.constant 1 : i32
            %scatter3A_1914 = arith.constant 0 : i32
            %scatter3A_1915 = arith.constant 0 : i32
            %scatter3A_1916 = tpu.memref_slice %arg7[%scatter3A_1912, %scatter3A_1913, %scatter3A_1914, %scatter3A_1915] : memref<2x2x200x64xf32, #tpu.memory_space<vmem>> -> memref<1x1x200x64xf32, #tpu.memory_space<vmem>>
            %scatter3A_1917 = tpu.memref_squeeze %scatter3A_1916 : memref<1x1x200x64xf32, #tpu.memory_space<vmem>> -> memref<200x64xf32, #tpu.memory_space<vmem>>
            tpu.vector_store_idx %scatter3A_1917[%add3A_1534, %broadcast_in_dim3A_1911], %broadcast_in_dim3A_1497 masked %eq3A_1524 : memref<200x64xf32, #tpu.memory_space<vmem>>[vector<16xi32>, vector<16xi32>], vector<16xf32>, vector<16xi1>
            %broadcast_in_dim3A_1918 = arith.constant 48 : i32
            %broadcast_in_dim3A_1919 = vector.broadcast %broadcast_in_dim3A_1918 : i32 to vector<16xi32>
            %scatter3A_1920 = arith.constant 0 : i32
            %scatter3A_1921 = arith.constant 1 : i32
            %scatter3A_1922 = arith.constant 0 : i32
            %scatter3A_1923 = arith.constant 0 : i32
            %scatter3A_1924 = tpu.memref_slice %arg7[%scatter3A_1920, %scatter3A_1921, %scatter3A_1922, %scatter3A_1923] : memref<2x2x200x64xf32, #tpu.memory_space<vmem>> -> memref<1x1x200x64xf32, #tpu.memory_space<vmem>>
            %scatter3A_1925 = tpu.memref_squeeze %scatter3A_1924 : memref<1x1x200x64xf32, #tpu.memory_space<vmem>> -> memref<200x64xf32, #tpu.memory_space<vmem>>
            tpu.vector_store_idx %scatter3A_1925[%add3A_1534, %broadcast_in_dim3A_1919], %broadcast_in_dim3A_1497 masked %eq3A_1524 : memref<200x64xf32, #tpu.memory_space<vmem>>[vector<16xi32>, vector<16xi32>], vector<16xf32>, vector<16xi1>
            %broadcast_in_dim3A_1926 = arith.constant 49 : i32
            %broadcast_in_dim3A_1927 = vector.broadcast %broadcast_in_dim3A_1926 : i32 to vector<16xi32>
            %scatter3A_1928 = arith.constant 0 : i32
            %scatter3A_1929 = arith.constant 1 : i32
            %scatter3A_1930 = arith.constant 0 : i32
            %scatter3A_1931 = arith.constant 0 : i32
            %scatter3A_1932 = tpu.memref_slice %arg7[%scatter3A_1928, %scatter3A_1929, %scatter3A_1930, %scatter3A_1931] : memref<2x2x200x64xf32, #tpu.memory_space<vmem>> -> memref<1x1x200x64xf32, #tpu.memory_space<vmem>>
            %scatter3A_1933 = tpu.memref_squeeze %scatter3A_1932 : memref<1x1x200x64xf32, #tpu.memory_space<vmem>> -> memref<200x64xf32, #tpu.memory_space<vmem>>
            tpu.vector_store_idx %scatter3A_1933[%add3A_1534, %broadcast_in_dim3A_1927], %broadcast_in_dim3A_1497 masked %eq3A_1524 : memref<200x64xf32, #tpu.memory_space<vmem>>[vector<16xi32>, vector<16xi32>], vector<16xf32>, vector<16xi1>
            %broadcast_in_dim3A_1934 = arith.constant 50 : i32
            %broadcast_in_dim3A_1935 = vector.broadcast %broadcast_in_dim3A_1934 : i32 to vector<16xi32>
            %scatter3A_1936 = arith.constant 0 : i32
            %scatter3A_1937 = arith.constant 1 : i32
            %scatter3A_1938 = arith.constant 0 : i32
            %scatter3A_1939 = arith.constant 0 : i32
            %scatter3A_1940 = tpu.memref_slice %arg7[%scatter3A_1936, %scatter3A_1937, %scatter3A_1938, %scatter3A_1939] : memref<2x2x200x64xf32, #tpu.memory_space<vmem>> -> memref<1x1x200x64xf32, #tpu.memory_space<vmem>>
            %scatter3A_1941 = tpu.memref_squeeze %scatter3A_1940 : memref<1x1x200x64xf32, #tpu.memory_space<vmem>> -> memref<200x64xf32, #tpu.memory_space<vmem>>
            tpu.vector_store_idx %scatter3A_1941[%add3A_1534, %broadcast_in_dim3A_1935], %broadcast_in_dim3A_1497 masked %eq3A_1524 : memref<200x64xf32, #tpu.memory_space<vmem>>[vector<16xi32>, vector<16xi32>], vector<16xf32>, vector<16xi1>
            %broadcast_in_dim3A_1942 = arith.constant 51 : i32
            %broadcast_in_dim3A_1943 = vector.broadcast %broadcast_in_dim3A_1942 : i32 to vector<16xi32>
            %scatter3A_1944 = arith.constant 0 : i32
            %scatter3A_1945 = arith.constant 1 : i32
            %scatter3A_1946 = arith.constant 0 : i32
            %scatter3A_1947 = arith.constant 0 : i32
            %scatter3A_1948 = tpu.memref_slice %arg7[%scatter3A_1944, %scatter3A_1945, %scatter3A_1946, %scatter3A_1947] : memref<2x2x200x64xf32, #tpu.memory_space<vmem>> -> memref<1x1x200x64xf32, #tpu.memory_space<vmem>>
            %scatter3A_1949 = tpu.memref_squeeze %scatter3A_1948 : memref<1x1x200x64xf32, #tpu.memory_space<vmem>> -> memref<200x64xf32, #tpu.memory_space<vmem>>
            tpu.vector_store_idx %scatter3A_1949[%add3A_1534, %broadcast_in_dim3A_1943], %broadcast_in_dim3A_1497 masked %eq3A_1524 : memref<200x64xf32, #tpu.memory_space<vmem>>[vector<16xi32>, vector<16xi32>], vector<16xf32>, vector<16xi1>
            %broadcast_in_dim3A_1950 = arith.constant 52 : i32
            %broadcast_in_dim3A_1951 = vector.broadcast %broadcast_in_dim3A_1950 : i32 to vector<16xi32>
            %scatter3A_1952 = arith.constant 0 : i32
            %scatter3A_1953 = arith.constant 1 : i32
            %scatter3A_1954 = arith.constant 0 : i32
            %scatter3A_1955 = arith.constant 0 : i32
            %scatter3A_1956 = tpu.memref_slice %arg7[%scatter3A_1952, %scatter3A_1953, %scatter3A_1954, %scatter3A_1955] : memref<2x2x200x64xf32, #tpu.memory_space<vmem>> -> memref<1x1x200x64xf32, #tpu.memory_space<vmem>>
            %scatter3A_1957 = tpu.memref_squeeze %scatter3A_1956 : memref<1x1x200x64xf32, #tpu.memory_space<vmem>> -> memref<200x64xf32, #tpu.memory_space<vmem>>
            tpu.vector_store_idx %scatter3A_1957[%add3A_1534, %broadcast_in_dim3A_1951], %broadcast_in_dim3A_1497 masked %eq3A_1524 : memref<200x64xf32, #tpu.memory_space<vmem>>[vector<16xi32>, vector<16xi32>], vector<16xf32>, vector<16xi1>
            %broadcast_in_dim3A_1958 = arith.constant 53 : i32
            %broadcast_in_dim3A_1959 = vector.broadcast %broadcast_in_dim3A_1958 : i32 to vector<16xi32>
            %scatter3A_1960 = arith.constant 0 : i32
            %scatter3A_1961 = arith.constant 1 : i32
            %scatter3A_1962 = arith.constant 0 : i32
            %scatter3A_1963 = arith.constant 0 : i32
            %scatter3A_1964 = tpu.memref_slice %arg7[%scatter3A_1960, %scatter3A_1961, %scatter3A_1962, %scatter3A_1963] : memref<2x2x200x64xf32, #tpu.memory_space<vmem>> -> memref<1x1x200x64xf32, #tpu.memory_space<vmem>>
            %scatter3A_1965 = tpu.memref_squeeze %scatter3A_1964 : memref<1x1x200x64xf32, #tpu.memory_space<vmem>> -> memref<200x64xf32, #tpu.memory_space<vmem>>
            tpu.vector_store_idx %scatter3A_1965[%add3A_1534, %broadcast_in_dim3A_1959], %broadcast_in_dim3A_1497 masked %eq3A_1524 : memref<200x64xf32, #tpu.memory_space<vmem>>[vector<16xi32>, vector<16xi32>], vector<16xf32>, vector<16xi1>
            %broadcast_in_dim3A_1966 = arith.constant 54 : i32
            %broadcast_in_dim3A_1967 = vector.broadcast %broadcast_in_dim3A_1966 : i32 to vector<16xi32>
            %scatter3A_1968 = arith.constant 0 : i32
            %scatter3A_1969 = arith.constant 1 : i32
            %scatter3A_1970 = arith.constant 0 : i32
            %scatter3A_1971 = arith.constant 0 : i32
            %scatter3A_1972 = tpu.memref_slice %arg7[%scatter3A_1968, %scatter3A_1969, %scatter3A_1970, %scatter3A_1971] : memref<2x2x200x64xf32, #tpu.memory_space<vmem>> -> memref<1x1x200x64xf32, #tpu.memory_space<vmem>>
            %scatter3A_1973 = tpu.memref_squeeze %scatter3A_1972 : memref<1x1x200x64xf32, #tpu.memory_space<vmem>> -> memref<200x64xf32, #tpu.memory_space<vmem>>
            tpu.vector_store_idx %scatter3A_1973[%add3A_1534, %broadcast_in_dim3A_1967], %broadcast_in_dim3A_1497 masked %eq3A_1524 : memref<200x64xf32, #tpu.memory_space<vmem>>[vector<16xi32>, vector<16xi32>], vector<16xf32>, vector<16xi1>
            %broadcast_in_dim3A_1974 = arith.constant 55 : i32
            %broadcast_in_dim3A_1975 = vector.broadcast %broadcast_in_dim3A_1974 : i32 to vector<16xi32>
            %scatter3A_1976 = arith.constant 0 : i32
            %scatter3A_1977 = arith.constant 1 : i32
            %scatter3A_1978 = arith.constant 0 : i32
            %scatter3A_1979 = arith.constant 0 : i32
            %scatter3A_1980 = tpu.memref_slice %arg7[%scatter3A_1976, %scatter3A_1977, %scatter3A_1978, %scatter3A_1979] : memref<2x2x200x64xf32, #tpu.memory_space<vmem>> -> memref<1x1x200x64xf32, #tpu.memory_space<vmem>>
            %scatter3A_1981 = tpu.memref_squeeze %scatter3A_1980 : memref<1x1x200x64xf32, #tpu.memory_space<vmem>> -> memref<200x64xf32, #tpu.memory_space<vmem>>
            tpu.vector_store_idx %scatter3A_1981[%add3A_1534, %broadcast_in_dim3A_1975], %broadcast_in_dim3A_1497 masked %eq3A_1524 : memref<200x64xf32, #tpu.memory_space<vmem>>[vector<16xi32>, vector<16xi32>], vector<16xf32>, vector<16xi1>
            %broadcast_in_dim3A_1982 = arith.constant 56 : i32
            %broadcast_in_dim3A_1983 = vector.broadcast %broadcast_in_dim3A_1982 : i32 to vector<16xi32>
            %scatter3A_1984 = arith.constant 0 : i32
            %scatter3A_1985 = arith.constant 1 : i32
            %scatter3A_1986 = arith.constant 0 : i32
            %scatter3A_1987 = arith.constant 0 : i32
            %scatter3A_1988 = tpu.memref_slice %arg7[%scatter3A_1984, %scatter3A_1985, %scatter3A_1986, %scatter3A_1987] : memref<2x2x200x64xf32, #tpu.memory_space<vmem>> -> memref<1x1x200x64xf32, #tpu.memory_space<vmem>>
            %scatter3A_1989 = tpu.memref_squeeze %scatter3A_1988 : memref<1x1x200x64xf32, #tpu.memory_space<vmem>> -> memref<200x64xf32, #tpu.memory_space<vmem>>
            tpu.vector_store_idx %scatter3A_1989[%add3A_1534, %broadcast_in_dim3A_1983], %broadcast_in_dim3A_1497 masked %eq3A_1524 : memref<200x64xf32, #tpu.memory_space<vmem>>[vector<16xi32>, vector<16xi32>], vector<16xf32>, vector<16xi1>
            %broadcast_in_dim3A_1990 = arith.constant 57 : i32
            %broadcast_in_dim3A_1991 = vector.broadcast %broadcast_in_dim3A_1990 : i32 to vector<16xi32>
            %scatter3A_1992 = arith.constant 0 : i32
            %scatter3A_1993 = arith.constant 1 : i32
            %scatter3A_1994 = arith.constant 0 : i32
            %scatter3A_1995 = arith.constant 0 : i32
            %scatter3A_1996 = tpu.memref_slice %arg7[%scatter3A_1992, %scatter3A_1993, %scatter3A_1994, %scatter3A_1995] : memref<2x2x200x64xf32, #tpu.memory_space<vmem>> -> memref<1x1x200x64xf32, #tpu.memory_space<vmem>>
            %scatter3A_1997 = tpu.memref_squeeze %scatter3A_1996 : memref<1x1x200x64xf32, #tpu.memory_space<vmem>> -> memref<200x64xf32, #tpu.memory_space<vmem>>
            tpu.vector_store_idx %scatter3A_1997[%add3A_1534, %broadcast_in_dim3A_1991], %broadcast_in_dim3A_1497 masked %eq3A_1524 : memref<200x64xf32, #tpu.memory_space<vmem>>[vector<16xi32>, vector<16xi32>], vector<16xf32>, vector<16xi1>
            %broadcast_in_dim3A_1998 = arith.constant 58 : i32
            %broadcast_in_dim3A_1999 = vector.broadcast %broadcast_in_dim3A_1998 : i32 to vector<16xi32>
            %scatter3A_2000 = arith.constant 0 : i32
            %scatter3A_2001 = arith.constant 1 : i32
            %scatter3A_2002 = arith.constant 0 : i32
            %scatter3A_2003 = arith.constant 0 : i32
            %scatter3A_2004 = tpu.memref_slice %arg7[%scatter3A_2000, %scatter3A_2001, %scatter3A_2002, %scatter3A_2003] : memref<2x2x200x64xf32, #tpu.memory_space<vmem>> -> memref<1x1x200x64xf32, #tpu.memory_space<vmem>>
            %scatter3A_2005 = tpu.memref_squeeze %scatter3A_2004 : memref<1x1x200x64xf32, #tpu.memory_space<vmem>> -> memref<200x64xf32, #tpu.memory_space<vmem>>
            tpu.vector_store_idx %scatter3A_2005[%add3A_1534, %broadcast_in_dim3A_1999], %broadcast_in_dim3A_1497 masked %eq3A_1524 : memref<200x64xf32, #tpu.memory_space<vmem>>[vector<16xi32>, vector<16xi32>], vector<16xf32>, vector<16xi1>
            %broadcast_in_dim3A_2006 = arith.constant 59 : i32
            %broadcast_in_dim3A_2007 = vector.broadcast %broadcast_in_dim3A_2006 : i32 to vector<16xi32>
            %scatter3A_2008 = arith.constant 0 : i32
            %scatter3A_2009 = arith.constant 1 : i32
            %scatter3A_2010 = arith.constant 0 : i32
            %scatter3A_2011 = arith.constant 0 : i32
            %scatter3A_2012 = tpu.memref_slice %arg7[%scatter3A_2008, %scatter3A_2009, %scatter3A_2010, %scatter3A_2011] : memref<2x2x200x64xf32, #tpu.memory_space<vmem>> -> memref<1x1x200x64xf32, #tpu.memory_space<vmem>>
            %scatter3A_2013 = tpu.memref_squeeze %scatter3A_2012 : memref<1x1x200x64xf32, #tpu.memory_space<vmem>> -> memref<200x64xf32, #tpu.memory_space<vmem>>
            tpu.vector_store_idx %scatter3A_2013[%add3A_1534, %broadcast_in_dim3A_2007], %broadcast_in_dim3A_1497 masked %eq3A_1524 : memref<200x64xf32, #tpu.memory_space<vmem>>[vector<16xi32>, vector<16xi32>], vector<16xf32>, vector<16xi1>
            %broadcast_in_dim3A_2014 = arith.constant 60 : i32
            %broadcast_in_dim3A_2015 = vector.broadcast %broadcast_in_dim3A_2014 : i32 to vector<16xi32>
            %scatter3A_2016 = arith.constant 0 : i32
            %scatter3A_2017 = arith.constant 1 : i32
            %scatter3A_2018 = arith.constant 0 : i32
            %scatter3A_2019 = arith.constant 0 : i32
            %scatter3A_2020 = tpu.memref_slice %arg7[%scatter3A_2016, %scatter3A_2017, %scatter3A_2018, %scatter3A_2019] : memref<2x2x200x64xf32, #tpu.memory_space<vmem>> -> memref<1x1x200x64xf32, #tpu.memory_space<vmem>>
            %scatter3A_2021 = tpu.memref_squeeze %scatter3A_2020 : memref<1x1x200x64xf32, #tpu.memory_space<vmem>> -> memref<200x64xf32, #tpu.memory_space<vmem>>
            tpu.vector_store_idx %scatter3A_2021[%add3A_1534, %broadcast_in_dim3A_2015], %broadcast_in_dim3A_1497 masked %eq3A_1524 : memref<200x64xf32, #tpu.memory_space<vmem>>[vector<16xi32>, vector<16xi32>], vector<16xf32>, vector<16xi1>
            %broadcast_in_dim3A_2022 = arith.constant 61 : i32
            %broadcast_in_dim3A_2023 = vector.broadcast %broadcast_in_dim3A_2022 : i32 to vector<16xi32>
            %scatter3A_2024 = arith.constant 0 : i32
            %scatter3A_2025 = arith.constant 1 : i32
            %scatter3A_2026 = arith.constant 0 : i32
            %scatter3A_2027 = arith.constant 0 : i32
            %scatter3A_2028 = tpu.memref_slice %arg7[%scatter3A_2024, %scatter3A_2025, %scatter3A_2026, %scatter3A_2027] : memref<2x2x200x64xf32, #tpu.memory_space<vmem>> -> memref<1x1x200x64xf32, #tpu.memory_space<vmem>>
            %scatter3A_2029 = tpu.memref_squeeze %scatter3A_2028 : memref<1x1x200x64xf32, #tpu.memory_space<vmem>> -> memref<200x64xf32, #tpu.memory_space<vmem>>
            tpu.vector_store_idx %scatter3A_2029[%add3A_1534, %broadcast_in_dim3A_2023], %broadcast_in_dim3A_1497 masked %eq3A_1524 : memref<200x64xf32, #tpu.memory_space<vmem>>[vector<16xi32>, vector<16xi32>], vector<16xf32>, vector<16xi1>
            %broadcast_in_dim3A_2030 = arith.constant 62 : i32
            %broadcast_in_dim3A_2031 = vector.broadcast %broadcast_in_dim3A_2030 : i32 to vector<16xi32>
            %scatter3A_2032 = arith.constant 0 : i32
            %scatter3A_2033 = arith.constant 1 : i32
            %scatter3A_2034 = arith.constant 0 : i32
            %scatter3A_2035 = arith.constant 0 : i32
            %scatter3A_2036 = tpu.memref_slice %arg7[%scatter3A_2032, %scatter3A_2033, %scatter3A_2034, %scatter3A_2035] : memref<2x2x200x64xf32, #tpu.memory_space<vmem>> -> memref<1x1x200x64xf32, #tpu.memory_space<vmem>>
            %scatter3A_2037 = tpu.memref_squeeze %scatter3A_2036 : memref<1x1x200x64xf32, #tpu.memory_space<vmem>> -> memref<200x64xf32, #tpu.memory_space<vmem>>
            tpu.vector_store_idx %scatter3A_2037[%add3A_1534, %broadcast_in_dim3A_2031], %broadcast_in_dim3A_1497 masked %eq3A_1524 : memref<200x64xf32, #tpu.memory_space<vmem>>[vector<16xi32>, vector<16xi32>], vector<16xf32>, vector<16xi1>
            %broadcast_in_dim3A_2038 = arith.constant 63 : i32
            %broadcast_in_dim3A_2039 = vector.broadcast %broadcast_in_dim3A_2038 : i32 to vector<16xi32>
            %scatter3A_2040 = arith.constant 0 : i32
            %scatter3A_2041 = arith.constant 1 : i32
            %scatter3A_2042 = arith.constant 0 : i32
            %scatter3A_2043 = arith.constant 0 : i32
            %scatter3A_2044 = tpu.memref_slice %arg7[%scatter3A_2040, %scatter3A_2041, %scatter3A_2042, %scatter3A_2043] : memref<2x2x200x64xf32, #tpu.memory_space<vmem>> -> memref<1x1x200x64xf32, #tpu.memory_space<vmem>>
            %scatter3A_2045 = tpu.memref_squeeze %scatter3A_2044 : memref<1x1x200x64xf32, #tpu.memory_space<vmem>> -> memref<200x64xf32, #tpu.memory_space<vmem>>
            tpu.vector_store_idx %scatter3A_2045[%add3A_1534, %broadcast_in_dim3A_2039], %broadcast_in_dim3A_1497 masked %eq3A_1524 : memref<200x64xf32, #tpu.memory_space<vmem>>[vector<16xi32>, vector<16xi32>], vector<16xf32>, vector<16xi1>
          } else {
          }
        }
        %scan3A_1509 = arith.constant 13 : i32
      } else {
      }
      %mul3A_1131 = arith.constant 2 : i32
      %mul3A_1132 = arith.muli %mul3A_394, %mul3A_1131 : i32
      %add3A_1133 = arith.addi %mul3A_2, %mul3A_1132 : i32
      %dma_start3A_1134 = arith.constant 0 : i32
      %dma_start3A_1135 = arith.constant 0 : i32
      %dma_start3A_1136 = arith.constant 0 : i32
      %dma_start3A_1137 = arith.constant 0 : i32
      %dma_start3A_1138 = tpu.memref_slice %arg7[%dma_start3A_1134, %dma_start3A_1135, %dma_start3A_1136, %dma_start3A_1137] : memref<2x2x200x64xf32, #tpu.memory_space<vmem>> -> memref<1x2x200x64xf32, #tpu.memory_space<vmem>>
      %dma_start3A_1139 = tpu.memref_squeeze %dma_start3A_1138 : memref<1x2x200x64xf32, #tpu.memory_space<vmem>> -> memref<2x200x64xf32, #tpu.memory_space<vmem>>
      %dma_start3A_1140 = arith.constant 0 : i32
      %dma_start3A_1141 = arith.constant 0 : i32
      %dma_start3A_1142 = tpu.memref_slice %arg4[%add3A_1133, %dma_start3A_1140, %dma_start3A_1141] : memref<4096x200x128xf32, #tpu.memory_space<hbm>> -> memref<2x200x128xf32, #tpu.memory_space<hbm>>
      %dma_start3A_1143 = arith.constant 0 : i32
      %dma_start3A_1144 = arith.constant 0 : i32
      %dma_start3A_1145 = arith.constant 0 : i32
      %dma_start3A_1146 = tpu.memref_slice %dma_start3A_1142[%dma_start3A_1143, %dma_start3A_1144, %dma_start3A_1145] : memref<2x200x128xf32, #tpu.memory_space<hbm>> -> memref<2x200x64xf32, #tpu.memory_space<hbm>>
      %dma_start3A_1147 = arith.constant 0 : i32
      %dma_start3A_1148 = arith.constant 0 : i32
      %dma_start3A_1149 = tpu.memref_slice %arg4[%add3A_1133, %dma_start3A_1147, %dma_start3A_1148] : memref<4096x200x128xf32, #tpu.memory_space<hbm>> -> memref<2x200x128xf32, #tpu.memory_space<hbm>>
      %dma_start3A_1150 = arith.constant 0 : i32
      %dma_start3A_1151 = arith.constant 0 : i32
      %dma_start3A_1152 = arith.constant 0 : i32
      %dma_start3A_1153 = tpu.memref_slice %dma_start3A_1149[%dma_start3A_1150, %dma_start3A_1151, %dma_start3A_1152] : memref<2x200x128xf32, #tpu.memory_space<hbm>> -> memref<2x200x64xf32, #tpu.memory_space<hbm>>
      %dma_start3A_1154 = arith.constant 0 : i32
      %dma_start3A_1155 = arith.constant 0 : i32
      %dma_start3A_1156 = arith.constant 0 : i32
      %dma_start3A_1157 = tpu.memref_slice %arg7[%dma_start3A_1134, %dma_start3A_1154, %dma_start3A_1155, %dma_start3A_1156] : memref<2x2x200x64xf32, #tpu.memory_space<vmem>> -> memref<1x2x200x64xf32, #tpu.memory_space<vmem>>
      %dma_start3A_1158 = tpu.memref_squeeze %dma_start3A_1157 : memref<1x2x200x64xf32, #tpu.memory_space<vmem>> -> memref<2x200x64xf32, #tpu.memory_space<vmem>>
      tpu.enqueue_dma source(%dma_start3A_1158 : memref<2x200x64xf32, #tpu.memory_space<vmem>>) target(%dma_start3A_1153 : memref<2x200x64xf32, #tpu.memory_space<hbm>>) target_semaphore(%arg10 : memref<!tpu.dma_semaphore, #tpu.memory_space<semaphore_mem>>)
      %lt3A = arith.constant 63 : i32
      %lt3A_1159 = arith.cmpi slt, %add3A_396, %lt3A : i32
      %convert_element_type3A_1160 = arith.extui %lt3A_1159 : i1 to i32
      %cond3A_1161 = arith.constant 0 : i32
      %cond3A_1162 = arith.cmpi ne, %convert_element_type3A_1160, %cond3A_1161 : i32
      scf.if %cond3A_1162 {
        %dma_wait3A_1497 = arith.constant 0 : i32
        %dma_wait3A_1498 = arith.constant 0 : i32
        %dma_wait3A_1499 = arith.constant 0 : i32
        %dma_wait3A_1500 = arith.constant 0 : i32
        %dma_wait3A_1501 = tpu.memref_slice %arg7[%dma_wait3A_1497, %dma_wait3A_1498, %dma_wait3A_1499, %dma_wait3A_1500] : memref<2x2x200x64xf32, #tpu.memory_space<vmem>> -> memref<1x2x200x64xf32, #tpu.memory_space<vmem>>
        %dma_wait3A_1502 = tpu.memref_squeeze %dma_wait3A_1501 : memref<1x2x200x64xf32, #tpu.memory_space<vmem>> -> memref<2x200x64xf32, #tpu.memory_space<vmem>>
        %dma_wait3A_1503 = arith.constant 0 : i32
        %dma_wait3A_1504 = arith.constant 0 : i32
        %dma_wait3A_1505 = tpu.memref_slice %arg3[%dma_wait3A_1503, %dma_wait3A_1504] : memref<2000000x64xf32, #tpu.memory_space<hbm>> -> memref<400x64xf32, #tpu.memory_space<hbm>>
        %dma_wait3A_1506 = arith.constant 0 : i32
        %dma_wait3A_1507 = arith.constant 0 : i32
        %dma_wait3A_1508 = arith.constant 0 : i32
        %dma_wait3A_1509 = tpu.memref_slice %arg7[%dma_wait3A_1497, %dma_wait3A_1506, %dma_wait3A_1507, %dma_wait3A_1508] : memref<2x2x200x64xf32, #tpu.memory_space<vmem>> -> memref<1x2x200x64xf32, #tpu.memory_space<vmem>>
        %dma_wait3A_1510 = tpu.memref_squeeze %dma_wait3A_1509 : memref<1x2x200x64xf32, #tpu.memory_space<vmem>> -> memref<2x200x64xf32, #tpu.memory_space<vmem>>
        %dma_wait3A_1511 = arith.constant 0 : i32
        %dma_wait3A_1512 = arith.constant 0 : i32
        %dma_wait3A_1513 = tpu.memref_slice %arg3[%dma_wait3A_1511, %dma_wait3A_1512] : memref<2000000x64xf32, #tpu.memory_space<hbm>> -> memref<400x64xf32, #tpu.memory_space<hbm>>
        tpu.wait_dma2 semaphore(%arg10 : memref<!tpu.dma_semaphore, #tpu.memory_space<semaphore_mem>>) src(%dma_wait3A_1513 : memref<400x64xf32, #tpu.memory_space<hbm>>) dst(%dma_wait3A_1510 : memref<2x200x64xf32, #tpu.memory_space<vmem>>)
        %add3A_1514 = arith.constant 1 : i32
        %add3A_1515 = arith.addi %add3A_396, %add3A_1514 : i32
        %mul3A_1516 = arith.constant 2 : i32
        %mul3A_1517 = arith.muli %add3A_1515, %mul3A_1516 : i32
        %add3A_1518 = arith.constant 0 : i32
        %add3A_1519 = arith.addi %mul3A_1517, %add3A_1518 : i32
        %get3A_1520 = arith.index_cast %add3A_1519 : i32 to index
        %get3A_1521 = arith.constant 0 : index
        %get3A_1522 = tpu.vector_load %arg5[%get3A_1520, %get3A_1521] {strides = array<i32>} : memref<128x200xi32, #tpu.memory_space<vmem>>, vector<16xi32>,
        %add3A_1523 = arith.addi %get3A_1522, %get3A_1522 : vector<16xi32>
        %swap3A_1524 = arith.constant 0 : i32
        %swap3A_1525 = arith.constant 0 : i32
        %swap3A_1526 = arith.index_cast %swap3A_1524 : i32 to index
        %swap3A_1527 = arith.index_cast %swap3A_1525 : i32 to index
        %swap3A_1528 = arith.constant 0 : index
        %swap3A_1529 = tpu.vector_load %arg6[%swap3A_1526, %swap3A_1527, %swap3A_1528] {strides = array<i32>} : memref<2x2x200xi32, #tpu.memory_space<vmem>>, vector<16xi32>,
        tpu.vector_store %arg6[%swap3A_1526, %swap3A_1527, %swap3A_1528], %add3A_1523 {strides = array<i32>} : memref<2x2x200xi32, #tpu.memory_space<vmem>>, vector<16xi32>,
        %mul3A_1530 = arith.constant 2 : i32
        %mul3A_1531 = arith.muli %add3A_1515, %mul3A_1530 : i32
        %add3A_1532 = arith.constant 0 : i32
        %add3A_1533 = arith.addi %mul3A_1531, %add3A_1532 : i32
        %get3A_1534 = arith.index_cast %add3A_1533 : i32 to index
        %get3A_1535 = arith.constant 16 : index
        %get3A_1536 = tpu.vector_load %arg5[%get3A_1534, %get3A_1535] {strides = array<i32>} : memref<128x200xi32, #tpu.memory_space<vmem>>, vector<16xi32>,
        %add3A_1537 = arith.addi %get3A_1536, %get3A_1536 : vector<16xi32>
        %swap3A_1538 = arith.constant 0 : i32
        %swap3A_1539 = arith.constant 0 : i32
        %swap3A_1540 = arith.index_cast %swap3A_1538 : i32 to index
        %swap3A_1541 = arith.index_cast %swap3A_1539 : i32 to index
        %swap3A_1542 = arith.constant 16 : index
        %swap3A_1543 = tpu.vector_load %arg6[%swap3A_1540, %swap3A_1541, %swap3A_1542] {strides = array<i32>} : memref<2x2x200xi32, #tpu.memory_space<vmem>>, vector<16xi32>,
        tpu.vector_store %arg6[%swap3A_1540, %swap3A_1541, %swap3A_1542], %add3A_1537 {strides = array<i32>} : memref<2x2x200xi32, #tpu.memory_space<vmem>>, vector<16xi32>,
        %mul3A_1544 = arith.constant 2 : i32
        %mul3A_1545 = arith.muli %add3A_1515, %mul3A_1544 : i32
        %add3A_1546 = arith.constant 0 : i32
        %add3A_1547 = arith.addi %mul3A_1545, %add3A_1546 : i32
        %get3A_1548 = arith.index_cast %add3A_1547 : i32 to index
        %get3A_1549 = arith.constant 32 : index
        %get3A_1550 = tpu.vector_load %arg5[%get3A_1548, %get3A_1549] {strides = array<i32>} : memref<128x200xi32, #tpu.memory_space<vmem>>, vector<16xi32>,
        %add3A_1551 = arith.addi %get3A_1550, %get3A_1550 : vector<16xi32>
        %swap3A_1552 = arith.constant 0 : i32
        %swap3A_1553 = arith.constant 0 : i32
        %swap3A_1554 = arith.index_cast %swap3A_1552 : i32 to index
        %swap3A_1555 = arith.index_cast %swap3A_1553 : i32 to index
        %swap3A_1556 = arith.constant 32 : index
        %swap3A_1557 = tpu.vector_load %arg6[%swap3A_1554, %swap3A_1555, %swap3A_1556] {strides = array<i32>} : memref<2x2x200xi32, #tpu.memory_space<vmem>>, vector<16xi32>,
        tpu.vector_store %arg6[%swap3A_1554, %swap3A_1555, %swap3A_1556], %add3A_1551 {strides = array<i32>} : memref<2x2x200xi32, #tpu.memory_space<vmem>>, vector<16xi32>,
        %mul3A_1558 = arith.constant 2 : i32
        %mul3A_1559 = arith.muli %add3A_1515, %mul3A_1558 : i32
        %add3A_1560 = arith.constant 0 : i32
        %add3A_1561 = arith.addi %mul3A_1559, %add3A_1560 : i32
        %get3A_1562 = arith.index_cast %add3A_1561 : i32 to index
        %get3A_1563 = arith.constant 48 : index
        %get3A_1564 = tpu.vector_load %arg5[%get3A_1562, %get3A_1563] {strides = array<i32>} : memref<128x200xi32, #tpu.memory_space<vmem>>, vector<16xi32>,
        %add3A_1565 = arith.addi %get3A_1564, %get3A_1564 : vector<16xi32>
        %swap3A_1566 = arith.constant 0 : i32
        %swap3A_1567 = arith.constant 0 : i32
        %swap3A_1568 = arith.index_cast %swap3A_1566 : i32 to index
        %swap3A_1569 = arith.index_cast %swap3A_1567 : i32 to index
        %swap3A_1570 = arith.constant 48 : index
        %swap3A_1571 = tpu.vector_load %arg6[%swap3A_1568, %swap3A_1569, %swap3A_1570] {strides = array<i32>} : memref<2x2x200xi32, #tpu.memory_space<vmem>>, vector<16xi32>,
        tpu.vector_store %arg6[%swap3A_1568, %swap3A_1569, %swap3A_1570], %add3A_1565 {strides = array<i32>} : memref<2x2x200xi32, #tpu.memory_space<vmem>>, vector<16xi32>,
        %mul3A_1572 = arith.constant 2 : i32
        %mul3A_1573 = arith.muli %add3A_1515, %mul3A_1572 : i32
        %add3A_1574 = arith.constant 0 : i32
        %add3A_1575 = arith.addi %mul3A_1573, %add3A_1574 : i32
        %get3A_1576 = arith.index_cast %add3A_1575 : i32 to index
        %get3A_1577 = arith.constant 64 : index
        %get3A_1578 = tpu.vector_load %arg5[%get3A_1576, %get3A_1577] {strides = array<i32>} : memref<128x200xi32, #tpu.memory_space<vmem>>, vector<16xi32>,
        %add3A_1579 = arith.addi %get3A_1578, %get3A_1578 : vector<16xi32>
        %swap3A_1580 = arith.constant 0 : i32
        %swap3A_1581 = arith.constant 0 : i32
        %swap3A_1582 = arith.index_cast %swap3A_1580 : i32 to index
        %swap3A_1583 = arith.index_cast %swap3A_1581 : i32 to index
        %swap3A_1584 = arith.constant 64 : index
        %swap3A_1585 = tpu.vector_load %arg6[%swap3A_1582, %swap3A_1583, %swap3A_1584] {strides = array<i32>} : memref<2x2x200xi32, #tpu.memory_space<vmem>>, vector<16xi32>,
        tpu.vector_store %arg6[%swap3A_1582, %swap3A_1583, %swap3A_1584], %add3A_1579 {strides = array<i32>} : memref<2x2x200xi32, #tpu.memory_space<vmem>>, vector<16xi32>,
        %mul3A_1586 = arith.constant 2 : i32
        %mul3A_1587 = arith.muli %add3A_1515, %mul3A_1586 : i32
        %add3A_1588 = arith.constant 0 : i32
        %add3A_1589 = arith.addi %mul3A_1587, %add3A_1588 : i32
        %get3A_1590 = arith.index_cast %add3A_1589 : i32 to index
        %get3A_1591 = arith.constant 80 : index
        %get3A_1592 = tpu.vector_load %arg5[%get3A_1590, %get3A_1591] {strides = array<i32>} : memref<128x200xi32, #tpu.memory_space<vmem>>, vector<16xi32>,
        %add3A_1593 = arith.addi %get3A_1592, %get3A_1592 : vector<16xi32>
        %swap3A_1594 = arith.constant 0 : i32
        %swap3A_1595 = arith.constant 0 : i32
        %swap3A_1596 = arith.index_cast %swap3A_1594 : i32 to index
        %swap3A_1597 = arith.index_cast %swap3A_1595 : i32 to index
        %swap3A_1598 = arith.constant 80 : index
        %swap3A_1599 = tpu.vector_load %arg6[%swap3A_1596, %swap3A_1597, %swap3A_1598] {strides = array<i32>} : memref<2x2x200xi32, #tpu.memory_space<vmem>>, vector<16xi32>,
        tpu.vector_store %arg6[%swap3A_1596, %swap3A_1597, %swap3A_1598], %add3A_1593 {strides = array<i32>} : memref<2x2x200xi32, #tpu.memory_space<vmem>>, vector<16xi32>,
        %mul3A_1600 = arith.constant 2 : i32
        %mul3A_1601 = arith.muli %add3A_1515, %mul3A_1600 : i32
        %add3A_1602 = arith.constant 0 : i32
        %add3A_1603 = arith.addi %mul3A_1601, %add3A_1602 : i32
        %get3A_1604 = arith.index_cast %add3A_1603 : i32 to index
        %get3A_1605 = arith.constant 96 : index
        %get3A_1606 = tpu.vector_load %arg5[%get3A_1604, %get3A_1605] {strides = array<i32>} : memref<128x200xi32, #tpu.memory_space<vmem>>, vector<16xi32>,
        %add3A_1607 = arith.addi %get3A_1606, %get3A_1606 : vector<16xi32>
        %swap3A_1608 = arith.constant 0 : i32
        %swap3A_1609 = arith.constant 0 : i32
        %swap3A_1610 = arith.index_cast %swap3A_1608 : i32 to index
        %swap3A_1611 = arith.index_cast %swap3A_1609 : i32 to index
        %swap3A_1612 = arith.constant 96 : index
        %swap3A_1613 = tpu.vector_load %arg6[%swap3A_1610, %swap3A_1611, %swap3A_1612] {strides = array<i32>} : memref<2x2x200xi32, #tpu.memory_space<vmem>>, vector<16xi32>,
        tpu.vector_store %arg6[%swap3A_1610, %swap3A_1611, %swap3A_1612], %add3A_1607 {strides = array<i32>} : memref<2x2x200xi32, #tpu.memory_space<vmem>>, vector<16xi32>,
        %mul3A_1614 = arith.constant 2 : i32
        %mul3A_1615 = arith.muli %add3A_1515, %mul3A_1614 : i32
        %add3A_1616 = arith.constant 0 : i32
        %add3A_1617 = arith.addi %mul3A_1615, %add3A_1616 : i32
        %get3A_1618 = arith.index_cast %add3A_1617 : i32 to index
        %get3A_1619 = arith.constant 112 : index
        %get3A_1620 = tpu.vector_load %arg5[%get3A_1618, %get3A_1619] {strides = array<i32>} : memref<128x200xi32, #tpu.memory_space<vmem>>, vector<16xi32>,
        %add3A_1621 = arith.addi %get3A_1620, %get3A_1620 : vector<16xi32>
        %swap3A_1622 = arith.constant 0 : i32
        %swap3A_1623 = arith.constant 0 : i32
        %swap3A_1624 = arith.index_cast %swap3A_1622 : i32 to index
        %swap3A_1625 = arith.index_cast %swap3A_1623 : i32 to index
        %swap3A_1626 = arith.constant 112 : index
        %swap3A_1627 = tpu.vector_load %arg6[%swap3A_1624, %swap3A_1625, %swap3A_1626] {strides = array<i32>} : memref<2x2x200xi32, #tpu.memory_space<vmem>>, vector<16xi32>,
        tpu.vector_store %arg6[%swap3A_1624, %swap3A_1625, %swap3A_1626], %add3A_1621 {strides = array<i32>} : memref<2x2x200xi32, #tpu.memory_space<vmem>>, vector<16xi32>,
        %mul3A_1628 = arith.constant 2 : i32
        %mul3A_1629 = arith.muli %add3A_1515, %mul3A_1628 : i32
        %add3A_1630 = arith.constant 0 : i32
        %add3A_1631 = arith.addi %mul3A_1629, %add3A_1630 : i32
        %get3A_1632 = arith.index_cast %add3A_1631 : i32 to index
        %get3A_1633 = arith.constant 128 : index
        %get3A_1634 = tpu.vector_load %arg5[%get3A_1632, %get3A_1633] {strides = array<i32>} : memref<128x200xi32, #tpu.memory_space<vmem>>, vector<16xi32>,
        %add3A_1635 = arith.addi %get3A_1634, %get3A_1634 : vector<16xi32>
        %swap3A_1636 = arith.constant 0 : i32
        %swap3A_1637 = arith.constant 0 : i32
        %swap3A_1638 = arith.index_cast %swap3A_1636 : i32 to index
        %swap3A_1639 = arith.index_cast %swap3A_1637 : i32 to index
        %swap3A_1640 = arith.constant 128 : index
        %swap3A_1641 = tpu.vector_load %arg6[%swap3A_1638, %swap3A_1639, %swap3A_1640] {strides = array<i32>} : memref<2x2x200xi32, #tpu.memory_space<vmem>>, vector<16xi32>,
        tpu.vector_store %arg6[%swap3A_1638, %swap3A_1639, %swap3A_1640], %add3A_1635 {strides = array<i32>} : memref<2x2x200xi32, #tpu.memory_space<vmem>>, vector<16xi32>,
        %mul3A_1642 = arith.constant 2 : i32
        %mul3A_1643 = arith.muli %add3A_1515, %mul3A_1642 : i32
        %add3A_1644 = arith.constant 0 : i32
        %add3A_1645 = arith.addi %mul3A_1643, %add3A_1644 : i32
        %get3A_1646 = arith.index_cast %add3A_1645 : i32 to index
        %get3A_1647 = arith.constant 144 : index
        %get3A_1648 = tpu.vector_load %arg5[%get3A_1646, %get3A_1647] {strides = array<i32>} : memref<128x200xi32, #tpu.memory_space<vmem>>, vector<16xi32>,
        %add3A_1649 = arith.addi %get3A_1648, %get3A_1648 : vector<16xi32>
        %swap3A_1650 = arith.constant 0 : i32
        %swap3A_1651 = arith.constant 0 : i32
        %swap3A_1652 = arith.index_cast %swap3A_1650 : i32 to index
        %swap3A_1653 = arith.index_cast %swap3A_1651 : i32 to index
        %swap3A_1654 = arith.constant 144 : index
        %swap3A_1655 = tpu.vector_load %arg6[%swap3A_1652, %swap3A_1653, %swap3A_1654] {strides = array<i32>} : memref<2x2x200xi32, #tpu.memory_space<vmem>>, vector<16xi32>,
        tpu.vector_store %arg6[%swap3A_1652, %swap3A_1653, %swap3A_1654], %add3A_1649 {strides = array<i32>} : memref<2x2x200xi32, #tpu.memory_space<vmem>>, vector<16xi32>,
        %mul3A_1656 = arith.constant 2 : i32
        %mul3A_1657 = arith.muli %add3A_1515, %mul3A_1656 : i32
        %add3A_1658 = arith.constant 0 : i32
        %add3A_1659 = arith.addi %mul3A_1657, %add3A_1658 : i32
        %get3A_1660 = arith.index_cast %add3A_1659 : i32 to index
        %get3A_1661 = arith.constant 160 : index
        %get3A_1662 = tpu.vector_load %arg5[%get3A_1660, %get3A_1661] {strides = array<i32>} : memref<128x200xi32, #tpu.memory_space<vmem>>, vector<16xi32>,
        %add3A_1663 = arith.addi %get3A_1662, %get3A_1662 : vector<16xi32>
        %swap3A_1664 = arith.constant 0 : i32
        %swap3A_1665 = arith.constant 0 : i32
        %swap3A_1666 = arith.index_cast %swap3A_1664 : i32 to index
        %swap3A_1667 = arith.index_cast %swap3A_1665 : i32 to index
        %swap3A_1668 = arith.constant 160 : index
        %swap3A_1669 = tpu.vector_load %arg6[%swap3A_1666, %swap3A_1667, %swap3A_1668] {strides = array<i32>} : memref<2x2x200xi32, #tpu.memory_space<vmem>>, vector<16xi32>,
        tpu.vector_store %arg6[%swap3A_1666, %swap3A_1667, %swap3A_1668], %add3A_1663 {strides = array<i32>} : memref<2x2x200xi32, #tpu.memory_space<vmem>>, vector<16xi32>,
        %mul3A_1670 = arith.constant 2 : i32
        %mul3A_1671 = arith.muli %add3A_1515, %mul3A_1670 : i32
        %add3A_1672 = arith.constant 0 : i32
        %add3A_1673 = arith.addi %mul3A_1671, %add3A_1672 : i32
        %get3A_1674 = arith.index_cast %add3A_1673 : i32 to index
        %get3A_1675 = arith.constant 176 : index
        %get3A_1676 = tpu.vector_load %arg5[%get3A_1674, %get3A_1675] {strides = array<i32>} : memref<128x200xi32, #tpu.memory_space<vmem>>, vector<16xi32>,
        %add3A_1677 = arith.addi %get3A_1676, %get3A_1676 : vector<16xi32>
        %swap3A_1678 = arith.constant 0 : i32
        %swap3A_1679 = arith.constant 0 : i32
        %swap3A_1680 = arith.index_cast %swap3A_1678 : i32 to index
        %swap3A_1681 = arith.index_cast %swap3A_1679 : i32 to index
        %swap3A_1682 = arith.constant 176 : index
        %swap3A_1683 = tpu.vector_load %arg6[%swap3A_1680, %swap3A_1681, %swap3A_1682] {strides = array<i32>} : memref<2x2x200xi32, #tpu.memory_space<vmem>>, vector<16xi32>,
        tpu.vector_store %arg6[%swap3A_1680, %swap3A_1681, %swap3A_1682], %add3A_1677 {strides = array<i32>} : memref<2x2x200xi32, #tpu.memory_space<vmem>>, vector<16xi32>,
        %mul3A_1684 = arith.constant 2 : i32
        %mul3A_1685 = arith.muli %add3A_1515, %mul3A_1684 : i32
        %add3A_1686 = arith.constant 0 : i32
        %add3A_1687 = arith.addi %mul3A_1685, %add3A_1686 : i32
        %get3A_1688 = arith.index_cast %add3A_1687 : i32 to index
        %get3A_1689 = arith.constant 184 : index
        %get3A_1690 = tpu.vector_load %arg5[%get3A_1688, %get3A_1689] {strides = array<i32>} : memref<128x200xi32, #tpu.memory_space<vmem>>, vector<16xi32>,
        %add3A_1691 = arith.addi %get3A_1690, %get3A_1690 : vector<16xi32>
        %swap3A_1692 = arith.constant 0 : i32
        %swap3A_1693 = arith.constant 0 : i32
        %swap3A_1694 = arith.index_cast %swap3A_1692 : i32 to index
        %swap3A_1695 = arith.index_cast %swap3A_1693 : i32 to index
        %swap3A_1696 = arith.constant 184 : index
        %swap3A_1697 = tpu.vector_load %arg6[%swap3A_1694, %swap3A_1695, %swap3A_1696] {strides = array<i32>} : memref<2x2x200xi32, #tpu.memory_space<vmem>>, vector<16xi32>,
        tpu.vector_store %arg6[%swap3A_1694, %swap3A_1695, %swap3A_1696], %add3A_1691 {strides = array<i32>} : memref<2x2x200xi32, #tpu.memory_space<vmem>>, vector<16xi32>,
        %dma_start3A_1698 = arith.constant 0 : i32
        %dma_start3A_1699 = arith.constant 0 : i32
        %dma_start3A_1700 = arith.constant 0 : i32
        %dma_start3A_1701 = arith.constant 0 : i32
        %dma_start3A_1702 = arith.constant 0 : i32
        %dma_start3A_1703 = arith.constant 0 : i32
        %dma_start3A_1704 = tpu.memref_slice %arg7[%dma_start3A_1700, %dma_start3A_1701, %dma_start3A_1702, %dma_start3A_1703] : memref<2x2x200x64xf32, #tpu.memory_space<vmem>> -> memref<1x1x200x64xf32, #tpu.memory_space<vmem>>
        %dma_start3A_1705 = tpu.memref_squeeze %dma_start3A_1704 : memref<1x1x200x64xf32, #tpu.memory_space<vmem>> -> memref<200x64xf32, #tpu.memory_space<vmem>>
        %dma_start3A_1706 = arith.constant 0 : i32
        %dma_start3A_1707 = arith.constant 0 : i32
        %dma_start3A_1708 = tpu.memref_slice %dma_start3A_1705[%dma_start3A_1706, %dma_start3A_1707] : memref<200x64xf32, #tpu.memory_space<vmem>> -> memref<128x64xf32, #tpu.memory_space<vmem>>
        %dma_start3A_1709 = arith.constant 0 : i32
        %dma_start3A_1710 = tpu.memref_slice %arg6[%dma_start3A_1698, %dma_start3A_1699, %dma_start3A_1709] : memref<2x2x200xi32, #tpu.memory_space<vmem>> -> memref<1x1x128xi32, #tpu.memory_space<vmem>>
        %dma_start3A_1711 = tpu.memref_squeeze %dma_start3A_1710 : memref<1x1x128xi32, #tpu.memory_space<vmem>> -> memref<128xi32, #tpu.memory_space<vmem>>
        %dma_start3A_1712 = arith.constant 0 : i32
        %dma_start3A_1713 = arith.constant 0 : i32
        %dma_start3A_1714 = tpu.memref_slice %arg3[%dma_start3A_1712, %dma_start3A_1713] : memref<2000000x64xf32, #tpu.memory_space<hbm>> -> memref<2000000x64xf32, #tpu.memory_space<hbm>>
        tpu.enqueue_indirect_dma source(%dma_start3A_1714 : memref<2000000x64xf32, #tpu.memory_space<hbm>>) target(%dma_start3A_1708 : memref<128x64xf32, #tpu.memory_space<vmem>>) offsets(%dma_start3A_1711 : memref<128xi32, #tpu.memory_space<vmem>>) semaphore(%arg8 : memref<!tpu.dma_semaphore, #tpu.memory_space<semaphore_mem>>)
        %dma_start3A_1715 = arith.constant 0 : i32
        %dma_start3A_1716 = arith.constant 0 : i32
        %dma_start3A_1717 = arith.constant 0 : i32
        %dma_start3A_1718 = arith.constant 0 : i32
        %dma_start3A_1719 = arith.constant 0 : i32
        %dma_start3A_1720 = arith.constant 0 : i32
        %dma_start3A_1721 = tpu.memref_slice %arg7[%dma_start3A_1717, %dma_start3A_1718, %dma_start3A_1719, %dma_start3A_1720] : memref<2x2x200x64xf32, #tpu.memory_space<vmem>> -> memref<1x1x200x64xf32, #tpu.memory_space<vmem>>
        %dma_start3A_1722 = tpu.memref_squeeze %dma_start3A_1721 : memref<1x1x200x64xf32, #tpu.memory_space<vmem>> -> memref<200x64xf32, #tpu.memory_space<vmem>>
        %dma_start3A_1723 = arith.constant 128 : i32
        %dma_start3A_1724 = arith.constant 0 : i32
        %dma_start3A_1725 = tpu.memref_slice %dma_start3A_1722[%dma_start3A_1723, %dma_start3A_1724] : memref<200x64xf32, #tpu.memory_space<vmem>> -> memref<72x64xf32, #tpu.memory_space<vmem>>
        %dma_start3A_1726 = arith.constant 128 : i32
        %dma_start3A_1727 = tpu.memref_slice %arg6[%dma_start3A_1715, %dma_start3A_1716, %dma_start3A_1726] : memref<2x2x200xi32, #tpu.memory_space<vmem>> -> memref<1x1x72xi32, #tpu.memory_space<vmem>>
        %dma_start3A_1728 = tpu.memref_squeeze %dma_start3A_1727 : memref<1x1x72xi32, #tpu.memory_space<vmem>> -> memref<72xi32, #tpu.memory_space<vmem>>
        %dma_start3A_1729 = arith.constant 0 : i32
        %dma_start3A_1730 = arith.constant 0 : i32
        %dma_start3A_1731 = tpu.memref_slice %arg3[%dma_start3A_1729, %dma_start3A_1730] : memref<2000000x64xf32, #tpu.memory_space<hbm>> -> memref<2000000x64xf32, #tpu.memory_space<hbm>>
        tpu.enqueue_indirect_dma source(%dma_start3A_1731 : memref<2000000x64xf32, #tpu.memory_space<hbm>>) target(%dma_start3A_1725 : memref<72x64xf32, #tpu.memory_space<vmem>>) offsets(%dma_start3A_1728 : memref<72xi32, #tpu.memory_space<vmem>>) semaphore(%arg8 : memref<!tpu.dma_semaphore, #tpu.memory_space<semaphore_mem>>)
        %mul3A_1732 = arith.constant 2 : i32
        %mul3A_1733 = arith.muli %add3A_1515, %mul3A_1732 : i32
        %add3A_1734 = arith.constant 1 : i32
        %add3A_1735 = arith.addi %mul3A_1733, %add3A_1734 : i32
        %get3A_1736 = arith.index_cast %add3A_1735 : i32 to index
        %get3A_1737 = arith.constant 0 : index
        %get3A_1738 = tpu.vector_load %arg5[%get3A_1736, %get3A_1737] {strides = array<i32>} : memref<128x200xi32, #tpu.memory_space<vmem>>, vector<16xi32>,
        %add3A_1739 = arith.addi %get3A_1738, %get3A_1738 : vector<16xi32>
        %swap3A_1740 = arith.constant 0 : i32
        %swap3A_1741 = arith.constant 1 : i32
        %swap3A_1742 = arith.index_cast %swap3A_1740 : i32 to index
        %swap3A_1743 = arith.index_cast %swap3A_1741 : i32 to index
        %swap3A_1744 = arith.constant 0 : index
        %swap3A_1745 = tpu.vector_load %arg6[%swap3A_1742, %swap3A_1743, %swap3A_1744] {strides = array<i32>} : memref<2x2x200xi32, #tpu.memory_space<vmem>>, vector<16xi32>,
        tpu.vector_store %arg6[%swap3A_1742, %swap3A_1743, %swap3A_1744], %add3A_1739 {strides = array<i32>} : memref<2x2x200xi32, #tpu.memory_space<vmem>>, vector<16xi32>,
        %mul3A_1746 = arith.constant 2 : i32
        %mul3A_1747 = arith.muli %add3A_1515, %mul3A_1746 : i32
        %add3A_1748 = arith.constant 1 : i32
        %add3A_1749 = arith.addi %mul3A_1747, %add3A_1748 : i32
        %get3A_1750 = arith.index_cast %add3A_1749 : i32 to index
        %get3A_1751 = arith.constant 16 : index
        %get3A_1752 = tpu.vector_load %arg5[%get3A_1750, %get3A_1751] {strides = array<i32>} : memref<128x200xi32, #tpu.memory_space<vmem>>, vector<16xi32>,
        %add3A_1753 = arith.addi %get3A_1752, %get3A_1752 : vector<16xi32>
        %swap3A_1754 = arith.constant 0 : i32
        %swap3A_1755 = arith.constant 1 : i32
        %swap3A_1756 = arith.index_cast %swap3A_1754 : i32 to index
        %swap3A_1757 = arith.index_cast %swap3A_1755 : i32 to index
        %swap3A_1758 = arith.constant 16 : index
        %swap3A_1759 = tpu.vector_load %arg6[%swap3A_1756, %swap3A_1757, %swap3A_1758] {strides = array<i32>} : memref<2x2x200xi32, #tpu.memory_space<vmem>>, vector<16xi32>,
        tpu.vector_store %arg6[%swap3A_1756, %swap3A_1757, %swap3A_1758], %add3A_1753 {strides = array<i32>} : memref<2x2x200xi32, #tpu.memory_space<vmem>>, vector<16xi32>,
        %mul3A_1760 = arith.constant 2 : i32
        %mul3A_1761 = arith.muli %add3A_1515, %mul3A_1760 : i32
        %add3A_1762 = arith.constant 1 : i32
        %add3A_1763 = arith.addi %mul3A_1761, %add3A_1762 : i32
        %get3A_1764 = arith.index_cast %add3A_1763 : i32 to index
        %get3A_1765 = arith.constant 32 : index
        %get3A_1766 = tpu.vector_load %arg5[%get3A_1764, %get3A_1765] {strides = array<i32>} : memref<128x200xi32, #tpu.memory_space<vmem>>, vector<16xi32>,
        %add3A_1767 = arith.addi %get3A_1766, %get3A_1766 : vector<16xi32>
        %swap3A_1768 = arith.constant 0 : i32
        %swap3A_1769 = arith.constant 1 : i32
        %swap3A_1770 = arith.index_cast %swap3A_1768 : i32 to index
        %swap3A_1771 = arith.index_cast %swap3A_1769 : i32 to index
        %swap3A_1772 = arith.constant 32 : index
        %swap3A_1773 = tpu.vector_load %arg6[%swap3A_1770, %swap3A_1771, %swap3A_1772] {strides = array<i32>} : memref<2x2x200xi32, #tpu.memory_space<vmem>>, vector<16xi32>,
        tpu.vector_store %arg6[%swap3A_1770, %swap3A_1771, %swap3A_1772], %add3A_1767 {strides = array<i32>} : memref<2x2x200xi32, #tpu.memory_space<vmem>>, vector<16xi32>,
        %mul3A_1774 = arith.constant 2 : i32
        %mul3A_1775 = arith.muli %add3A_1515, %mul3A_1774 : i32
        %add3A_1776 = arith.constant 1 : i32
        %add3A_1777 = arith.addi %mul3A_1775, %add3A_1776 : i32
        %get3A_1778 = arith.index_cast %add3A_1777 : i32 to index
        %get3A_1779 = arith.constant 48 : index
        %get3A_1780 = tpu.vector_load %arg5[%get3A_1778, %get3A_1779] {strides = array<i32>} : memref<128x200xi32, #tpu.memory_space<vmem>>, vector<16xi32>,
        %add3A_1781 = arith.addi %get3A_1780, %get3A_1780 : vector<16xi32>
        %swap3A_1782 = arith.constant 0 : i32
        %swap3A_1783 = arith.constant 1 : i32
        %swap3A_1784 = arith.index_cast %swap3A_1782 : i32 to index
        %swap3A_1785 = arith.index_cast %swap3A_1783 : i32 to index
        %swap3A_1786 = arith.constant 48 : index
        %swap3A_1787 = tpu.vector_load %arg6[%swap3A_1784, %swap3A_1785, %swap3A_1786] {strides = array<i32>} : memref<2x2x200xi32, #tpu.memory_space<vmem>>, vector<16xi32>,
        tpu.vector_store %arg6[%swap3A_1784, %swap3A_1785, %swap3A_1786], %add3A_1781 {strides = array<i32>} : memref<2x2x200xi32, #tpu.memory_space<vmem>>, vector<16xi32>,
        %mul3A_1788 = arith.constant 2 : i32
        %mul3A_1789 = arith.muli %add3A_1515, %mul3A_1788 : i32
        %add3A_1790 = arith.constant 1 : i32
        %add3A_1791 = arith.addi %mul3A_1789, %add3A_1790 : i32
        %get3A_1792 = arith.index_cast %add3A_1791 : i32 to index
        %get3A_1793 = arith.constant 64 : index
        %get3A_1794 = tpu.vector_load %arg5[%get3A_1792, %get3A_1793] {strides = array<i32>} : memref<128x200xi32, #tpu.memory_space<vmem>>, vector<16xi32>,
        %add3A_1795 = arith.addi %get3A_1794, %get3A_1794 : vector<16xi32>
        %swap3A_1796 = arith.constant 0 : i32
        %swap3A_1797 = arith.constant 1 : i32
        %swap3A_1798 = arith.index_cast %swap3A_1796 : i32 to index
        %swap3A_1799 = arith.index_cast %swap3A_1797 : i32 to index
        %swap3A_1800 = arith.constant 64 : index
        %swap3A_1801 = tpu.vector_load %arg6[%swap3A_1798, %swap3A_1799, %swap3A_1800] {strides = array<i32>} : memref<2x2x200xi32, #tpu.memory_space<vmem>>, vector<16xi32>,
        tpu.vector_store %arg6[%swap3A_1798, %swap3A_1799, %swap3A_1800], %add3A_1795 {strides = array<i32>} : memref<2x2x200xi32, #tpu.memory_space<vmem>>, vector<16xi32>,
        %mul3A_1802 = arith.constant 2 : i32
        %mul3A_1803 = arith.muli %add3A_1515, %mul3A_1802 : i32
        %add3A_1804 = arith.constant 1 : i32
        %add3A_1805 = arith.addi %mul3A_1803, %add3A_1804 : i32
        %get3A_1806 = arith.index_cast %add3A_1805 : i32 to index
        %get3A_1807 = arith.constant 80 : index
        %get3A_1808 = tpu.vector_load %arg5[%get3A_1806, %get3A_1807] {strides = array<i32>} : memref<128x200xi32, #tpu.memory_space<vmem>>, vector<16xi32>,
        %add3A_1809 = arith.addi %get3A_1808, %get3A_1808 : vector<16xi32>
        %swap3A_1810 = arith.constant 0 : i32
        %swap3A_1811 = arith.constant 1 : i32
        %swap3A_1812 = arith.index_cast %swap3A_1810 : i32 to index
        %swap3A_1813 = arith.index_cast %swap3A_1811 : i32 to index
        %swap3A_1814 = arith.constant 80 : index
        %swap3A_1815 = tpu.vector_load %arg6[%swap3A_1812, %swap3A_1813, %swap3A_1814] {strides = array<i32>} : memref<2x2x200xi32, #tpu.memory_space<vmem>>, vector<16xi32>,
        tpu.vector_store %arg6[%swap3A_1812, %swap3A_1813, %swap3A_1814], %add3A_1809 {strides = array<i32>} : memref<2x2x200xi32, #tpu.memory_space<vmem>>, vector<16xi32>,
        %mul3A_1816 = arith.constant 2 : i32
        %mul3A_1817 = arith.muli %add3A_1515, %mul3A_1816 : i32
        %add3A_1818 = arith.constant 1 : i32
        %add3A_1819 = arith.addi %mul3A_1817, %add3A_1818 : i32
        %get3A_1820 = arith.index_cast %add3A_1819 : i32 to index
        %get3A_1821 = arith.constant 96 : index
        %get3A_1822 = tpu.vector_load %arg5[%get3A_1820, %get3A_1821] {strides = array<i32>} : memref<128x200xi32, #tpu.memory_space<vmem>>, vector<16xi32>,
        %add3A_1823 = arith.addi %get3A_1822, %get3A_1822 : vector<16xi32>
        %swap3A_1824 = arith.constant 0 : i32
        %swap3A_1825 = arith.constant 1 : i32
        %swap3A_1826 = arith.index_cast %swap3A_1824 : i32 to index
        %swap3A_1827 = arith.index_cast %swap3A_1825 : i32 to index
        %swap3A_1828 = arith.constant 96 : index
        %swap3A_1829 = tpu.vector_load %arg6[%swap3A_1826, %swap3A_1827, %swap3A_1828] {strides = array<i32>} : memref<2x2x200xi32, #tpu.memory_space<vmem>>, vector<16xi32>,
        tpu.vector_store %arg6[%swap3A_1826, %swap3A_1827, %swap3A_1828], %add3A_1823 {strides = array<i32>} : memref<2x2x200xi32, #tpu.memory_space<vmem>>, vector<16xi32>,
        %mul3A_1830 = arith.constant 2 : i32
        %mul3A_1831 = arith.muli %add3A_1515, %mul3A_1830 : i32
        %add3A_1832 = arith.constant 1 : i32
        %add3A_1833 = arith.addi %mul3A_1831, %add3A_1832 : i32
        %get3A_1834 = arith.index_cast %add3A_1833 : i32 to index
        %get3A_1835 = arith.constant 112 : index
        %get3A_1836 = tpu.vector_load %arg5[%get3A_1834, %get3A_1835] {strides = array<i32>} : memref<128x200xi32, #tpu.memory_space<vmem>>, vector<16xi32>,
        %add3A_1837 = arith.addi %get3A_1836, %get3A_1836 : vector<16xi32>
        %swap3A_1838 = arith.constant 0 : i32
        %swap3A_1839 = arith.constant 1 : i32
        %swap3A_1840 = arith.index_cast %swap3A_1838 : i32 to index
        %swap3A_1841 = arith.index_cast %swap3A_1839 : i32 to index
        %swap3A_1842 = arith.constant 112 : index
        %swap3A_1843 = tpu.vector_load %arg6[%swap3A_1840, %swap3A_1841, %swap3A_1842] {strides = array<i32>} : memref<2x2x200xi32, #tpu.memory_space<vmem>>, vector<16xi32>,
        tpu.vector_store %arg6[%swap3A_1840, %swap3A_1841, %swap3A_1842], %add3A_1837 {strides = array<i32>} : memref<2x2x200xi32, #tpu.memory_space<vmem>>, vector<16xi32>,
        %mul3A_1844 = arith.constant 2 : i32
        %mul3A_1845 = arith.muli %add3A_1515, %mul3A_1844 : i32
        %add3A_1846 = arith.constant 1 : i32
        %add3A_1847 = arith.addi %mul3A_1845, %add3A_1846 : i32
        %get3A_1848 = arith.index_cast %add3A_1847 : i32 to index
        %get3A_1849 = arith.constant 128 : index
        %get3A_1850 = tpu.vector_load %arg5[%get3A_1848, %get3A_1849] {strides = array<i32>} : memref<128x200xi32, #tpu.memory_space<vmem>>, vector<16xi32>,
        %add3A_1851 = arith.addi %get3A_1850, %get3A_1850 : vector<16xi32>
        %swap3A_1852 = arith.constant 0 : i32
        %swap3A_1853 = arith.constant 1 : i32
        %swap3A_1854 = arith.index_cast %swap3A_1852 : i32 to index
        %swap3A_1855 = arith.index_cast %swap3A_1853 : i32 to index
        %swap3A_1856 = arith.constant 128 : index
        %swap3A_1857 = tpu.vector_load %arg6[%swap3A_1854, %swap3A_1855, %swap3A_1856] {strides = array<i32>} : memref<2x2x200xi32, #tpu.memory_space<vmem>>, vector<16xi32>,
        tpu.vector_store %arg6[%swap3A_1854, %swap3A_1855, %swap3A_1856], %add3A_1851 {strides = array<i32>} : memref<2x2x200xi32, #tpu.memory_space<vmem>>, vector<16xi32>,
        %mul3A_1858 = arith.constant 2 : i32
        %mul3A_1859 = arith.muli %add3A_1515, %mul3A_1858 : i32
        %add3A_1860 = arith.constant 1 : i32
        %add3A_1861 = arith.addi %mul3A_1859, %add3A_1860 : i32
        %get3A_1862 = arith.index_cast %add3A_1861 : i32 to index
        %get3A_1863 = arith.constant 144 : index
        %get3A_1864 = tpu.vector_load %arg5[%get3A_1862, %get3A_1863] {strides = array<i32>} : memref<128x200xi32, #tpu.memory_space<vmem>>, vector<16xi32>,
        %add3A_1865 = arith.addi %get3A_1864, %get3A_1864 : vector<16xi32>
        %swap3A_1866 = arith.constant 0 : i32
        %swap3A_1867 = arith.constant 1 : i32
        %swap3A_1868 = arith.index_cast %swap3A_1866 : i32 to index
        %swap3A_1869 = arith.index_cast %swap3A_1867 : i32 to index
        %swap3A_1870 = arith.constant 144 : index
        %swap3A_1871 = tpu.vector_load %arg6[%swap3A_1868, %swap3A_1869, %swap3A_1870] {strides = array<i32>} : memref<2x2x200xi32, #tpu.memory_space<vmem>>, vector<16xi32>,
        tpu.vector_store %arg6[%swap3A_1868, %swap3A_1869, %swap3A_1870], %add3A_1865 {strides = array<i32>} : memref<2x2x200xi32, #tpu.memory_space<vmem>>, vector<16xi32>,
        %mul3A_1872 = arith.constant 2 : i32
        %mul3A_1873 = arith.muli %add3A_1515, %mul3A_1872 : i32
        %add3A_1874 = arith.constant 1 : i32
        %add3A_1875 = arith.addi %mul3A_1873, %add3A_1874 : i32
        %get3A_1876 = arith.index_cast %add3A_1875 : i32 to index
        %get3A_1877 = arith.constant 160 : index
        %get3A_1878 = tpu.vector_load %arg5[%get3A_1876, %get3A_1877] {strides = array<i32>} : memref<128x200xi32, #tpu.memory_space<vmem>>, vector<16xi32>,
        %add3A_1879 = arith.addi %get3A_1878, %get3A_1878 : vector<16xi32>
        %swap3A_1880 = arith.constant 0 : i32
        %swap3A_1881 = arith.constant 1 : i32
        %swap3A_1882 = arith.index_cast %swap3A_1880 : i32 to index
        %swap3A_1883 = arith.index_cast %swap3A_1881 : i32 to index
        %swap3A_1884 = arith.constant 160 : index
        %swap3A_1885 = tpu.vector_load %arg6[%swap3A_1882, %swap3A_1883, %swap3A_1884] {strides = array<i32>} : memref<2x2x200xi32, #tpu.memory_space<vmem>>, vector<16xi32>,
        tpu.vector_store %arg6[%swap3A_1882, %swap3A_1883, %swap3A_1884], %add3A_1879 {strides = array<i32>} : memref<2x2x200xi32, #tpu.memory_space<vmem>>, vector<16xi32>,
        %mul3A_1886 = arith.constant 2 : i32
        %mul3A_1887 = arith.muli %add3A_1515, %mul3A_1886 : i32
        %add3A_1888 = arith.constant 1 : i32
        %add3A_1889 = arith.addi %mul3A_1887, %add3A_1888 : i32
        %get3A_1890 = arith.index_cast %add3A_1889 : i32 to index
        %get3A_1891 = arith.constant 176 : index
        %get3A_1892 = tpu.vector_load %arg5[%get3A_1890, %get3A_1891] {strides = array<i32>} : memref<128x200xi32, #tpu.memory_space<vmem>>, vector<16xi32>,
        %add3A_1893 = arith.addi %get3A_1892, %get3A_1892 : vector<16xi32>
        %swap3A_1894 = arith.constant 0 : i32
        %swap3A_1895 = arith.constant 1 : i32
        %swap3A_1896 = arith.index_cast %swap3A_1894 : i32 to index
        %swap3A_1897 = arith.index_cast %swap3A_1895 : i32 to index
        %swap3A_1898 = arith.constant 176 : index
        %swap3A_1899 = tpu.vector_load %arg6[%swap3A_1896, %swap3A_1897, %swap3A_1898] {strides = array<i32>} : memref<2x2x200xi32, #tpu.memory_space<vmem>>, vector<16xi32>,
        tpu.vector_store %arg6[%swap3A_1896, %swap3A_1897, %swap3A_1898], %add3A_1893 {strides = array<i32>} : memref<2x2x200xi32, #tpu.memory_space<vmem>>, vector<16xi32>,
        %mul3A_1900 = arith.constant 2 : i32
        %mul3A_1901 = arith.muli %add3A_1515, %mul3A_1900 : i32
        %add3A_1902 = arith.constant 1 : i32
        %add3A_1903 = arith.addi %mul3A_1901, %add3A_1902 : i32
        %get3A_1904 = arith.index_cast %add3A_1903 : i32 to index
        %get3A_1905 = arith.constant 184 : index
        %get3A_1906 = tpu.vector_load %arg5[%get3A_1904, %get3A_1905] {strides = array<i32>} : memref<128x200xi32, #tpu.memory_space<vmem>>, vector<16xi32>,
        %add3A_1907 = arith.addi %get3A_1906, %get3A_1906 : vector<16xi32>
        %swap3A_1908 = arith.constant 0 : i32
        %swap3A_1909 = arith.constant 1 : i32
        %swap3A_1910 = arith.index_cast %swap3A_1908 : i32 to index
        %swap3A_1911 = arith.index_cast %swap3A_1909 : i32 to index
        %swap3A_1912 = arith.constant 184 : index
        %swap3A_1913 = tpu.vector_load %arg6[%swap3A_1910, %swap3A_1911, %swap3A_1912] {strides = array<i32>} : memref<2x2x200xi32, #tpu.memory_space<vmem>>, vector<16xi32>,
        tpu.vector_store %arg6[%swap3A_1910, %swap3A_1911, %swap3A_1912], %add3A_1907 {strides = array<i32>} : memref<2x2x200xi32, #tpu.memory_space<vmem>>, vector<16xi32>,
        %dma_start3A_1914 = arith.constant 0 : i32
        %dma_start3A_1915 = arith.constant 1 : i32
        %dma_start3A_1916 = arith.constant 0 : i32
        %dma_start3A_1917 = arith.constant 1 : i32
        %dma_start3A_1918 = arith.constant 0 : i32
        %dma_start3A_1919 = arith.constant 0 : i32
        %dma_start3A_1920 = tpu.memref_slice %arg7[%dma_start3A_1916, %dma_start3A_1917, %dma_start3A_1918, %dma_start3A_1919] : memref<2x2x200x64xf32, #tpu.memory_space<vmem>> -> memref<1x1x200x64xf32, #tpu.memory_space<vmem>>
        %dma_start3A_1921 = tpu.memref_squeeze %dma_start3A_1920 : memref<1x1x200x64xf32, #tpu.memory_space<vmem>> -> memref<200x64xf32, #tpu.memory_space<vmem>>
        %dma_start3A_1922 = arith.constant 0 : i32
        %dma_start3A_1923 = arith.constant 0 : i32
        %dma_start3A_1924 = tpu.memref_slice %dma_start3A_1921[%dma_start3A_1922, %dma_start3A_1923] : memref<200x64xf32, #tpu.memory_space<vmem>> -> memref<128x64xf32, #tpu.memory_space<vmem>>
        %dma_start3A_1925 = arith.constant 0 : i32
        %dma_start3A_1926 = tpu.memref_slice %arg6[%dma_start3A_1914, %dma_start3A_1915, %dma_start3A_1925] : memref<2x2x200xi32, #tpu.memory_space<vmem>> -> memref<1x1x128xi32, #tpu.memory_space<vmem>>
        %dma_start3A_1927 = tpu.memref_squeeze %dma_start3A_1926 : memref<1x1x128xi32, #tpu.memory_space<vmem>> -> memref<128xi32, #tpu.memory_space<vmem>>
        %dma_start3A_1928 = arith.constant 0 : i32
        %dma_start3A_1929 = arith.constant 0 : i32
        %dma_start3A_1930 = tpu.memref_slice %arg3[%dma_start3A_1928, %dma_start3A_1929] : memref<2000000x64xf32, #tpu.memory_space<hbm>> -> memref<2000000x64xf32, #tpu.memory_space<hbm>>
        tpu.enqueue_indirect_dma source(%dma_start3A_1930 : memref<2000000x64xf32, #tpu.memory_space<hbm>>) target(%dma_start3A_1924 : memref<128x64xf32, #tpu.memory_space<vmem>>) offsets(%dma_start3A_1927 : memref<128xi32, #tpu.memory_space<vmem>>) semaphore(%arg8 : memref<!tpu.dma_semaphore, #tpu.memory_space<semaphore_mem>>)
        %dma_start3A_1931 = arith.constant 0 : i32
        %dma_start3A_1932 = arith.constant 1 : i32
        %dma_start3A_1933 = arith.constant 0 : i32
        %dma_start3A_1934 = arith.constant 1 : i32
        %dma_start3A_1935 = arith.constant 0 : i32
        %dma_start3A_1936 = arith.constant 0 : i32
        %dma_start3A_1937 = tpu.memref_slice %arg7[%dma_start3A_1933, %dma_start3A_1934, %dma_start3A_1935, %dma_start3A_1936] : memref<2x2x200x64xf32, #tpu.memory_space<vmem>> -> memref<1x1x200x64xf32, #tpu.memory_space<vmem>>
        %dma_start3A_1938 = tpu.memref_squeeze %dma_start3A_1937 : memref<1x1x200x64xf32, #tpu.memory_space<vmem>> -> memref<200x64xf32, #tpu.memory_space<vmem>>
        %dma_start3A_1939 = arith.constant 128 : i32
        %dma_start3A_1940 = arith.constant 0 : i32
        %dma_start3A_1941 = tpu.memref_slice %dma_start3A_1938[%dma_start3A_1939, %dma_start3A_1940] : memref<200x64xf32, #tpu.memory_space<vmem>> -> memref<72x64xf32, #tpu.memory_space<vmem>>
        %dma_start3A_1942 = arith.constant 128 : i32
        %dma_start3A_1943 = tpu.memref_slice %arg6[%dma_start3A_1931, %dma_start3A_1932, %dma_start3A_1942] : memref<2x2x200xi32, #tpu.memory_space<vmem>> -> memref<1x1x72xi32, #tpu.memory_space<vmem>>
        %dma_start3A_1944 = tpu.memref_squeeze %dma_start3A_1943 : memref<1x1x72xi32, #tpu.memory_space<vmem>> -> memref<72xi32, #tpu.memory_space<vmem>>
        %dma_start3A_1945 = arith.constant 0 : i32
        %dma_start3A_1946 = arith.constant 0 : i32
        %dma_start3A_1947 = tpu.memref_slice %arg3[%dma_start3A_1945, %dma_start3A_1946] : memref<2000000x64xf32, #tpu.memory_space<hbm>> -> memref<2000000x64xf32, #tpu.memory_space<hbm>>
        tpu.enqueue_indirect_dma source(%dma_start3A_1947 : memref<2000000x64xf32, #tpu.memory_space<hbm>>) target(%dma_start3A_1941 : memref<72x64xf32, #tpu.memory_space<vmem>>) offsets(%dma_start3A_1944 : memref<72xi32, #tpu.memory_space<vmem>>) semaphore(%arg8 : memref<!tpu.dma_semaphore, #tpu.memory_space<semaphore_mem>>)
      } else {
      }
      %dma_wait3A_1163 = arith.constant 1 : i32
      %dma_wait3A_1164 = arith.constant 0 : i32
      %dma_wait3A_1165 = arith.constant 0 : i32
      %dma_wait3A_1166 = arith.constant 0 : i32
      %dma_wait3A_1167 = tpu.memref_slice %arg7[%dma_wait3A_1163, %dma_wait3A_1164, %dma_wait3A_1165, %dma_wait3A_1166] : memref<2x2x200x64xf32, #tpu.memory_space<vmem>> -> memref<1x1x200x64xf32, #tpu.memory_space<vmem>>
      %dma_wait3A_1168 = tpu.memref_squeeze %dma_wait3A_1167 : memref<1x1x200x64xf32, #tpu.memory_space<vmem>> -> memref<200x64xf32, #tpu.memory_space<vmem>>
      %dma_wait3A_1169 = arith.constant 0 : i32
      %dma_wait3A_1170 = arith.constant 0 : i32
      %dma_wait3A_1171 = tpu.memref_slice %dma_wait3A_1168[%dma_wait3A_1169, %dma_wait3A_1170] : memref<200x64xf32, #tpu.memory_space<vmem>> -> memref<128x64xf32, #tpu.memory_space<vmem>>
      %dma_wait3A_1172 = arith.constant 0 : i32
      %dma_wait3A_1173 = arith.constant 0 : i32
      %dma_wait3A_1174 = tpu.memref_slice %arg3[%dma_wait3A_1172, %dma_wait3A_1173] : memref<2000000x64xf32, #tpu.memory_space<hbm>> -> memref<128x64xf32, #tpu.memory_space<hbm>>
      %dma_wait3A_1175 = arith.constant 0 : i32
      %dma_wait3A_1176 = arith.constant 0 : i32
      %dma_wait3A_1177 = tpu.memref_slice %arg7[%dma_wait3A_1163, %dma_wait3A_1164, %dma_wait3A_1175, %dma_wait3A_1176] : memref<2x2x200x64xf32, #tpu.memory_space<vmem>> -> memref<1x1x200x64xf32, #tpu.memory_space<vmem>>
      %dma_wait3A_1178 = tpu.memref_squeeze %dma_wait3A_1177 : memref<1x1x200x64xf32, #tpu.memory_space<vmem>> -> memref<200x64xf32, #tpu.memory_space<vmem>>
      %dma_wait3A_1179 = arith.constant 0 : i32
      %dma_wait3A_1180 = arith.constant 0 : i32
      %dma_wait3A_1181 = tpu.memref_slice %dma_wait3A_1178[%dma_wait3A_1179, %dma_wait3A_1180] : memref<200x64xf32, #tpu.memory_space<vmem>> -> memref<128x64xf32, #tpu.memory_space<vmem>>
      %dma_wait3A_1182 = arith.constant 0 : i32
      %dma_wait3A_1183 = arith.constant 0 : i32
      %dma_wait3A_1184 = tpu.memref_slice %arg3[%dma_wait3A_1182, %dma_wait3A_1183] : memref<2000000x64xf32, #tpu.memory_space<hbm>> -> memref<128x64xf32, #tpu.memory_space<hbm>>
      tpu.wait_dma2 semaphore(%arg9 : memref<!tpu.dma_semaphore, #tpu.memory_space<semaphore_mem>>) src(%dma_wait3A_1184 : memref<128x64xf32, #tpu.memory_space<hbm>>) dst(%dma_wait3A_1181 : memref<128x64xf32, #tpu.memory_space<vmem>>)
      %dma_wait3A_1185 = arith.constant 1 : i32
      %dma_wait3A_1186 = arith.constant 0 : i32
      %dma_wait3A_1187 = arith.constant 0 : i32
      %dma_wait3A_1188 = arith.constant 0 : i32
      %dma_wait3A_1189 = tpu.memref_slice %arg7[%dma_wait3A_1185, %dma_wait3A_1186, %dma_wait3A_1187, %dma_wait3A_1188] : memref<2x2x200x64xf32, #tpu.memory_space<vmem>> -> memref<1x1x200x64xf32, #tpu.memory_space<vmem>>
      %dma_wait3A_1190 = tpu.memref_squeeze %dma_wait3A_1189 : memref<1x1x200x64xf32, #tpu.memory_space<vmem>> -> memref<200x64xf32, #tpu.memory_space<vmem>>
      %dma_wait3A_1191 = arith.constant 128 : i32
      %dma_wait3A_1192 = arith.constant 0 : i32
      %dma_wait3A_1193 = tpu.memref_slice %dma_wait3A_1190[%dma_wait3A_1191, %dma_wait3A_1192] : memref<200x64xf32, #tpu.memory_space<vmem>> -> memref<72x64xf32, #tpu.memory_space<vmem>>
      %dma_wait3A_1194 = arith.constant 0 : i32
      %dma_wait3A_1195 = arith.constant 0 : i32
      %dma_wait3A_1196 = tpu.memref_slice %arg3[%dma_wait3A_1194, %dma_wait3A_1195] : memref<2000000x64xf32, #tpu.memory_space<hbm>> -> memref<72x64xf32, #tpu.memory_space<hbm>>
      %dma_wait3A_1197 = arith.constant 0 : i32
      %dma_wait3A_1198 = arith.constant 0 : i32
      %dma_wait3A_1199 = tpu.memref_slice %arg7[%dma_wait3A_1185, %dma_wait3A_1186, %dma_wait3A_1197, %dma_wait3A_1198] : memref<2x2x200x64xf32, #tpu.memory_space<vmem>> -> memref<1x1x200x64xf32, #tpu.memory_space<vmem>>
      %dma_wait3A_1200 = tpu.memref_squeeze %dma_wait3A_1199 : memref<1x1x200x64xf32, #tpu.memory_space<vmem>> -> memref<200x64xf32, #tpu.memory_space<vmem>>
      %dma_wait3A_1201 = arith.constant 128 : i32
      %dma_wait3A_1202 = arith.constant 0 : i32
      %dma_wait3A_1203 = tpu.memref_slice %dma_wait3A_1200[%dma_wait3A_1201, %dma_wait3A_1202] : memref<200x64xf32, #tpu.memory_space<vmem>> -> memref<72x64xf32, #tpu.memory_space<vmem>>
      %dma_wait3A_1204 = arith.constant 0 : i32
      %dma_wait3A_1205 = arith.constant 0 : i32
      %dma_wait3A_1206 = tpu.memref_slice %arg3[%dma_wait3A_1204, %dma_wait3A_1205] : memref<2000000x64xf32, #tpu.memory_space<hbm>> -> memref<72x64xf32, #tpu.memory_space<hbm>>
      tpu.wait_dma2 semaphore(%arg9 : memref<!tpu.dma_semaphore, #tpu.memory_space<semaphore_mem>>) src(%dma_wait3A_1206 : memref<72x64xf32, #tpu.memory_space<hbm>>) dst(%dma_wait3A_1203 : memref<72x64xf32, #tpu.memory_space<vmem>>)
      %dma_wait3A_1207 = arith.constant 1 : i32
      %dma_wait3A_1208 = arith.constant 1 : i32
      %dma_wait3A_1209 = arith.constant 0 : i32
      %dma_wait3A_1210 = arith.constant 0 : i32
      %dma_wait3A_1211 = tpu.memref_slice %arg7[%dma_wait3A_1207, %dma_wait3A_1208, %dma_wait3A_1209, %dma_wait3A_1210] : memref<2x2x200x64xf32, #tpu.memory_space<vmem>> -> memref<1x1x200x64xf32, #tpu.memory_space<vmem>>
      %dma_wait3A_1212 = tpu.memref_squeeze %dma_wait3A_1211 : memref<1x1x200x64xf32, #tpu.memory_space<vmem>> -> memref<200x64xf32, #tpu.memory_space<vmem>>
      %dma_wait3A_1213 = arith.constant 0 : i32
      %dma_wait3A_1214 = arith.constant 0 : i32
      %dma_wait3A_1215 = tpu.memref_slice %dma_wait3A_1212[%dma_wait3A_1213, %dma_wait3A_1214] : memref<200x64xf32, #tpu.memory_space<vmem>> -> memref<128x64xf32, #tpu.memory_space<vmem>>
      %dma_wait3A_1216 = arith.constant 0 : i32
      %dma_wait3A_1217 = arith.constant 0 : i32
      %dma_wait3A_1218 = tpu.memref_slice %arg3[%dma_wait3A_1216, %dma_wait3A_1217] : memref<2000000x64xf32, #tpu.memory_space<hbm>> -> memref<128x64xf32, #tpu.memory_space<hbm>>
      %dma_wait3A_1219 = arith.constant 0 : i32
      %dma_wait3A_1220 = arith.constant 0 : i32
      %dma_wait3A_1221 = tpu.memref_slice %arg7[%dma_wait3A_1207, %dma_wait3A_1208, %dma_wait3A_1219, %dma_wait3A_1220] : memref<2x2x200x64xf32, #tpu.memory_space<vmem>> -> memref<1x1x200x64xf32, #tpu.memory_space<vmem>>
      %dma_wait3A_1222 = tpu.memref_squeeze %dma_wait3A_1221 : memref<1x1x200x64xf32, #tpu.memory_space<vmem>> -> memref<200x64xf32, #tpu.memory_space<vmem>>
      %dma_wait3A_1223 = arith.constant 0 : i32
      %dma_wait3A_1224 = arith.constant 0 : i32
      %dma_wait3A_1225 = tpu.memref_slice %dma_wait3A_1222[%dma_wait3A_1223, %dma_wait3A_1224] : memref<200x64xf32, #tpu.memory_space<vmem>> -> memref<128x64xf32, #tpu.memory_space<vmem>>
      %dma_wait3A_1226 = arith.constant 0 : i32
      %dma_wait3A_1227 = arith.constant 0 : i32
      %dma_wait3A_1228 = tpu.memref_slice %arg3[%dma_wait3A_1226, %dma_wait3A_1227] : memref<2000000x64xf32, #tpu.memory_space<hbm>> -> memref<128x64xf32, #tpu.memory_space<hbm>>
      tpu.wait_dma2 semaphore(%arg9 : memref<!tpu.dma_semaphore, #tpu.memory_space<semaphore_mem>>) src(%dma_wait3A_1228 : memref<128x64xf32, #tpu.memory_space<hbm>>) dst(%dma_wait3A_1225 : memref<128x64xf32, #tpu.memory_space<vmem>>)
      %dma_wait3A_1229 = arith.constant 1 : i32
      %dma_wait3A_1230 = arith.constant 1 : i32
      %dma_wait3A_1231 = arith.constant 0 : i32
      %dma_wait3A_1232 = arith.constant 0 : i32
      %dma_wait3A_1233 = tpu.memref_slice %arg7[%dma_wait3A_1229, %dma_wait3A_1230, %dma_wait3A_1231, %dma_wait3A_1232] : memref<2x2x200x64xf32, #tpu.memory_space<vmem>> -> memref<1x1x200x64xf32, #tpu.memory_space<vmem>>
      %dma_wait3A_1234 = tpu.memref_squeeze %dma_wait3A_1233 : memref<1x1x200x64xf32, #tpu.memory_space<vmem>> -> memref<200x64xf32, #tpu.memory_space<vmem>>
      %dma_wait3A_1235 = arith.constant 128 : i32
      %dma_wait3A_1236 = arith.constant 0 : i32
      %dma_wait3A_1237 = tpu.memref_slice %dma_wait3A_1234[%dma_wait3A_1235, %dma_wait3A_1236] : memref<200x64xf32, #tpu.memory_space<vmem>> -> memref<72x64xf32, #tpu.memory_space<vmem>>
      %dma_wait3A_1238 = arith.constant 0 : i32
      %dma_wait3A_1239 = arith.constant 0 : i32
      %dma_wait3A_1240 = tpu.memref_slice %arg3[%dma_wait3A_1238, %dma_wait3A_1239] : memref<2000000x64xf32, #tpu.memory_space<hbm>> -> memref<72x64xf32, #tpu.memory_space<hbm>>
      %dma_wait3A_1241 = arith.constant 0 : i32
      %dma_wait3A_1242 = arith.constant 0 : i32
      %dma_wait3A_1243 = tpu.memref_slice %arg7[%dma_wait3A_1229, %dma_wait3A_1230, %dma_wait3A_1241, %dma_wait3A_1242] : memref<2x2x200x64xf32, #tpu.memory_space<vmem>> -> memref<1x1x200x64xf32, #tpu.memory_space<vmem>>
      %dma_wait3A_1244 = tpu.memref_squeeze %dma_wait3A_1243 : memref<1x1x200x64xf32, #tpu.memory_space<vmem>> -> memref<200x64xf32, #tpu.memory_space<vmem>>
      %dma_wait3A_1245 = arith.constant 128 : i32
      %dma_wait3A_1246 = arith.constant 0 : i32
      %dma_wait3A_1247 = tpu.memref_slice %dma_wait3A_1244[%dma_wait3A_1245, %dma_wait3A_1246] : memref<200x64xf32, #tpu.memory_space<vmem>> -> memref<72x64xf32, #tpu.memory_space<vmem>>
      %dma_wait3A_1248 = arith.constant 0 : i32
      %dma_wait3A_1249 = arith.constant 0 : i32
      %dma_wait3A_1250 = tpu.memref_slice %arg3[%dma_wait3A_1248, %dma_wait3A_1249] : memref<2000000x64xf32, #tpu.memory_space<hbm>> -> memref<72x64xf32, #tpu.memory_space<hbm>>
      tpu.wait_dma2 semaphore(%arg9 : memref<!tpu.dma_semaphore, #tpu.memory_space<semaphore_mem>>) src(%dma_wait3A_1250 : memref<72x64xf32, #tpu.memory_space<hbm>>) dst(%dma_wait3A_1247 : memref<72x64xf32, #tpu.memory_space<vmem>>)
      %mul3A_1251 = arith.constant 2 : i32
      %mul3A_1252 = arith.muli %add3A_396, %mul3A_1251 : i32
      %add3A_1253 = arith.constant 0 : i32
      %add3A_1254 = arith.addi %mul3A_1252, %add3A_1253 : i32
      %get3A_1255 = arith.index_cast %add3A_1254 : i32 to index
      %get3A_1256 = arith.constant 0 : index
      %get3A_1257 = tpu.vector_load %arg5[%get3A_1255, %get3A_1256] {strides = array<i32>} : memref<128x200xi32, #tpu.memory_space<vmem>>, vector<16xi32>,
      %mul3A_1258 = arith.constant 2 : i32
      %mul3A_1259 = arith.muli %add3A_396, %mul3A_1258 : i32
      %add3A_1260 = arith.constant 0 : i32
      %add3A_1261 = arith.addi %mul3A_1259, %add3A_1260 : i32
      %get3A_1262 = arith.index_cast %add3A_1261 : i32 to index
      %get3A_1263 = arith.constant 16 : index
      %get3A_1264 = tpu.vector_load %arg5[%get3A_1262, %get3A_1263] {strides = array<i32>} : memref<128x200xi32, #tpu.memory_space<vmem>>, vector<16xi32>,
      %min3A_1265 = arith.minsi %get3A_1257, %get3A_1264 : vector<16xi32>
      %mul3A_1266 = arith.constant 2 : i32
      %mul3A_1267 = arith.muli %add3A_396, %mul3A_1266 : i32
      %add3A_1268 = arith.constant 0 : i32
      %add3A_1269 = arith.addi %mul3A_1267, %add3A_1268 : i32
      %get3A_1270 = arith.index_cast %add3A_1269 : i32 to index
      %get3A_1271 = arith.constant 32 : index
      %get3A_1272 = tpu.vector_load %arg5[%get3A_1270, %get3A_1271] {strides = array<i32>} : memref<128x200xi32, #tpu.memory_space<vmem>>, vector<16xi32>,
      %min3A_1273 = arith.minsi %min3A_1265, %get3A_1272 : vector<16xi32>
      %mul3A_1274 = arith.constant 2 : i32
      %mul3A_1275 = arith.muli %add3A_396, %mul3A_1274 : i32
      %add3A_1276 = arith.constant 0 : i32
      %add3A_1277 = arith.addi %mul3A_1275, %add3A_1276 : i32
      %get3A_1278 = arith.index_cast %add3A_1277 : i32 to index
      %get3A_1279 = arith.constant 48 : index
      %get3A_1280 = tpu.vector_load %arg5[%get3A_1278, %get3A_1279] {strides = array<i32>} : memref<128x200xi32, #tpu.memory_space<vmem>>, vector<16xi32>,
      %min3A_1281 = arith.minsi %min3A_1273, %get3A_1280 : vector<16xi32>
      %mul3A_1282 = arith.constant 2 : i32
      %mul3A_1283 = arith.muli %add3A_396, %mul3A_1282 : i32
      %add3A_1284 = arith.constant 0 : i32
      %add3A_1285 = arith.addi %mul3A_1283, %add3A_1284 : i32
      %get3A_1286 = arith.index_cast %add3A_1285 : i32 to index
      %get3A_1287 = arith.constant 64 : index
      %get3A_1288 = tpu.vector_load %arg5[%get3A_1286, %get3A_1287] {strides = array<i32>} : memref<128x200xi32, #tpu.memory_space<vmem>>, vector<16xi32>,
      %min3A_1289 = arith.minsi %min3A_1281, %get3A_1288 : vector<16xi32>
      %mul3A_1290 = arith.constant 2 : i32
      %mul3A_1291 = arith.muli %add3A_396, %mul3A_1290 : i32
      %add3A_1292 = arith.constant 0 : i32
      %add3A_1293 = arith.addi %mul3A_1291, %add3A_1292 : i32
      %get3A_1294 = arith.index_cast %add3A_1293 : i32 to index
      %get3A_1295 = arith.constant 80 : index
      %get3A_1296 = tpu.vector_load %arg5[%get3A_1294, %get3A_1295] {strides = array<i32>} : memref<128x200xi32, #tpu.memory_space<vmem>>, vector<16xi32>,
      %min3A_1297 = arith.minsi %min3A_1289, %get3A_1296 : vector<16xi32>
      %mul3A_1298 = arith.constant 2 : i32
      %mul3A_1299 = arith.muli %add3A_396, %mul3A_1298 : i32
      %add3A_1300 = arith.constant 0 : i32
      %add3A_1301 = arith.addi %mul3A_1299, %add3A_1300 : i32
      %get3A_1302 = arith.index_cast %add3A_1301 : i32 to index
      %get3A_1303 = arith.constant 96 : index
      %get3A_1304 = tpu.vector_load %arg5[%get3A_1302, %get3A_1303] {strides = array<i32>} : memref<128x200xi32, #tpu.memory_space<vmem>>, vector<16xi32>,
      %min3A_1305 = arith.minsi %min3A_1297, %get3A_1304 : vector<16xi32>
      %mul3A_1306 = arith.constant 2 : i32
      %mul3A_1307 = arith.muli %add3A_396, %mul3A_1306 : i32
      %add3A_1308 = arith.constant 0 : i32
      %add3A_1309 = arith.addi %mul3A_1307, %add3A_1308 : i32
      %get3A_1310 = arith.index_cast %add3A_1309 : i32 to index
      %get3A_1311 = arith.constant 112 : index
      %get3A_1312 = tpu.vector_load %arg5[%get3A_1310, %get3A_1311] {strides = array<i32>} : memref<128x200xi32, #tpu.memory_space<vmem>>, vector<16xi32>,
      %min3A_1313 = arith.minsi %min3A_1305, %get3A_1312 : vector<16xi32>
      %mul3A_1314 = arith.constant 2 : i32
      %mul3A_1315 = arith.muli %add3A_396, %mul3A_1314 : i32
      %add3A_1316 = arith.constant 0 : i32
      %add3A_1317 = arith.addi %mul3A_1315, %add3A_1316 : i32
      %get3A_1318 = arith.index_cast %add3A_1317 : i32 to index
      %get3A_1319 = arith.constant 128 : index
      %get3A_1320 = tpu.vector_load %arg5[%get3A_1318, %get3A_1319] {strides = array<i32>} : memref<128x200xi32, #tpu.memory_space<vmem>>, vector<16xi32>,
      %min3A_1321 = arith.minsi %min3A_1313, %get3A_1320 : vector<16xi32>
      %mul3A_1322 = arith.constant 2 : i32
      %mul3A_1323 = arith.muli %add3A_396, %mul3A_1322 : i32
      %add3A_1324 = arith.constant 0 : i32
      %add3A_1325 = arith.addi %mul3A_1323, %add3A_1324 : i32
      %get3A_1326 = arith.index_cast %add3A_1325 : i32 to index
      %get3A_1327 = arith.constant 144 : index
      %get3A_1328 = tpu.vector_load %arg5[%get3A_1326, %get3A_1327] {strides = array<i32>} : memref<128x200xi32, #tpu.memory_space<vmem>>, vector<16xi32>,
      %min3A_1329 = arith.minsi %min3A_1321, %get3A_1328 : vector<16xi32>
      %mul3A_1330 = arith.constant 2 : i32
      %mul3A_1331 = arith.muli %add3A_396, %mul3A_1330 : i32
      %add3A_1332 = arith.constant 0 : i32
      %add3A_1333 = arith.addi %mul3A_1331, %add3A_1332 : i32
      %get3A_1334 = arith.index_cast %add3A_1333 : i32 to index
      %get3A_1335 = arith.constant 160 : index
      %get3A_1336 = tpu.vector_load %arg5[%get3A_1334, %get3A_1335] {strides = array<i32>} : memref<128x200xi32, #tpu.memory_space<vmem>>, vector<16xi32>,
      %min3A_1337 = arith.minsi %min3A_1329, %get3A_1336 : vector<16xi32>
      %mul3A_1338 = arith.constant 2 : i32
      %mul3A_1339 = arith.muli %add3A_396, %mul3A_1338 : i32
      %add3A_1340 = arith.constant 0 : i32
      %add3A_1341 = arith.addi %mul3A_1339, %add3A_1340 : i32
      %get3A_1342 = arith.index_cast %add3A_1341 : i32 to index
      %get3A_1343 = arith.constant 176 : index
      %get3A_1344 = tpu.vector_load %arg5[%get3A_1342, %get3A_1343] {strides = array<i32>} : memref<128x200xi32, #tpu.memory_space<vmem>>, vector<16xi32>,
      %min3A_1345 = arith.minsi %min3A_1337, %get3A_1344 : vector<16xi32>
      %mul3A_1346 = arith.constant 2 : i32
      %mul3A_1347 = arith.muli %add3A_396, %mul3A_1346 : i32
      %add3A_1348 = arith.constant 0 : i32
      %add3A_1349 = arith.addi %mul3A_1347, %add3A_1348 : i32
      %get3A_1350 = arith.index_cast %add3A_1349 : i32 to index
      %get3A_1351 = arith.constant 184 : index
      %get3A_1352 = tpu.vector_load %arg5[%get3A_1350, %get3A_1351] {strides = array<i32>} : memref<128x200xi32, #tpu.memory_space<vmem>>, vector<16xi32>,
      %min3A_1353 = arith.minsi %min3A_1345, %get3A_1352 : vector<16xi32>
      %mul3A_1354 = arith.constant 2 : i32
      %mul3A_1355 = arith.muli %add3A_396, %mul3A_1354 : i32
      %add3A_1356 = arith.constant 1 : i32
      %add3A_1357 = arith.addi %mul3A_1355, %add3A_1356 : i32
      %get3A_1358 = arith.index_cast %add3A_1357 : i32 to index
      %get3A_1359 = arith.constant 0 : index
      %get3A_1360 = tpu.vector_load %arg5[%get3A_1358, %get3A_1359] {strides = array<i32>} : memref<128x200xi32, #tpu.memory_space<vmem>>, vector<16xi32>,
      %min3A_1361 = arith.minsi %min3A_1353, %get3A_1360 : vector<16xi32>
      %mul3A_1362 = arith.constant 2 : i32
      %mul3A_1363 = arith.muli %add3A_396, %mul3A_1362 : i32
      %add3A_1364 = arith.constant 1 : i32
      %add3A_1365 = arith.addi %mul3A_1363, %add3A_1364 : i32
      %get3A_1366 = arith.index_cast %add3A_1365 : i32 to index
      %get3A_1367 = arith.constant 16 : index
      %get3A_1368 = tpu.vector_load %arg5[%get3A_1366, %get3A_1367] {strides = array<i32>} : memref<128x200xi32, #tpu.memory_space<vmem>>, vector<16xi32>,
      %min3A_1369 = arith.minsi %min3A_1361, %get3A_1368 : vector<16xi32>
      %mul3A_1370 = arith.constant 2 : i32
      %mul3A_1371 = arith.muli %add3A_396, %mul3A_1370 : i32
      %add3A_1372 = arith.constant 1 : i32
      %add3A_1373 = arith.addi %mul3A_1371, %add3A_1372 : i32
      %get3A_1374 = arith.index_cast %add3A_1373 : i32 to index
      %get3A_1375 = arith.constant 32 : index
      %get3A_1376 = tpu.vector_load %arg5[%get3A_1374, %get3A_1375] {strides = array<i32>} : memref<128x200xi32, #tpu.memory_space<vmem>>, vector<16xi32>,
      %min3A_1377 = arith.minsi %min3A_1369, %get3A_1376 : vector<16xi32>
      %mul3A_1378 = arith.constant 2 : i32
      %mul3A_1379 = arith.muli %add3A_396, %mul3A_1378 : i32
      %add3A_1380 = arith.constant 1 : i32
      %add3A_1381 = arith.addi %mul3A_1379, %add3A_1380 : i32
      %get3A_1382 = arith.index_cast %add3A_1381 : i32 to index
      %get3A_1383 = arith.constant 48 : index
      %get3A_1384 = tpu.vector_load %arg5[%get3A_1382, %get3A_1383] {strides = array<i32>} : memref<128x200xi32, #tpu.memory_space<vmem>>, vector<16xi32>,
      %min3A_1385 = arith.minsi %min3A_1377, %get3A_1384 : vector<16xi32>
      %mul3A_1386 = arith.constant 2 : i32
      %mul3A_1387 = arith.muli %add3A_396, %mul3A_1386 : i32
      %add3A_1388 = arith.constant 1 : i32
      %add3A_1389 = arith.addi %mul3A_1387, %add3A_1388 : i32
      %get3A_1390 = arith.index_cast %add3A_1389 : i32 to index
      %get3A_1391 = arith.constant 64 : index
      %get3A_1392 = tpu.vector_load %arg5[%get3A_1390, %get3A_1391] {strides = array<i32>} : memref<128x200xi32, #tpu.memory_space<vmem>>, vector<16xi32>,
      %min3A_1393 = arith.minsi %min3A_1385, %get3A_1392 : vector<16xi32>
      %mul3A_1394 = arith.constant 2 : i32
      %mul3A_1395 = arith.muli %add3A_396, %mul3A_1394 : i32
      %add3A_1396 = arith.constant 1 : i32
      %add3A_1397 = arith.addi %mul3A_1395, %add3A_1396 : i32
      %get3A_1398 = arith.index_cast %add3A_1397 : i32 to index
      %get3A_1399 = arith.constant 80 : index
      %get3A_1400 = tpu.vector_load %arg5[%get3A_1398, %get3A_1399] {strides = array<i32>} : memref<128x200xi32, #tpu.memory_space<vmem>>, vector<16xi32>,
      %min3A_1401 = arith.minsi %min3A_1393, %get3A_1400 : vector<16xi32>
      %mul3A_1402 = arith.constant 2 : i32
      %mul3A_1403 = arith.muli %add3A_396, %mul3A_1402 : i32
      %add3A_1404 = arith.constant 1 : i32
      %add3A_1405 = arith.addi %mul3A_1403, %add3A_1404 : i32
      %get3A_1406 = arith.index_cast %add3A_1405 : i32 to index
      %get3A_1407 = arith.constant 96 : index
      %get3A_1408 = tpu.vector_load %arg5[%get3A_1406, %get3A_1407] {strides = array<i32>} : memref<128x200xi32, #tpu.memory_space<vmem>>, vector<16xi32>,
      %min3A_1409 = arith.minsi %min3A_1401, %get3A_1408 : vector<16xi32>
      %mul3A_1410 = arith.constant 2 : i32
      %mul3A_1411 = arith.muli %add3A_396, %mul3A_1410 : i32
      %add3A_1412 = arith.constant 1 : i32
      %add3A_1413 = arith.addi %mul3A_1411, %add3A_1412 : i32
      %get3A_1414 = arith.index_cast %add3A_1413 : i32 to index
      %get3A_1415 = arith.constant 112 : index
      %get3A_1416 = tpu.vector_load %arg5[%get3A_1414, %get3A_1415] {strides = array<i32>} : memref<128x200xi32, #tpu.memory_space<vmem>>, vector<16xi32>,
      %min3A_1417 = arith.minsi %min3A_1409, %get3A_1416 : vector<16xi32>
      %mul3A_1418 = arith.constant 2 : i32
      %mul3A_1419 = arith.muli %add3A_396, %mul3A_1418 : i32
      %add3A_1420 = arith.constant 1 : i32
      %add3A_1421 = arith.addi %mul3A_1419, %add3A_1420 : i32
      %get3A_1422 = arith.index_cast %add3A_1421 : i32 to index
      %get3A_1423 = arith.constant 128 : index
      %get3A_1424 = tpu.vector_load %arg5[%get3A_1422, %get3A_1423] {strides = array<i32>} : memref<128x200xi32, #tpu.memory_space<vmem>>, vector<16xi32>,
      %min3A_1425 = arith.minsi %min3A_1417, %get3A_1424 : vector<16xi32>
      %mul3A_1426 = arith.constant 2 : i32
      %mul3A_1427 = arith.muli %add3A_396, %mul3A_1426 : i32
      %add3A_1428 = arith.constant 1 : i32
      %add3A_1429 = arith.addi %mul3A_1427, %add3A_1428 : i32
      %get3A_1430 = arith.index_cast %add3A_1429 : i32 to index
      %get3A_1431 = arith.constant 144 : index
      %get3A_1432 = tpu.vector_load %arg5[%get3A_1430, %get3A_1431] {strides = array<i32>} : memref<128x200xi32, #tpu.memory_space<vmem>>, vector<16xi32>,
      %min3A_1433 = arith.minsi %min3A_1425, %get3A_1432 : vector<16xi32>
      %mul3A_1434 = arith.constant 2 : i32
      %mul3A_1435 = arith.muli %add3A_396, %mul3A_1434 : i32
      %add3A_1436 = arith.constant 1 : i32
      %add3A_1437 = arith.addi %mul3A_1435, %add3A_1436 : i32
      %get3A_1438 = arith.index_cast %add3A_1437 : i32 to index
      %get3A_1439 = arith.constant 160 : index
      %get3A_1440 = tpu.vector_load %arg5[%get3A_1438, %get3A_1439] {strides = array<i32>} : memref<128x200xi32, #tpu.memory_space<vmem>>, vector<16xi32>,
      %min3A_1441 = arith.minsi %min3A_1433, %get3A_1440 : vector<16xi32>
      %mul3A_1442 = arith.constant 2 : i32
      %mul3A_1443 = arith.muli %add3A_396, %mul3A_1442 : i32
      %add3A_1444 = arith.constant 1 : i32
      %add3A_1445 = arith.addi %mul3A_1443, %add3A_1444 : i32
      %get3A_1446 = arith.index_cast %add3A_1445 : i32 to index
      %get3A_1447 = arith.constant 176 : index
      %get3A_1448 = tpu.vector_load %arg5[%get3A_1446, %get3A_1447] {strides = array<i32>} : memref<128x200xi32, #tpu.memory_space<vmem>>, vector<16xi32>,
      %min3A_1449 = arith.minsi %min3A_1441, %get3A_1448 : vector<16xi32>
      %mul3A_1450 = arith.constant 2 : i32
      %mul3A_1451 = arith.muli %add3A_396, %mul3A_1450 : i32
      %add3A_1452 = arith.constant 1 : i32
      %add3A_1453 = arith.addi %mul3A_1451, %add3A_1452 : i32
      %get3A_1454 = arith.index_cast %add3A_1453 : i32 to index
      %get3A_1455 = arith.constant 184 : index
      %get3A_1456 = tpu.vector_load %arg5[%get3A_1454, %get3A_1455] {strides = array<i32>} : memref<128x200xi32, #tpu.memory_space<vmem>>, vector<16xi32>,
      %min3A_1457 = arith.minsi %min3A_1449, %get3A_1456 : vector<16xi32>
      %eq3A_1458 = arith.constant 0 : i32
      %eq3A_1459 = vector.broadcast %eq3A_1458 : i32 to vector<16xi32>
      %eq3A_1460 = arith.cmpi eq, %min3A_1457, %eq3A_1459 : vector<16xi32>
      %all_reduce_population_count3A_1461 = tpu.all_reduce %eq3A_1460 {dim = 0 : i64, kind = #tpu.reduction_kind<sum>} : vector<16xi1> -> vector<16xi32>
      %slice3A_1462 = vector.extract_strided_slice %all_reduce_population_count3A_1461 {offsets = [0], sizes = [1], strides = [1]} : vector<16xi32> to vector<1xi32>
      %squeeze3A_1463 = vector.extract %slice3A_1462[0] : i32 from vector<1xi32>
      %ne3A_1464 = arith.constant 0 : i32
      %ne3A_1465 = arith.cmpi ne, %squeeze3A_1463, %ne3A_1464 : i32
      %convert_element_type3A_1466 = arith.extui %ne3A_1465 : i1 to i32
      %cond3A_1467 = arith.constant 0 : i32
      %cond3A_1468 = arith.cmpi ne, %convert_element_type3A_1466, %cond3A_1467 : i32
      scf.if %cond3A_1468 {
        %broadcast_in_dim3A = arith.constant 0.000000e+00 : f32
        %broadcast_in_dim3A_1497 = vector.broadcast %broadcast_in_dim3A : f32 to vector<16xf32>
        %iota3A = tpu.iota {dimensions = array<i32: 0>} : vector<16xi32>
        %scan3A_1498 = arith.constant 0 : i32
        %scan3A_1499 = arith.constant 0 : i32
        %scan3A_1500 = arith.constant 13 : i32
        %scan3A_1501 = arith.addi %scan3A_1499, %scan3A_1500 : i32
        %scan3A_1502 = arith.constant 1 : i32
        scf.for %scan3A_1510 = %scan3A_1499 to %scan3A_1501 step %scan3A_1502  : i32 {
          %mul3A_1511 = arith.constant 16 : i32
          %mul3A_1512 = arith.muli %scan3A_1510, %mul3A_1511 : i32
          %min3A_1513 = arith.constant 184 : i32
          %min3A_1514 = arith.minsi %mul3A_1512, %min3A_1513 : i32
          %mul3A_1515 = arith.constant 2 : i32
          %mul3A_1516 = arith.muli %add3A_396, %mul3A_1515 : i32
          %add3A_1517 = arith.constant 0 : i32
          %add3A_1518 = arith.addi %mul3A_1516, %add3A_1517 : i32
          %get3A_1519 = arith.index_cast %add3A_1518 : i32 to index
          %get3A_1520 = arith.index_cast %min3A_1514 : i32 to index
          %get3A_1521 = tpu.vector_load %arg5[%get3A_1519, %get3A_1520] {strides = array<i32>} : memref<128x200xi32, #tpu.memory_space<vmem>>, vector<16xi32>,
          %eq3A_1522 = arith.constant 0 : i32
          %eq3A_1523 = vector.broadcast %eq3A_1522 : i32 to vector<16xi32>
          %eq3A_1524 = arith.cmpi eq, %get3A_1521, %eq3A_1523 : vector<16xi32>
          %all_reduce_population_count3A_1525 = tpu.all_reduce %eq3A_1524 {dim = 0 : i64, kind = #tpu.reduction_kind<sum>} : vector<16xi1> -> vector<16xi32>
          %slice3A_1526 = vector.extract_strided_slice %all_reduce_population_count3A_1525 {offsets = [0], sizes = [1], strides = [1]} : vector<16xi32> to vector<1xi32>
          %squeeze3A_1527 = vector.extract %slice3A_1526[0] : i32 from vector<1xi32>
          %ne3A_1528 = arith.constant 0 : i32
          %ne3A_1529 = arith.cmpi ne, %squeeze3A_1527, %ne3A_1528 : i32
          %convert_element_type3A_1530 = arith.extui %ne3A_1529 : i1 to i32
          %cond3A_1531 = arith.constant 0 : i32
          %cond3A_1532 = arith.cmpi ne, %convert_element_type3A_1530, %cond3A_1531 : i32
          scf.if %cond3A_1532 {
            %add3A_1533 = vector.broadcast %min3A_1514 : i32 to vector<16xi32>
            %add3A_1534 = arith.addi %add3A_1533, %iota3A : vector<16xi32>
            %broadcast_in_dim3A_1535 = arith.constant 0 : i32
            %broadcast_in_dim3A_1536 = vector.broadcast %broadcast_in_dim3A_1535 : i32 to vector<16xi32>
            %scatter3A = arith.constant 1 : i32
            %scatter3A_1537 = arith.constant 0 : i32
            %scatter3A_1538 = arith.constant 0 : i32
            %scatter3A_1539 = arith.constant 0 : i32
            %scatter3A_1540 = tpu.memref_slice %arg7[%scatter3A, %scatter3A_1537, %scatter3A_1538, %scatter3A_1539] : memref<2x2x200x64xf32, #tpu.memory_space<vmem>> -> memref<1x1x200x64xf32, #tpu.memory_space<vmem>>
            %scatter3A_1541 = tpu.memref_squeeze %scatter3A_1540 : memref<1x1x200x64xf32, #tpu.memory_space<vmem>> -> memref<200x64xf32, #tpu.memory_space<vmem>>
            tpu.vector_store_idx %scatter3A_1541[%add3A_1534, %broadcast_in_dim3A_1536], %broadcast_in_dim3A_1497 masked %eq3A_1524 : memref<200x64xf32, #tpu.memory_space<vmem>>[vector<16xi32>, vector<16xi32>], vector<16xf32>, vector<16xi1>
            %broadcast_in_dim3A_1542 = arith.constant 1 : i32
            %broadcast_in_dim3A_1543 = vector.broadcast %broadcast_in_dim3A_1542 : i32 to vector<16xi32>
            %scatter3A_1544 = arith.constant 1 : i32
            %scatter3A_1545 = arith.constant 0 : i32
            %scatter3A_1546 = arith.constant 0 : i32
            %scatter3A_1547 = arith.constant 0 : i32
            %scatter3A_1548 = tpu.memref_slice %arg7[%scatter3A_1544, %scatter3A_1545, %scatter3A_1546, %scatter3A_1547] : memref<2x2x200x64xf32, #tpu.memory_space<vmem>> -> memref<1x1x200x64xf32, #tpu.memory_space<vmem>>
            %scatter3A_1549 = tpu.memref_squeeze %scatter3A_1548 : memref<1x1x200x64xf32, #tpu.memory_space<vmem>> -> memref<200x64xf32, #tpu.memory_space<vmem>>
            tpu.vector_store_idx %scatter3A_1549[%add3A_1534, %broadcast_in_dim3A_1543], %broadcast_in_dim3A_1497 masked %eq3A_1524 : memref<200x64xf32, #tpu.memory_space<vmem>>[vector<16xi32>, vector<16xi32>], vector<16xf32>, vector<16xi1>
            %broadcast_in_dim3A_1550 = arith.constant 2 : i32
            %broadcast_in_dim3A_1551 = vector.broadcast %broadcast_in_dim3A_1550 : i32 to vector<16xi32>
            %scatter3A_1552 = arith.constant 1 : i32
            %scatter3A_1553 = arith.constant 0 : i32
            %scatter3A_1554 = arith.constant 0 : i32
            %scatter3A_1555 = arith.constant 0 : i32
            %scatter3A_1556 = tpu.memref_slice %arg7[%scatter3A_1552, %scatter3A_1553, %scatter3A_1554, %scatter3A_1555] : memref<2x2x200x64xf32, #tpu.memory_space<vmem>> -> memref<1x1x200x64xf32, #tpu.memory_space<vmem>>
            %scatter3A_1557 = tpu.memref_squeeze %scatter3A_1556 : memref<1x1x200x64xf32, #tpu.memory_space<vmem>> -> memref<200x64xf32, #tpu.memory_space<vmem>>
            tpu.vector_store_idx %scatter3A_1557[%add3A_1534, %broadcast_in_dim3A_1551], %broadcast_in_dim3A_1497 masked %eq3A_1524 : memref<200x64xf32, #tpu.memory_space<vmem>>[vector<16xi32>, vector<16xi32>], vector<16xf32>, vector<16xi1>
            %broadcast_in_dim3A_1558 = arith.constant 3 : i32
            %broadcast_in_dim3A_1559 = vector.broadcast %broadcast_in_dim3A_1558 : i32 to vector<16xi32>
            %scatter3A_1560 = arith.constant 1 : i32
            %scatter3A_1561 = arith.constant 0 : i32
            %scatter3A_1562 = arith.constant 0 : i32
            %scatter3A_1563 = arith.constant 0 : i32
            %scatter3A_1564 = tpu.memref_slice %arg7[%scatter3A_1560, %scatter3A_1561, %scatter3A_1562, %scatter3A_1563] : memref<2x2x200x64xf32, #tpu.memory_space<vmem>> -> memref<1x1x200x64xf32, #tpu.memory_space<vmem>>
            %scatter3A_1565 = tpu.memref_squeeze %scatter3A_1564 : memref<1x1x200x64xf32, #tpu.memory_space<vmem>> -> memref<200x64xf32, #tpu.memory_space<vmem>>
            tpu.vector_store_idx %scatter3A_1565[%add3A_1534, %broadcast_in_dim3A_1559], %broadcast_in_dim3A_1497 masked %eq3A_1524 : memref<200x64xf32, #tpu.memory_space<vmem>>[vector<16xi32>, vector<16xi32>], vector<16xf32>, vector<16xi1>
            %broadcast_in_dim3A_1566 = arith.constant 4 : i32
            %broadcast_in_dim3A_1567 = vector.broadcast %broadcast_in_dim3A_1566 : i32 to vector<16xi32>
            %scatter3A_1568 = arith.constant 1 : i32
            %scatter3A_1569 = arith.constant 0 : i32
            %scatter3A_1570 = arith.constant 0 : i32
            %scatter3A_1571 = arith.constant 0 : i32
            %scatter3A_1572 = tpu.memref_slice %arg7[%scatter3A_1568, %scatter3A_1569, %scatter3A_1570, %scatter3A_1571] : memref<2x2x200x64xf32, #tpu.memory_space<vmem>> -> memref<1x1x200x64xf32, #tpu.memory_space<vmem>>
            %scatter3A_1573 = tpu.memref_squeeze %scatter3A_1572 : memref<1x1x200x64xf32, #tpu.memory_space<vmem>> -> memref<200x64xf32, #tpu.memory_space<vmem>>
            tpu.vector_store_idx %scatter3A_1573[%add3A_1534, %broadcast_in_dim3A_1567], %broadcast_in_dim3A_1497 masked %eq3A_1524 : memref<200x64xf32, #tpu.memory_space<vmem>>[vector<16xi32>, vector<16xi32>], vector<16xf32>, vector<16xi1>
            %broadcast_in_dim3A_1574 = arith.constant 5 : i32
            %broadcast_in_dim3A_1575 = vector.broadcast %broadcast_in_dim3A_1574 : i32 to vector<16xi32>
            %scatter3A_1576 = arith.constant 1 : i32
            %scatter3A_1577 = arith.constant 0 : i32
            %scatter3A_1578 = arith.constant 0 : i32
            %scatter3A_1579 = arith.constant 0 : i32
            %scatter3A_1580 = tpu.memref_slice %arg7[%scatter3A_1576, %scatter3A_1577, %scatter3A_1578, %scatter3A_1579] : memref<2x2x200x64xf32, #tpu.memory_space<vmem>> -> memref<1x1x200x64xf32, #tpu.memory_space<vmem>>
            %scatter3A_1581 = tpu.memref_squeeze %scatter3A_1580 : memref<1x1x200x64xf32, #tpu.memory_space<vmem>> -> memref<200x64xf32, #tpu.memory_space<vmem>>
            tpu.vector_store_idx %scatter3A_1581[%add3A_1534, %broadcast_in_dim3A_1575], %broadcast_in_dim3A_1497 masked %eq3A_1524 : memref<200x64xf32, #tpu.memory_space<vmem>>[vector<16xi32>, vector<16xi32>], vector<16xf32>, vector<16xi1>
            %broadcast_in_dim3A_1582 = arith.constant 6 : i32
            %broadcast_in_dim3A_1583 = vector.broadcast %broadcast_in_dim3A_1582 : i32 to vector<16xi32>
            %scatter3A_1584 = arith.constant 1 : i32
            %scatter3A_1585 = arith.constant 0 : i32
            %scatter3A_1586 = arith.constant 0 : i32
            %scatter3A_1587 = arith.constant 0 : i32
            %scatter3A_1588 = tpu.memref_slice %arg7[%scatter3A_1584, %scatter3A_1585, %scatter3A_1586, %scatter3A_1587] : memref<2x2x200x64xf32, #tpu.memory_space<vmem>> -> memref<1x1x200x64xf32, #tpu.memory_space<vmem>>
            %scatter3A_1589 = tpu.memref_squeeze %scatter3A_1588 : memref<1x1x200x64xf32, #tpu.memory_space<vmem>> -> memref<200x64xf32, #tpu.memory_space<vmem>>
            tpu.vector_store_idx %scatter3A_1589[%add3A_1534, %broadcast_in_dim3A_1583], %broadcast_in_dim3A_1497 masked %eq3A_1524 : memref<200x64xf32, #tpu.memory_space<vmem>>[vector<16xi32>, vector<16xi32>], vector<16xf32>, vector<16xi1>
            %broadcast_in_dim3A_1590 = arith.constant 7 : i32
            %broadcast_in_dim3A_1591 = vector.broadcast %broadcast_in_dim3A_1590 : i32 to vector<16xi32>
            %scatter3A_1592 = arith.constant 1 : i32
            %scatter3A_1593 = arith.constant 0 : i32
            %scatter3A_1594 = arith.constant 0 : i32
            %scatter3A_1595 = arith.constant 0 : i32
            %scatter3A_1596 = tpu.memref_slice %arg7[%scatter3A_1592, %scatter3A_1593, %scatter3A_1594, %scatter3A_1595] : memref<2x2x200x64xf32, #tpu.memory_space<vmem>> -> memref<1x1x200x64xf32, #tpu.memory_space<vmem>>
            %scatter3A_1597 = tpu.memref_squeeze %scatter3A_1596 : memref<1x1x200x64xf32, #tpu.memory_space<vmem>> -> memref<200x64xf32, #tpu.memory_space<vmem>>
            tpu.vector_store_idx %scatter3A_1597[%add3A_1534, %broadcast_in_dim3A_1591], %broadcast_in_dim3A_1497 masked %eq3A_1524 : memref<200x64xf32, #tpu.memory_space<vmem>>[vector<16xi32>, vector<16xi32>], vector<16xf32>, vector<16xi1>
            %broadcast_in_dim3A_1598 = arith.constant 8 : i32
            %broadcast_in_dim3A_1599 = vector.broadcast %broadcast_in_dim3A_1598 : i32 to vector<16xi32>
            %scatter3A_1600 = arith.constant 1 : i32
            %scatter3A_1601 = arith.constant 0 : i32
            %scatter3A_1602 = arith.constant 0 : i32
            %scatter3A_1603 = arith.constant 0 : i32
            %scatter3A_1604 = tpu.memref_slice %arg7[%scatter3A_1600, %scatter3A_1601, %scatter3A_1602, %scatter3A_1603] : memref<2x2x200x64xf32, #tpu.memory_space<vmem>> -> memref<1x1x200x64xf32, #tpu.memory_space<vmem>>
            %scatter3A_1605 = tpu.memref_squeeze %scatter3A_1604 : memref<1x1x200x64xf32, #tpu.memory_space<vmem>> -> memref<200x64xf32, #tpu.memory_space<vmem>>
            tpu.vector_store_idx %scatter3A_1605[%add3A_1534, %broadcast_in_dim3A_1599], %broadcast_in_dim3A_1497 masked %eq3A_1524 : memref<200x64xf32, #tpu.memory_space<vmem>>[vector<16xi32>, vector<16xi32>], vector<16xf32>, vector<16xi1>
            %broadcast_in_dim3A_1606 = arith.constant 9 : i32
            %broadcast_in_dim3A_1607 = vector.broadcast %broadcast_in_dim3A_1606 : i32 to vector<16xi32>
            %scatter3A_1608 = arith.constant 1 : i32
            %scatter3A_1609 = arith.constant 0 : i32
            %scatter3A_1610 = arith.constant 0 : i32
            %scatter3A_1611 = arith.constant 0 : i32
            %scatter3A_1612 = tpu.memref_slice %arg7[%scatter3A_1608, %scatter3A_1609, %scatter3A_1610, %scatter3A_1611] : memref<2x2x200x64xf32, #tpu.memory_space<vmem>> -> memref<1x1x200x64xf32, #tpu.memory_space<vmem>>
            %scatter3A_1613 = tpu.memref_squeeze %scatter3A_1612 : memref<1x1x200x64xf32, #tpu.memory_space<vmem>> -> memref<200x64xf32, #tpu.memory_space<vmem>>
            tpu.vector_store_idx %scatter3A_1613[%add3A_1534, %broadcast_in_dim3A_1607], %broadcast_in_dim3A_1497 masked %eq3A_1524 : memref<200x64xf32, #tpu.memory_space<vmem>>[vector<16xi32>, vector<16xi32>], vector<16xf32>, vector<16xi1>
            %broadcast_in_dim3A_1614 = arith.constant 10 : i32
            %broadcast_in_dim3A_1615 = vector.broadcast %broadcast_in_dim3A_1614 : i32 to vector<16xi32>
            %scatter3A_1616 = arith.constant 1 : i32
            %scatter3A_1617 = arith.constant 0 : i32
            %scatter3A_1618 = arith.constant 0 : i32
            %scatter3A_1619 = arith.constant 0 : i32
            %scatter3A_1620 = tpu.memref_slice %arg7[%scatter3A_1616, %scatter3A_1617, %scatter3A_1618, %scatter3A_1619] : memref<2x2x200x64xf32, #tpu.memory_space<vmem>> -> memref<1x1x200x64xf32, #tpu.memory_space<vmem>>
            %scatter3A_1621 = tpu.memref_squeeze %scatter3A_1620 : memref<1x1x200x64xf32, #tpu.memory_space<vmem>> -> memref<200x64xf32, #tpu.memory_space<vmem>>
            tpu.vector_store_idx %scatter3A_1621[%add3A_1534, %broadcast_in_dim3A_1615], %broadcast_in_dim3A_1497 masked %eq3A_1524 : memref<200x64xf32, #tpu.memory_space<vmem>>[vector<16xi32>, vector<16xi32>], vector<16xf32>, vector<16xi1>
            %broadcast_in_dim3A_1622 = arith.constant 11 : i32
            %broadcast_in_dim3A_1623 = vector.broadcast %broadcast_in_dim3A_1622 : i32 to vector<16xi32>
            %scatter3A_1624 = arith.constant 1 : i32
            %scatter3A_1625 = arith.constant 0 : i32
            %scatter3A_1626 = arith.constant 0 : i32
            %scatter3A_1627 = arith.constant 0 : i32
            %scatter3A_1628 = tpu.memref_slice %arg7[%scatter3A_1624, %scatter3A_1625, %scatter3A_1626, %scatter3A_1627] : memref<2x2x200x64xf32, #tpu.memory_space<vmem>> -> memref<1x1x200x64xf32, #tpu.memory_space<vmem>>
            %scatter3A_1629 = tpu.memref_squeeze %scatter3A_1628 : memref<1x1x200x64xf32, #tpu.memory_space<vmem>> -> memref<200x64xf32, #tpu.memory_space<vmem>>
            tpu.vector_store_idx %scatter3A_1629[%add3A_1534, %broadcast_in_dim3A_1623], %broadcast_in_dim3A_1497 masked %eq3A_1524 : memref<200x64xf32, #tpu.memory_space<vmem>>[vector<16xi32>, vector<16xi32>], vector<16xf32>, vector<16xi1>
            %broadcast_in_dim3A_1630 = arith.constant 12 : i32
            %broadcast_in_dim3A_1631 = vector.broadcast %broadcast_in_dim3A_1630 : i32 to vector<16xi32>
            %scatter3A_1632 = arith.constant 1 : i32
            %scatter3A_1633 = arith.constant 0 : i32
            %scatter3A_1634 = arith.constant 0 : i32
            %scatter3A_1635 = arith.constant 0 : i32
            %scatter3A_1636 = tpu.memref_slice %arg7[%scatter3A_1632, %scatter3A_1633, %scatter3A_1634, %scatter3A_1635] : memref<2x2x200x64xf32, #tpu.memory_space<vmem>> -> memref<1x1x200x64xf32, #tpu.memory_space<vmem>>
            %scatter3A_1637 = tpu.memref_squeeze %scatter3A_1636 : memref<1x1x200x64xf32, #tpu.memory_space<vmem>> -> memref<200x64xf32, #tpu.memory_space<vmem>>
            tpu.vector_store_idx %scatter3A_1637[%add3A_1534, %broadcast_in_dim3A_1631], %broadcast_in_dim3A_1497 masked %eq3A_1524 : memref<200x64xf32, #tpu.memory_space<vmem>>[vector<16xi32>, vector<16xi32>], vector<16xf32>, vector<16xi1>
            %broadcast_in_dim3A_1638 = arith.constant 13 : i32
            %broadcast_in_dim3A_1639 = vector.broadcast %broadcast_in_dim3A_1638 : i32 to vector<16xi32>
            %scatter3A_1640 = arith.constant 1 : i32
            %scatter3A_1641 = arith.constant 0 : i32
            %scatter3A_1642 = arith.constant 0 : i32
            %scatter3A_1643 = arith.constant 0 : i32
            %scatter3A_1644 = tpu.memref_slice %arg7[%scatter3A_1640, %scatter3A_1641, %scatter3A_1642, %scatter3A_1643] : memref<2x2x200x64xf32, #tpu.memory_space<vmem>> -> memref<1x1x200x64xf32, #tpu.memory_space<vmem>>
            %scatter3A_1645 = tpu.memref_squeeze %scatter3A_1644 : memref<1x1x200x64xf32, #tpu.memory_space<vmem>> -> memref<200x64xf32, #tpu.memory_space<vmem>>
            tpu.vector_store_idx %scatter3A_1645[%add3A_1534, %broadcast_in_dim3A_1639], %broadcast_in_dim3A_1497 masked %eq3A_1524 : memref<200x64xf32, #tpu.memory_space<vmem>>[vector<16xi32>, vector<16xi32>], vector<16xf32>, vector<16xi1>
            %broadcast_in_dim3A_1646 = arith.constant 14 : i32
            %broadcast_in_dim3A_1647 = vector.broadcast %broadcast_in_dim3A_1646 : i32 to vector<16xi32>
            %scatter3A_1648 = arith.constant 1 : i32
            %scatter3A_1649 = arith.constant 0 : i32
            %scatter3A_1650 = arith.constant 0 : i32
            %scatter3A_1651 = arith.constant 0 : i32
            %scatter3A_1652 = tpu.memref_slice %arg7[%scatter3A_1648, %scatter3A_1649, %scatter3A_1650, %scatter3A_1651] : memref<2x2x200x64xf32, #tpu.memory_space<vmem>> -> memref<1x1x200x64xf32, #tpu.memory_space<vmem>>
            %scatter3A_1653 = tpu.memref_squeeze %scatter3A_1652 : memref<1x1x200x64xf32, #tpu.memory_space<vmem>> -> memref<200x64xf32, #tpu.memory_space<vmem>>
            tpu.vector_store_idx %scatter3A_1653[%add3A_1534, %broadcast_in_dim3A_1647], %broadcast_in_dim3A_1497 masked %eq3A_1524 : memref<200x64xf32, #tpu.memory_space<vmem>>[vector<16xi32>, vector<16xi32>], vector<16xf32>, vector<16xi1>
            %broadcast_in_dim3A_1654 = arith.constant 15 : i32
            %broadcast_in_dim3A_1655 = vector.broadcast %broadcast_in_dim3A_1654 : i32 to vector<16xi32>
            %scatter3A_1656 = arith.constant 1 : i32
            %scatter3A_1657 = arith.constant 0 : i32
            %scatter3A_1658 = arith.constant 0 : i32
            %scatter3A_1659 = arith.constant 0 : i32
            %scatter3A_1660 = tpu.memref_slice %arg7[%scatter3A_1656, %scatter3A_1657, %scatter3A_1658, %scatter3A_1659] : memref<2x2x200x64xf32, #tpu.memory_space<vmem>> -> memref<1x1x200x64xf32, #tpu.memory_space<vmem>>
            %scatter3A_1661 = tpu.memref_squeeze %scatter3A_1660 : memref<1x1x200x64xf32, #tpu.memory_space<vmem>> -> memref<200x64xf32, #tpu.memory_space<vmem>>
            tpu.vector_store_idx %scatter3A_1661[%add3A_1534, %broadcast_in_dim3A_1655], %broadcast_in_dim3A_1497 masked %eq3A_1524 : memref<200x64xf32, #tpu.memory_space<vmem>>[vector<16xi32>, vector<16xi32>], vector<16xf32>, vector<16xi1>
            %broadcast_in_dim3A_1662 = arith.constant 16 : i32
            %broadcast_in_dim3A_1663 = vector.broadcast %broadcast_in_dim3A_1662 : i32 to vector<16xi32>
            %scatter3A_1664 = arith.constant 1 : i32
            %scatter3A_1665 = arith.constant 0 : i32
            %scatter3A_1666 = arith.constant 0 : i32
            %scatter3A_1667 = arith.constant 0 : i32
            %scatter3A_1668 = tpu.memref_slice %arg7[%scatter3A_1664, %scatter3A_1665, %scatter3A_1666, %scatter3A_1667] : memref<2x2x200x64xf32, #tpu.memory_space<vmem>> -> memref<1x1x200x64xf32, #tpu.memory_space<vmem>>
            %scatter3A_1669 = tpu.memref_squeeze %scatter3A_1668 : memref<1x1x200x64xf32, #tpu.memory_space<vmem>> -> memref<200x64xf32, #tpu.memory_space<vmem>>
            tpu.vector_store_idx %scatter3A_1669[%add3A_1534, %broadcast_in_dim3A_1663], %broadcast_in_dim3A_1497 masked %eq3A_1524 : memref<200x64xf32, #tpu.memory_space<vmem>>[vector<16xi32>, vector<16xi32>], vector<16xf32>, vector<16xi1>
            %broadcast_in_dim3A_1670 = arith.constant 17 : i32
            %broadcast_in_dim3A_1671 = vector.broadcast %broadcast_in_dim3A_1670 : i32 to vector<16xi32>
            %scatter3A_1672 = arith.constant 1 : i32
            %scatter3A_1673 = arith.constant 0 : i32
            %scatter3A_1674 = arith.constant 0 : i32
            %scatter3A_1675 = arith.constant 0 : i32
            %scatter3A_1676 = tpu.memref_slice %arg7[%scatter3A_1672, %scatter3A_1673, %scatter3A_1674, %scatter3A_1675] : memref<2x2x200x64xf32, #tpu.memory_space<vmem>> -> memref<1x1x200x64xf32, #tpu.memory_space<vmem>>
            %scatter3A_1677 = tpu.memref_squeeze %scatter3A_1676 : memref<1x1x200x64xf32, #tpu.memory_space<vmem>> -> memref<200x64xf32, #tpu.memory_space<vmem>>
            tpu.vector_store_idx %scatter3A_1677[%add3A_1534, %broadcast_in_dim3A_1671], %broadcast_in_dim3A_1497 masked %eq3A_1524 : memref<200x64xf32, #tpu.memory_space<vmem>>[vector<16xi32>, vector<16xi32>], vector<16xf32>, vector<16xi1>
            %broadcast_in_dim3A_1678 = arith.constant 18 : i32
            %broadcast_in_dim3A_1679 = vector.broadcast %broadcast_in_dim3A_1678 : i32 to vector<16xi32>
            %scatter3A_1680 = arith.constant 1 : i32
            %scatter3A_1681 = arith.constant 0 : i32
            %scatter3A_1682 = arith.constant 0 : i32
            %scatter3A_1683 = arith.constant 0 : i32
            %scatter3A_1684 = tpu.memref_slice %arg7[%scatter3A_1680, %scatter3A_1681, %scatter3A_1682, %scatter3A_1683] : memref<2x2x200x64xf32, #tpu.memory_space<vmem>> -> memref<1x1x200x64xf32, #tpu.memory_space<vmem>>
            %scatter3A_1685 = tpu.memref_squeeze %scatter3A_1684 : memref<1x1x200x64xf32, #tpu.memory_space<vmem>> -> memref<200x64xf32, #tpu.memory_space<vmem>>
            tpu.vector_store_idx %scatter3A_1685[%add3A_1534, %broadcast_in_dim3A_1679], %broadcast_in_dim3A_1497 masked %eq3A_1524 : memref<200x64xf32, #tpu.memory_space<vmem>>[vector<16xi32>, vector<16xi32>], vector<16xf32>, vector<16xi1>
            %broadcast_in_dim3A_1686 = arith.constant 19 : i32
            %broadcast_in_dim3A_1687 = vector.broadcast %broadcast_in_dim3A_1686 : i32 to vector<16xi32>
            %scatter3A_1688 = arith.constant 1 : i32
            %scatter3A_1689 = arith.constant 0 : i32
            %scatter3A_1690 = arith.constant 0 : i32
            %scatter3A_1691 = arith.constant 0 : i32
            %scatter3A_1692 = tpu.memref_slice %arg7[%scatter3A_1688, %scatter3A_1689, %scatter3A_1690, %scatter3A_1691] : memref<2x2x200x64xf32, #tpu.memory_space<vmem>> -> memref<1x1x200x64xf32, #tpu.memory_space<vmem>>
            %scatter3A_1693 = tpu.memref_squeeze %scatter3A_1692 : memref<1x1x200x64xf32, #tpu.memory_space<vmem>> -> memref<200x64xf32, #tpu.memory_space<vmem>>
            tpu.vector_store_idx %scatter3A_1693[%add3A_1534, %broadcast_in_dim3A_1687], %broadcast_in_dim3A_1497 masked %eq3A_1524 : memref<200x64xf32, #tpu.memory_space<vmem>>[vector<16xi32>, vector<16xi32>], vector<16xf32>, vector<16xi1>
            %broadcast_in_dim3A_1694 = arith.constant 20 : i32
            %broadcast_in_dim3A_1695 = vector.broadcast %broadcast_in_dim3A_1694 : i32 to vector<16xi32>
            %scatter3A_1696 = arith.constant 1 : i32
            %scatter3A_1697 = arith.constant 0 : i32
            %scatter3A_1698 = arith.constant 0 : i32
            %scatter3A_1699 = arith.constant 0 : i32
            %scatter3A_1700 = tpu.memref_slice %arg7[%scatter3A_1696, %scatter3A_1697, %scatter3A_1698, %scatter3A_1699] : memref<2x2x200x64xf32, #tpu.memory_space<vmem>> -> memref<1x1x200x64xf32, #tpu.memory_space<vmem>>
            %scatter3A_1701 = tpu.memref_squeeze %scatter3A_1700 : memref<1x1x200x64xf32, #tpu.memory_space<vmem>> -> memref<200x64xf32, #tpu.memory_space<vmem>>
            tpu.vector_store_idx %scatter3A_1701[%add3A_1534, %broadcast_in_dim3A_1695], %broadcast_in_dim3A_1497 masked %eq3A_1524 : memref<200x64xf32, #tpu.memory_space<vmem>>[vector<16xi32>, vector<16xi32>], vector<16xf32>, vector<16xi1>
            %broadcast_in_dim3A_1702 = arith.constant 21 : i32
            %broadcast_in_dim3A_1703 = vector.broadcast %broadcast_in_dim3A_1702 : i32 to vector<16xi32>
            %scatter3A_1704 = arith.constant 1 : i32
            %scatter3A_1705 = arith.constant 0 : i32
            %scatter3A_1706 = arith.constant 0 : i32
            %scatter3A_1707 = arith.constant 0 : i32
            %scatter3A_1708 = tpu.memref_slice %arg7[%scatter3A_1704, %scatter3A_1705, %scatter3A_1706, %scatter3A_1707] : memref<2x2x200x64xf32, #tpu.memory_space<vmem>> -> memref<1x1x200x64xf32, #tpu.memory_space<vmem>>
            %scatter3A_1709 = tpu.memref_squeeze %scatter3A_1708 : memref<1x1x200x64xf32, #tpu.memory_space<vmem>> -> memref<200x64xf32, #tpu.memory_space<vmem>>
            tpu.vector_store_idx %scatter3A_1709[%add3A_1534, %broadcast_in_dim3A_1703], %broadcast_in_dim3A_1497 masked %eq3A_1524 : memref<200x64xf32, #tpu.memory_space<vmem>>[vector<16xi32>, vector<16xi32>], vector<16xf32>, vector<16xi1>
            %broadcast_in_dim3A_1710 = arith.constant 22 : i32
            %broadcast_in_dim3A_1711 = vector.broadcast %broadcast_in_dim3A_1710 : i32 to vector<16xi32>
            %scatter3A_1712 = arith.constant 1 : i32
            %scatter3A_1713 = arith.constant 0 : i32
            %scatter3A_1714 = arith.constant 0 : i32
            %scatter3A_1715 = arith.constant 0 : i32
            %scatter3A_1716 = tpu.memref_slice %arg7[%scatter3A_1712, %scatter3A_1713, %scatter3A_1714, %scatter3A_1715] : memref<2x2x200x64xf32, #tpu.memory_space<vmem>> -> memref<1x1x200x64xf32, #tpu.memory_space<vmem>>
            %scatter3A_1717 = tpu.memref_squeeze %scatter3A_1716 : memref<1x1x200x64xf32, #tpu.memory_space<vmem>> -> memref<200x64xf32, #tpu.memory_space<vmem>>
            tpu.vector_store_idx %scatter3A_1717[%add3A_1534, %broadcast_in_dim3A_1711], %broadcast_in_dim3A_1497 masked %eq3A_1524 : memref<200x64xf32, #tpu.memory_space<vmem>>[vector<16xi32>, vector<16xi32>], vector<16xf32>, vector<16xi1>
            %broadcast_in_dim3A_1718 = arith.constant 23 : i32
            %broadcast_in_dim3A_1719 = vector.broadcast %broadcast_in_dim3A_1718 : i32 to vector<16xi32>
            %scatter3A_1720 = arith.constant 1 : i32
            %scatter3A_1721 = arith.constant 0 : i32
            %scatter3A_1722 = arith.constant 0 : i32
            %scatter3A_1723 = arith.constant 0 : i32
            %scatter3A_1724 = tpu.memref_slice %arg7[%scatter3A_1720, %scatter3A_1721, %scatter3A_1722, %scatter3A_1723] : memref<2x2x200x64xf32, #tpu.memory_space<vmem>> -> memref<1x1x200x64xf32, #tpu.memory_space<vmem>>
            %scatter3A_1725 = tpu.memref_squeeze %scatter3A_1724 : memref<1x1x200x64xf32, #tpu.memory_space<vmem>> -> memref<200x64xf32, #tpu.memory_space<vmem>>
            tpu.vector_store_idx %scatter3A_1725[%add3A_1534, %broadcast_in_dim3A_1719], %broadcast_in_dim3A_1497 masked %eq3A_1524 : memref<200x64xf32, #tpu.memory_space<vmem>>[vector<16xi32>, vector<16xi32>], vector<16xf32>, vector<16xi1>
            %broadcast_in_dim3A_1726 = arith.constant 24 : i32
            %broadcast_in_dim3A_1727 = vector.broadcast %broadcast_in_dim3A_1726 : i32 to vector<16xi32>
            %scatter3A_1728 = arith.constant 1 : i32
            %scatter3A_1729 = arith.constant 0 : i32
            %scatter3A_1730 = arith.constant 0 : i32
            %scatter3A_1731 = arith.constant 0 : i32
            %scatter3A_1732 = tpu.memref_slice %arg7[%scatter3A_1728, %scatter3A_1729, %scatter3A_1730, %scatter3A_1731] : memref<2x2x200x64xf32, #tpu.memory_space<vmem>> -> memref<1x1x200x64xf32, #tpu.memory_space<vmem>>
            %scatter3A_1733 = tpu.memref_squeeze %scatter3A_1732 : memref<1x1x200x64xf32, #tpu.memory_space<vmem>> -> memref<200x64xf32, #tpu.memory_space<vmem>>
            tpu.vector_store_idx %scatter3A_1733[%add3A_1534, %broadcast_in_dim3A_1727], %broadcast_in_dim3A_1497 masked %eq3A_1524 : memref<200x64xf32, #tpu.memory_space<vmem>>[vector<16xi32>, vector<16xi32>], vector<16xf32>, vector<16xi1>
            %broadcast_in_dim3A_1734 = arith.constant 25 : i32
            %broadcast_in_dim3A_1735 = vector.broadcast %broadcast_in_dim3A_1734 : i32 to vector<16xi32>
            %scatter3A_1736 = arith.constant 1 : i32
            %scatter3A_1737 = arith.constant 0 : i32
            %scatter3A_1738 = arith.constant 0 : i32
            %scatter3A_1739 = arith.constant 0 : i32
            %scatter3A_1740 = tpu.memref_slice %arg7[%scatter3A_1736, %scatter3A_1737, %scatter3A_1738, %scatter3A_1739] : memref<2x2x200x64xf32, #tpu.memory_space<vmem>> -> memref<1x1x200x64xf32, #tpu.memory_space<vmem>>
            %scatter3A_1741 = tpu.memref_squeeze %scatter3A_1740 : memref<1x1x200x64xf32, #tpu.memory_space<vmem>> -> memref<200x64xf32, #tpu.memory_space<vmem>>
            tpu.vector_store_idx %scatter3A_1741[%add3A_1534, %broadcast_in_dim3A_1735], %broadcast_in_dim3A_1497 masked %eq3A_1524 : memref<200x64xf32, #tpu.memory_space<vmem>>[vector<16xi32>, vector<16xi32>], vector<16xf32>, vector<16xi1>
            %broadcast_in_dim3A_1742 = arith.constant 26 : i32
            %broadcast_in_dim3A_1743 = vector.broadcast %broadcast_in_dim3A_1742 : i32 to vector<16xi32>
            %scatter3A_1744 = arith.constant 1 : i32
            %scatter3A_1745 = arith.constant 0 : i32
            %scatter3A_1746 = arith.constant 0 : i32
            %scatter3A_1747 = arith.constant 0 : i32
            %scatter3A_1748 = tpu.memref_slice %arg7[%scatter3A_1744, %scatter3A_1745, %scatter3A_1746, %scatter3A_1747] : memref<2x2x200x64xf32, #tpu.memory_space<vmem>> -> memref<1x1x200x64xf32, #tpu.memory_space<vmem>>
            %scatter3A_1749 = tpu.memref_squeeze %scatter3A_1748 : memref<1x1x200x64xf32, #tpu.memory_space<vmem>> -> memref<200x64xf32, #tpu.memory_space<vmem>>
            tpu.vector_store_idx %scatter3A_1749[%add3A_1534, %broadcast_in_dim3A_1743], %broadcast_in_dim3A_1497 masked %eq3A_1524 : memref<200x64xf32, #tpu.memory_space<vmem>>[vector<16xi32>, vector<16xi32>], vector<16xf32>, vector<16xi1>
            %broadcast_in_dim3A_1750 = arith.constant 27 : i32
            %broadcast_in_dim3A_1751 = vector.broadcast %broadcast_in_dim3A_1750 : i32 to vector<16xi32>
            %scatter3A_1752 = arith.constant 1 : i32
            %scatter3A_1753 = arith.constant 0 : i32
            %scatter3A_1754 = arith.constant 0 : i32
            %scatter3A_1755 = arith.constant 0 : i32
            %scatter3A_1756 = tpu.memref_slice %arg7[%scatter3A_1752, %scatter3A_1753, %scatter3A_1754, %scatter3A_1755] : memref<2x2x200x64xf32, #tpu.memory_space<vmem>> -> memref<1x1x200x64xf32, #tpu.memory_space<vmem>>
            %scatter3A_1757 = tpu.memref_squeeze %scatter3A_1756 : memref<1x1x200x64xf32, #tpu.memory_space<vmem>> -> memref<200x64xf32, #tpu.memory_space<vmem>>
            tpu.vector_store_idx %scatter3A_1757[%add3A_1534, %broadcast_in_dim3A_1751], %broadcast_in_dim3A_1497 masked %eq3A_1524 : memref<200x64xf32, #tpu.memory_space<vmem>>[vector<16xi32>, vector<16xi32>], vector<16xf32>, vector<16xi1>
            %broadcast_in_dim3A_1758 = arith.constant 28 : i32
            %broadcast_in_dim3A_1759 = vector.broadcast %broadcast_in_dim3A_1758 : i32 to vector<16xi32>
            %scatter3A_1760 = arith.constant 1 : i32
            %scatter3A_1761 = arith.constant 0 : i32
            %scatter3A_1762 = arith.constant 0 : i32
            %scatter3A_1763 = arith.constant 0 : i32
            %scatter3A_1764 = tpu.memref_slice %arg7[%scatter3A_1760, %scatter3A_1761, %scatter3A_1762, %scatter3A_1763] : memref<2x2x200x64xf32, #tpu.memory_space<vmem>> -> memref<1x1x200x64xf32, #tpu.memory_space<vmem>>
            %scatter3A_1765 = tpu.memref_squeeze %scatter3A_1764 : memref<1x1x200x64xf32, #tpu.memory_space<vmem>> -> memref<200x64xf32, #tpu.memory_space<vmem>>
            tpu.vector_store_idx %scatter3A_1765[%add3A_1534, %broadcast_in_dim3A_1759], %broadcast_in_dim3A_1497 masked %eq3A_1524 : memref<200x64xf32, #tpu.memory_space<vmem>>[vector<16xi32>, vector<16xi32>], vector<16xf32>, vector<16xi1>
            %broadcast_in_dim3A_1766 = arith.constant 29 : i32
            %broadcast_in_dim3A_1767 = vector.broadcast %broadcast_in_dim3A_1766 : i32 to vector<16xi32>
            %scatter3A_1768 = arith.constant 1 : i32
            %scatter3A_1769 = arith.constant 0 : i32
            %scatter3A_1770 = arith.constant 0 : i32
            %scatter3A_1771 = arith.constant 0 : i32
            %scatter3A_1772 = tpu.memref_slice %arg7[%scatter3A_1768, %scatter3A_1769, %scatter3A_1770, %scatter3A_1771] : memref<2x2x200x64xf32, #tpu.memory_space<vmem>> -> memref<1x1x200x64xf32, #tpu.memory_space<vmem>>
            %scatter3A_1773 = tpu.memref_squeeze %scatter3A_1772 : memref<1x1x200x64xf32, #tpu.memory_space<vmem>> -> memref<200x64xf32, #tpu.memory_space<vmem>>
            tpu.vector_store_idx %scatter3A_1773[%add3A_1534, %broadcast_in_dim3A_1767], %broadcast_in_dim3A_1497 masked %eq3A_1524 : memref<200x64xf32, #tpu.memory_space<vmem>>[vector<16xi32>, vector<16xi32>], vector<16xf32>, vector<16xi1>
            %broadcast_in_dim3A_1774 = arith.constant 30 : i32
            %broadcast_in_dim3A_1775 = vector.broadcast %broadcast_in_dim3A_1774 : i32 to vector<16xi32>
            %scatter3A_1776 = arith.constant 1 : i32
            %scatter3A_1777 = arith.constant 0 : i32
            %scatter3A_1778 = arith.constant 0 : i32
            %scatter3A_1779 = arith.constant 0 : i32
            %scatter3A_1780 = tpu.memref_slice %arg7[%scatter3A_1776, %scatter3A_1777, %scatter3A_1778, %scatter3A_1779] : memref<2x2x200x64xf32, #tpu.memory_space<vmem>> -> memref<1x1x200x64xf32, #tpu.memory_space<vmem>>
            %scatter3A_1781 = tpu.memref_squeeze %scatter3A_1780 : memref<1x1x200x64xf32, #tpu.memory_space<vmem>> -> memref<200x64xf32, #tpu.memory_space<vmem>>
            tpu.vector_store_idx %scatter3A_1781[%add3A_1534, %broadcast_in_dim3A_1775], %broadcast_in_dim3A_1497 masked %eq3A_1524 : memref<200x64xf32, #tpu.memory_space<vmem>>[vector<16xi32>, vector<16xi32>], vector<16xf32>, vector<16xi1>
            %broadcast_in_dim3A_1782 = arith.constant 31 : i32
            %broadcast_in_dim3A_1783 = vector.broadcast %broadcast_in_dim3A_1782 : i32 to vector<16xi32>
            %scatter3A_1784 = arith.constant 1 : i32
            %scatter3A_1785 = arith.constant 0 : i32
            %scatter3A_1786 = arith.constant 0 : i32
            %scatter3A_1787 = arith.constant 0 : i32
            %scatter3A_1788 = tpu.memref_slice %arg7[%scatter3A_1784, %scatter3A_1785, %scatter3A_1786, %scatter3A_1787] : memref<2x2x200x64xf32, #tpu.memory_space<vmem>> -> memref<1x1x200x64xf32, #tpu.memory_space<vmem>>
            %scatter3A_1789 = tpu.memref_squeeze %scatter3A_1788 : memref<1x1x200x64xf32, #tpu.memory_space<vmem>> -> memref<200x64xf32, #tpu.memory_space<vmem>>
            tpu.vector_store_idx %scatter3A_1789[%add3A_1534, %broadcast_in_dim3A_1783], %broadcast_in_dim3A_1497 masked %eq3A_1524 : memref<200x64xf32, #tpu.memory_space<vmem>>[vector<16xi32>, vector<16xi32>], vector<16xf32>, vector<16xi1>
            %broadcast_in_dim3A_1790 = arith.constant 32 : i32
            %broadcast_in_dim3A_1791 = vector.broadcast %broadcast_in_dim3A_1790 : i32 to vector<16xi32>
            %scatter3A_1792 = arith.constant 1 : i32
            %scatter3A_1793 = arith.constant 0 : i32
            %scatter3A_1794 = arith.constant 0 : i32
            %scatter3A_1795 = arith.constant 0 : i32
            %scatter3A_1796 = tpu.memref_slice %arg7[%scatter3A_1792, %scatter3A_1793, %scatter3A_1794, %scatter3A_1795] : memref<2x2x200x64xf32, #tpu.memory_space<vmem>> -> memref<1x1x200x64xf32, #tpu.memory_space<vmem>>
            %scatter3A_1797 = tpu.memref_squeeze %scatter3A_1796 : memref<1x1x200x64xf32, #tpu.memory_space<vmem>> -> memref<200x64xf32, #tpu.memory_space<vmem>>
            tpu.vector_store_idx %scatter3A_1797[%add3A_1534, %broadcast_in_dim3A_1791], %broadcast_in_dim3A_1497 masked %eq3A_1524 : memref<200x64xf32, #tpu.memory_space<vmem>>[vector<16xi32>, vector<16xi32>], vector<16xf32>, vector<16xi1>
            %broadcast_in_dim3A_1798 = arith.constant 33 : i32
            %broadcast_in_dim3A_1799 = vector.broadcast %broadcast_in_dim3A_1798 : i32 to vector<16xi32>
            %scatter3A_1800 = arith.constant 1 : i32
            %scatter3A_1801 = arith.constant 0 : i32
            %scatter3A_1802 = arith.constant 0 : i32
            %scatter3A_1803 = arith.constant 0 : i32
            %scatter3A_1804 = tpu.memref_slice %arg7[%scatter3A_1800, %scatter3A_1801, %scatter3A_1802, %scatter3A_1803] : memref<2x2x200x64xf32, #tpu.memory_space<vmem>> -> memref<1x1x200x64xf32, #tpu.memory_space<vmem>>
            %scatter3A_1805 = tpu.memref_squeeze %scatter3A_1804 : memref<1x1x200x64xf32, #tpu.memory_space<vmem>> -> memref<200x64xf32, #tpu.memory_space<vmem>>
            tpu.vector_store_idx %scatter3A_1805[%add3A_1534, %broadcast_in_dim3A_1799], %broadcast_in_dim3A_1497 masked %eq3A_1524 : memref<200x64xf32, #tpu.memory_space<vmem>>[vector<16xi32>, vector<16xi32>], vector<16xf32>, vector<16xi1>
            %broadcast_in_dim3A_1806 = arith.constant 34 : i32
            %broadcast_in_dim3A_1807 = vector.broadcast %broadcast_in_dim3A_1806 : i32 to vector<16xi32>
            %scatter3A_1808 = arith.constant 1 : i32
            %scatter3A_1809 = arith.constant 0 : i32
            %scatter3A_1810 = arith.constant 0 : i32
            %scatter3A_1811 = arith.constant 0 : i32
            %scatter3A_1812 = tpu.memref_slice %arg7[%scatter3A_1808, %scatter3A_1809, %scatter3A_1810, %scatter3A_1811] : memref<2x2x200x64xf32, #tpu.memory_space<vmem>> -> memref<1x1x200x64xf32, #tpu.memory_space<vmem>>
            %scatter3A_1813 = tpu.memref_squeeze %scatter3A_1812 : memref<1x1x200x64xf32, #tpu.memory_space<vmem>> -> memref<200x64xf32, #tpu.memory_space<vmem>>
            tpu.vector_store_idx %scatter3A_1813[%add3A_1534, %broadcast_in_dim3A_1807], %broadcast_in_dim3A_1497 masked %eq3A_1524 : memref<200x64xf32, #tpu.memory_space<vmem>>[vector<16xi32>, vector<16xi32>], vector<16xf32>, vector<16xi1>
            %broadcast_in_dim3A_1814 = arith.constant 35 : i32
            %broadcast_in_dim3A_1815 = vector.broadcast %broadcast_in_dim3A_1814 : i32 to vector<16xi32>
            %scatter3A_1816 = arith.constant 1 : i32
            %scatter3A_1817 = arith.constant 0 : i32
            %scatter3A_1818 = arith.constant 0 : i32
            %scatter3A_1819 = arith.constant 0 : i32
            %scatter3A_1820 = tpu.memref_slice %arg7[%scatter3A_1816, %scatter3A_1817, %scatter3A_1818, %scatter3A_1819] : memref<2x2x200x64xf32, #tpu.memory_space<vmem>> -> memref<1x1x200x64xf32, #tpu.memory_space<vmem>>
            %scatter3A_1821 = tpu.memref_squeeze %scatter3A_1820 : memref<1x1x200x64xf32, #tpu.memory_space<vmem>> -> memref<200x64xf32, #tpu.memory_space<vmem>>
            tpu.vector_store_idx %scatter3A_1821[%add3A_1534, %broadcast_in_dim3A_1815], %broadcast_in_dim3A_1497 masked %eq3A_1524 : memref<200x64xf32, #tpu.memory_space<vmem>>[vector<16xi32>, vector<16xi32>], vector<16xf32>, vector<16xi1>
            %broadcast_in_dim3A_1822 = arith.constant 36 : i32
            %broadcast_in_dim3A_1823 = vector.broadcast %broadcast_in_dim3A_1822 : i32 to vector<16xi32>
            %scatter3A_1824 = arith.constant 1 : i32
            %scatter3A_1825 = arith.constant 0 : i32
            %scatter3A_1826 = arith.constant 0 : i32
            %scatter3A_1827 = arith.constant 0 : i32
            %scatter3A_1828 = tpu.memref_slice %arg7[%scatter3A_1824, %scatter3A_1825, %scatter3A_1826, %scatter3A_1827] : memref<2x2x200x64xf32, #tpu.memory_space<vmem>> -> memref<1x1x200x64xf32, #tpu.memory_space<vmem>>
            %scatter3A_1829 = tpu.memref_squeeze %scatter3A_1828 : memref<1x1x200x64xf32, #tpu.memory_space<vmem>> -> memref<200x64xf32, #tpu.memory_space<vmem>>
            tpu.vector_store_idx %scatter3A_1829[%add3A_1534, %broadcast_in_dim3A_1823], %broadcast_in_dim3A_1497 masked %eq3A_1524 : memref<200x64xf32, #tpu.memory_space<vmem>>[vector<16xi32>, vector<16xi32>], vector<16xf32>, vector<16xi1>
            %broadcast_in_dim3A_1830 = arith.constant 37 : i32
            %broadcast_in_dim3A_1831 = vector.broadcast %broadcast_in_dim3A_1830 : i32 to vector<16xi32>
            %scatter3A_1832 = arith.constant 1 : i32
            %scatter3A_1833 = arith.constant 0 : i32
            %scatter3A_1834 = arith.constant 0 : i32
            %scatter3A_1835 = arith.constant 0 : i32
            %scatter3A_1836 = tpu.memref_slice %arg7[%scatter3A_1832, %scatter3A_1833, %scatter3A_1834, %scatter3A_1835] : memref<2x2x200x64xf32, #tpu.memory_space<vmem>> -> memref<1x1x200x64xf32, #tpu.memory_space<vmem>>
            %scatter3A_1837 = tpu.memref_squeeze %scatter3A_1836 : memref<1x1x200x64xf32, #tpu.memory_space<vmem>> -> memref<200x64xf32, #tpu.memory_space<vmem>>
            tpu.vector_store_idx %scatter3A_1837[%add3A_1534, %broadcast_in_dim3A_1831], %broadcast_in_dim3A_1497 masked %eq3A_1524 : memref<200x64xf32, #tpu.memory_space<vmem>>[vector<16xi32>, vector<16xi32>], vector<16xf32>, vector<16xi1>
            %broadcast_in_dim3A_1838 = arith.constant 38 : i32
            %broadcast_in_dim3A_1839 = vector.broadcast %broadcast_in_dim3A_1838 : i32 to vector<16xi32>
            %scatter3A_1840 = arith.constant 1 : i32
            %scatter3A_1841 = arith.constant 0 : i32
            %scatter3A_1842 = arith.constant 0 : i32
            %scatter3A_1843 = arith.constant 0 : i32
            %scatter3A_1844 = tpu.memref_slice %arg7[%scatter3A_1840, %scatter3A_1841, %scatter3A_1842, %scatter3A_1843] : memref<2x2x200x64xf32, #tpu.memory_space<vmem>> -> memref<1x1x200x64xf32, #tpu.memory_space<vmem>>
            %scatter3A_1845 = tpu.memref_squeeze %scatter3A_1844 : memref<1x1x200x64xf32, #tpu.memory_space<vmem>> -> memref<200x64xf32, #tpu.memory_space<vmem>>
            tpu.vector_store_idx %scatter3A_1845[%add3A_1534, %broadcast_in_dim3A_1839], %broadcast_in_dim3A_1497 masked %eq3A_1524 : memref<200x64xf32, #tpu.memory_space<vmem>>[vector<16xi32>, vector<16xi32>], vector<16xf32>, vector<16xi1>
            %broadcast_in_dim3A_1846 = arith.constant 39 : i32
            %broadcast_in_dim3A_1847 = vector.broadcast %broadcast_in_dim3A_1846 : i32 to vector<16xi32>
            %scatter3A_1848 = arith.constant 1 : i32
            %scatter3A_1849 = arith.constant 0 : i32
            %scatter3A_1850 = arith.constant 0 : i32
            %scatter3A_1851 = arith.constant 0 : i32
            %scatter3A_1852 = tpu.memref_slice %arg7[%scatter3A_1848, %scatter3A_1849, %scatter3A_1850, %scatter3A_1851] : memref<2x2x200x64xf32, #tpu.memory_space<vmem>> -> memref<1x1x200x64xf32, #tpu.memory_space<vmem>>
            %scatter3A_1853 = tpu.memref_squeeze %scatter3A_1852 : memref<1x1x200x64xf32, #tpu.memory_space<vmem>> -> memref<200x64xf32, #tpu.memory_space<vmem>>
            tpu.vector_store_idx %scatter3A_1853[%add3A_1534, %broadcast_in_dim3A_1847], %broadcast_in_dim3A_1497 masked %eq3A_1524 : memref<200x64xf32, #tpu.memory_space<vmem>>[vector<16xi32>, vector<16xi32>], vector<16xf32>, vector<16xi1>
            %broadcast_in_dim3A_1854 = arith.constant 40 : i32
            %broadcast_in_dim3A_1855 = vector.broadcast %broadcast_in_dim3A_1854 : i32 to vector<16xi32>
            %scatter3A_1856 = arith.constant 1 : i32
            %scatter3A_1857 = arith.constant 0 : i32
            %scatter3A_1858 = arith.constant 0 : i32
            %scatter3A_1859 = arith.constant 0 : i32
            %scatter3A_1860 = tpu.memref_slice %arg7[%scatter3A_1856, %scatter3A_1857, %scatter3A_1858, %scatter3A_1859] : memref<2x2x200x64xf32, #tpu.memory_space<vmem>> -> memref<1x1x200x64xf32, #tpu.memory_space<vmem>>
            %scatter3A_1861 = tpu.memref_squeeze %scatter3A_1860 : memref<1x1x200x64xf32, #tpu.memory_space<vmem>> -> memref<200x64xf32, #tpu.memory_space<vmem>>
            tpu.vector_store_idx %scatter3A_1861[%add3A_1534, %broadcast_in_dim3A_1855], %broadcast_in_dim3A_1497 masked %eq3A_1524 : memref<200x64xf32, #tpu.memory_space<vmem>>[vector<16xi32>, vector<16xi32>], vector<16xf32>, vector<16xi1>
            %broadcast_in_dim3A_1862 = arith.constant 41 : i32
            %broadcast_in_dim3A_1863 = vector.broadcast %broadcast_in_dim3A_1862 : i32 to vector<16xi32>
            %scatter3A_1864 = arith.constant 1 : i32
            %scatter3A_1865 = arith.constant 0 : i32
            %scatter3A_1866 = arith.constant 0 : i32
            %scatter3A_1867 = arith.constant 0 : i32
            %scatter3A_1868 = tpu.memref_slice %arg7[%scatter3A_1864, %scatter3A_1865, %scatter3A_1866, %scatter3A_1867] : memref<2x2x200x64xf32, #tpu.memory_space<vmem>> -> memref<1x1x200x64xf32, #tpu.memory_space<vmem>>
            %scatter3A_1869 = tpu.memref_squeeze %scatter3A_1868 : memref<1x1x200x64xf32, #tpu.memory_space<vmem>> -> memref<200x64xf32, #tpu.memory_space<vmem>>
            tpu.vector_store_idx %scatter3A_1869[%add3A_1534, %broadcast_in_dim3A_1863], %broadcast_in_dim3A_1497 masked %eq3A_1524 : memref<200x64xf32, #tpu.memory_space<vmem>>[vector<16xi32>, vector<16xi32>], vector<16xf32>, vector<16xi1>
            %broadcast_in_dim3A_1870 = arith.constant 42 : i32
            %broadcast_in_dim3A_1871 = vector.broadcast %broadcast_in_dim3A_1870 : i32 to vector<16xi32>
            %scatter3A_1872 = arith.constant 1 : i32
            %scatter3A_1873 = arith.constant 0 : i32
            %scatter3A_1874 = arith.constant 0 : i32
            %scatter3A_1875 = arith.constant 0 : i32
            %scatter3A_1876 = tpu.memref_slice %arg7[%scatter3A_1872, %scatter3A_1873, %scatter3A_1874, %scatter3A_1875] : memref<2x2x200x64xf32, #tpu.memory_space<vmem>> -> memref<1x1x200x64xf32, #tpu.memory_space<vmem>>
            %scatter3A_1877 = tpu.memref_squeeze %scatter3A_1876 : memref<1x1x200x64xf32, #tpu.memory_space<vmem>> -> memref<200x64xf32, #tpu.memory_space<vmem>>
            tpu.vector_store_idx %scatter3A_1877[%add3A_1534, %broadcast_in_dim3A_1871], %broadcast_in_dim3A_1497 masked %eq3A_1524 : memref<200x64xf32, #tpu.memory_space<vmem>>[vector<16xi32>, vector<16xi32>], vector<16xf32>, vector<16xi1>
            %broadcast_in_dim3A_1878 = arith.constant 43 : i32
            %broadcast_in_dim3A_1879 = vector.broadcast %broadcast_in_dim3A_1878 : i32 to vector<16xi32>
            %scatter3A_1880 = arith.constant 1 : i32
            %scatter3A_1881 = arith.constant 0 : i32
            %scatter3A_1882 = arith.constant 0 : i32
            %scatter3A_1883 = arith.constant 0 : i32
            %scatter3A_1884 = tpu.memref_slice %arg7[%scatter3A_1880, %scatter3A_1881, %scatter3A_1882, %scatter3A_1883] : memref<2x2x200x64xf32, #tpu.memory_space<vmem>> -> memref<1x1x200x64xf32, #tpu.memory_space<vmem>>
            %scatter3A_1885 = tpu.memref_squeeze %scatter3A_1884 : memref<1x1x200x64xf32, #tpu.memory_space<vmem>> -> memref<200x64xf32, #tpu.memory_space<vmem>>
            tpu.vector_store_idx %scatter3A_1885[%add3A_1534, %broadcast_in_dim3A_1879], %broadcast_in_dim3A_1497 masked %eq3A_1524 : memref<200x64xf32, #tpu.memory_space<vmem>>[vector<16xi32>, vector<16xi32>], vector<16xf32>, vector<16xi1>
            %broadcast_in_dim3A_1886 = arith.constant 44 : i32
            %broadcast_in_dim3A_1887 = vector.broadcast %broadcast_in_dim3A_1886 : i32 to vector<16xi32>
            %scatter3A_1888 = arith.constant 1 : i32
            %scatter3A_1889 = arith.constant 0 : i32
            %scatter3A_1890 = arith.constant 0 : i32
            %scatter3A_1891 = arith.constant 0 : i32
            %scatter3A_1892 = tpu.memref_slice %arg7[%scatter3A_1888, %scatter3A_1889, %scatter3A_1890, %scatter3A_1891] : memref<2x2x200x64xf32, #tpu.memory_space<vmem>> -> memref<1x1x200x64xf32, #tpu.memory_space<vmem>>
            %scatter3A_1893 = tpu.memref_squeeze %scatter3A_1892 : memref<1x1x200x64xf32, #tpu.memory_space<vmem>> -> memref<200x64xf32, #tpu.memory_space<vmem>>
            tpu.vector_store_idx %scatter3A_1893[%add3A_1534, %broadcast_in_dim3A_1887], %broadcast_in_dim3A_1497 masked %eq3A_1524 : memref<200x64xf32, #tpu.memory_space<vmem>>[vector<16xi32>, vector<16xi32>], vector<16xf32>, vector<16xi1>
            %broadcast_in_dim3A_1894 = arith.constant 45 : i32
            %broadcast_in_dim3A_1895 = vector.broadcast %broadcast_in_dim3A_1894 : i32 to vector<16xi32>
            %scatter3A_1896 = arith.constant 1 : i32
            %scatter3A_1897 = arith.constant 0 : i32
            %scatter3A_1898 = arith.constant 0 : i32
            %scatter3A_1899 = arith.constant 0 : i32
            %scatter3A_1900 = tpu.memref_slice %arg7[%scatter3A_1896, %scatter3A_1897, %scatter3A_1898, %scatter3A_1899] : memref<2x2x200x64xf32, #tpu.memory_space<vmem>> -> memref<1x1x200x64xf32, #tpu.memory_space<vmem>>
            %scatter3A_1901 = tpu.memref_squeeze %scatter3A_1900 : memref<1x1x200x64xf32, #tpu.memory_space<vmem>> -> memref<200x64xf32, #tpu.memory_space<vmem>>
            tpu.vector_store_idx %scatter3A_1901[%add3A_1534, %broadcast_in_dim3A_1895], %broadcast_in_dim3A_1497 masked %eq3A_1524 : memref<200x64xf32, #tpu.memory_space<vmem>>[vector<16xi32>, vector<16xi32>], vector<16xf32>, vector<16xi1>
            %broadcast_in_dim3A_1902 = arith.constant 46 : i32
            %broadcast_in_dim3A_1903 = vector.broadcast %broadcast_in_dim3A_1902 : i32 to vector<16xi32>
            %scatter3A_1904 = arith.constant 1 : i32
            %scatter3A_1905 = arith.constant 0 : i32
            %scatter3A_1906 = arith.constant 0 : i32
            %scatter3A_1907 = arith.constant 0 : i32
            %scatter3A_1908 = tpu.memref_slice %arg7[%scatter3A_1904, %scatter3A_1905, %scatter3A_1906, %scatter3A_1907] : memref<2x2x200x64xf32, #tpu.memory_space<vmem>> -> memref<1x1x200x64xf32, #tpu.memory_space<vmem>>
            %scatter3A_1909 = tpu.memref_squeeze %scatter3A_1908 : memref<1x1x200x64xf32, #tpu.memory_space<vmem>> -> memref<200x64xf32, #tpu.memory_space<vmem>>
            tpu.vector_store_idx %scatter3A_1909[%add3A_1534, %broadcast_in_dim3A_1903], %broadcast_in_dim3A_1497 masked %eq3A_1524 : memref<200x64xf32, #tpu.memory_space<vmem>>[vector<16xi32>, vector<16xi32>], vector<16xf32>, vector<16xi1>
            %broadcast_in_dim3A_1910 = arith.constant 47 : i32
            %broadcast_in_dim3A_1911 = vector.broadcast %broadcast_in_dim3A_1910 : i32 to vector<16xi32>
            %scatter3A_1912 = arith.constant 1 : i32
            %scatter3A_1913 = arith.constant 0 : i32
            %scatter3A_1914 = arith.constant 0 : i32
            %scatter3A_1915 = arith.constant 0 : i32
            %scatter3A_1916 = tpu.memref_slice %arg7[%scatter3A_1912, %scatter3A_1913, %scatter3A_1914, %scatter3A_1915] : memref<2x2x200x64xf32, #tpu.memory_space<vmem>> -> memref<1x1x200x64xf32, #tpu.memory_space<vmem>>
            %scatter3A_1917 = tpu.memref_squeeze %scatter3A_1916 : memref<1x1x200x64xf32, #tpu.memory_space<vmem>> -> memref<200x64xf32, #tpu.memory_space<vmem>>
            tpu.vector_store_idx %scatter3A_1917[%add3A_1534, %broadcast_in_dim3A_1911], %broadcast_in_dim3A_1497 masked %eq3A_1524 : memref<200x64xf32, #tpu.memory_space<vmem>>[vector<16xi32>, vector<16xi32>], vector<16xf32>, vector<16xi1>
            %broadcast_in_dim3A_1918 = arith.constant 48 : i32
            %broadcast_in_dim3A_1919 = vector.broadcast %broadcast_in_dim3A_1918 : i32 to vector<16xi32>
            %scatter3A_1920 = arith.constant 1 : i32
            %scatter3A_1921 = arith.constant 0 : i32
            %scatter3A_1922 = arith.constant 0 : i32
            %scatter3A_1923 = arith.constant 0 : i32
            %scatter3A_1924 = tpu.memref_slice %arg7[%scatter3A_1920, %scatter3A_1921, %scatter3A_1922, %scatter3A_1923] : memref<2x2x200x64xf32, #tpu.memory_space<vmem>> -> memref<1x1x200x64xf32, #tpu.memory_space<vmem>>
            %scatter3A_1925 = tpu.memref_squeeze %scatter3A_1924 : memref<1x1x200x64xf32, #tpu.memory_space<vmem>> -> memref<200x64xf32, #tpu.memory_space<vmem>>
            tpu.vector_store_idx %scatter3A_1925[%add3A_1534, %broadcast_in_dim3A_1919], %broadcast_in_dim3A_1497 masked %eq3A_1524 : memref<200x64xf32, #tpu.memory_space<vmem>>[vector<16xi32>, vector<16xi32>], vector<16xf32>, vector<16xi1>
            %broadcast_in_dim3A_1926 = arith.constant 49 : i32
            %broadcast_in_dim3A_1927 = vector.broadcast %broadcast_in_dim3A_1926 : i32 to vector<16xi32>
            %scatter3A_1928 = arith.constant 1 : i32
            %scatter3A_1929 = arith.constant 0 : i32
            %scatter3A_1930 = arith.constant 0 : i32
            %scatter3A_1931 = arith.constant 0 : i32
            %scatter3A_1932 = tpu.memref_slice %arg7[%scatter3A_1928, %scatter3A_1929, %scatter3A_1930, %scatter3A_1931] : memref<2x2x200x64xf32, #tpu.memory_space<vmem>> -> memref<1x1x200x64xf32, #tpu.memory_space<vmem>>
            %scatter3A_1933 = tpu.memref_squeeze %scatter3A_1932 : memref<1x1x200x64xf32, #tpu.memory_space<vmem>> -> memref<200x64xf32, #tpu.memory_space<vmem>>
            tpu.vector_store_idx %scatter3A_1933[%add3A_1534, %broadcast_in_dim3A_1927], %broadcast_in_dim3A_1497 masked %eq3A_1524 : memref<200x64xf32, #tpu.memory_space<vmem>>[vector<16xi32>, vector<16xi32>], vector<16xf32>, vector<16xi1>
            %broadcast_in_dim3A_1934 = arith.constant 50 : i32
            %broadcast_in_dim3A_1935 = vector.broadcast %broadcast_in_dim3A_1934 : i32 to vector<16xi32>
            %scatter3A_1936 = arith.constant 1 : i32
            %scatter3A_1937 = arith.constant 0 : i32
            %scatter3A_1938 = arith.constant 0 : i32
            %scatter3A_1939 = arith.constant 0 : i32
            %scatter3A_1940 = tpu.memref_slice %arg7[%scatter3A_1936, %scatter3A_1937, %scatter3A_1938, %scatter3A_1939] : memref<2x2x200x64xf32, #tpu.memory_space<vmem>> -> memref<1x1x200x64xf32, #tpu.memory_space<vmem>>
            %scatter3A_1941 = tpu.memref_squeeze %scatter3A_1940 : memref<1x1x200x64xf32, #tpu.memory_space<vmem>> -> memref<200x64xf32, #tpu.memory_space<vmem>>
            tpu.vector_store_idx %scatter3A_1941[%add3A_1534, %broadcast_in_dim3A_1935], %broadcast_in_dim3A_1497 masked %eq3A_1524 : memref<200x64xf32, #tpu.memory_space<vmem>>[vector<16xi32>, vector<16xi32>], vector<16xf32>, vector<16xi1>
            %broadcast_in_dim3A_1942 = arith.constant 51 : i32
            %broadcast_in_dim3A_1943 = vector.broadcast %broadcast_in_dim3A_1942 : i32 to vector<16xi32>
            %scatter3A_1944 = arith.constant 1 : i32
            %scatter3A_1945 = arith.constant 0 : i32
            %scatter3A_1946 = arith.constant 0 : i32
            %scatter3A_1947 = arith.constant 0 : i32
            %scatter3A_1948 = tpu.memref_slice %arg7[%scatter3A_1944, %scatter3A_1945, %scatter3A_1946, %scatter3A_1947] : memref<2x2x200x64xf32, #tpu.memory_space<vmem>> -> memref<1x1x200x64xf32, #tpu.memory_space<vmem>>
            %scatter3A_1949 = tpu.memref_squeeze %scatter3A_1948 : memref<1x1x200x64xf32, #tpu.memory_space<vmem>> -> memref<200x64xf32, #tpu.memory_space<vmem>>
            tpu.vector_store_idx %scatter3A_1949[%add3A_1534, %broadcast_in_dim3A_1943], %broadcast_in_dim3A_1497 masked %eq3A_1524 : memref<200x64xf32, #tpu.memory_space<vmem>>[vector<16xi32>, vector<16xi32>], vector<16xf32>, vector<16xi1>
            %broadcast_in_dim3A_1950 = arith.constant 52 : i32
            %broadcast_in_dim3A_1951 = vector.broadcast %broadcast_in_dim3A_1950 : i32 to vector<16xi32>
            %scatter3A_1952 = arith.constant 1 : i32
            %scatter3A_1953 = arith.constant 0 : i32
            %scatter3A_1954 = arith.constant 0 : i32
            %scatter3A_1955 = arith.constant 0 : i32
            %scatter3A_1956 = tpu.memref_slice %arg7[%scatter3A_1952, %scatter3A_1953, %scatter3A_1954, %scatter3A_1955] : memref<2x2x200x64xf32, #tpu.memory_space<vmem>> -> memref<1x1x200x64xf32, #tpu.memory_space<vmem>>
            %scatter3A_1957 = tpu.memref_squeeze %scatter3A_1956 : memref<1x1x200x64xf32, #tpu.memory_space<vmem>> -> memref<200x64xf32, #tpu.memory_space<vmem>>
            tpu.vector_store_idx %scatter3A_1957[%add3A_1534, %broadcast_in_dim3A_1951], %broadcast_in_dim3A_1497 masked %eq3A_1524 : memref<200x64xf32, #tpu.memory_space<vmem>>[vector<16xi32>, vector<16xi32>], vector<16xf32>, vector<16xi1>
            %broadcast_in_dim3A_1958 = arith.constant 53 : i32
            %broadcast_in_dim3A_1959 = vector.broadcast %broadcast_in_dim3A_1958 : i32 to vector<16xi32>
            %scatter3A_1960 = arith.constant 1 : i32
            %scatter3A_1961 = arith.constant 0 : i32
            %scatter3A_1962 = arith.constant 0 : i32
            %scatter3A_1963 = arith.constant 0 : i32
            %scatter3A_1964 = tpu.memref_slice %arg7[%scatter3A_1960, %scatter3A_1961, %scatter3A_1962, %scatter3A_1963] : memref<2x2x200x64xf32, #tpu.memory_space<vmem>> -> memref<1x1x200x64xf32, #tpu.memory_space<vmem>>
            %scatter3A_1965 = tpu.memref_squeeze %scatter3A_1964 : memref<1x1x200x64xf32, #tpu.memory_space<vmem>> -> memref<200x64xf32, #tpu.memory_space<vmem>>
            tpu.vector_store_idx %scatter3A_1965[%add3A_1534, %broadcast_in_dim3A_1959], %broadcast_in_dim3A_1497 masked %eq3A_1524 : memref<200x64xf32, #tpu.memory_space<vmem>>[vector<16xi32>, vector<16xi32>], vector<16xf32>, vector<16xi1>
            %broadcast_in_dim3A_1966 = arith.constant 54 : i32
            %broadcast_in_dim3A_1967 = vector.broadcast %broadcast_in_dim3A_1966 : i32 to vector<16xi32>
            %scatter3A_1968 = arith.constant 1 : i32
            %scatter3A_1969 = arith.constant 0 : i32
            %scatter3A_1970 = arith.constant 0 : i32
            %scatter3A_1971 = arith.constant 0 : i32
            %scatter3A_1972 = tpu.memref_slice %arg7[%scatter3A_1968, %scatter3A_1969, %scatter3A_1970, %scatter3A_1971] : memref<2x2x200x64xf32, #tpu.memory_space<vmem>> -> memref<1x1x200x64xf32, #tpu.memory_space<vmem>>
            %scatter3A_1973 = tpu.memref_squeeze %scatter3A_1972 : memref<1x1x200x64xf32, #tpu.memory_space<vmem>> -> memref<200x64xf32, #tpu.memory_space<vmem>>
            tpu.vector_store_idx %scatter3A_1973[%add3A_1534, %broadcast_in_dim3A_1967], %broadcast_in_dim3A_1497 masked %eq3A_1524 : memref<200x64xf32, #tpu.memory_space<vmem>>[vector<16xi32>, vector<16xi32>], vector<16xf32>, vector<16xi1>
            %broadcast_in_dim3A_1974 = arith.constant 55 : i32
            %broadcast_in_dim3A_1975 = vector.broadcast %broadcast_in_dim3A_1974 : i32 to vector<16xi32>
            %scatter3A_1976 = arith.constant 1 : i32
            %scatter3A_1977 = arith.constant 0 : i32
            %scatter3A_1978 = arith.constant 0 : i32
            %scatter3A_1979 = arith.constant 0 : i32
            %scatter3A_1980 = tpu.memref_slice %arg7[%scatter3A_1976, %scatter3A_1977, %scatter3A_1978, %scatter3A_1979] : memref<2x2x200x64xf32, #tpu.memory_space<vmem>> -> memref<1x1x200x64xf32, #tpu.memory_space<vmem>>
            %scatter3A_1981 = tpu.memref_squeeze %scatter3A_1980 : memref<1x1x200x64xf32, #tpu.memory_space<vmem>> -> memref<200x64xf32, #tpu.memory_space<vmem>>
            tpu.vector_store_idx %scatter3A_1981[%add3A_1534, %broadcast_in_dim3A_1975], %broadcast_in_dim3A_1497 masked %eq3A_1524 : memref<200x64xf32, #tpu.memory_space<vmem>>[vector<16xi32>, vector<16xi32>], vector<16xf32>, vector<16xi1>
            %broadcast_in_dim3A_1982 = arith.constant 56 : i32
            %broadcast_in_dim3A_1983 = vector.broadcast %broadcast_in_dim3A_1982 : i32 to vector<16xi32>
            %scatter3A_1984 = arith.constant 1 : i32
            %scatter3A_1985 = arith.constant 0 : i32
            %scatter3A_1986 = arith.constant 0 : i32
            %scatter3A_1987 = arith.constant 0 : i32
            %scatter3A_1988 = tpu.memref_slice %arg7[%scatter3A_1984, %scatter3A_1985, %scatter3A_1986, %scatter3A_1987] : memref<2x2x200x64xf32, #tpu.memory_space<vmem>> -> memref<1x1x200x64xf32, #tpu.memory_space<vmem>>
            %scatter3A_1989 = tpu.memref_squeeze %scatter3A_1988 : memref<1x1x200x64xf32, #tpu.memory_space<vmem>> -> memref<200x64xf32, #tpu.memory_space<vmem>>
            tpu.vector_store_idx %scatter3A_1989[%add3A_1534, %broadcast_in_dim3A_1983], %broadcast_in_dim3A_1497 masked %eq3A_1524 : memref<200x64xf32, #tpu.memory_space<vmem>>[vector<16xi32>, vector<16xi32>], vector<16xf32>, vector<16xi1>
            %broadcast_in_dim3A_1990 = arith.constant 57 : i32
            %broadcast_in_dim3A_1991 = vector.broadcast %broadcast_in_dim3A_1990 : i32 to vector<16xi32>
            %scatter3A_1992 = arith.constant 1 : i32
            %scatter3A_1993 = arith.constant 0 : i32
            %scatter3A_1994 = arith.constant 0 : i32
            %scatter3A_1995 = arith.constant 0 : i32
            %scatter3A_1996 = tpu.memref_slice %arg7[%scatter3A_1992, %scatter3A_1993, %scatter3A_1994, %scatter3A_1995] : memref<2x2x200x64xf32, #tpu.memory_space<vmem>> -> memref<1x1x200x64xf32, #tpu.memory_space<vmem>>
            %scatter3A_1997 = tpu.memref_squeeze %scatter3A_1996 : memref<1x1x200x64xf32, #tpu.memory_space<vmem>> -> memref<200x64xf32, #tpu.memory_space<vmem>>
            tpu.vector_store_idx %scatter3A_1997[%add3A_1534, %broadcast_in_dim3A_1991], %broadcast_in_dim3A_1497 masked %eq3A_1524 : memref<200x64xf32, #tpu.memory_space<vmem>>[vector<16xi32>, vector<16xi32>], vector<16xf32>, vector<16xi1>
            %broadcast_in_dim3A_1998 = arith.constant 58 : i32
            %broadcast_in_dim3A_1999 = vector.broadcast %broadcast_in_dim3A_1998 : i32 to vector<16xi32>
            %scatter3A_2000 = arith.constant 1 : i32
            %scatter3A_2001 = arith.constant 0 : i32
            %scatter3A_2002 = arith.constant 0 : i32
            %scatter3A_2003 = arith.constant 0 : i32
            %scatter3A_2004 = tpu.memref_slice %arg7[%scatter3A_2000, %scatter3A_2001, %scatter3A_2002, %scatter3A_2003] : memref<2x2x200x64xf32, #tpu.memory_space<vmem>> -> memref<1x1x200x64xf32, #tpu.memory_space<vmem>>
            %scatter3A_2005 = tpu.memref_squeeze %scatter3A_2004 : memref<1x1x200x64xf32, #tpu.memory_space<vmem>> -> memref<200x64xf32, #tpu.memory_space<vmem>>
            tpu.vector_store_idx %scatter3A_2005[%add3A_1534, %broadcast_in_dim3A_1999], %broadcast_in_dim3A_1497 masked %eq3A_1524 : memref<200x64xf32, #tpu.memory_space<vmem>>[vector<16xi32>, vector<16xi32>], vector<16xf32>, vector<16xi1>
            %broadcast_in_dim3A_2006 = arith.constant 59 : i32
            %broadcast_in_dim3A_2007 = vector.broadcast %broadcast_in_dim3A_2006 : i32 to vector<16xi32>
            %scatter3A_2008 = arith.constant 1 : i32
            %scatter3A_2009 = arith.constant 0 : i32
            %scatter3A_2010 = arith.constant 0 : i32
            %scatter3A_2011 = arith.constant 0 : i32
            %scatter3A_2012 = tpu.memref_slice %arg7[%scatter3A_2008, %scatter3A_2009, %scatter3A_2010, %scatter3A_2011] : memref<2x2x200x64xf32, #tpu.memory_space<vmem>> -> memref<1x1x200x64xf32, #tpu.memory_space<vmem>>
            %scatter3A_2013 = tpu.memref_squeeze %scatter3A_2012 : memref<1x1x200x64xf32, #tpu.memory_space<vmem>> -> memref<200x64xf32, #tpu.memory_space<vmem>>
            tpu.vector_store_idx %scatter3A_2013[%add3A_1534, %broadcast_in_dim3A_2007], %broadcast_in_dim3A_1497 masked %eq3A_1524 : memref<200x64xf32, #tpu.memory_space<vmem>>[vector<16xi32>, vector<16xi32>], vector<16xf32>, vector<16xi1>
            %broadcast_in_dim3A_2014 = arith.constant 60 : i32
            %broadcast_in_dim3A_2015 = vector.broadcast %broadcast_in_dim3A_2014 : i32 to vector<16xi32>
            %scatter3A_2016 = arith.constant 1 : i32
            %scatter3A_2017 = arith.constant 0 : i32
            %scatter3A_2018 = arith.constant 0 : i32
            %scatter3A_2019 = arith.constant 0 : i32
            %scatter3A_2020 = tpu.memref_slice %arg7[%scatter3A_2016, %scatter3A_2017, %scatter3A_2018, %scatter3A_2019] : memref<2x2x200x64xf32, #tpu.memory_space<vmem>> -> memref<1x1x200x64xf32, #tpu.memory_space<vmem>>
            %scatter3A_2021 = tpu.memref_squeeze %scatter3A_2020 : memref<1x1x200x64xf32, #tpu.memory_space<vmem>> -> memref<200x64xf32, #tpu.memory_space<vmem>>
            tpu.vector_store_idx %scatter3A_2021[%add3A_1534, %broadcast_in_dim3A_2015], %broadcast_in_dim3A_1497 masked %eq3A_1524 : memref<200x64xf32, #tpu.memory_space<vmem>>[vector<16xi32>, vector<16xi32>], vector<16xf32>, vector<16xi1>
            %broadcast_in_dim3A_2022 = arith.constant 61 : i32
            %broadcast_in_dim3A_2023 = vector.broadcast %broadcast_in_dim3A_2022 : i32 to vector<16xi32>
            %scatter3A_2024 = arith.constant 1 : i32
            %scatter3A_2025 = arith.constant 0 : i32
            %scatter3A_2026 = arith.constant 0 : i32
            %scatter3A_2027 = arith.constant 0 : i32
            %scatter3A_2028 = tpu.memref_slice %arg7[%scatter3A_2024, %scatter3A_2025, %scatter3A_2026, %scatter3A_2027] : memref<2x2x200x64xf32, #tpu.memory_space<vmem>> -> memref<1x1x200x64xf32, #tpu.memory_space<vmem>>
            %scatter3A_2029 = tpu.memref_squeeze %scatter3A_2028 : memref<1x1x200x64xf32, #tpu.memory_space<vmem>> -> memref<200x64xf32, #tpu.memory_space<vmem>>
            tpu.vector_store_idx %scatter3A_2029[%add3A_1534, %broadcast_in_dim3A_2023], %broadcast_in_dim3A_1497 masked %eq3A_1524 : memref<200x64xf32, #tpu.memory_space<vmem>>[vector<16xi32>, vector<16xi32>], vector<16xf32>, vector<16xi1>
            %broadcast_in_dim3A_2030 = arith.constant 62 : i32
            %broadcast_in_dim3A_2031 = vector.broadcast %broadcast_in_dim3A_2030 : i32 to vector<16xi32>
            %scatter3A_2032 = arith.constant 1 : i32
            %scatter3A_2033 = arith.constant 0 : i32
            %scatter3A_2034 = arith.constant 0 : i32
            %scatter3A_2035 = arith.constant 0 : i32
            %scatter3A_2036 = tpu.memref_slice %arg7[%scatter3A_2032, %scatter3A_2033, %scatter3A_2034, %scatter3A_2035] : memref<2x2x200x64xf32, #tpu.memory_space<vmem>> -> memref<1x1x200x64xf32, #tpu.memory_space<vmem>>
            %scatter3A_2037 = tpu.memref_squeeze %scatter3A_2036 : memref<1x1x200x64xf32, #tpu.memory_space<vmem>> -> memref<200x64xf32, #tpu.memory_space<vmem>>
            tpu.vector_store_idx %scatter3A_2037[%add3A_1534, %broadcast_in_dim3A_2031], %broadcast_in_dim3A_1497 masked %eq3A_1524 : memref<200x64xf32, #tpu.memory_space<vmem>>[vector<16xi32>, vector<16xi32>], vector<16xf32>, vector<16xi1>
            %broadcast_in_dim3A_2038 = arith.constant 63 : i32
            %broadcast_in_dim3A_2039 = vector.broadcast %broadcast_in_dim3A_2038 : i32 to vector<16xi32>
            %scatter3A_2040 = arith.constant 1 : i32
            %scatter3A_2041 = arith.constant 0 : i32
            %scatter3A_2042 = arith.constant 0 : i32
            %scatter3A_2043 = arith.constant 0 : i32
            %scatter3A_2044 = tpu.memref_slice %arg7[%scatter3A_2040, %scatter3A_2041, %scatter3A_2042, %scatter3A_2043] : memref<2x2x200x64xf32, #tpu.memory_space<vmem>> -> memref<1x1x200x64xf32, #tpu.memory_space<vmem>>
            %scatter3A_2045 = tpu.memref_squeeze %scatter3A_2044 : memref<1x1x200x64xf32, #tpu.memory_space<vmem>> -> memref<200x64xf32, #tpu.memory_space<vmem>>
            tpu.vector_store_idx %scatter3A_2045[%add3A_1534, %broadcast_in_dim3A_2039], %broadcast_in_dim3A_1497 masked %eq3A_1524 : memref<200x64xf32, #tpu.memory_space<vmem>>[vector<16xi32>, vector<16xi32>], vector<16xf32>, vector<16xi1>
          } else {
          }
        }
        %scan3A_1503 = arith.constant 13 : i32
        %scan3A_1504 = arith.constant 0 : i32
        %scan3A_1505 = arith.constant 0 : i32
        %scan3A_1506 = arith.constant 13 : i32
        %scan3A_1507 = arith.addi %scan3A_1505, %scan3A_1506 : i32
        %scan3A_1508 = arith.constant 1 : i32
        scf.for %scan3A_1510 = %scan3A_1505 to %scan3A_1507 step %scan3A_1508  : i32 {
          %mul3A_1511 = arith.constant 16 : i32
          %mul3A_1512 = arith.muli %scan3A_1510, %mul3A_1511 : i32
          %min3A_1513 = arith.constant 184 : i32
          %min3A_1514 = arith.minsi %mul3A_1512, %min3A_1513 : i32
          %mul3A_1515 = arith.constant 2 : i32
          %mul3A_1516 = arith.muli %add3A_396, %mul3A_1515 : i32
          %add3A_1517 = arith.constant 1 : i32
          %add3A_1518 = arith.addi %mul3A_1516, %add3A_1517 : i32
          %get3A_1519 = arith.index_cast %add3A_1518 : i32 to index
          %get3A_1520 = arith.index_cast %min3A_1514 : i32 to index
          %get3A_1521 = tpu.vector_load %arg5[%get3A_1519, %get3A_1520] {strides = array<i32>} : memref<128x200xi32, #tpu.memory_space<vmem>>, vector<16xi32>,
          %eq3A_1522 = arith.constant 0 : i32
          %eq3A_1523 = vector.broadcast %eq3A_1522 : i32 to vector<16xi32>
          %eq3A_1524 = arith.cmpi eq, %get3A_1521, %eq3A_1523 : vector<16xi32>
          %all_reduce_population_count3A_1525 = tpu.all_reduce %eq3A_1524 {dim = 0 : i64, kind = #tpu.reduction_kind<sum>} : vector<16xi1> -> vector<16xi32>
          %slice3A_1526 = vector.extract_strided_slice %all_reduce_population_count3A_1525 {offsets = [0], sizes = [1], strides = [1]} : vector<16xi32> to vector<1xi32>
          %squeeze3A_1527 = vector.extract %slice3A_1526[0] : i32 from vector<1xi32>
          %ne3A_1528 = arith.constant 0 : i32
          %ne3A_1529 = arith.cmpi ne, %squeeze3A_1527, %ne3A_1528 : i32
          %convert_element_type3A_1530 = arith.extui %ne3A_1529 : i1 to i32
          %cond3A_1531 = arith.constant 0 : i32
          %cond3A_1532 = arith.cmpi ne, %convert_element_type3A_1530, %cond3A_1531 : i32
          scf.if %cond3A_1532 {
            %add3A_1533 = vector.broadcast %min3A_1514 : i32 to vector<16xi32>
            %add3A_1534 = arith.addi %add3A_1533, %iota3A : vector<16xi32>
            %broadcast_in_dim3A_1535 = arith.constant 0 : i32
            %broadcast_in_dim3A_1536 = vector.broadcast %broadcast_in_dim3A_1535 : i32 to vector<16xi32>
            %scatter3A = arith.constant 1 : i32
            %scatter3A_1537 = arith.constant 1 : i32
            %scatter3A_1538 = arith.constant 0 : i32
            %scatter3A_1539 = arith.constant 0 : i32
            %scatter3A_1540 = tpu.memref_slice %arg7[%scatter3A, %scatter3A_1537, %scatter3A_1538, %scatter3A_1539] : memref<2x2x200x64xf32, #tpu.memory_space<vmem>> -> memref<1x1x200x64xf32, #tpu.memory_space<vmem>>
            %scatter3A_1541 = tpu.memref_squeeze %scatter3A_1540 : memref<1x1x200x64xf32, #tpu.memory_space<vmem>> -> memref<200x64xf32, #tpu.memory_space<vmem>>
            tpu.vector_store_idx %scatter3A_1541[%add3A_1534, %broadcast_in_dim3A_1536], %broadcast_in_dim3A_1497 masked %eq3A_1524 : memref<200x64xf32, #tpu.memory_space<vmem>>[vector<16xi32>, vector<16xi32>], vector<16xf32>, vector<16xi1>
            %broadcast_in_dim3A_1542 = arith.constant 1 : i32
            %broadcast_in_dim3A_1543 = vector.broadcast %broadcast_in_dim3A_1542 : i32 to vector<16xi32>
            %scatter3A_1544 = arith.constant 1 : i32
            %scatter3A_1545 = arith.constant 1 : i32
            %scatter3A_1546 = arith.constant 0 : i32
            %scatter3A_1547 = arith.constant 0 : i32
            %scatter3A_1548 = tpu.memref_slice %arg7[%scatter3A_1544, %scatter3A_1545, %scatter3A_1546, %scatter3A_1547] : memref<2x2x200x64xf32, #tpu.memory_space<vmem>> -> memref<1x1x200x64xf32, #tpu.memory_space<vmem>>
            %scatter3A_1549 = tpu.memref_squeeze %scatter3A_1548 : memref<1x1x200x64xf32, #tpu.memory_space<vmem>> -> memref<200x64xf32, #tpu.memory_space<vmem>>
            tpu.vector_store_idx %scatter3A_1549[%add3A_1534, %broadcast_in_dim3A_1543], %broadcast_in_dim3A_1497 masked %eq3A_1524 : memref<200x64xf32, #tpu.memory_space<vmem>>[vector<16xi32>, vector<16xi32>], vector<16xf32>, vector<16xi1>
            %broadcast_in_dim3A_1550 = arith.constant 2 : i32
            %broadcast_in_dim3A_1551 = vector.broadcast %broadcast_in_dim3A_1550 : i32 to vector<16xi32>
            %scatter3A_1552 = arith.constant 1 : i32
            %scatter3A_1553 = arith.constant 1 : i32
            %scatter3A_1554 = arith.constant 0 : i32
            %scatter3A_1555 = arith.constant 0 : i32
            %scatter3A_1556 = tpu.memref_slice %arg7[%scatter3A_1552, %scatter3A_1553, %scatter3A_1554, %scatter3A_1555] : memref<2x2x200x64xf32, #tpu.memory_space<vmem>> -> memref<1x1x200x64xf32, #tpu.memory_space<vmem>>
            %scatter3A_1557 = tpu.memref_squeeze %scatter3A_1556 : memref<1x1x200x64xf32, #tpu.memory_space<vmem>> -> memref<200x64xf32, #tpu.memory_space<vmem>>
            tpu.vector_store_idx %scatter3A_1557[%add3A_1534, %broadcast_in_dim3A_1551], %broadcast_in_dim3A_1497 masked %eq3A_1524 : memref<200x64xf32, #tpu.memory_space<vmem>>[vector<16xi32>, vector<16xi32>], vector<16xf32>, vector<16xi1>
            %broadcast_in_dim3A_1558 = arith.constant 3 : i32
            %broadcast_in_dim3A_1559 = vector.broadcast %broadcast_in_dim3A_1558 : i32 to vector<16xi32>
            %scatter3A_1560 = arith.constant 1 : i32
            %scatter3A_1561 = arith.constant 1 : i32
            %scatter3A_1562 = arith.constant 0 : i32
            %scatter3A_1563 = arith.constant 0 : i32
            %scatter3A_1564 = tpu.memref_slice %arg7[%scatter3A_1560, %scatter3A_1561, %scatter3A_1562, %scatter3A_1563] : memref<2x2x200x64xf32, #tpu.memory_space<vmem>> -> memref<1x1x200x64xf32, #tpu.memory_space<vmem>>
            %scatter3A_1565 = tpu.memref_squeeze %scatter3A_1564 : memref<1x1x200x64xf32, #tpu.memory_space<vmem>> -> memref<200x64xf32, #tpu.memory_space<vmem>>
            tpu.vector_store_idx %scatter3A_1565[%add3A_1534, %broadcast_in_dim3A_1559], %broadcast_in_dim3A_1497 masked %eq3A_1524 : memref<200x64xf32, #tpu.memory_space<vmem>>[vector<16xi32>, vector<16xi32>], vector<16xf32>, vector<16xi1>
            %broadcast_in_dim3A_1566 = arith.constant 4 : i32
            %broadcast_in_dim3A_1567 = vector.broadcast %broadcast_in_dim3A_1566 : i32 to vector<16xi32>
            %scatter3A_1568 = arith.constant 1 : i32
            %scatter3A_1569 = arith.constant 1 : i32
            %scatter3A_1570 = arith.constant 0 : i32
            %scatter3A_1571 = arith.constant 0 : i32
            %scatter3A_1572 = tpu.memref_slice %arg7[%scatter3A_1568, %scatter3A_1569, %scatter3A_1570, %scatter3A_1571] : memref<2x2x200x64xf32, #tpu.memory_space<vmem>> -> memref<1x1x200x64xf32, #tpu.memory_space<vmem>>
            %scatter3A_1573 = tpu.memref_squeeze %scatter3A_1572 : memref<1x1x200x64xf32, #tpu.memory_space<vmem>> -> memref<200x64xf32, #tpu.memory_space<vmem>>
            tpu.vector_store_idx %scatter3A_1573[%add3A_1534, %broadcast_in_dim3A_1567], %broadcast_in_dim3A_1497 masked %eq3A_1524 : memref<200x64xf32, #tpu.memory_space<vmem>>[vector<16xi32>, vector<16xi32>], vector<16xf32>, vector<16xi1>
            %broadcast_in_dim3A_1574 = arith.constant 5 : i32
            %broadcast_in_dim3A_1575 = vector.broadcast %broadcast_in_dim3A_1574 : i32 to vector<16xi32>
            %scatter3A_1576 = arith.constant 1 : i32
            %scatter3A_1577 = arith.constant 1 : i32
            %scatter3A_1578 = arith.constant 0 : i32
            %scatter3A_1579 = arith.constant 0 : i32
            %scatter3A_1580 = tpu.memref_slice %arg7[%scatter3A_1576, %scatter3A_1577, %scatter3A_1578, %scatter3A_1579] : memref<2x2x200x64xf32, #tpu.memory_space<vmem>> -> memref<1x1x200x64xf32, #tpu.memory_space<vmem>>
            %scatter3A_1581 = tpu.memref_squeeze %scatter3A_1580 : memref<1x1x200x64xf32, #tpu.memory_space<vmem>> -> memref<200x64xf32, #tpu.memory_space<vmem>>
            tpu.vector_store_idx %scatter3A_1581[%add3A_1534, %broadcast_in_dim3A_1575], %broadcast_in_dim3A_1497 masked %eq3A_1524 : memref<200x64xf32, #tpu.memory_space<vmem>>[vector<16xi32>, vector<16xi32>], vector<16xf32>, vector<16xi1>
            %broadcast_in_dim3A_1582 = arith.constant 6 : i32
            %broadcast_in_dim3A_1583 = vector.broadcast %broadcast_in_dim3A_1582 : i32 to vector<16xi32>
            %scatter3A_1584 = arith.constant 1 : i32
            %scatter3A_1585 = arith.constant 1 : i32
            %scatter3A_1586 = arith.constant 0 : i32
            %scatter3A_1587 = arith.constant 0 : i32
            %scatter3A_1588 = tpu.memref_slice %arg7[%scatter3A_1584, %scatter3A_1585, %scatter3A_1586, %scatter3A_1587] : memref<2x2x200x64xf32, #tpu.memory_space<vmem>> -> memref<1x1x200x64xf32, #tpu.memory_space<vmem>>
            %scatter3A_1589 = tpu.memref_squeeze %scatter3A_1588 : memref<1x1x200x64xf32, #tpu.memory_space<vmem>> -> memref<200x64xf32, #tpu.memory_space<vmem>>
            tpu.vector_store_idx %scatter3A_1589[%add3A_1534, %broadcast_in_dim3A_1583], %broadcast_in_dim3A_1497 masked %eq3A_1524 : memref<200x64xf32, #tpu.memory_space<vmem>>[vector<16xi32>, vector<16xi32>], vector<16xf32>, vector<16xi1>
            %broadcast_in_dim3A_1590 = arith.constant 7 : i32
            %broadcast_in_dim3A_1591 = vector.broadcast %broadcast_in_dim3A_1590 : i32 to vector<16xi32>
            %scatter3A_1592 = arith.constant 1 : i32
            %scatter3A_1593 = arith.constant 1 : i32
            %scatter3A_1594 = arith.constant 0 : i32
            %scatter3A_1595 = arith.constant 0 : i32
            %scatter3A_1596 = tpu.memref_slice %arg7[%scatter3A_1592, %scatter3A_1593, %scatter3A_1594, %scatter3A_1595] : memref<2x2x200x64xf32, #tpu.memory_space<vmem>> -> memref<1x1x200x64xf32, #tpu.memory_space<vmem>>
            %scatter3A_1597 = tpu.memref_squeeze %scatter3A_1596 : memref<1x1x200x64xf32, #tpu.memory_space<vmem>> -> memref<200x64xf32, #tpu.memory_space<vmem>>
            tpu.vector_store_idx %scatter3A_1597[%add3A_1534, %broadcast_in_dim3A_1591], %broadcast_in_dim3A_1497 masked %eq3A_1524 : memref<200x64xf32, #tpu.memory_space<vmem>>[vector<16xi32>, vector<16xi32>], vector<16xf32>, vector<16xi1>
            %broadcast_in_dim3A_1598 = arith.constant 8 : i32
            %broadcast_in_dim3A_1599 = vector.broadcast %broadcast_in_dim3A_1598 : i32 to vector<16xi32>
            %scatter3A_1600 = arith.constant 1 : i32
            %scatter3A_1601 = arith.constant 1 : i32
            %scatter3A_1602 = arith.constant 0 : i32
            %scatter3A_1603 = arith.constant 0 : i32
            %scatter3A_1604 = tpu.memref_slice %arg7[%scatter3A_1600, %scatter3A_1601, %scatter3A_1602, %scatter3A_1603] : memref<2x2x200x64xf32, #tpu.memory_space<vmem>> -> memref<1x1x200x64xf32, #tpu.memory_space<vmem>>
            %scatter3A_1605 = tpu.memref_squeeze %scatter3A_1604 : memref<1x1x200x64xf32, #tpu.memory_space<vmem>> -> memref<200x64xf32, #tpu.memory_space<vmem>>
            tpu.vector_store_idx %scatter3A_1605[%add3A_1534, %broadcast_in_dim3A_1599], %broadcast_in_dim3A_1497 masked %eq3A_1524 : memref<200x64xf32, #tpu.memory_space<vmem>>[vector<16xi32>, vector<16xi32>], vector<16xf32>, vector<16xi1>
            %broadcast_in_dim3A_1606 = arith.constant 9 : i32
            %broadcast_in_dim3A_1607 = vector.broadcast %broadcast_in_dim3A_1606 : i32 to vector<16xi32>
            %scatter3A_1608 = arith.constant 1 : i32
            %scatter3A_1609 = arith.constant 1 : i32
            %scatter3A_1610 = arith.constant 0 : i32
            %scatter3A_1611 = arith.constant 0 : i32
            %scatter3A_1612 = tpu.memref_slice %arg7[%scatter3A_1608, %scatter3A_1609, %scatter3A_1610, %scatter3A_1611] : memref<2x2x200x64xf32, #tpu.memory_space<vmem>> -> memref<1x1x200x64xf32, #tpu.memory_space<vmem>>
            %scatter3A_1613 = tpu.memref_squeeze %scatter3A_1612 : memref<1x1x200x64xf32, #tpu.memory_space<vmem>> -> memref<200x64xf32, #tpu.memory_space<vmem>>
            tpu.vector_store_idx %scatter3A_1613[%add3A_1534, %broadcast_in_dim3A_1607], %broadcast_in_dim3A_1497 masked %eq3A_1524 : memref<200x64xf32, #tpu.memory_space<vmem>>[vector<16xi32>, vector<16xi32>], vector<16xf32>, vector<16xi1>
            %broadcast_in_dim3A_1614 = arith.constant 10 : i32
            %broadcast_in_dim3A_1615 = vector.broadcast %broadcast_in_dim3A_1614 : i32 to vector<16xi32>
            %scatter3A_1616 = arith.constant 1 : i32
            %scatter3A_1617 = arith.constant 1 : i32
            %scatter3A_1618 = arith.constant 0 : i32
            %scatter3A_1619 = arith.constant 0 : i32
            %scatter3A_1620 = tpu.memref_slice %arg7[%scatter3A_1616, %scatter3A_1617, %scatter3A_1618, %scatter3A_1619] : memref<2x2x200x64xf32, #tpu.memory_space<vmem>> -> memref<1x1x200x64xf32, #tpu.memory_space<vmem>>
            %scatter3A_1621 = tpu.memref_squeeze %scatter3A_1620 : memref<1x1x200x64xf32, #tpu.memory_space<vmem>> -> memref<200x64xf32, #tpu.memory_space<vmem>>
            tpu.vector_store_idx %scatter3A_1621[%add3A_1534, %broadcast_in_dim3A_1615], %broadcast_in_dim3A_1497 masked %eq3A_1524 : memref<200x64xf32, #tpu.memory_space<vmem>>[vector<16xi32>, vector<16xi32>], vector<16xf32>, vector<16xi1>
            %broadcast_in_dim3A_1622 = arith.constant 11 : i32
            %broadcast_in_dim3A_1623 = vector.broadcast %broadcast_in_dim3A_1622 : i32 to vector<16xi32>
            %scatter3A_1624 = arith.constant 1 : i32
            %scatter3A_1625 = arith.constant 1 : i32
            %scatter3A_1626 = arith.constant 0 : i32
            %scatter3A_1627 = arith.constant 0 : i32
            %scatter3A_1628 = tpu.memref_slice %arg7[%scatter3A_1624, %scatter3A_1625, %scatter3A_1626, %scatter3A_1627] : memref<2x2x200x64xf32, #tpu.memory_space<vmem>> -> memref<1x1x200x64xf32, #tpu.memory_space<vmem>>
            %scatter3A_1629 = tpu.memref_squeeze %scatter3A_1628 : memref<1x1x200x64xf32, #tpu.memory_space<vmem>> -> memref<200x64xf32, #tpu.memory_space<vmem>>
            tpu.vector_store_idx %scatter3A_1629[%add3A_1534, %broadcast_in_dim3A_1623], %broadcast_in_dim3A_1497 masked %eq3A_1524 : memref<200x64xf32, #tpu.memory_space<vmem>>[vector<16xi32>, vector<16xi32>], vector<16xf32>, vector<16xi1>
            %broadcast_in_dim3A_1630 = arith.constant 12 : i32
            %broadcast_in_dim3A_1631 = vector.broadcast %broadcast_in_dim3A_1630 : i32 to vector<16xi32>
            %scatter3A_1632 = arith.constant 1 : i32
            %scatter3A_1633 = arith.constant 1 : i32
            %scatter3A_1634 = arith.constant 0 : i32
            %scatter3A_1635 = arith.constant 0 : i32
            %scatter3A_1636 = tpu.memref_slice %arg7[%scatter3A_1632, %scatter3A_1633, %scatter3A_1634, %scatter3A_1635] : memref<2x2x200x64xf32, #tpu.memory_space<vmem>> -> memref<1x1x200x64xf32, #tpu.memory_space<vmem>>
            %scatter3A_1637 = tpu.memref_squeeze %scatter3A_1636 : memref<1x1x200x64xf32, #tpu.memory_space<vmem>> -> memref<200x64xf32, #tpu.memory_space<vmem>>
            tpu.vector_store_idx %scatter3A_1637[%add3A_1534, %broadcast_in_dim3A_1631], %broadcast_in_dim3A_1497 masked %eq3A_1524 : memref<200x64xf32, #tpu.memory_space<vmem>>[vector<16xi32>, vector<16xi32>], vector<16xf32>, vector<16xi1>
            %broadcast_in_dim3A_1638 = arith.constant 13 : i32
            %broadcast_in_dim3A_1639 = vector.broadcast %broadcast_in_dim3A_1638 : i32 to vector<16xi32>
            %scatter3A_1640 = arith.constant 1 : i32
            %scatter3A_1641 = arith.constant 1 : i32
            %scatter3A_1642 = arith.constant 0 : i32
            %scatter3A_1643 = arith.constant 0 : i32
            %scatter3A_1644 = tpu.memref_slice %arg7[%scatter3A_1640, %scatter3A_1641, %scatter3A_1642, %scatter3A_1643] : memref<2x2x200x64xf32, #tpu.memory_space<vmem>> -> memref<1x1x200x64xf32, #tpu.memory_space<vmem>>
            %scatter3A_1645 = tpu.memref_squeeze %scatter3A_1644 : memref<1x1x200x64xf32, #tpu.memory_space<vmem>> -> memref<200x64xf32, #tpu.memory_space<vmem>>
            tpu.vector_store_idx %scatter3A_1645[%add3A_1534, %broadcast_in_dim3A_1639], %broadcast_in_dim3A_1497 masked %eq3A_1524 : memref<200x64xf32, #tpu.memory_space<vmem>>[vector<16xi32>, vector<16xi32>], vector<16xf32>, vector<16xi1>
            %broadcast_in_dim3A_1646 = arith.constant 14 : i32
            %broadcast_in_dim3A_1647 = vector.broadcast %broadcast_in_dim3A_1646 : i32 to vector<16xi32>
            %scatter3A_1648 = arith.constant 1 : i32
            %scatter3A_1649 = arith.constant 1 : i32
            %scatter3A_1650 = arith.constant 0 : i32
            %scatter3A_1651 = arith.constant 0 : i32
            %scatter3A_1652 = tpu.memref_slice %arg7[%scatter3A_1648, %scatter3A_1649, %scatter3A_1650, %scatter3A_1651] : memref<2x2x200x64xf32, #tpu.memory_space<vmem>> -> memref<1x1x200x64xf32, #tpu.memory_space<vmem>>
            %scatter3A_1653 = tpu.memref_squeeze %scatter3A_1652 : memref<1x1x200x64xf32, #tpu.memory_space<vmem>> -> memref<200x64xf32, #tpu.memory_space<vmem>>
            tpu.vector_store_idx %scatter3A_1653[%add3A_1534, %broadcast_in_dim3A_1647], %broadcast_in_dim3A_1497 masked %eq3A_1524 : memref<200x64xf32, #tpu.memory_space<vmem>>[vector<16xi32>, vector<16xi32>], vector<16xf32>, vector<16xi1>
            %broadcast_in_dim3A_1654 = arith.constant 15 : i32
            %broadcast_in_dim3A_1655 = vector.broadcast %broadcast_in_dim3A_1654 : i32 to vector<16xi32>
            %scatter3A_1656 = arith.constant 1 : i32
            %scatter3A_1657 = arith.constant 1 : i32
            %scatter3A_1658 = arith.constant 0 : i32
            %scatter3A_1659 = arith.constant 0 : i32
            %scatter3A_1660 = tpu.memref_slice %arg7[%scatter3A_1656, %scatter3A_1657, %scatter3A_1658, %scatter3A_1659] : memref<2x2x200x64xf32, #tpu.memory_space<vmem>> -> memref<1x1x200x64xf32, #tpu.memory_space<vmem>>
            %scatter3A_1661 = tpu.memref_squeeze %scatter3A_1660 : memref<1x1x200x64xf32, #tpu.memory_space<vmem>> -> memref<200x64xf32, #tpu.memory_space<vmem>>
            tpu.vector_store_idx %scatter3A_1661[%add3A_1534, %broadcast_in_dim3A_1655], %broadcast_in_dim3A_1497 masked %eq3A_1524 : memref<200x64xf32, #tpu.memory_space<vmem>>[vector<16xi32>, vector<16xi32>], vector<16xf32>, vector<16xi1>
            %broadcast_in_dim3A_1662 = arith.constant 16 : i32
            %broadcast_in_dim3A_1663 = vector.broadcast %broadcast_in_dim3A_1662 : i32 to vector<16xi32>
            %scatter3A_1664 = arith.constant 1 : i32
            %scatter3A_1665 = arith.constant 1 : i32
            %scatter3A_1666 = arith.constant 0 : i32
            %scatter3A_1667 = arith.constant 0 : i32
            %scatter3A_1668 = tpu.memref_slice %arg7[%scatter3A_1664, %scatter3A_1665, %scatter3A_1666, %scatter3A_1667] : memref<2x2x200x64xf32, #tpu.memory_space<vmem>> -> memref<1x1x200x64xf32, #tpu.memory_space<vmem>>
            %scatter3A_1669 = tpu.memref_squeeze %scatter3A_1668 : memref<1x1x200x64xf32, #tpu.memory_space<vmem>> -> memref<200x64xf32, #tpu.memory_space<vmem>>
            tpu.vector_store_idx %scatter3A_1669[%add3A_1534, %broadcast_in_dim3A_1663], %broadcast_in_dim3A_1497 masked %eq3A_1524 : memref<200x64xf32, #tpu.memory_space<vmem>>[vector<16xi32>, vector<16xi32>], vector<16xf32>, vector<16xi1>
            %broadcast_in_dim3A_1670 = arith.constant 17 : i32
            %broadcast_in_dim3A_1671 = vector.broadcast %broadcast_in_dim3A_1670 : i32 to vector<16xi32>
            %scatter3A_1672 = arith.constant 1 : i32
            %scatter3A_1673 = arith.constant 1 : i32
            %scatter3A_1674 = arith.constant 0 : i32
            %scatter3A_1675 = arith.constant 0 : i32
            %scatter3A_1676 = tpu.memref_slice %arg7[%scatter3A_1672, %scatter3A_1673, %scatter3A_1674, %scatter3A_1675] : memref<2x2x200x64xf32, #tpu.memory_space<vmem>> -> memref<1x1x200x64xf32, #tpu.memory_space<vmem>>
            %scatter3A_1677 = tpu.memref_squeeze %scatter3A_1676 : memref<1x1x200x64xf32, #tpu.memory_space<vmem>> -> memref<200x64xf32, #tpu.memory_space<vmem>>
            tpu.vector_store_idx %scatter3A_1677[%add3A_1534, %broadcast_in_dim3A_1671], %broadcast_in_dim3A_1497 masked %eq3A_1524 : memref<200x64xf32, #tpu.memory_space<vmem>>[vector<16xi32>, vector<16xi32>], vector<16xf32>, vector<16xi1>
            %broadcast_in_dim3A_1678 = arith.constant 18 : i32
            %broadcast_in_dim3A_1679 = vector.broadcast %broadcast_in_dim3A_1678 : i32 to vector<16xi32>
            %scatter3A_1680 = arith.constant 1 : i32
            %scatter3A_1681 = arith.constant 1 : i32
            %scatter3A_1682 = arith.constant 0 : i32
            %scatter3A_1683 = arith.constant 0 : i32
            %scatter3A_1684 = tpu.memref_slice %arg7[%scatter3A_1680, %scatter3A_1681, %scatter3A_1682, %scatter3A_1683] : memref<2x2x200x64xf32, #tpu.memory_space<vmem>> -> memref<1x1x200x64xf32, #tpu.memory_space<vmem>>
            %scatter3A_1685 = tpu.memref_squeeze %scatter3A_1684 : memref<1x1x200x64xf32, #tpu.memory_space<vmem>> -> memref<200x64xf32, #tpu.memory_space<vmem>>
            tpu.vector_store_idx %scatter3A_1685[%add3A_1534, %broadcast_in_dim3A_1679], %broadcast_in_dim3A_1497 masked %eq3A_1524 : memref<200x64xf32, #tpu.memory_space<vmem>>[vector<16xi32>, vector<16xi32>], vector<16xf32>, vector<16xi1>
            %broadcast_in_dim3A_1686 = arith.constant 19 : i32
            %broadcast_in_dim3A_1687 = vector.broadcast %broadcast_in_dim3A_1686 : i32 to vector<16xi32>
            %scatter3A_1688 = arith.constant 1 : i32
            %scatter3A_1689 = arith.constant 1 : i32
            %scatter3A_1690 = arith.constant 0 : i32
            %scatter3A_1691 = arith.constant 0 : i32
            %scatter3A_1692 = tpu.memref_slice %arg7[%scatter3A_1688, %scatter3A_1689, %scatter3A_1690, %scatter3A_1691] : memref<2x2x200x64xf32, #tpu.memory_space<vmem>> -> memref<1x1x200x64xf32, #tpu.memory_space<vmem>>
            %scatter3A_1693 = tpu.memref_squeeze %scatter3A_1692 : memref<1x1x200x64xf32, #tpu.memory_space<vmem>> -> memref<200x64xf32, #tpu.memory_space<vmem>>
            tpu.vector_store_idx %scatter3A_1693[%add3A_1534, %broadcast_in_dim3A_1687], %broadcast_in_dim3A_1497 masked %eq3A_1524 : memref<200x64xf32, #tpu.memory_space<vmem>>[vector<16xi32>, vector<16xi32>], vector<16xf32>, vector<16xi1>
            %broadcast_in_dim3A_1694 = arith.constant 20 : i32
            %broadcast_in_dim3A_1695 = vector.broadcast %broadcast_in_dim3A_1694 : i32 to vector<16xi32>
            %scatter3A_1696 = arith.constant 1 : i32
            %scatter3A_1697 = arith.constant 1 : i32
            %scatter3A_1698 = arith.constant 0 : i32
            %scatter3A_1699 = arith.constant 0 : i32
            %scatter3A_1700 = tpu.memref_slice %arg7[%scatter3A_1696, %scatter3A_1697, %scatter3A_1698, %scatter3A_1699] : memref<2x2x200x64xf32, #tpu.memory_space<vmem>> -> memref<1x1x200x64xf32, #tpu.memory_space<vmem>>
            %scatter3A_1701 = tpu.memref_squeeze %scatter3A_1700 : memref<1x1x200x64xf32, #tpu.memory_space<vmem>> -> memref<200x64xf32, #tpu.memory_space<vmem>>
            tpu.vector_store_idx %scatter3A_1701[%add3A_1534, %broadcast_in_dim3A_1695], %broadcast_in_dim3A_1497 masked %eq3A_1524 : memref<200x64xf32, #tpu.memory_space<vmem>>[vector<16xi32>, vector<16xi32>], vector<16xf32>, vector<16xi1>
            %broadcast_in_dim3A_1702 = arith.constant 21 : i32
            %broadcast_in_dim3A_1703 = vector.broadcast %broadcast_in_dim3A_1702 : i32 to vector<16xi32>
            %scatter3A_1704 = arith.constant 1 : i32
            %scatter3A_1705 = arith.constant 1 : i32
            %scatter3A_1706 = arith.constant 0 : i32
            %scatter3A_1707 = arith.constant 0 : i32
            %scatter3A_1708 = tpu.memref_slice %arg7[%scatter3A_1704, %scatter3A_1705, %scatter3A_1706, %scatter3A_1707] : memref<2x2x200x64xf32, #tpu.memory_space<vmem>> -> memref<1x1x200x64xf32, #tpu.memory_space<vmem>>
            %scatter3A_1709 = tpu.memref_squeeze %scatter3A_1708 : memref<1x1x200x64xf32, #tpu.memory_space<vmem>> -> memref<200x64xf32, #tpu.memory_space<vmem>>
            tpu.vector_store_idx %scatter3A_1709[%add3A_1534, %broadcast_in_dim3A_1703], %broadcast_in_dim3A_1497 masked %eq3A_1524 : memref<200x64xf32, #tpu.memory_space<vmem>>[vector<16xi32>, vector<16xi32>], vector<16xf32>, vector<16xi1>
            %broadcast_in_dim3A_1710 = arith.constant 22 : i32
            %broadcast_in_dim3A_1711 = vector.broadcast %broadcast_in_dim3A_1710 : i32 to vector<16xi32>
            %scatter3A_1712 = arith.constant 1 : i32
            %scatter3A_1713 = arith.constant 1 : i32
            %scatter3A_1714 = arith.constant 0 : i32
            %scatter3A_1715 = arith.constant 0 : i32
            %scatter3A_1716 = tpu.memref_slice %arg7[%scatter3A_1712, %scatter3A_1713, %scatter3A_1714, %scatter3A_1715] : memref<2x2x200x64xf32, #tpu.memory_space<vmem>> -> memref<1x1x200x64xf32, #tpu.memory_space<vmem>>
            %scatter3A_1717 = tpu.memref_squeeze %scatter3A_1716 : memref<1x1x200x64xf32, #tpu.memory_space<vmem>> -> memref<200x64xf32, #tpu.memory_space<vmem>>
            tpu.vector_store_idx %scatter3A_1717[%add3A_1534, %broadcast_in_dim3A_1711], %broadcast_in_dim3A_1497 masked %eq3A_1524 : memref<200x64xf32, #tpu.memory_space<vmem>>[vector<16xi32>, vector<16xi32>], vector<16xf32>, vector<16xi1>
            %broadcast_in_dim3A_1718 = arith.constant 23 : i32
            %broadcast_in_dim3A_1719 = vector.broadcast %broadcast_in_dim3A_1718 : i32 to vector<16xi32>
            %scatter3A_1720 = arith.constant 1 : i32
            %scatter3A_1721 = arith.constant 1 : i32
            %scatter3A_1722 = arith.constant 0 : i32
            %scatter3A_1723 = arith.constant 0 : i32
            %scatter3A_1724 = tpu.memref_slice %arg7[%scatter3A_1720, %scatter3A_1721, %scatter3A_1722, %scatter3A_1723] : memref<2x2x200x64xf32, #tpu.memory_space<vmem>> -> memref<1x1x200x64xf32, #tpu.memory_space<vmem>>
            %scatter3A_1725 = tpu.memref_squeeze %scatter3A_1724 : memref<1x1x200x64xf32, #tpu.memory_space<vmem>> -> memref<200x64xf32, #tpu.memory_space<vmem>>
            tpu.vector_store_idx %scatter3A_1725[%add3A_1534, %broadcast_in_dim3A_1719], %broadcast_in_dim3A_1497 masked %eq3A_1524 : memref<200x64xf32, #tpu.memory_space<vmem>>[vector<16xi32>, vector<16xi32>], vector<16xf32>, vector<16xi1>
            %broadcast_in_dim3A_1726 = arith.constant 24 : i32
            %broadcast_in_dim3A_1727 = vector.broadcast %broadcast_in_dim3A_1726 : i32 to vector<16xi32>
            %scatter3A_1728 = arith.constant 1 : i32
            %scatter3A_1729 = arith.constant 1 : i32
            %scatter3A_1730 = arith.constant 0 : i32
            %scatter3A_1731 = arith.constant 0 : i32
            %scatter3A_1732 = tpu.memref_slice %arg7[%scatter3A_1728, %scatter3A_1729, %scatter3A_1730, %scatter3A_1731] : memref<2x2x200x64xf32, #tpu.memory_space<vmem>> -> memref<1x1x200x64xf32, #tpu.memory_space<vmem>>
            %scatter3A_1733 = tpu.memref_squeeze %scatter3A_1732 : memref<1x1x200x64xf32, #tpu.memory_space<vmem>> -> memref<200x64xf32, #tpu.memory_space<vmem>>
            tpu.vector_store_idx %scatter3A_1733[%add3A_1534, %broadcast_in_dim3A_1727], %broadcast_in_dim3A_1497 masked %eq3A_1524 : memref<200x64xf32, #tpu.memory_space<vmem>>[vector<16xi32>, vector<16xi32>], vector<16xf32>, vector<16xi1>
            %broadcast_in_dim3A_1734 = arith.constant 25 : i32
            %broadcast_in_dim3A_1735 = vector.broadcast %broadcast_in_dim3A_1734 : i32 to vector<16xi32>
            %scatter3A_1736 = arith.constant 1 : i32
            %scatter3A_1737 = arith.constant 1 : i32
            %scatter3A_1738 = arith.constant 0 : i32
            %scatter3A_1739 = arith.constant 0 : i32
            %scatter3A_1740 = tpu.memref_slice %arg7[%scatter3A_1736, %scatter3A_1737, %scatter3A_1738, %scatter3A_1739] : memref<2x2x200x64xf32, #tpu.memory_space<vmem>> -> memref<1x1x200x64xf32, #tpu.memory_space<vmem>>
            %scatter3A_1741 = tpu.memref_squeeze %scatter3A_1740 : memref<1x1x200x64xf32, #tpu.memory_space<vmem>> -> memref<200x64xf32, #tpu.memory_space<vmem>>
            tpu.vector_store_idx %scatter3A_1741[%add3A_1534, %broadcast_in_dim3A_1735], %broadcast_in_dim3A_1497 masked %eq3A_1524 : memref<200x64xf32, #tpu.memory_space<vmem>>[vector<16xi32>, vector<16xi32>], vector<16xf32>, vector<16xi1>
            %broadcast_in_dim3A_1742 = arith.constant 26 : i32
            %broadcast_in_dim3A_1743 = vector.broadcast %broadcast_in_dim3A_1742 : i32 to vector<16xi32>
            %scatter3A_1744 = arith.constant 1 : i32
            %scatter3A_1745 = arith.constant 1 : i32
            %scatter3A_1746 = arith.constant 0 : i32
            %scatter3A_1747 = arith.constant 0 : i32
            %scatter3A_1748 = tpu.memref_slice %arg7[%scatter3A_1744, %scatter3A_1745, %scatter3A_1746, %scatter3A_1747] : memref<2x2x200x64xf32, #tpu.memory_space<vmem>> -> memref<1x1x200x64xf32, #tpu.memory_space<vmem>>
            %scatter3A_1749 = tpu.memref_squeeze %scatter3A_1748 : memref<1x1x200x64xf32, #tpu.memory_space<vmem>> -> memref<200x64xf32, #tpu.memory_space<vmem>>
            tpu.vector_store_idx %scatter3A_1749[%add3A_1534, %broadcast_in_dim3A_1743], %broadcast_in_dim3A_1497 masked %eq3A_1524 : memref<200x64xf32, #tpu.memory_space<vmem>>[vector<16xi32>, vector<16xi32>], vector<16xf32>, vector<16xi1>
            %broadcast_in_dim3A_1750 = arith.constant 27 : i32
            %broadcast_in_dim3A_1751 = vector.broadcast %broadcast_in_dim3A_1750 : i32 to vector<16xi32>
            %scatter3A_1752 = arith.constant 1 : i32
            %scatter3A_1753 = arith.constant 1 : i32
            %scatter3A_1754 = arith.constant 0 : i32
            %scatter3A_1755 = arith.constant 0 : i32
            %scatter3A_1756 = tpu.memref_slice %arg7[%scatter3A_1752, %scatter3A_1753, %scatter3A_1754, %scatter3A_1755] : memref<2x2x200x64xf32, #tpu.memory_space<vmem>> -> memref<1x1x200x64xf32, #tpu.memory_space<vmem>>
            %scatter3A_1757 = tpu.memref_squeeze %scatter3A_1756 : memref<1x1x200x64xf32, #tpu.memory_space<vmem>> -> memref<200x64xf32, #tpu.memory_space<vmem>>
            tpu.vector_store_idx %scatter3A_1757[%add3A_1534, %broadcast_in_dim3A_1751], %broadcast_in_dim3A_1497 masked %eq3A_1524 : memref<200x64xf32, #tpu.memory_space<vmem>>[vector<16xi32>, vector<16xi32>], vector<16xf32>, vector<16xi1>
            %broadcast_in_dim3A_1758 = arith.constant 28 : i32
            %broadcast_in_dim3A_1759 = vector.broadcast %broadcast_in_dim3A_1758 : i32 to vector<16xi32>
            %scatter3A_1760 = arith.constant 1 : i32
            %scatter3A_1761 = arith.constant 1 : i32
            %scatter3A_1762 = arith.constant 0 : i32
            %scatter3A_1763 = arith.constant 0 : i32
            %scatter3A_1764 = tpu.memref_slice %arg7[%scatter3A_1760, %scatter3A_1761, %scatter3A_1762, %scatter3A_1763] : memref<2x2x200x64xf32, #tpu.memory_space<vmem>> -> memref<1x1x200x64xf32, #tpu.memory_space<vmem>>
            %scatter3A_1765 = tpu.memref_squeeze %scatter3A_1764 : memref<1x1x200x64xf32, #tpu.memory_space<vmem>> -> memref<200x64xf32, #tpu.memory_space<vmem>>
            tpu.vector_store_idx %scatter3A_1765[%add3A_1534, %broadcast_in_dim3A_1759], %broadcast_in_dim3A_1497 masked %eq3A_1524 : memref<200x64xf32, #tpu.memory_space<vmem>>[vector<16xi32>, vector<16xi32>], vector<16xf32>, vector<16xi1>
            %broadcast_in_dim3A_1766 = arith.constant 29 : i32
            %broadcast_in_dim3A_1767 = vector.broadcast %broadcast_in_dim3A_1766 : i32 to vector<16xi32>
            %scatter3A_1768 = arith.constant 1 : i32
            %scatter3A_1769 = arith.constant 1 : i32
            %scatter3A_1770 = arith.constant 0 : i32
            %scatter3A_1771 = arith.constant 0 : i32
            %scatter3A_1772 = tpu.memref_slice %arg7[%scatter3A_1768, %scatter3A_1769, %scatter3A_1770, %scatter3A_1771] : memref<2x2x200x64xf32, #tpu.memory_space<vmem>> -> memref<1x1x200x64xf32, #tpu.memory_space<vmem>>
            %scatter3A_1773 = tpu.memref_squeeze %scatter3A_1772 : memref<1x1x200x64xf32, #tpu.memory_space<vmem>> -> memref<200x64xf32, #tpu.memory_space<vmem>>
            tpu.vector_store_idx %scatter3A_1773[%add3A_1534, %broadcast_in_dim3A_1767], %broadcast_in_dim3A_1497 masked %eq3A_1524 : memref<200x64xf32, #tpu.memory_space<vmem>>[vector<16xi32>, vector<16xi32>], vector<16xf32>, vector<16xi1>
            %broadcast_in_dim3A_1774 = arith.constant 30 : i32
            %broadcast_in_dim3A_1775 = vector.broadcast %broadcast_in_dim3A_1774 : i32 to vector<16xi32>
            %scatter3A_1776 = arith.constant 1 : i32
            %scatter3A_1777 = arith.constant 1 : i32
            %scatter3A_1778 = arith.constant 0 : i32
            %scatter3A_1779 = arith.constant 0 : i32
            %scatter3A_1780 = tpu.memref_slice %arg7[%scatter3A_1776, %scatter3A_1777, %scatter3A_1778, %scatter3A_1779] : memref<2x2x200x64xf32, #tpu.memory_space<vmem>> -> memref<1x1x200x64xf32, #tpu.memory_space<vmem>>
            %scatter3A_1781 = tpu.memref_squeeze %scatter3A_1780 : memref<1x1x200x64xf32, #tpu.memory_space<vmem>> -> memref<200x64xf32, #tpu.memory_space<vmem>>
            tpu.vector_store_idx %scatter3A_1781[%add3A_1534, %broadcast_in_dim3A_1775], %broadcast_in_dim3A_1497 masked %eq3A_1524 : memref<200x64xf32, #tpu.memory_space<vmem>>[vector<16xi32>, vector<16xi32>], vector<16xf32>, vector<16xi1>
            %broadcast_in_dim3A_1782 = arith.constant 31 : i32
            %broadcast_in_dim3A_1783 = vector.broadcast %broadcast_in_dim3A_1782 : i32 to vector<16xi32>
            %scatter3A_1784 = arith.constant 1 : i32
            %scatter3A_1785 = arith.constant 1 : i32
            %scatter3A_1786 = arith.constant 0 : i32
            %scatter3A_1787 = arith.constant 0 : i32
            %scatter3A_1788 = tpu.memref_slice %arg7[%scatter3A_1784, %scatter3A_1785, %scatter3A_1786, %scatter3A_1787] : memref<2x2x200x64xf32, #tpu.memory_space<vmem>> -> memref<1x1x200x64xf32, #tpu.memory_space<vmem>>
            %scatter3A_1789 = tpu.memref_squeeze %scatter3A_1788 : memref<1x1x200x64xf32, #tpu.memory_space<vmem>> -> memref<200x64xf32, #tpu.memory_space<vmem>>
            tpu.vector_store_idx %scatter3A_1789[%add3A_1534, %broadcast_in_dim3A_1783], %broadcast_in_dim3A_1497 masked %eq3A_1524 : memref<200x64xf32, #tpu.memory_space<vmem>>[vector<16xi32>, vector<16xi32>], vector<16xf32>, vector<16xi1>
            %broadcast_in_dim3A_1790 = arith.constant 32 : i32
            %broadcast_in_dim3A_1791 = vector.broadcast %broadcast_in_dim3A_1790 : i32 to vector<16xi32>
            %scatter3A_1792 = arith.constant 1 : i32
            %scatter3A_1793 = arith.constant 1 : i32
            %scatter3A_1794 = arith.constant 0 : i32
            %scatter3A_1795 = arith.constant 0 : i32
            %scatter3A_1796 = tpu.memref_slice %arg7[%scatter3A_1792, %scatter3A_1793, %scatter3A_1794, %scatter3A_1795] : memref<2x2x200x64xf32, #tpu.memory_space<vmem>> -> memref<1x1x200x64xf32, #tpu.memory_space<vmem>>
            %scatter3A_1797 = tpu.memref_squeeze %scatter3A_1796 : memref<1x1x200x64xf32, #tpu.memory_space<vmem>> -> memref<200x64xf32, #tpu.memory_space<vmem>>
            tpu.vector_store_idx %scatter3A_1797[%add3A_1534, %broadcast_in_dim3A_1791], %broadcast_in_dim3A_1497 masked %eq3A_1524 : memref<200x64xf32, #tpu.memory_space<vmem>>[vector<16xi32>, vector<16xi32>], vector<16xf32>, vector<16xi1>
            %broadcast_in_dim3A_1798 = arith.constant 33 : i32
            %broadcast_in_dim3A_1799 = vector.broadcast %broadcast_in_dim3A_1798 : i32 to vector<16xi32>
            %scatter3A_1800 = arith.constant 1 : i32
            %scatter3A_1801 = arith.constant 1 : i32
            %scatter3A_1802 = arith.constant 0 : i32
            %scatter3A_1803 = arith.constant 0 : i32
            %scatter3A_1804 = tpu.memref_slice %arg7[%scatter3A_1800, %scatter3A_1801, %scatter3A_1802, %scatter3A_1803] : memref<2x2x200x64xf32, #tpu.memory_space<vmem>> -> memref<1x1x200x64xf32, #tpu.memory_space<vmem>>
            %scatter3A_1805 = tpu.memref_squeeze %scatter3A_1804 : memref<1x1x200x64xf32, #tpu.memory_space<vmem>> -> memref<200x64xf32, #tpu.memory_space<vmem>>
            tpu.vector_store_idx %scatter3A_1805[%add3A_1534, %broadcast_in_dim3A_1799], %broadcast_in_dim3A_1497 masked %eq3A_1524 : memref<200x64xf32, #tpu.memory_space<vmem>>[vector<16xi32>, vector<16xi32>], vector<16xf32>, vector<16xi1>
            %broadcast_in_dim3A_1806 = arith.constant 34 : i32
            %broadcast_in_dim3A_1807 = vector.broadcast %broadcast_in_dim3A_1806 : i32 to vector<16xi32>
            %scatter3A_1808 = arith.constant 1 : i32
            %scatter3A_1809 = arith.constant 1 : i32
            %scatter3A_1810 = arith.constant 0 : i32
            %scatter3A_1811 = arith.constant 0 : i32
            %scatter3A_1812 = tpu.memref_slice %arg7[%scatter3A_1808, %scatter3A_1809, %scatter3A_1810, %scatter3A_1811] : memref<2x2x200x64xf32, #tpu.memory_space<vmem>> -> memref<1x1x200x64xf32, #tpu.memory_space<vmem>>
            %scatter3A_1813 = tpu.memref_squeeze %scatter3A_1812 : memref<1x1x200x64xf32, #tpu.memory_space<vmem>> -> memref<200x64xf32, #tpu.memory_space<vmem>>
            tpu.vector_store_idx %scatter3A_1813[%add3A_1534, %broadcast_in_dim3A_1807], %broadcast_in_dim3A_1497 masked %eq3A_1524 : memref<200x64xf32, #tpu.memory_space<vmem>>[vector<16xi32>, vector<16xi32>], vector<16xf32>, vector<16xi1>
            %broadcast_in_dim3A_1814 = arith.constant 35 : i32
            %broadcast_in_dim3A_1815 = vector.broadcast %broadcast_in_dim3A_1814 : i32 to vector<16xi32>
            %scatter3A_1816 = arith.constant 1 : i32
            %scatter3A_1817 = arith.constant 1 : i32
            %scatter3A_1818 = arith.constant 0 : i32
            %scatter3A_1819 = arith.constant 0 : i32
            %scatter3A_1820 = tpu.memref_slice %arg7[%scatter3A_1816, %scatter3A_1817, %scatter3A_1818, %scatter3A_1819] : memref<2x2x200x64xf32, #tpu.memory_space<vmem>> -> memref<1x1x200x64xf32, #tpu.memory_space<vmem>>
            %scatter3A_1821 = tpu.memref_squeeze %scatter3A_1820 : memref<1x1x200x64xf32, #tpu.memory_space<vmem>> -> memref<200x64xf32, #tpu.memory_space<vmem>>
            tpu.vector_store_idx %scatter3A_1821[%add3A_1534, %broadcast_in_dim3A_1815], %broadcast_in_dim3A_1497 masked %eq3A_1524 : memref<200x64xf32, #tpu.memory_space<vmem>>[vector<16xi32>, vector<16xi32>], vector<16xf32>, vector<16xi1>
            %broadcast_in_dim3A_1822 = arith.constant 36 : i32
            %broadcast_in_dim3A_1823 = vector.broadcast %broadcast_in_dim3A_1822 : i32 to vector<16xi32>
            %scatter3A_1824 = arith.constant 1 : i32
            %scatter3A_1825 = arith.constant 1 : i32
            %scatter3A_1826 = arith.constant 0 : i32
            %scatter3A_1827 = arith.constant 0 : i32
            %scatter3A_1828 = tpu.memref_slice %arg7[%scatter3A_1824, %scatter3A_1825, %scatter3A_1826, %scatter3A_1827] : memref<2x2x200x64xf32, #tpu.memory_space<vmem>> -> memref<1x1x200x64xf32, #tpu.memory_space<vmem>>
            %scatter3A_1829 = tpu.memref_squeeze %scatter3A_1828 : memref<1x1x200x64xf32, #tpu.memory_space<vmem>> -> memref<200x64xf32, #tpu.memory_space<vmem>>
            tpu.vector_store_idx %scatter3A_1829[%add3A_1534, %broadcast_in_dim3A_1823], %broadcast_in_dim3A_1497 masked %eq3A_1524 : memref<200x64xf32, #tpu.memory_space<vmem>>[vector<16xi32>, vector<16xi32>], vector<16xf32>, vector<16xi1>
            %broadcast_in_dim3A_1830 = arith.constant 37 : i32
            %broadcast_in_dim3A_1831 = vector.broadcast %broadcast_in_dim3A_1830 : i32 to vector<16xi32>
            %scatter3A_1832 = arith.constant 1 : i32
            %scatter3A_1833 = arith.constant 1 : i32
            %scatter3A_1834 = arith.constant 0 : i32
            %scatter3A_1835 = arith.constant 0 : i32
            %scatter3A_1836 = tpu.memref_slice %arg7[%scatter3A_1832, %scatter3A_1833, %scatter3A_1834, %scatter3A_1835] : memref<2x2x200x64xf32, #tpu.memory_space<vmem>> -> memref<1x1x200x64xf32, #tpu.memory_space<vmem>>
            %scatter3A_1837 = tpu.memref_squeeze %scatter3A_1836 : memref<1x1x200x64xf32, #tpu.memory_space<vmem>> -> memref<200x64xf32, #tpu.memory_space<vmem>>
            tpu.vector_store_idx %scatter3A_1837[%add3A_1534, %broadcast_in_dim3A_1831], %broadcast_in_dim3A_1497 masked %eq3A_1524 : memref<200x64xf32, #tpu.memory_space<vmem>>[vector<16xi32>, vector<16xi32>], vector<16xf32>, vector<16xi1>
            %broadcast_in_dim3A_1838 = arith.constant 38 : i32
            %broadcast_in_dim3A_1839 = vector.broadcast %broadcast_in_dim3A_1838 : i32 to vector<16xi32>
            %scatter3A_1840 = arith.constant 1 : i32
            %scatter3A_1841 = arith.constant 1 : i32
            %scatter3A_1842 = arith.constant 0 : i32
            %scatter3A_1843 = arith.constant 0 : i32
            %scatter3A_1844 = tpu.memref_slice %arg7[%scatter3A_1840, %scatter3A_1841, %scatter3A_1842, %scatter3A_1843] : memref<2x2x200x64xf32, #tpu.memory_space<vmem>> -> memref<1x1x200x64xf32, #tpu.memory_space<vmem>>
            %scatter3A_1845 = tpu.memref_squeeze %scatter3A_1844 : memref<1x1x200x64xf32, #tpu.memory_space<vmem>> -> memref<200x64xf32, #tpu.memory_space<vmem>>
            tpu.vector_store_idx %scatter3A_1845[%add3A_1534, %broadcast_in_dim3A_1839], %broadcast_in_dim3A_1497 masked %eq3A_1524 : memref<200x64xf32, #tpu.memory_space<vmem>>[vector<16xi32>, vector<16xi32>], vector<16xf32>, vector<16xi1>
            %broadcast_in_dim3A_1846 = arith.constant 39 : i32
            %broadcast_in_dim3A_1847 = vector.broadcast %broadcast_in_dim3A_1846 : i32 to vector<16xi32>
            %scatter3A_1848 = arith.constant 1 : i32
            %scatter3A_1849 = arith.constant 1 : i32
            %scatter3A_1850 = arith.constant 0 : i32
            %scatter3A_1851 = arith.constant 0 : i32
            %scatter3A_1852 = tpu.memref_slice %arg7[%scatter3A_1848, %scatter3A_1849, %scatter3A_1850, %scatter3A_1851] : memref<2x2x200x64xf32, #tpu.memory_space<vmem>> -> memref<1x1x200x64xf32, #tpu.memory_space<vmem>>
            %scatter3A_1853 = tpu.memref_squeeze %scatter3A_1852 : memref<1x1x200x64xf32, #tpu.memory_space<vmem>> -> memref<200x64xf32, #tpu.memory_space<vmem>>
            tpu.vector_store_idx %scatter3A_1853[%add3A_1534, %broadcast_in_dim3A_1847], %broadcast_in_dim3A_1497 masked %eq3A_1524 : memref<200x64xf32, #tpu.memory_space<vmem>>[vector<16xi32>, vector<16xi32>], vector<16xf32>, vector<16xi1>
            %broadcast_in_dim3A_1854 = arith.constant 40 : i32
            %broadcast_in_dim3A_1855 = vector.broadcast %broadcast_in_dim3A_1854 : i32 to vector<16xi32>
            %scatter3A_1856 = arith.constant 1 : i32
            %scatter3A_1857 = arith.constant 1 : i32
            %scatter3A_1858 = arith.constant 0 : i32
            %scatter3A_1859 = arith.constant 0 : i32
            %scatter3A_1860 = tpu.memref_slice %arg7[%scatter3A_1856, %scatter3A_1857, %scatter3A_1858, %scatter3A_1859] : memref<2x2x200x64xf32, #tpu.memory_space<vmem>> -> memref<1x1x200x64xf32, #tpu.memory_space<vmem>>
            %scatter3A_1861 = tpu.memref_squeeze %scatter3A_1860 : memref<1x1x200x64xf32, #tpu.memory_space<vmem>> -> memref<200x64xf32, #tpu.memory_space<vmem>>
            tpu.vector_store_idx %scatter3A_1861[%add3A_1534, %broadcast_in_dim3A_1855], %broadcast_in_dim3A_1497 masked %eq3A_1524 : memref<200x64xf32, #tpu.memory_space<vmem>>[vector<16xi32>, vector<16xi32>], vector<16xf32>, vector<16xi1>
            %broadcast_in_dim3A_1862 = arith.constant 41 : i32
            %broadcast_in_dim3A_1863 = vector.broadcast %broadcast_in_dim3A_1862 : i32 to vector<16xi32>
            %scatter3A_1864 = arith.constant 1 : i32
            %scatter3A_1865 = arith.constant 1 : i32
            %scatter3A_1866 = arith.constant 0 : i32
            %scatter3A_1867 = arith.constant 0 : i32
            %scatter3A_1868 = tpu.memref_slice %arg7[%scatter3A_1864, %scatter3A_1865, %scatter3A_1866, %scatter3A_1867] : memref<2x2x200x64xf32, #tpu.memory_space<vmem>> -> memref<1x1x200x64xf32, #tpu.memory_space<vmem>>
            %scatter3A_1869 = tpu.memref_squeeze %scatter3A_1868 : memref<1x1x200x64xf32, #tpu.memory_space<vmem>> -> memref<200x64xf32, #tpu.memory_space<vmem>>
            tpu.vector_store_idx %scatter3A_1869[%add3A_1534, %broadcast_in_dim3A_1863], %broadcast_in_dim3A_1497 masked %eq3A_1524 : memref<200x64xf32, #tpu.memory_space<vmem>>[vector<16xi32>, vector<16xi32>], vector<16xf32>, vector<16xi1>
            %broadcast_in_dim3A_1870 = arith.constant 42 : i32
            %broadcast_in_dim3A_1871 = vector.broadcast %broadcast_in_dim3A_1870 : i32 to vector<16xi32>
            %scatter3A_1872 = arith.constant 1 : i32
            %scatter3A_1873 = arith.constant 1 : i32
            %scatter3A_1874 = arith.constant 0 : i32
            %scatter3A_1875 = arith.constant 0 : i32
            %scatter3A_1876 = tpu.memref_slice %arg7[%scatter3A_1872, %scatter3A_1873, %scatter3A_1874, %scatter3A_1875] : memref<2x2x200x64xf32, #tpu.memory_space<vmem>> -> memref<1x1x200x64xf32, #tpu.memory_space<vmem>>
            %scatter3A_1877 = tpu.memref_squeeze %scatter3A_1876 : memref<1x1x200x64xf32, #tpu.memory_space<vmem>> -> memref<200x64xf32, #tpu.memory_space<vmem>>
            tpu.vector_store_idx %scatter3A_1877[%add3A_1534, %broadcast_in_dim3A_1871], %broadcast_in_dim3A_1497 masked %eq3A_1524 : memref<200x64xf32, #tpu.memory_space<vmem>>[vector<16xi32>, vector<16xi32>], vector<16xf32>, vector<16xi1>
            %broadcast_in_dim3A_1878 = arith.constant 43 : i32
            %broadcast_in_dim3A_1879 = vector.broadcast %broadcast_in_dim3A_1878 : i32 to vector<16xi32>
            %scatter3A_1880 = arith.constant 1 : i32
            %scatter3A_1881 = arith.constant 1 : i32
            %scatter3A_1882 = arith.constant 0 : i32
            %scatter3A_1883 = arith.constant 0 : i32
            %scatter3A_1884 = tpu.memref_slice %arg7[%scatter3A_1880, %scatter3A_1881, %scatter3A_1882, %scatter3A_1883] : memref<2x2x200x64xf32, #tpu.memory_space<vmem>> -> memref<1x1x200x64xf32, #tpu.memory_space<vmem>>
            %scatter3A_1885 = tpu.memref_squeeze %scatter3A_1884 : memref<1x1x200x64xf32, #tpu.memory_space<vmem>> -> memref<200x64xf32, #tpu.memory_space<vmem>>
            tpu.vector_store_idx %scatter3A_1885[%add3A_1534, %broadcast_in_dim3A_1879], %broadcast_in_dim3A_1497 masked %eq3A_1524 : memref<200x64xf32, #tpu.memory_space<vmem>>[vector<16xi32>, vector<16xi32>], vector<16xf32>, vector<16xi1>
            %broadcast_in_dim3A_1886 = arith.constant 44 : i32
            %broadcast_in_dim3A_1887 = vector.broadcast %broadcast_in_dim3A_1886 : i32 to vector<16xi32>
            %scatter3A_1888 = arith.constant 1 : i32
            %scatter3A_1889 = arith.constant 1 : i32
            %scatter3A_1890 = arith.constant 0 : i32
            %scatter3A_1891 = arith.constant 0 : i32
            %scatter3A_1892 = tpu.memref_slice %arg7[%scatter3A_1888, %scatter3A_1889, %scatter3A_1890, %scatter3A_1891] : memref<2x2x200x64xf32, #tpu.memory_space<vmem>> -> memref<1x1x200x64xf32, #tpu.memory_space<vmem>>
            %scatter3A_1893 = tpu.memref_squeeze %scatter3A_1892 : memref<1x1x200x64xf32, #tpu.memory_space<vmem>> -> memref<200x64xf32, #tpu.memory_space<vmem>>
            tpu.vector_store_idx %scatter3A_1893[%add3A_1534, %broadcast_in_dim3A_1887], %broadcast_in_dim3A_1497 masked %eq3A_1524 : memref<200x64xf32, #tpu.memory_space<vmem>>[vector<16xi32>, vector<16xi32>], vector<16xf32>, vector<16xi1>
            %broadcast_in_dim3A_1894 = arith.constant 45 : i32
            %broadcast_in_dim3A_1895 = vector.broadcast %broadcast_in_dim3A_1894 : i32 to vector<16xi32>
            %scatter3A_1896 = arith.constant 1 : i32
            %scatter3A_1897 = arith.constant 1 : i32
            %scatter3A_1898 = arith.constant 0 : i32
            %scatter3A_1899 = arith.constant 0 : i32
            %scatter3A_1900 = tpu.memref_slice %arg7[%scatter3A_1896, %scatter3A_1897, %scatter3A_1898, %scatter3A_1899] : memref<2x2x200x64xf32, #tpu.memory_space<vmem>> -> memref<1x1x200x64xf32, #tpu.memory_space<vmem>>
            %scatter3A_1901 = tpu.memref_squeeze %scatter3A_1900 : memref<1x1x200x64xf32, #tpu.memory_space<vmem>> -> memref<200x64xf32, #tpu.memory_space<vmem>>
            tpu.vector_store_idx %scatter3A_1901[%add3A_1534, %broadcast_in_dim3A_1895], %broadcast_in_dim3A_1497 masked %eq3A_1524 : memref<200x64xf32, #tpu.memory_space<vmem>>[vector<16xi32>, vector<16xi32>], vector<16xf32>, vector<16xi1>
            %broadcast_in_dim3A_1902 = arith.constant 46 : i32
            %broadcast_in_dim3A_1903 = vector.broadcast %broadcast_in_dim3A_1902 : i32 to vector<16xi32>
            %scatter3A_1904 = arith.constant 1 : i32
            %scatter3A_1905 = arith.constant 1 : i32
            %scatter3A_1906 = arith.constant 0 : i32
            %scatter3A_1907 = arith.constant 0 : i32
            %scatter3A_1908 = tpu.memref_slice %arg7[%scatter3A_1904, %scatter3A_1905, %scatter3A_1906, %scatter3A_1907] : memref<2x2x200x64xf32, #tpu.memory_space<vmem>> -> memref<1x1x200x64xf32, #tpu.memory_space<vmem>>
            %scatter3A_1909 = tpu.memref_squeeze %scatter3A_1908 : memref<1x1x200x64xf32, #tpu.memory_space<vmem>> -> memref<200x64xf32, #tpu.memory_space<vmem>>
            tpu.vector_store_idx %scatter3A_1909[%add3A_1534, %broadcast_in_dim3A_1903], %broadcast_in_dim3A_1497 masked %eq3A_1524 : memref<200x64xf32, #tpu.memory_space<vmem>>[vector<16xi32>, vector<16xi32>], vector<16xf32>, vector<16xi1>
            %broadcast_in_dim3A_1910 = arith.constant 47 : i32
            %broadcast_in_dim3A_1911 = vector.broadcast %broadcast_in_dim3A_1910 : i32 to vector<16xi32>
            %scatter3A_1912 = arith.constant 1 : i32
            %scatter3A_1913 = arith.constant 1 : i32
            %scatter3A_1914 = arith.constant 0 : i32
            %scatter3A_1915 = arith.constant 0 : i32
            %scatter3A_1916 = tpu.memref_slice %arg7[%scatter3A_1912, %scatter3A_1913, %scatter3A_1914, %scatter3A_1915] : memref<2x2x200x64xf32, #tpu.memory_space<vmem>> -> memref<1x1x200x64xf32, #tpu.memory_space<vmem>>
            %scatter3A_1917 = tpu.memref_squeeze %scatter3A_1916 : memref<1x1x200x64xf32, #tpu.memory_space<vmem>> -> memref<200x64xf32, #tpu.memory_space<vmem>>
            tpu.vector_store_idx %scatter3A_1917[%add3A_1534, %broadcast_in_dim3A_1911], %broadcast_in_dim3A_1497 masked %eq3A_1524 : memref<200x64xf32, #tpu.memory_space<vmem>>[vector<16xi32>, vector<16xi32>], vector<16xf32>, vector<16xi1>
            %broadcast_in_dim3A_1918 = arith.constant 48 : i32
            %broadcast_in_dim3A_1919 = vector.broadcast %broadcast_in_dim3A_1918 : i32 to vector<16xi32>
            %scatter3A_1920 = arith.constant 1 : i32
            %scatter3A_1921 = arith.constant 1 : i32
            %scatter3A_1922 = arith.constant 0 : i32
            %scatter3A_1923 = arith.constant 0 : i32
            %scatter3A_1924 = tpu.memref_slice %arg7[%scatter3A_1920, %scatter3A_1921, %scatter3A_1922, %scatter3A_1923] : memref<2x2x200x64xf32, #tpu.memory_space<vmem>> -> memref<1x1x200x64xf32, #tpu.memory_space<vmem>>
            %scatter3A_1925 = tpu.memref_squeeze %scatter3A_1924 : memref<1x1x200x64xf32, #tpu.memory_space<vmem>> -> memref<200x64xf32, #tpu.memory_space<vmem>>
            tpu.vector_store_idx %scatter3A_1925[%add3A_1534, %broadcast_in_dim3A_1919], %broadcast_in_dim3A_1497 masked %eq3A_1524 : memref<200x64xf32, #tpu.memory_space<vmem>>[vector<16xi32>, vector<16xi32>], vector<16xf32>, vector<16xi1>
            %broadcast_in_dim3A_1926 = arith.constant 49 : i32
            %broadcast_in_dim3A_1927 = vector.broadcast %broadcast_in_dim3A_1926 : i32 to vector<16xi32>
            %scatter3A_1928 = arith.constant 1 : i32
            %scatter3A_1929 = arith.constant 1 : i32
            %scatter3A_1930 = arith.constant 0 : i32
            %scatter3A_1931 = arith.constant 0 : i32
            %scatter3A_1932 = tpu.memref_slice %arg7[%scatter3A_1928, %scatter3A_1929, %scatter3A_1930, %scatter3A_1931] : memref<2x2x200x64xf32, #tpu.memory_space<vmem>> -> memref<1x1x200x64xf32, #tpu.memory_space<vmem>>
            %scatter3A_1933 = tpu.memref_squeeze %scatter3A_1932 : memref<1x1x200x64xf32, #tpu.memory_space<vmem>> -> memref<200x64xf32, #tpu.memory_space<vmem>>
            tpu.vector_store_idx %scatter3A_1933[%add3A_1534, %broadcast_in_dim3A_1927], %broadcast_in_dim3A_1497 masked %eq3A_1524 : memref<200x64xf32, #tpu.memory_space<vmem>>[vector<16xi32>, vector<16xi32>], vector<16xf32>, vector<16xi1>
            %broadcast_in_dim3A_1934 = arith.constant 50 : i32
            %broadcast_in_dim3A_1935 = vector.broadcast %broadcast_in_dim3A_1934 : i32 to vector<16xi32>
            %scatter3A_1936 = arith.constant 1 : i32
            %scatter3A_1937 = arith.constant 1 : i32
            %scatter3A_1938 = arith.constant 0 : i32
            %scatter3A_1939 = arith.constant 0 : i32
            %scatter3A_1940 = tpu.memref_slice %arg7[%scatter3A_1936, %scatter3A_1937, %scatter3A_1938, %scatter3A_1939] : memref<2x2x200x64xf32, #tpu.memory_space<vmem>> -> memref<1x1x200x64xf32, #tpu.memory_space<vmem>>
            %scatter3A_1941 = tpu.memref_squeeze %scatter3A_1940 : memref<1x1x200x64xf32, #tpu.memory_space<vmem>> -> memref<200x64xf32, #tpu.memory_space<vmem>>
            tpu.vector_store_idx %scatter3A_1941[%add3A_1534, %broadcast_in_dim3A_1935], %broadcast_in_dim3A_1497 masked %eq3A_1524 : memref<200x64xf32, #tpu.memory_space<vmem>>[vector<16xi32>, vector<16xi32>], vector<16xf32>, vector<16xi1>
            %broadcast_in_dim3A_1942 = arith.constant 51 : i32
            %broadcast_in_dim3A_1943 = vector.broadcast %broadcast_in_dim3A_1942 : i32 to vector<16xi32>
            %scatter3A_1944 = arith.constant 1 : i32
            %scatter3A_1945 = arith.constant 1 : i32
            %scatter3A_1946 = arith.constant 0 : i32
            %scatter3A_1947 = arith.constant 0 : i32
            %scatter3A_1948 = tpu.memref_slice %arg7[%scatter3A_1944, %scatter3A_1945, %scatter3A_1946, %scatter3A_1947] : memref<2x2x200x64xf32, #tpu.memory_space<vmem>> -> memref<1x1x200x64xf32, #tpu.memory_space<vmem>>
            %scatter3A_1949 = tpu.memref_squeeze %scatter3A_1948 : memref<1x1x200x64xf32, #tpu.memory_space<vmem>> -> memref<200x64xf32, #tpu.memory_space<vmem>>
            tpu.vector_store_idx %scatter3A_1949[%add3A_1534, %broadcast_in_dim3A_1943], %broadcast_in_dim3A_1497 masked %eq3A_1524 : memref<200x64xf32, #tpu.memory_space<vmem>>[vector<16xi32>, vector<16xi32>], vector<16xf32>, vector<16xi1>
            %broadcast_in_dim3A_1950 = arith.constant 52 : i32
            %broadcast_in_dim3A_1951 = vector.broadcast %broadcast_in_dim3A_1950 : i32 to vector<16xi32>
            %scatter3A_1952 = arith.constant 1 : i32
            %scatter3A_1953 = arith.constant 1 : i32
            %scatter3A_1954 = arith.constant 0 : i32
            %scatter3A_1955 = arith.constant 0 : i32
            %scatter3A_1956 = tpu.memref_slice %arg7[%scatter3A_1952, %scatter3A_1953, %scatter3A_1954, %scatter3A_1955] : memref<2x2x200x64xf32, #tpu.memory_space<vmem>> -> memref<1x1x200x64xf32, #tpu.memory_space<vmem>>
            %scatter3A_1957 = tpu.memref_squeeze %scatter3A_1956 : memref<1x1x200x64xf32, #tpu.memory_space<vmem>> -> memref<200x64xf32, #tpu.memory_space<vmem>>
            tpu.vector_store_idx %scatter3A_1957[%add3A_1534, %broadcast_in_dim3A_1951], %broadcast_in_dim3A_1497 masked %eq3A_1524 : memref<200x64xf32, #tpu.memory_space<vmem>>[vector<16xi32>, vector<16xi32>], vector<16xf32>, vector<16xi1>
            %broadcast_in_dim3A_1958 = arith.constant 53 : i32
            %broadcast_in_dim3A_1959 = vector.broadcast %broadcast_in_dim3A_1958 : i32 to vector<16xi32>
            %scatter3A_1960 = arith.constant 1 : i32
            %scatter3A_1961 = arith.constant 1 : i32
            %scatter3A_1962 = arith.constant 0 : i32
            %scatter3A_1963 = arith.constant 0 : i32
            %scatter3A_1964 = tpu.memref_slice %arg7[%scatter3A_1960, %scatter3A_1961, %scatter3A_1962, %scatter3A_1963] : memref<2x2x200x64xf32, #tpu.memory_space<vmem>> -> memref<1x1x200x64xf32, #tpu.memory_space<vmem>>
            %scatter3A_1965 = tpu.memref_squeeze %scatter3A_1964 : memref<1x1x200x64xf32, #tpu.memory_space<vmem>> -> memref<200x64xf32, #tpu.memory_space<vmem>>
            tpu.vector_store_idx %scatter3A_1965[%add3A_1534, %broadcast_in_dim3A_1959], %broadcast_in_dim3A_1497 masked %eq3A_1524 : memref<200x64xf32, #tpu.memory_space<vmem>>[vector<16xi32>, vector<16xi32>], vector<16xf32>, vector<16xi1>
            %broadcast_in_dim3A_1966 = arith.constant 54 : i32
            %broadcast_in_dim3A_1967 = vector.broadcast %broadcast_in_dim3A_1966 : i32 to vector<16xi32>
            %scatter3A_1968 = arith.constant 1 : i32
            %scatter3A_1969 = arith.constant 1 : i32
            %scatter3A_1970 = arith.constant 0 : i32
            %scatter3A_1971 = arith.constant 0 : i32
            %scatter3A_1972 = tpu.memref_slice %arg7[%scatter3A_1968, %scatter3A_1969, %scatter3A_1970, %scatter3A_1971] : memref<2x2x200x64xf32, #tpu.memory_space<vmem>> -> memref<1x1x200x64xf32, #tpu.memory_space<vmem>>
            %scatter3A_1973 = tpu.memref_squeeze %scatter3A_1972 : memref<1x1x200x64xf32, #tpu.memory_space<vmem>> -> memref<200x64xf32, #tpu.memory_space<vmem>>
            tpu.vector_store_idx %scatter3A_1973[%add3A_1534, %broadcast_in_dim3A_1967], %broadcast_in_dim3A_1497 masked %eq3A_1524 : memref<200x64xf32, #tpu.memory_space<vmem>>[vector<16xi32>, vector<16xi32>], vector<16xf32>, vector<16xi1>
            %broadcast_in_dim3A_1974 = arith.constant 55 : i32
            %broadcast_in_dim3A_1975 = vector.broadcast %broadcast_in_dim3A_1974 : i32 to vector<16xi32>
            %scatter3A_1976 = arith.constant 1 : i32
            %scatter3A_1977 = arith.constant 1 : i32
            %scatter3A_1978 = arith.constant 0 : i32
            %scatter3A_1979 = arith.constant 0 : i32
            %scatter3A_1980 = tpu.memref_slice %arg7[%scatter3A_1976, %scatter3A_1977, %scatter3A_1978, %scatter3A_1979] : memref<2x2x200x64xf32, #tpu.memory_space<vmem>> -> memref<1x1x200x64xf32, #tpu.memory_space<vmem>>
            %scatter3A_1981 = tpu.memref_squeeze %scatter3A_1980 : memref<1x1x200x64xf32, #tpu.memory_space<vmem>> -> memref<200x64xf32, #tpu.memory_space<vmem>>
            tpu.vector_store_idx %scatter3A_1981[%add3A_1534, %broadcast_in_dim3A_1975], %broadcast_in_dim3A_1497 masked %eq3A_1524 : memref<200x64xf32, #tpu.memory_space<vmem>>[vector<16xi32>, vector<16xi32>], vector<16xf32>, vector<16xi1>
            %broadcast_in_dim3A_1982 = arith.constant 56 : i32
            %broadcast_in_dim3A_1983 = vector.broadcast %broadcast_in_dim3A_1982 : i32 to vector<16xi32>
            %scatter3A_1984 = arith.constant 1 : i32
            %scatter3A_1985 = arith.constant 1 : i32
            %scatter3A_1986 = arith.constant 0 : i32
            %scatter3A_1987 = arith.constant 0 : i32
            %scatter3A_1988 = tpu.memref_slice %arg7[%scatter3A_1984, %scatter3A_1985, %scatter3A_1986, %scatter3A_1987] : memref<2x2x200x64xf32, #tpu.memory_space<vmem>> -> memref<1x1x200x64xf32, #tpu.memory_space<vmem>>
            %scatter3A_1989 = tpu.memref_squeeze %scatter3A_1988 : memref<1x1x200x64xf32, #tpu.memory_space<vmem>> -> memref<200x64xf32, #tpu.memory_space<vmem>>
            tpu.vector_store_idx %scatter3A_1989[%add3A_1534, %broadcast_in_dim3A_1983], %broadcast_in_dim3A_1497 masked %eq3A_1524 : memref<200x64xf32, #tpu.memory_space<vmem>>[vector<16xi32>, vector<16xi32>], vector<16xf32>, vector<16xi1>
            %broadcast_in_dim3A_1990 = arith.constant 57 : i32
            %broadcast_in_dim3A_1991 = vector.broadcast %broadcast_in_dim3A_1990 : i32 to vector<16xi32>
            %scatter3A_1992 = arith.constant 1 : i32
            %scatter3A_1993 = arith.constant 1 : i32
            %scatter3A_1994 = arith.constant 0 : i32
            %scatter3A_1995 = arith.constant 0 : i32
            %scatter3A_1996 = tpu.memref_slice %arg7[%scatter3A_1992, %scatter3A_1993, %scatter3A_1994, %scatter3A_1995] : memref<2x2x200x64xf32, #tpu.memory_space<vmem>> -> memref<1x1x200x64xf32, #tpu.memory_space<vmem>>
            %scatter3A_1997 = tpu.memref_squeeze %scatter3A_1996 : memref<1x1x200x64xf32, #tpu.memory_space<vmem>> -> memref<200x64xf32, #tpu.memory_space<vmem>>
            tpu.vector_store_idx %scatter3A_1997[%add3A_1534, %broadcast_in_dim3A_1991], %broadcast_in_dim3A_1497 masked %eq3A_1524 : memref<200x64xf32, #tpu.memory_space<vmem>>[vector<16xi32>, vector<16xi32>], vector<16xf32>, vector<16xi1>
            %broadcast_in_dim3A_1998 = arith.constant 58 : i32
            %broadcast_in_dim3A_1999 = vector.broadcast %broadcast_in_dim3A_1998 : i32 to vector<16xi32>
            %scatter3A_2000 = arith.constant 1 : i32
            %scatter3A_2001 = arith.constant 1 : i32
            %scatter3A_2002 = arith.constant 0 : i32
            %scatter3A_2003 = arith.constant 0 : i32
            %scatter3A_2004 = tpu.memref_slice %arg7[%scatter3A_2000, %scatter3A_2001, %scatter3A_2002, %scatter3A_2003] : memref<2x2x200x64xf32, #tpu.memory_space<vmem>> -> memref<1x1x200x64xf32, #tpu.memory_space<vmem>>
            %scatter3A_2005 = tpu.memref_squeeze %scatter3A_2004 : memref<1x1x200x64xf32, #tpu.memory_space<vmem>> -> memref<200x64xf32, #tpu.memory_space<vmem>>
            tpu.vector_store_idx %scatter3A_2005[%add3A_1534, %broadcast_in_dim3A_1999], %broadcast_in_dim3A_1497 masked %eq3A_1524 : memref<200x64xf32, #tpu.memory_space<vmem>>[vector<16xi32>, vector<16xi32>], vector<16xf32>, vector<16xi1>
            %broadcast_in_dim3A_2006 = arith.constant 59 : i32
            %broadcast_in_dim3A_2007 = vector.broadcast %broadcast_in_dim3A_2006 : i32 to vector<16xi32>
            %scatter3A_2008 = arith.constant 1 : i32
            %scatter3A_2009 = arith.constant 1 : i32
            %scatter3A_2010 = arith.constant 0 : i32
            %scatter3A_2011 = arith.constant 0 : i32
            %scatter3A_2012 = tpu.memref_slice %arg7[%scatter3A_2008, %scatter3A_2009, %scatter3A_2010, %scatter3A_2011] : memref<2x2x200x64xf32, #tpu.memory_space<vmem>> -> memref<1x1x200x64xf32, #tpu.memory_space<vmem>>
            %scatter3A_2013 = tpu.memref_squeeze %scatter3A_2012 : memref<1x1x200x64xf32, #tpu.memory_space<vmem>> -> memref<200x64xf32, #tpu.memory_space<vmem>>
            tpu.vector_store_idx %scatter3A_2013[%add3A_1534, %broadcast_in_dim3A_2007], %broadcast_in_dim3A_1497 masked %eq3A_1524 : memref<200x64xf32, #tpu.memory_space<vmem>>[vector<16xi32>, vector<16xi32>], vector<16xf32>, vector<16xi1>
            %broadcast_in_dim3A_2014 = arith.constant 60 : i32
            %broadcast_in_dim3A_2015 = vector.broadcast %broadcast_in_dim3A_2014 : i32 to vector<16xi32>
            %scatter3A_2016 = arith.constant 1 : i32
            %scatter3A_2017 = arith.constant 1 : i32
            %scatter3A_2018 = arith.constant 0 : i32
            %scatter3A_2019 = arith.constant 0 : i32
            %scatter3A_2020 = tpu.memref_slice %arg7[%scatter3A_2016, %scatter3A_2017, %scatter3A_2018, %scatter3A_2019] : memref<2x2x200x64xf32, #tpu.memory_space<vmem>> -> memref<1x1x200x64xf32, #tpu.memory_space<vmem>>
            %scatter3A_2021 = tpu.memref_squeeze %scatter3A_2020 : memref<1x1x200x64xf32, #tpu.memory_space<vmem>> -> memref<200x64xf32, #tpu.memory_space<vmem>>
            tpu.vector_store_idx %scatter3A_2021[%add3A_1534, %broadcast_in_dim3A_2015], %broadcast_in_dim3A_1497 masked %eq3A_1524 : memref<200x64xf32, #tpu.memory_space<vmem>>[vector<16xi32>, vector<16xi32>], vector<16xf32>, vector<16xi1>
            %broadcast_in_dim3A_2022 = arith.constant 61 : i32
            %broadcast_in_dim3A_2023 = vector.broadcast %broadcast_in_dim3A_2022 : i32 to vector<16xi32>
            %scatter3A_2024 = arith.constant 1 : i32
            %scatter3A_2025 = arith.constant 1 : i32
            %scatter3A_2026 = arith.constant 0 : i32
            %scatter3A_2027 = arith.constant 0 : i32
            %scatter3A_2028 = tpu.memref_slice %arg7[%scatter3A_2024, %scatter3A_2025, %scatter3A_2026, %scatter3A_2027] : memref<2x2x200x64xf32, #tpu.memory_space<vmem>> -> memref<1x1x200x64xf32, #tpu.memory_space<vmem>>
            %scatter3A_2029 = tpu.memref_squeeze %scatter3A_2028 : memref<1x1x200x64xf32, #tpu.memory_space<vmem>> -> memref<200x64xf32, #tpu.memory_space<vmem>>
            tpu.vector_store_idx %scatter3A_2029[%add3A_1534, %broadcast_in_dim3A_2023], %broadcast_in_dim3A_1497 masked %eq3A_1524 : memref<200x64xf32, #tpu.memory_space<vmem>>[vector<16xi32>, vector<16xi32>], vector<16xf32>, vector<16xi1>
            %broadcast_in_dim3A_2030 = arith.constant 62 : i32
            %broadcast_in_dim3A_2031 = vector.broadcast %broadcast_in_dim3A_2030 : i32 to vector<16xi32>
            %scatter3A_2032 = arith.constant 1 : i32
            %scatter3A_2033 = arith.constant 1 : i32
            %scatter3A_2034 = arith.constant 0 : i32
            %scatter3A_2035 = arith.constant 0 : i32
            %scatter3A_2036 = tpu.memref_slice %arg7[%scatter3A_2032, %scatter3A_2033, %scatter3A_2034, %scatter3A_2035] : memref<2x2x200x64xf32, #tpu.memory_space<vmem>> -> memref<1x1x200x64xf32, #tpu.memory_space<vmem>>
            %scatter3A_2037 = tpu.memref_squeeze %scatter3A_2036 : memref<1x1x200x64xf32, #tpu.memory_space<vmem>> -> memref<200x64xf32, #tpu.memory_space<vmem>>
            tpu.vector_store_idx %scatter3A_2037[%add3A_1534, %broadcast_in_dim3A_2031], %broadcast_in_dim3A_1497 masked %eq3A_1524 : memref<200x64xf32, #tpu.memory_space<vmem>>[vector<16xi32>, vector<16xi32>], vector<16xf32>, vector<16xi1>
            %broadcast_in_dim3A_2038 = arith.constant 63 : i32
            %broadcast_in_dim3A_2039 = vector.broadcast %broadcast_in_dim3A_2038 : i32 to vector<16xi32>
            %scatter3A_2040 = arith.constant 1 : i32
            %scatter3A_2041 = arith.constant 1 : i32
            %scatter3A_2042 = arith.constant 0 : i32
            %scatter3A_2043 = arith.constant 0 : i32
            %scatter3A_2044 = tpu.memref_slice %arg7[%scatter3A_2040, %scatter3A_2041, %scatter3A_2042, %scatter3A_2043] : memref<2x2x200x64xf32, #tpu.memory_space<vmem>> -> memref<1x1x200x64xf32, #tpu.memory_space<vmem>>
            %scatter3A_2045 = tpu.memref_squeeze %scatter3A_2044 : memref<1x1x200x64xf32, #tpu.memory_space<vmem>> -> memref<200x64xf32, #tpu.memory_space<vmem>>
            tpu.vector_store_idx %scatter3A_2045[%add3A_1534, %broadcast_in_dim3A_2039], %broadcast_in_dim3A_1497 masked %eq3A_1524 : memref<200x64xf32, #tpu.memory_space<vmem>>[vector<16xi32>, vector<16xi32>], vector<16xf32>, vector<16xi1>
          } else {
          }
        }
        %scan3A_1509 = arith.constant 13 : i32
      } else {
      }
      %mul3A_1469 = arith.constant 2 : i32
      %mul3A_1470 = arith.muli %add3A_396, %mul3A_1469 : i32
      %add3A_1471 = arith.addi %mul3A_2, %mul3A_1470 : i32
      %dma_start3A_1472 = arith.constant 1 : i32
      %dma_start3A_1473 = arith.constant 0 : i32
      %dma_start3A_1474 = arith.constant 0 : i32
      %dma_start3A_1475 = arith.constant 0 : i32
      %dma_start3A_1476 = tpu.memref_slice %arg7[%dma_start3A_1472, %dma_start3A_1473, %dma_start3A_1474, %dma_start3A_1475] : memref<2x2x200x64xf32, #tpu.memory_space<vmem>> -> memref<1x2x200x64xf32, #tpu.memory_space<vmem>>
      %dma_start3A_1477 = tpu.memref_squeeze %dma_start3A_1476 : memref<1x2x200x64xf32, #tpu.memory_space<vmem>> -> memref<2x200x64xf32, #tpu.memory_space<vmem>>
      %dma_start3A_1478 = arith.constant 0 : i32
      %dma_start3A_1479 = arith.constant 0 : i32
      %dma_start3A_1480 = tpu.memref_slice %arg4[%add3A_1471, %dma_start3A_1478, %dma_start3A_1479] : memref<4096x200x128xf32, #tpu.memory_space<hbm>> -> memref<2x200x128xf32, #tpu.memory_space<hbm>>
      %dma_start3A_1481 = arith.constant 0 : i32
      %dma_start3A_1482 = arith.constant 0 : i32
      %dma_start3A_1483 = arith.constant 0 : i32
      %dma_start3A_1484 = tpu.memref_slice %dma_start3A_1480[%dma_start3A_1481, %dma_start3A_1482, %dma_start3A_1483] : memref<2x200x128xf32, #tpu.memory_space<hbm>> -> memref<2x200x64xf32, #tpu.memory_space<hbm>>
      %dma_start3A_1485 = arith.constant 0 : i32
      %dma_start3A_1486 = arith.constant 0 : i32
      %dma_start3A_1487 = tpu.memref_slice %arg4[%add3A_1471, %dma_start3A_1485, %dma_start3A_1486] : memref<4096x200x128xf32, #tpu.memory_space<hbm>> -> memref<2x200x128xf32, #tpu.memory_space<hbm>>
      %dma_start3A_1488 = arith.constant 0 : i32
      %dma_start3A_1489 = arith.constant 0 : i32
      %dma_start3A_1490 = arith.constant 0 : i32
      %dma_start3A_1491 = tpu.memref_slice %dma_start3A_1487[%dma_start3A_1488, %dma_start3A_1489, %dma_start3A_1490] : memref<2x200x128xf32, #tpu.memory_space<hbm>> -> memref<2x200x64xf32, #tpu.memory_space<hbm>>
      %dma_start3A_1492 = arith.constant 0 : i32
      %dma_start3A_1493 = arith.constant 0 : i32
      %dma_start3A_1494 = arith.constant 0 : i32
      %dma_start3A_1495 = tpu.memref_slice %arg7[%dma_start3A_1472, %dma_start3A_1492, %dma_start3A_1493, %dma_start3A_1494] : memref<2x2x200x64xf32, #tpu.memory_space<vmem>> -> memref<1x2x200x64xf32, #tpu.memory_space<vmem>>
      %dma_start3A_1496 = tpu.memref_squeeze %dma_start3A_1495 : memref<1x2x200x64xf32, #tpu.memory_space<vmem>> -> memref<2x200x64xf32, #tpu.memory_space<vmem>>
      tpu.enqueue_dma source(%dma_start3A_1496 : memref<2x200x64xf32, #tpu.memory_space<vmem>>) target(%dma_start3A_1491 : memref<2x200x64xf32, #tpu.memory_space<hbm>>) target_semaphore(%arg11 : memref<!tpu.dma_semaphore, #tpu.memory_space<semaphore_mem>>)
    }
    %scan3A_358 = arith.constant 32 : i32
    %dma_wait3A = arith.constant 0 : i32
    %dma_wait3A_359 = arith.constant 0 : i32
    %dma_wait3A_360 = arith.constant 0 : i32
    %dma_wait3A_361 = arith.constant 0 : i32
    %dma_wait3A_362 = tpu.memref_slice %arg7[%dma_wait3A, %dma_wait3A_359, %dma_wait3A_360, %dma_wait3A_361] : memref<2x2x200x64xf32, #tpu.memory_space<vmem>> -> memref<1x2x200x64xf32, #tpu.memory_space<vmem>>
    %dma_wait3A_363 = tpu.memref_squeeze %dma_wait3A_362 : memref<1x2x200x64xf32, #tpu.memory_space<vmem>> -> memref<2x200x64xf32, #tpu.memory_space<vmem>>
    %dma_wait3A_364 = arith.constant 0 : i32
    %dma_wait3A_365 = arith.constant 0 : i32
    %dma_wait3A_366 = tpu.memref_slice %arg3[%dma_wait3A_364, %dma_wait3A_365] : memref<2000000x64xf32, #tpu.memory_space<hbm>> -> memref<400x64xf32, #tpu.memory_space<hbm>>
    %dma_wait3A_367 = arith.constant 0 : i32
    %dma_wait3A_368 = arith.constant 0 : i32
    %dma_wait3A_369 = arith.constant 0 : i32
    %dma_wait3A_370 = tpu.memref_slice %arg7[%dma_wait3A, %dma_wait3A_367, %dma_wait3A_368, %dma_wait3A_369] : memref<2x2x200x64xf32, #tpu.memory_space<vmem>> -> memref<1x2x200x64xf32, #tpu.memory_space<vmem>>
    %dma_wait3A_371 = tpu.memref_squeeze %dma_wait3A_370 : memref<1x2x200x64xf32, #tpu.memory_space<vmem>> -> memref<2x200x64xf32, #tpu.memory_space<vmem>>
    %dma_wait3A_372 = arith.constant 0 : i32
    %dma_wait3A_373 = arith.constant 0 : i32
    %dma_wait3A_374 = tpu.memref_slice %arg3[%dma_wait3A_372, %dma_wait3A_373] : memref<2000000x64xf32, #tpu.memory_space<hbm>> -> memref<400x64xf32, #tpu.memory_space<hbm>>
    tpu.wait_dma2 semaphore(%arg10 : memref<!tpu.dma_semaphore, #tpu.memory_space<semaphore_mem>>) src(%dma_wait3A_374 : memref<400x64xf32, #tpu.memory_space<hbm>>) dst(%dma_wait3A_371 : memref<2x200x64xf32, #tpu.memory_space<vmem>>)
    %dma_wait3A_375 = arith.constant 1 : i32
    %dma_wait3A_376 = arith.constant 0 : i32
    %dma_wait3A_377 = arith.constant 0 : i32
    %dma_wait3A_378 = arith.constant 0 : i32
    %dma_wait3A_379 = tpu.memref_slice %arg7[%dma_wait3A_375, %dma_wait3A_376, %dma_wait3A_377, %dma_wait3A_378] : memref<2x2x200x64xf32, #tpu.memory_space<vmem>> -> memref<1x2x200x64xf32, #tpu.memory_space<vmem>>
    %dma_wait3A_380 = tpu.memref_squeeze %dma_wait3A_379 : memref<1x2x200x64xf32, #tpu.memory_space<vmem>> -> memref<2x200x64xf32, #tpu.memory_space<vmem>>
    %dma_wait3A_381 = arith.constant 0 : i32
    %dma_wait3A_382 = arith.constant 0 : i32
    %dma_wait3A_383 = tpu.memref_slice %arg3[%dma_wait3A_381, %dma_wait3A_382] : memref<2000000x64xf32, #tpu.memory_space<hbm>> -> memref<400x64xf32, #tpu.memory_space<hbm>>
    %dma_wait3A_384 = arith.constant 0 : i32
    %dma_wait3A_385 = arith.constant 0 : i32
    %dma_wait3A_386 = arith.constant 0 : i32
    %dma_wait3A_387 = tpu.memref_slice %arg7[%dma_wait3A_375, %dma_wait3A_384, %dma_wait3A_385, %dma_wait3A_386] : memref<2x2x200x64xf32, #tpu.memory_space<vmem>> -> memref<1x2x200x64xf32, #tpu.memory_space<vmem>>
    %dma_wait3A_388 = tpu.memref_squeeze %dma_wait3A_387 : memref<1x2x200x64xf32, #tpu.memory_space<vmem>> -> memref<2x200x64xf32, #tpu.memory_space<vmem>>
    %dma_wait3A_389 = arith.constant 0 : i32
    %dma_wait3A_390 = arith.constant 0 : i32
    %dma_wait3A_391 = tpu.memref_slice %arg3[%dma_wait3A_389, %dma_wait3A_390] : memref<2000000x64xf32, #tpu.memory_space<hbm>> -> memref<400x64xf32, #tpu.memory_space<hbm>>
    tpu.wait_dma2 semaphore(%arg11 : memref<!tpu.dma_semaphore, #tpu.memory_space<semaphore_mem>>) src(%dma_wait3A_391 : memref<400x64xf32, #tpu.memory_space<hbm>>) dst(%dma_wait3A_388 : memref<2x200x64xf32, #tpu.memory_space<vmem>>)
    return
  }
}

</mosaic_0001>

<sc_bundles>
// kernel: kernel.3.cloned.1.call-start
scs
__scs_entry_jumppad:
0x0: {  	(pc) =	sbr.rel $0x88, $3  }
0x1: {  	(tag) =	ssettag $0x0;
	lr =	simm.s32 $0x1  }
0x2: {  	[smem:$0x3F9F] =	sst lr;
	_ =	strace $0xD0000000  }
0x3: {  	_ = 	snop  }
0x4: {  	_ = 	snop  }
0x5: {  	_ = 	snop  }
0x6: {  	_ = 	snop  }
0x7: {  	_ = 	snop  }
__scs_overlays_trampoline_lowered:
0x8: {  	[smem:$0x3FAE] =	sst s0  }
0x9: {  	[smem:$0x3FAF] =	sst s1  }
0xa: {  	[smem:$0x3FB0] =	sst s2  }
0xb: {  	[smem:$0x3FB1] =	sst s3  }
0xc: {  	[smem:$0x3FB2] =	sst s4  }
0xd: {  	[smem:$0x3FB3] =	sst s5  }
0xe: {  	[smem:$0x3FB4] =	sst s6  }
0xf: {  	[smem:$0x3FB5] =	sst s7  }
0x10: {  	[smem:$0x3FB6] =	sst s8  }
0x11: {  	[smem:$0x3FB7] =	sst s9;
	s0 =	simm.s32 @!p0 $0x0  }
0x12: {  	s1 =	sld [smem:$0x3F9D];
	s0 =	simm.s32 @p0 $0x1  }
0x13: {  	[smem:$0x3FB8] =	sst s0;
	s0 =	simm.s32 @!p1 $0x0  }
0x14: {  	s2 =	sld [smem:$0x3F9C];
	s0 =	simm.s32 @p1 $0x1  }
0x15: {  	[smem:$0x3FB9] =	sst s0;
	s0 =	simm.s32 @!p2 $0x0  }
0x16: {  	s3 =	sld [smem:$0x3FDB];
	s0 =	simm.s32 @p2 $0x1  }
0x17: {  	s4 =	simm.s32 $0x1BF5;
	[smem:$0x3FBB] =	sst s0  }
0x18: {  	s0 =	sld [smem:$0x3F9E];
	_ =	swait.ge [sflag:s4], $0x0  }
0x19: {  	s7 =	sld [smem:$0x3F9F]  }
0x1a: {  	s8 =	sadd.s32 $0xFFFFE003, lr  }
0x1b: {  	s9 =	sadd.s32 $0xFFFFFEF7, lr;
	s5 =	simm.s32 $0xFFFFFFFF;
	p2 =	slt.u32 s8, $0xFFFFF086  }
0x1c: {  	p1 =	slt.u32 s9, $0xF7A;
	s5 =	simm.s32 @!p2 $0x0  }
0x1d: {  	s5 =	simm.s32 @p1 $0x1;
	p0 =	seq.s32 s7, s2  }
0x1e: {  	s7 =	smul.u32 @!p0 $0xF7A, s2;
	p2 =	seq.s32 @!p0 s5, $0x0  }
0x1f: {  	s9 =	smul.u32 $0xF7A, s1;
	s8 =	simm.s32 @!p0 $0x1BF5;
	p2 =	por !p2, p0  }
0x20: {  	[sflag:s8] =	ssyncset.s32 @!p0 $0xFFFFF086;
	s6 =	sadd.s32 @!p0 s3, s7;
	s7 =	simm.s32 @!p0 $0x108  }
0x21: {  	s3 =	sadd.s32 s3, s9;
	s6 =	sadd.s32 @!p0 $0x88, s6;
	s7 =	simm.s32 @p2 $0x1082  }
0x22: {  	[simem:s7], [sflag:s8] =	dma.local @!p0 [hbm:s6], $0xF7A  }
0x23: {  	s9 =	sor.u32 $0xD0000000, s2;
	s6 =	simm.s32 $0x108;
	_ =	swait.ge @!p0 [sflag:s8], $0x0  }
0x24: {  	s3 =	sadd.s32 $0x88, s3;
	s6 =	simm.s32 @!p1 $0x1082;
	[sflag:s4] =	ssyncset.s32 $0xFFFFF086  }
0x25: {  	[simem:s6], [sflag:s4] =	dma.local [hbm:s3], $0xF7A  }
0x26: {  	[smem:$0x3F9F] =	sst s1;
	(tag) =	ssettag s2;
	_ =	strace s9  }
0x27: {  	s1 =	sld [smem:$0x3FAF]  }
0x28: {  	s2 =	sld [smem:$0x3FB0]  }
0x29: {  	s4 =	sld [smem:$0x3FB2]  }
0x2a: {  	p0 =	seq.s32 s5, $0x0;
	s5 =	sld [smem:$0x3FB3]  }
0x2b: {  	s6 =	sld [smem:$0x3FB4]  }
0x2c: {  	s7 =	sld [smem:$0x3FB5]  }
0x2d: {  	s3 =	simm.s32 $0x108;
	s8 =	sld [smem:$0x3FB6]  }
0x2e: {  	s3 =	simm.s32 @!p0 $0x1082;
	s9 =	sld [smem:$0x3FB7]  }
0x2f: {  	lr =	sadd.s32 s0, s3;
	s0 =	sld [smem:$0x3FAE]  }
0x30: {  	s3 =	sld [smem:$0x3FB1]  }
0x31: {  	[smem:$0x3FBA] =	sst s10  }
0x32: {  	s10 =	sld [smem:$0x3FB8];
	_ =	sdelay $0x3  }
0x33: {  	p0 =	seq.s32 s10, $0x1;
	s10 =	sld [smem:$0x3FBA];
	_ =	sdelay $0x3  }
0x34: {  	[smem:$0x3FBA] =	sst s10  }
0x35: {  	s10 =	sld [smem:$0x3FB9];
	_ =	sdelay $0x3  }
0x36: {  	p1 =	seq.s32 s10, $0x1;
	s10 =	sld [smem:$0x3FBA];
	_ =	sdelay $0x3  }
0x37: {  	[smem:$0x3FBA] =	sst s10  }
0x38: {  	s10 =	sld [smem:$0x3FBB]  }
0x39: {  	_ = 	snop;
	(pc) =	sbr.ind lr, $3  }
0x3a: {  	_ = 	snop  }
0x3b: {  	_ = 	snop  }
0x3c: {  	p2 =	seq.s32 s10, $0x1;
	s10 =	sld [smem:$0x3FBA]  }
0x3d: {  	_ =	shalt  }
0x3e: {  	_ =	shalt  }
0x3f: {  	_ =	shalt  }
0x40: {  	_ =	shalt  }
0x41: {  	_ =	shalt  }
0x42: {  	_ =	shalt  }
0x43: {  	_ =	shalt  }
0x44: {  	_ =	shalt  }
0x45: {  	_ =	shalt  }
0x46: {  	_ =	shalt  }
0x47: {  	_ =	shalt  }
0x48: {  	_ =	shalt  }
0x49: {  	_ =	shalt  }
0x4a: {  	_ =	shalt  }
0x4b: {  	_ =	shalt  }
0x4c: {  	_ =	shalt  }
0x4d: {  	_ =	shalt  }
0x4e: {  	_ =	shalt  }
0x4f: {  	_ =	shalt  }
0x50: {  	_ =	shalt  }
0x51: {  	_ =	shalt  }
0x52: {  	_ =	shalt  }
0x53: {  	_ =	shalt  }
0x54: {  	_ =	shalt  }
0x55: {  	_ =	shalt  }
0x56: {  	_ =	shalt  }
0x57: {  	_ =	shalt  }
0x58: {  	_ =	shalt  }
0x59: {  	_ =	shalt  }
0x5a: {  	_ =	shalt  }
0x5b: {  	_ =	shalt  }
0x5c: {  	_ =	shalt  }
0x5d: {  	_ =	shalt  }
0x5e: {  	_ =	shalt  }
0x5f: {  	_ =	shalt  }
0x60: {  	_ =	shalt  }
0x61: {  	_ =	shalt  }
0x62: {  	_ =	shalt  }
0x63: {  	_ =	shalt  }
0x64: {  	_ =	shalt  }
0x65: {  	_ =	shalt  }
0x66: {  	_ =	shalt  }
0x67: {  	_ =	shalt  }
0x68: {  	_ =	shalt  }
0x69: {  	_ =	shalt  }
0x6a: {  	_ =	shalt  }
0x6b: {  	_ =	shalt  }
0x6c: {  	_ =	shalt  }
0x6d: {  	_ =	shalt  }
0x6e: {  	_ =	shalt  }
0x6f: {  	_ =	shalt  }
0x70: {  	_ =	shalt  }
0x71: {  	_ =	shalt  }
0x72: {  	_ =	shalt  }
0x73: {  	_ =	shalt  }
0x74: {  	_ =	shalt  }
0x75: {  	_ =	shalt  }
0x76: {  	_ =	shalt  }
0x77: {  	_ =	shalt  }
0x78: {  	_ =	shalt  }
0x79: {  	_ =	shalt  }
0x7a: {  	_ =	shalt  }
0x7b: {  	_ =	shalt  }
0x7c: {  	_ =	shalt  }
0x7d: {  	_ =	shalt  }
0x7e: {  	_ =	shalt  }
0x7f: {  	_ =	shalt  }
0x80: {  	_ =	shalt  }
0x81: {  	_ =	shalt  }
0x82: {  	_ =	shalt  }
0x83: {  	_ =	shalt  }
0x84: {  	_ =	shalt  }
0x85: {  	_ =	shalt  }
0x86: {  	_ =	shalt  }
0x87: {  	_ =	shalt  }
.Lfunc_end0:
.L_simem_size_0:
called_computation.2_lowered:
.L_overlay_start_0:
0x88: {  	s2 =	sld [smem:$0x3FD9]  }
0x89: {  	s3 =	sld [smem:$0x3FFE];
	_ =	sdelay $0x1  }
0x8a: {  	s1 =	srdreg.scid  }
0x8b: {  	s0 =	sand.u32 $0x1, s1  }
0x8c: {  	s17 =	sshll.u32 s0, $0xA;
	s2 =	sadd.s32 s3, s2  }
0x8d: {  	s2 =	sadd.s32 s2, s17  }
0x8e: {  	[smem:$0x3FC6] =	sst s2  }
0x8f: {  	_ = 	snop  }
0x90: {  	s2 =	sld [smem:$0x3FD0];
	(tm) =	ssettm $0x1  }
0x91: {  	s18 =	sld [smem:$0x3FFB];
	_ =	sdelay $0x3  }
0x92: {  	_ =	strace s18  }
0x93: {  	s3 =	sld [smem:$0x3FFC];
	_ =	sdelay $0x3  }
0x94: {  	_ =	strace s3  }
0x95: {  	s3 =	sld [smem:$0x3FFD];
	_ =	sdelay $0x3  }
0x96: {  	_ =	strace s3  }
0x97: {  	_ =	strace $0x8FFFFFFF  }
0x98: {  	s19 =	sld [smem:$0x3FDB];
	_ =	sdelay $0x1  }
0x99: {  	s4 =	simm.s32 $_scs_section_size  }
0x9a: {  	s5 =	simm.s32 $_size__tile_overlayer_lowered;
	s6 =	simm.s32 $_tile_overlayer_lowered  }
0x9b: {  	s22 =	simm.s32 $0x1BFF;
	s21 =	sshll.u32 s6, $0x1;
	s3 =	sadd.s32 s4, s19  }
0x9c: {  	s7 =	simm.s32 $0x0;
	s20 =	sshll.u32 s5, $0x1;
	s5 =	sadd.s32 s21, s3  }
0x9d: {  	[timem:s7], [sflag:s22] =	dma.local [hbm:s5], s20  }
0x9e: {  	_ =	swait.ge [sflag:s22], s20  }
0x9f: {  	s4 =	ssub.s32 $0x0, s20;
	[sflag:s22] =	ssyncset.done $0x0  }
0xa0: {  	[sflag:s22] =	ssyncadd.s32 s4;
	_ =	sdelay $0x1  }
0xa1: {  	s23 =	simm.s32 $0x1B8B  }
0xa2: {  	_ =	swait.ge [sflag:s23], $0x1  }
0xa3: {  	[sflag:s23] =	ssyncset.done $0x0  }
0xa4: {  	s25 =	simm.s32 $0x1B8E;
	s24 =	sld [smem:$0x3FFE];
	[sflag:s23] =	ssyncadd.s32 $0xFFFFFFFF  }
0xa5: {  	s26 =	simm.s32 $execute0_lowered;
	[smem:$0x3FD2] =	sst s25  }
0xa6: {  	s5 =	sshll.u32 s26, $0x1;
	_ =	strace $0x80000049;
	[dreg:$0x1] =	wrdreg $0xFFFFFFFF  }
0xa7: {  	s28 =	simm.s32 $_size_execute0_lowered;
	s3 =	sadd.s32 s3, s5;
	[dreg:$0x0] =	wrdreg $0x0  }
0xa8: {  	s5 =	sshll.u32 s28, $0x1;
	[dreg:$0x2] =	wrdreg s3  }
0xa9: {  	[dreg:$0x3] =	wrdreg s5  }
0xaa: {  	[dreg:$0x4] =	wrdreg $0xC0  }
0xab: {  	_ =	task [dreg:s7], $0x5FFFF  }
0xac: {  	[dreg:$0x1] =	wrdreg $0xFFFFFFFF  }
0xad: {  	[dreg:$0x0] =	wrdreg $0x60  }
0xae: {  	[dreg:$0x2] =	wrdreg s2  }
0xaf: {  	[dreg:$0x3] =	wrdreg s24  }
0xb0: {  	[dreg:$0x4] =	wrdreg $0x9  }
0xb1: {  	_ =	task.clear_ibuf [dreg:s7], $0x5FFFF;
	_ =	strace $0x90000049  }
0xb2: {  	s29 =	simm.s32 $0x9;
	_ =	strace $0x8000004B  }
0xb3: {  	_ =	swait.ge [sflag:s29], $0x1  }
0xb4: {  	[sflag:s29] =	ssyncadd.s32 $0xFFFFFFFF  }
0xb5: {  	_ =	strace $0x9000004B  }
0xb6: {  	_ =	sfence  }
0xb7: {  	s30 =	sld [smem:$0x0];
	_ =	sdelay $0x2  }
0xb8: {  	s31 =	sshll.u32 s1, $0xD;
	s1 =	sshrl.u32 s1, $0x2  }
0xb9: {  	s3 =	sand.u32 $0x4000, s31;
	s1 =	sadd.s32 s1, s30  }
0xba: {  	s0 =	sor.u32 s3, s0;
	s1 =	sshll.u32 s1, $0x11  }
0xbb: {  	s0 =	sor.u32 s1, s0  }
0xbc: {  	s0 =	sadd.s32 $0x8F2B, s0  }
0xbd: {  	[sflag:s0] =	ssyncadd.remote.s32 $0x1  }
0xbe: {  	_ =	sfence.sel $0xFFFF  }
0xbf: {  	[dreg:$0x0] =	wrdreg $0xFFFFFFFF;
	(pc) =	sbr.abs _section_cstart, $3  }
0xc0: {  	[dreg:$0x1] =	wrdreg $0xFFFFFFFF  }
0xc1: {  	_ =	task.clear_ibuf [dreg:s7], $0x2FFFF;
	_ =	strace $0x9FFFFFFF  }
0xc2: {  	(tm) =	ssettm $0x7FFFFFFF  }
0xc3: {  	_ =	shalt  }
tec
execute0_lowered:
.L_overlay_start_1:
0x0: {  	(tag) =	ssettag $0x1  }
0x1: {  	s0 =	rddreg [dreg:$0x0]  }
0x2: {  	s1 =	rddreg [dreg:$0x1]  }
0x3: {  	s2 =	srdreg.scid;
	s3 =	stileid.u32  }
0x4: {  	s5 =	simm.s32 $0x0;
	s9 =	simm.s32 $0x80;
	s11 =	simm.s32 $0x6720  }
0x5: {  	s12 =	simm.s32 $0x48;
	s14 =	simm.s32 $0x8720;
	s15 =	simm.s32 $0x64C8  }
0x6: {  	s16 =	simm.s32 $0x9920;
	s17 =	simm.s32 $0x6548;
	s18 =	simm.s32 $0xB920  }
0x7: {  	s19 =	simm.s32 $0x6590;
	s20 =	simm.s32 $0xCB20;
	s21 =	simm.s32 $0x6610  }
0x8: {  	s22 =	simm.s32 $0xEB20;
	s23 =	simm.s32 $0x6658;
	s24 =	simm.s32 $0xFD20  }
0x9: {  	s28 =	simm.s32 $0x1;
	s29 =	simm.s32 $0x40;
	s30 =	simm.s32 $0x3  }
0xa: {  	s31 =	simm.s32 $0x2;
	s2 =	sand.u32 $0x1, s2;
	s3 =	sshll.u32 s3, $0x8  }
0xb: {  	[smem:$0x7FF] =	sst s5;
	s4 =	sshll.u32 s2, $0x7;
	s2 =	ssub.s32 $0x2, s2  }
.Ltmp0:
0xc: {  	s3 =	sor.u32 s4, s3;
	s6 =	sshrl.u32 s2, $0x1;
	(pc) =	sbr.rel .LBB2_1-.Ltmp0, $4  }
0xd: {  	s5 =	sadd.s32 $0xE00, s1;
	s7 =	smul.u32 $0x19, s3;
	s25 =	ssub.s32 s2, s6  }
0xe: {  	_ =	strace $0x8000004A;
	s4 =	sadd.s32 $0xF43200, s1;
	s26 =	smax.u32 s25, $0x1  }
0xf: {  	v0 =	vlaneseq.u32;
	s2 =	simm.s32 $0x0;
	s0 =	sadd.s32 s0, s7;
	[dreg:$0x4] =	wrdreg s26  }
0x10: {  	v1 =	vimm.f32 $0.0e+00;
	v0 =	vmul.u32 $0x40, v0;
	s25 =	simm.s32 $0x66D8;
	s26 =	simm.s32 $0x11D20;
	[dreg:$0x3] =	wrdreg s0  }
.LBB2_23:
0x11: {  	_ =	swait.ge [sflag:s30], $0x6400  }
0x12: {  	[sflag:s30] =	ssyncset.done $0x0  }
0x13: {  	s1 =	simm.s32 $0x4;
	[sflag:s30] =	ssyncadd.s32 $0xFFFF9C00  }
0x14: {  	_ =	swait.ge [sflag:s1], $0x6400  }
0x15: {  	s2 =	rddreg [dreg:$0x5]  }
0x16: {  	s0 =	rddreg [dreg:$0x4];
	s2 =	sadd.s32 $0x1, s2  }
0x17: {  	p0 =	sne.s32 s2, s0  }
.Ltmp1:
0x18: {  	_ = 	snop;
	(pc) =	sbr.rel @!p0 .LBB2_24-.Ltmp1, $3  }
0x19: {  	_ =	sdelay $0x1  }
0x1a: {  	[sflag:s1] =	ssyncset.done $0x0  }
0x1b: {  	[sflag:s1] =	ssyncadd.s32 $0xFFFF9C00  }
.LBB2_1:
0x1c: {  	[dreg:$0x5] =	wrdreg s2  }
0x1d: {  	s0 =	simm.s32 $0x0;
	s1 =	rddreg [dreg:$0x3];
	s8 =	simm.s32 $0x5  }
0x1e: {  	[tilespmem:s0], [sflag:$0x5] =	stream.linear.gather [hbm4b:s1+s0], $0x6400, $0x38;
	[tilespmem:$0x12F20] =	vst v63  }
0x1f: {  	_ =	swait.ge [sflag:s8], $0x6400  }
0x20: {  	[sflag:s8] =	ssyncset.done $0x0  }
0x21: {  	[sflag:s8] =	ssyncadd.s32 $0xFFFF9C00  }
0x22: {  	v2 =	vld [tilespmem:$0x0]  }
0x23: {  	v3 =	vld [tilespmem:$0x10]  }
0x24: {  	v4 =	vld [tilespmem:$0x20]  }
0x25: {  	v5 =	vld [tilespmem:$0x30]  }
0x26: {  	v6 =	vld [tilespmem:$0x40]  }
0x27: {  	v7 =	vld [tilespmem:$0x50];
	v2 =	vshll.u32 v2, $0x1  }
0x28: {  	[tilespmem:$0x6400] =	vst v2;
	v2 =	vshll.u32 v3, $0x1;
	v3 =	vld [tilespmem:$0x60]  }
0x29: {  	v50 =	vld [tilespmem:$0x70];
	[tilespmem:$0x6410] =	vst v2;
	v2 =	vshll.u32 v4, $0x1  }
0x2a: {  	v51 =	vld [tilespmem:$0x80];
	[tilespmem:$0x6420] =	vst v2;
	v2 =	vshll.u32 v5, $0x1  }
0x2b: {  	v52 =	vld [tilespmem:$0x90];
	[tilespmem:$0x6430] =	vst v2;
	v2 =	vshll.u32 v6, $0x1  }
0x2c: {  	v53 =	vld [tilespmem:$0xA0];
	[tilespmem:$0x6440] =	vst v2;
	v2 =	vshll.u32 v7, $0x1  }
0x2d: {  	[tilespmem:$0x6450] =	vst v2;
	v2 =	vshll.u32 v3, $0x1;
	v3 =	vld [tilespmem:$0xB0]  }
0x2e: {  	v54 =	vld [tilespmem:$0xB8];
	[tilespmem:$0x6460] =	vst v2;
	v2 =	vshll.u32 v50, $0x1  }
0x2f: {  	[tilespmem:$0x6470] =	vst v2;
	v2 =	vshll.u32 v51, $0x1  }
0x30: {  	[tilespmem:$0x6480] =	vst v2;
	v2 =	vshll.u32 v52, $0x1  }
0x31: {  	[tilespmem:$0x6490] =	vst v2;
	v2 =	vshll.u32 v53, $0x1  }
0x32: {  	[tilespmem:$0x64A0] =	vst v2;
	v2 =	vshll.u32 v3, $0x1  }
0x33: {  	[tilespmem:$0x64B0] =	vst v2;
	v2 =	vshll.u32 v54, $0x1  }
0x34: {  	s10 =	simm.s32 $0x6400;
	[tilespmem:$0x64B8] =	vst v2  }
0x35: {  	[tilespmem:s11], [sflag:$0x1] =	stream.indirect.gather [hbm4b:s4+s9], $0x40, s10, s9, $0xb8;
	[tilespmem:$0x12F20] =	vst v63  }
0x36: {  	s13 =	simm.s32 $0x6480  }
0x37: {  	[tilespmem:s14], [sflag:$0x1] =	stream.indirect.gather [hbm4b:s4+s12], $0x40, s13, s12, $0xb8;
	[tilespmem:$0x12F20] =	vst v63  }
0x38: {  	v2 =	vld [tilespmem:$0xC8]  }
0x39: {  	v3 =	vld [tilespmem:$0xD8]  }
0x3a: {  	v55 =	vld [tilespmem:$0xE8]  }
0x3b: {  	v56 =	vld [tilespmem:$0xF8]  }
0x3c: {  	v57 =	vld [tilespmem:$0x108]  }
0x3d: {  	v58 =	vld [tilespmem:$0x118];
	v2 =	vshll.u32 v2, $0x1  }
0x3e: {  	[tilespmem:$0x64C8] =	vst v2;
	v2 =	vshll.u32 v3, $0x1;
	v3 =	vld [tilespmem:$0x128]  }
0x3f: {  	v59 =	vld [tilespmem:$0x138];
	[tilespmem:$0x64D8] =	vst v2;
	v2 =	vshll.u32 v55, $0x1  }
0x40: {  	v60 =	vld [tilespmem:$0x148];
	[tilespmem:$0x64E8] =	vst v2;
	v2 =	vshll.u32 v56, $0x1  }
0x41: {  	v61 =	vld [tilespmem:$0x158];
	[tilespmem:$0x64F8] =	vst v2;
	v2 =	vshll.u32 v57, $0x1  }
0x42: {  	v62 =	vld [tilespmem:$0x168];
	[tilespmem:$0x6508] =	vst v2;
	v2 =	vshll.u32 v58, $0x1  }
0x43: {  	[tilespmem:$0x6518] =	vst v2;
	v2 =	vshll.u32 v3, $0x1;
	v3 =	vld [tilespmem:$0x178]  }
0x44: {  	v63 =	vld [tilespmem:$0x180];
	[tilespmem:$0x6528] =	vst v2;
	v2 =	vshll.u32 v59, $0x1  }
0x45: {  	[tilespmem:$0x6538] =	vst v2;
	v2 =	vshll.u32 v60, $0x1  }
0x46: {  	[tilespmem:$0x6548] =	vst v2;
	v2 =	vshll.u32 v61, $0x1  }
0x47: {  	[tilespmem:$0x6558] =	vst v2;
	v2 =	vshll.u32 v62, $0x1  }
0x48: {  	[tilespmem:$0x6568] =	vst v2;
	v2 =	vshll.u32 v3, $0x1  }
.Ltmp2:
0x49: {  	[tilespmem:$0x6578] =	vst v2;
	v2 =	vshll.u32 v63, $0x1;
	(pc) =	sbr.rel .LBB2_2-.Ltmp2, $4  }
0x4a: {  	[tilespmem:$0x6580] =	vst v2  }
0x4b: {  	[tilespmem:s16], [sflag:$0x1] =	stream.indirect.gather [hbm4b:s4+s9], $0x40, s15, s9, $0xb8;
	[tilespmem:$0x12F20] =	vst v63  }
0x4c: {  	s2 =	simm.s32 $0x0  }
0x4d: {  	[tilespmem:s18], [sflag:$0x1] =	stream.indirect.gather [hbm4b:s4+s12], $0x40, s17, s12, $0xb8;
	[tilespmem:$0x12F20] =	vst v63  }
.LBB2_22:
0x4e: {  	s2 =	sadd.s32 $0x1, s2  }
0x4f: {  	s0 =	sshll.u32 s6, $0x1;
	p0 =	sne.s32 s2, $0x20  }
.Ltmp3:
0x50: {  	s0 =	sadd.s32 s3, s0;
	(pc) =	sbr.rel @!p0 .LBB2_23-.Ltmp3, $3  }
0x51: {  	s0 =	smul.u32 $0xC80, s0;
	_ =	sdelay $0x1  }
0x52: {  	s0 =	sadd.s32 s5, s0  }
0x53: {  	[hbm4b:s0+s29] =	stream.strided.scatter [tilespmem:s20], [sflag:$0x4], $0x6400, s9, s29, $0x38;
	[tilespmem:$0x12F20] =	vst v63  }
.LBB2_2:
0x54: {  	p0 =	seq.s32 s2, $0x0  }
0x55: {  	s6 =	sshllo.u32 s2, $0x1;
	s0 =	simm.s32 @!p0 $0x4  }
0x56: {  	s1 =	smul.u32 $0x640, s6;
	_ =	swait.ge @!p0 [sflag:s0], $0x6400  }
0x57: {  	[sflag:s0] =	ssyncset.done @!p0 $0x0  }
0x58: {  	s7 =	sshra.s32 s1, $0x2;
	[sflag:s0] =	ssyncadd.s32 @!p0 $0xFFFF9C00  }
0x59: {  	v2 =	vld [tilespmem:s7+$0x0];
	_ =	sdelay $0x4  }
0x5a: {  	v2 =	vshll.u32 v2, $0x1  }
0x5b: {  	[tilespmem:$0x6590] =	vst v2  }
0x5c: {  	v2 =	vld [tilespmem:s7+$0x10];
	_ =	sdelay $0x4  }
0x5d: {  	v2 =	vshll.u32 v2, $0x1  }
0x5e: {  	[tilespmem:$0x65A0] =	vst v2  }
0x5f: {  	v2 =	vld [tilespmem:s7+$0x20];
	_ =	sdelay $0x4  }
0x60: {  	v2 =	vshll.u32 v2, $0x1  }
0x61: {  	[tilespmem:$0x65B0] =	vst v2  }
0x62: {  	v2 =	vld [tilespmem:s7+$0x30];
	_ =	sdelay $0x4  }
0x63: {  	v2 =	vshll.u32 v2, $0x1  }
0x64: {  	[tilespmem:$0x65C0] =	vst v2  }
0x65: {  	v2 =	vld [tilespmem:s7+$0x40];
	_ =	sdelay $0x4  }
0x66: {  	v2 =	vshll.u32 v2, $0x1  }
0x67: {  	[tilespmem:$0x65D0] =	vst v2  }
0x68: {  	v2 =	vld [tilespmem:s7+$0x50];
	_ =	sdelay $0x4  }
0x69: {  	v2 =	vshll.u32 v2, $0x1  }
0x6a: {  	[tilespmem:$0x65E0] =	vst v2  }
0x6b: {  	v2 =	vld [tilespmem:s7+$0x60];
	_ =	sdelay $0x4  }
0x6c: {  	v2 =	vshll.u32 v2, $0x1  }
0x6d: {  	[tilespmem:$0x65F0] =	vst v2  }
0x6e: {  	v2 =	vld [tilespmem:s7+$0x70];
	_ =	sdelay $0x4  }
0x6f: {  	v2 =	vshll.u32 v2, $0x1  }
0x70: {  	[tilespmem:$0x6600] =	vst v2  }
0x71: {  	v2 =	vld [tilespmem:s7+$0x80];
	_ =	sdelay $0x4  }
0x72: {  	v2 =	vshll.u32 v2, $0x1  }
0x73: {  	[tilespmem:$0x6610] =	vst v2  }
0x74: {  	v2 =	vld [tilespmem:s7+$0x90];
	_ =	sdelay $0x4  }
0x75: {  	v2 =	vshll.u32 v2, $0x1  }
0x76: {  	[tilespmem:$0x6620] =	vst v2  }
0x77: {  	v2 =	vld [tilespmem:s7+$0xA0];
	_ =	sdelay $0x4  }
0x78: {  	v2 =	vshll.u32 v2, $0x1  }
0x79: {  	[tilespmem:$0x6630] =	vst v2  }
0x7a: {  	v2 =	vld [tilespmem:s7+$0xB0];
	_ =	sdelay $0x4  }
0x7b: {  	v2 =	vshll.u32 v2, $0x1  }
0x7c: {  	[tilespmem:$0x6640] =	vst v2  }
0x7d: {  	v2 =	vld [tilespmem:s7+$0xB8];
	_ =	sdelay $0x4  }
0x7e: {  	v2 =	vshll.u32 v2, $0x1  }
0x7f: {  	[tilespmem:$0x6648] =	vst v2  }
0x80: {  	[tilespmem:s20], [sflag:$0x2] =	stream.indirect.gather [hbm4b:s4+s9], $0x40, s19, s9, $0xb8;
	[tilespmem:$0x12F20] =	vst v63  }
0x81: {  	_ = 	snop  }
0x82: {  	[tilespmem:s22], [sflag:$0x2] =	stream.indirect.gather [hbm4b:s4+s12], $0x40, s21, s12, $0xb8;
	[tilespmem:$0x12F20] =	vst v63  }
0x83: {  	v2 =	vld [tilespmem:s7+$0xC8];
	_ =	sdelay $0x4  }
0x84: {  	v2 =	vshll.u32 v2, $0x1  }
0x85: {  	[tilespmem:$0x6658] =	vst v2  }
0x86: {  	v2 =	vld [tilespmem:s7+$0xD8];
	_ =	sdelay $0x4  }
0x87: {  	v2 =	vshll.u32 v2, $0x1  }
0x88: {  	[tilespmem:$0x6668] =	vst v2  }
0x89: {  	v2 =	vld [tilespmem:s7+$0xE8];
	_ =	sdelay $0x4  }
0x8a: {  	v2 =	vshll.u32 v2, $0x1  }
0x8b: {  	[tilespmem:$0x6678] =	vst v2  }
0x8c: {  	v2 =	vld [tilespmem:s7+$0xF8];
	_ =	sdelay $0x4  }
0x8d: {  	v2 =	vshll.u32 v2, $0x1  }
0x8e: {  	[tilespmem:$0x6688] =	vst v2  }
0x8f: {  	v2 =	vld [tilespmem:s7+$0x108];
	_ =	sdelay $0x4  }
0x90: {  	v2 =	vshll.u32 v2, $0x1  }
0x91: {  	[tilespmem:$0x6698] =	vst v2  }
0x92: {  	v2 =	vld [tilespmem:s7+$0x118];
	_ =	sdelay $0x4  }
0x93: {  	v2 =	vshll.u32 v2, $0x1  }
0x94: {  	[tilespmem:$0x66A8] =	vst v2  }
0x95: {  	v2 =	vld [tilespmem:s7+$0x128];
	_ =	sdelay $0x4  }
0x96: {  	v2 =	vshll.u32 v2, $0x1  }
0x97: {  	[tilespmem:$0x66B8] =	vst v2  }
0x98: {  	v2 =	vld [tilespmem:s7+$0x138];
	_ =	sdelay $0x4  }
0x99: {  	v2 =	vshll.u32 v2, $0x1  }
0x9a: {  	[tilespmem:$0x66C8] =	vst v2  }
0x9b: {  	v2 =	vld [tilespmem:s7+$0x148];
	_ =	sdelay $0x4  }
0x9c: {  	v2 =	vshll.u32 v2, $0x1  }
0x9d: {  	[tilespmem:$0x66D8] =	vst v2  }
0x9e: {  	v2 =	vld [tilespmem:s7+$0x158];
	_ =	sdelay $0x4  }
0x9f: {  	v2 =	vshll.u32 v2, $0x1  }
0xa0: {  	[tilespmem:$0x66E8] =	vst v2  }
0xa1: {  	v2 =	vld [tilespmem:s7+$0x168];
	_ =	sdelay $0x4  }
0xa2: {  	v2 =	vshll.u32 v2, $0x1  }
0xa3: {  	[tilespmem:$0x66F8] =	vst v2  }
0xa4: {  	v2 =	vld [tilespmem:s7+$0x178];
	_ =	sdelay $0x4  }
0xa5: {  	v2 =	vshll.u32 v2, $0x1  }
0xa6: {  	[tilespmem:$0x6708] =	vst v2  }
0xa7: {  	v2 =	vld [tilespmem:s7+$0x180];
	_ =	sdelay $0x4  }
0xa8: {  	v2 =	vshll.u32 v2, $0x1  }
0xa9: {  	[tilespmem:$0x6710] =	vst v2  }
0xaa: {  	[tilespmem:s24], [sflag:$0x2] =	stream.indirect.gather [hbm4b:s4+s9], $0x40, s23, s9, $0xb8;
	[tilespmem:$0x12F20] =	vst v63  }
0xab: {  	_ = 	snop  }
0xac: {  	[tilespmem:s26], [sflag:$0x2] =	stream.indirect.gather [hbm4b:s4+s12], $0x40, s25, s12, $0xb8;
	[tilespmem:$0x12F20] =	vst v63  }
0xad: {  	_ =	swait.ge [sflag:s28], $0x2000  }
0xae: {  	[sflag:s28] =	ssyncset.done $0x0  }
0xaf: {  	[sflag:s28] =	ssyncadd.s32 $0xFFFFE000  }
0xb0: {  	_ =	swait.ge [sflag:s28], $0x1200  }
0xb1: {  	[sflag:s28] =	ssyncset.done $0x0  }
0xb2: {  	[sflag:s28] =	ssyncadd.s32 $0xFFFFEE00  }
0xb3: {  	_ =	swait.ge [sflag:s28], $0x2000  }
0xb4: {  	[sflag:s28] =	ssyncset.done $0x0  }
0xb5: {  	[sflag:s28] =	ssyncadd.s32 $0xFFFFE000  }
0xb6: {  	s10 =	smul.u32 $0xC80, s2;
	_ =	swait.ge [sflag:s28], $0x1200  }
0xb7: {  	[sflag:s28] =	ssyncset.done $0x0  }
0xb8: {  	s8 =	sshra.s32 s10, $0x2;
	[sflag:s28] =	ssyncadd.s32 $0xFFFFEE00  }
0xb9: {  	v2 =	vld [tilespmem:s8+$0x0]  }
0xba: {  	v3 =	vld [tilespmem:s8+$0x10];
	_ =	sdelay $0x1  }
0xbb: {  	v4 =	vld [tilespmem:s8+$0x20];
	_ =	sdelay $0x1  }
0xbc: {  	v5 =	vld [tilespmem:s8+$0x30]  }
0xbd: {  	vm0 =	vlt.s32 v2, v3  }
0xbe: {  	v2 =	vsel vm0, v2, v3;
	v3 =	vld [tilespmem:s8+$0x40]  }
0xbf: {  	vm0 =	vlt.s32 v2, v4  }
0xc0: {  	v50 =	vld [tilespmem:s8+$0x50];
	v2 =	vsel vm0, v2, v4  }
0xc1: {  	vm0 =	vlt.s32 v2, v5  }
0xc2: {  	v51 =	vld [tilespmem:s8+$0x60];
	v2 =	vsel vm0, v2, v5  }
0xc3: {  	vm0 =	vlt.s32 v2, v3  }
0xc4: {  	v2 =	vsel vm0, v2, v3;
	v3 =	vld [tilespmem:s8+$0x70]  }
0xc5: {  	vm0 =	vlt.s32 v2, v50  }
0xc6: {  	v52 =	vld [tilespmem:s8+$0x80];
	v2 =	vsel vm0, v2, v50  }
0xc7: {  	vm0 =	vlt.s32 v2, v51  }
0xc8: {  	v53 =	vld [tilespmem:s8+$0x90];
	v2 =	vsel vm0, v2, v51  }
0xc9: {  	vm0 =	vlt.s32 v2, v3  }
0xca: {  	v2 =	vsel vm0, v2, v3;
	v3 =	vld [tilespmem:s8+$0xA0]  }
0xcb: {  	vm0 =	vlt.s32 v2, v52  }
0xcc: {  	v54 =	vld [tilespmem:s8+$0xB0];
	v2 =	vsel vm0, v2, v52  }
0xcd: {  	vm0 =	vlt.s32 v2, v53  }
0xce: {  	v55 =	vld [tilespmem:s8+$0xB8];
	v2 =	vsel vm0, v2, v53  }
0xcf: {  	vm0 =	vlt.s32 v2, v3  }
0xd0: {  	v2 =	vsel vm0, v2, v3;
	v3 =	vld [tilespmem:s8+$0xC8]  }
0xd1: {  	vm0 =	vlt.s32 v2, v54  }
0xd2: {  	v56 =	vld [tilespmem:s8+$0xD8];
	v2 =	vsel vm0, v2, v54  }
0xd3: {  	vm0 =	vlt.s32 v2, v55  }
0xd4: {  	v57 =	vld [tilespmem:s8+$0xE8];
	v2 =	vsel vm0, v2, v55  }
0xd5: {  	vm0 =	vlt.s32 v2, v3  }
0xd6: {  	v2 =	vsel vm0, v2, v3;
	v3 =	vld [tilespmem:s8+$0xF8]  }
0xd7: {  	vm0 =	vlt.s32 v2, v56  }
0xd8: {  	v58 =	vld [tilespmem:s8+$0x108];
	v2 =	vsel vm0, v2, v56  }
0xd9: {  	vm0 =	vlt.s32 v2, v57  }
0xda: {  	v59 =	vld [tilespmem:s8+$0x118];
	v2 =	vsel vm0, v2, v57  }
0xdb: {  	vm0 =	vlt.s32 v2, v3  }
0xdc: {  	v2 =	vsel vm0, v2, v3;
	v3 =	vld [tilespmem:s8+$0x128]  }
0xdd: {  	vm0 =	vlt.s32 v2, v58  }
0xde: {  	v60 =	vld [tilespmem:s8+$0x138];
	v2 =	vsel vm0, v2, v58  }
0xdf: {  	vm0 =	vlt.s32 v2, v59  }
0xe0: {  	v61 =	vld [tilespmem:s8+$0x148];
	v2 =	vsel vm0, v2, v59  }
0xe1: {  	vm0 =	vlt.s32 v2, v3  }
0xe2: {  	v2 =	vsel vm0, v2, v3;
	v3 =	vld [tilespmem:s8+$0x158]  }
0xe3: {  	vm0 =	vlt.s32 v2, v60  }
0xe4: {  	v62 =	vld [tilespmem:s8+$0x168];
	v2 =	vsel vm0, v2, v60  }
0xe5: {  	vm0 =	vlt.s32 v2, v61  }
0xe6: {  	v63 =	vld [tilespmem:s8+$0x178];
	v2 =	vsel vm0, v2, v61  }
0xe7: {  	vm0 =	vlt.s32 v2, v3  }
0xe8: {  	v2 =	vsel vm0, v2, v3;
	v3 =	vld [tilespmem:s8+$0x180]  }
0xe9: {  	vm0 =	vlt.s32 v2, v62  }
0xea: {  	v2 =	vsel vm0, v2, v62  }
0xeb: {  	vm0 =	vlt.s32 v2, v63  }
0xec: {  	v2 =	vsel vm0, v2, v63  }
0xed: {  	vm0 =	vlt.s32 v2, v3  }
0xee: {  	v2 =	vsel vm0, v2, v3  }
0xef: {  	vm0 =	veq.s32 v2, $0x0  }
0xf0: {  	v2 =	vmpcnt.ones.xlane vm0;
	_ =	sdelay $0x1  }
0xf1: {  	(v2sf) =	vpush v2, $0x0;
	_ =	sdelay $0xe  }
0xf2: {  	s13 =	spop (v2sf)  }
0xf3: {  	p0 =	seq.s32 s13, $0x0  }
.Ltmp4:
0xf4: {  	_ = 	snop;
	(pc) =	sbr.rel @p0 .LBB2_11-.Ltmp4, $1  }
0xf5: {  	_ =	sdelay $0x3  }
.Ltmp5:
0xf6: {  	(pc) =	sbr.rel .LBB2_4-.Ltmp5, $2  }
0xf7: {  	_ =	sdelay $0x2  }
0xf8: {  	s0 =	sadd.s32 $0xC8, s8;
	s1 =	simm.s32 $0x0;
	v2 =	vmov s8  }
.LBB2_6:
0xf9: {  	s1 =	sadd.s32 $0x10, s1  }
0xfa: {  	p0 =	sne.s32 s1, $0xD0  }
.Ltmp6:
0xfb: {  	_ = 	snop;
	(pc) =	sbr.rel @!p0 .LBB2_7-.Ltmp6, $1  }
0xfc: {  	_ =	sdelay $0x3  }
.LBB2_4:
0xfd: {  	_ =	sdelay $0x2  }
0xfe: {  	s10 =	smin.u32 s1, $0xB8  }
0xff: {  	v3 =	vld.idx.msk [tilespmem:v2+s10+$0x0 ss:$0x1], $0xffff;
	_ =	sdelay $0x4  }
0x100: {  	vm0 =	veq.s32 v3, $0x0  }
0x101: {  	v3 =	vmpcnt.ones.xlane vm0;
	_ =	sdelay $0x1  }
0x102: {  	(v2sf) =	vpush v3, $0x0;
	_ =	sdelay $0xe  }
0x103: {  	s13 =	spop (v2sf)  }
0x104: {  	p0 =	seq.s32 s13, $0x0  }
.Ltmp7:
0x105: {  	_ = 	snop;
	(pc) =	sbr.rel @p0 .LBB2_6-.Ltmp7, $1  }
0x106: {  	_ =	sdelay $0x3  }
0x107: {  	v3 =	vmov s10  }
0x108: {  	v3 =	vshll.u32 v3, $0x6  }
0x109: {  	v3 =	vadd.s32 v0, v3  }
0x10a: {  	v4 =	vor.u32 $0x1, v3  }
0x10b: {  	v5 =	vor.u32 $0x2, v3  }
0x10c: {  	v6 =	vor.u32 $0x3, v3  }
0x10d: {  	v7 =	vor.u32 $0x4, v3  }
0x10e: {  	v8 =	vor.u32 $0x5, v3;
	[tilespmem:v3+s11+$0x0] =	vst.idx.msk vm0, v1  }
0x10f: {  	v59 =	vor.u32 $0x6, v3;
	[tilespmem:v4+s11+$0x0] =	vst.idx.msk vm0, v1  }
0x110: {  	v60 =	vor.u32 $0x7, v3;
	[tilespmem:v5+s11+$0x0] =	vst.idx.msk vm0, v1  }
0x111: {  	v61 =	vor.u32 $0x8, v3;
	[tilespmem:v6+s11+$0x0] =	vst.idx.msk vm0, v1  }
0x112: {  	v62 =	vor.u32 $0x9, v3;
	[tilespmem:v7+s11+$0x0] =	vst.idx.msk vm0, v1  }
0x113: {  	v63 =	vor.u32 $0xA, v3;
	[tilespmem:v8+s11+$0x0] =	vst.idx.msk vm0, v1  }
0x114: {  	v12 =	vor.u32 $0xB, v3;
	[tilespmem:v59+s11+$0x0] =	vst.idx.msk vm0, v1  }
0x115: {  	v13 =	vor.u32 $0xC, v3;
	[tilespmem:v60+s11+$0x0] =	vst.idx.msk vm0, v1  }
0x116: {  	v14 =	vor.u32 $0xD, v3;
	[tilespmem:v61+s11+$0x0] =	vst.idx.msk vm0, v1  }
0x117: {  	v15 =	vor.u32 $0xE, v3;
	[tilespmem:v62+s11+$0x0] =	vst.idx.msk vm0, v1  }
0x118: {  	v16 =	vor.u32 $0xF, v3;
	[tilespmem:v63+s11+$0x0] =	vst.idx.msk vm0, v1  }
0x119: {  	v17 =	vor.u32 $0x10, v3;
	[tilespmem:v12+s11+$0x0] =	vst.idx.msk vm0, v1  }
0x11a: {  	v18 =	vor.u32 $0x11, v3;
	[tilespmem:v13+s11+$0x0] =	vst.idx.msk vm0, v1  }
0x11b: {  	v19 =	vor.u32 $0x12, v3;
	[tilespmem:v14+s11+$0x0] =	vst.idx.msk vm0, v1  }
0x11c: {  	v20 =	vor.u32 $0x13, v3;
	[tilespmem:v15+s11+$0x0] =	vst.idx.msk vm0, v1  }
0x11d: {  	v21 =	vor.u32 $0x14, v3;
	[tilespmem:v16+s11+$0x0] =	vst.idx.msk vm0, v1  }
0x11e: {  	v22 =	vor.u32 $0x15, v3;
	[tilespmem:v17+s11+$0x0] =	vst.idx.msk vm0, v1  }
0x11f: {  	v23 =	vor.u32 $0x16, v3;
	[tilespmem:v18+s11+$0x0] =	vst.idx.msk vm0, v1  }
0x120: {  	v24 =	vor.u32 $0x17, v3;
	[tilespmem:v19+s11+$0x0] =	vst.idx.msk vm0, v1  }
0x121: {  	v25 =	vor.u32 $0x18, v3;
	[tilespmem:v20+s11+$0x0] =	vst.idx.msk vm0, v1  }
0x122: {  	v26 =	vor.u32 $0x19, v3;
	[tilespmem:v21+s11+$0x0] =	vst.idx.msk vm0, v1  }
0x123: {  	v27 =	vor.u32 $0x1A, v3;
	[tilespmem:v22+s11+$0x0] =	vst.idx.msk vm0, v1  }
0x124: {  	v28 =	vor.u32 $0x1B, v3;
	[tilespmem:v23+s11+$0x0] =	vst.idx.msk vm0, v1  }
0x125: {  	v29 =	vor.u32 $0x1C, v3;
	[tilespmem:v24+s11+$0x0] =	vst.idx.msk vm0, v1  }
0x126: {  	v30 =	vor.u32 $0x1D, v3;
	[tilespmem:v25+s11+$0x0] =	vst.idx.msk vm0, v1  }
0x127: {  	v31 =	vor.u32 $0x1E, v3;
	[tilespmem:v26+s11+$0x0] =	vst.idx.msk vm0, v1  }
0x128: {  	v32 =	vor.u32 $0x1F, v3;
	[tilespmem:v27+s11+$0x0] =	vst.idx.msk vm0, v1  }
0x129: {  	v33 =	vor.u32 $0x20, v3;
	[tilespmem:v28+s11+$0x0] =	vst.idx.msk vm0, v1  }
0x12a: {  	v34 =	vor.u32 $0x21, v3;
	[tilespmem:v29+s11+$0x0] =	vst.idx.msk vm0, v1  }
0x12b: {  	v35 =	vor.u32 $0x22, v3;
	[tilespmem:v30+s11+$0x0] =	vst.idx.msk vm0, v1  }
0x12c: {  	v36 =	vor.u32 $0x23, v3;
	[tilespmem:v31+s11+$0x0] =	vst.idx.msk vm0, v1  }
0x12d: {  	v37 =	vor.u32 $0x24, v3;
	[tilespmem:v32+s11+$0x0] =	vst.idx.msk vm0, v1  }
0x12e: {  	v38 =	vor.u32 $0x25, v3;
	[tilespmem:v33+s11+$0x0] =	vst.idx.msk vm0, v1  }
0x12f: {  	v39 =	vor.u32 $0x26, v3;
	[tilespmem:v34+s11+$0x0] =	vst.idx.msk vm0, v1  }
0x130: {  	v40 =	vor.u32 $0x27, v3;
	[tilespmem:v35+s11+$0x0] =	vst.idx.msk vm0, v1  }
0x131: {  	v41 =	vor.u32 $0x28, v3;
	[tilespmem:v36+s11+$0x0] =	vst.idx.msk vm0, v1  }
0x132: {  	v42 =	vor.u32 $0x29, v3;
	[tilespmem:v37+s11+$0x0] =	vst.idx.msk vm0, v1  }
0x133: {  	v43 =	vor.u32 $0x2A, v3;
	[tilespmem:v38+s11+$0x0] =	vst.idx.msk vm0, v1  }
0x134: {  	v44 =	vor.u32 $0x2B, v3;
	[tilespmem:v39+s11+$0x0] =	vst.idx.msk vm0, v1  }
0x135: {  	v45 =	vor.u32 $0x2C, v3;
	[tilespmem:v40+s11+$0x0] =	vst.idx.msk vm0, v1  }
0x136: {  	v46 =	vor.u32 $0x2D, v3;
	[tilespmem:v41+s11+$0x0] =	vst.idx.msk vm0, v1  }
0x137: {  	v47 =	vor.u32 $0x2E, v3;
	[tilespmem:v42+s11+$0x0] =	vst.idx.msk vm0, v1  }
0x138: {  	v48 =	vor.u32 $0x2F, v3;
	[tilespmem:v43+s11+$0x0] =	vst.idx.msk vm0, v1  }
0x139: {  	v49 =	vor.u32 $0x30, v3;
	[tilespmem:v44+s11+$0x0] =	vst.idx.msk vm0, v1  }
0x13a: {  	v50 =	vor.u32 $0x31, v3;
	[tilespmem:v45+s11+$0x0] =	vst.idx.msk vm0, v1  }
0x13b: {  	v51 =	vor.u32 $0x32, v3;
	[tilespmem:v46+s11+$0x0] =	vst.idx.msk vm0, v1  }
0x13c: {  	v52 =	vor.u32 $0x33, v3;
	[tilespmem:v47+s11+$0x0] =	vst.idx.msk vm0, v1  }
0x13d: {  	v53 =	vor.u32 $0x34, v3;
	[tilespmem:v48+s11+$0x0] =	vst.idx.msk vm0, v1  }
0x13e: {  	v54 =	vor.u32 $0x35, v3;
	[tilespmem:v49+s11+$0x0] =	vst.idx.msk vm0, v1  }
0x13f: {  	v55 =	vor.u32 $0x36, v3;
	[tilespmem:v50+s11+$0x0] =	vst.idx.msk vm0, v1  }
0x140: {  	v56 =	vor.u32 $0x37, v3;
	[tilespmem:v51+s11+$0x0] =	vst.idx.msk vm0, v1  }
0x141: {  	v57 =	vor.u32 $0x38, v3;
	[tilespmem:v52+s11+$0x0] =	vst.idx.msk vm0, v1  }
0x142: {  	v58 =	vor.u32 $0x39, v3;
	[tilespmem:v53+s11+$0x0] =	vst.idx.msk vm0, v1  }
0x143: {  	v59 =	vor.u32 $0x3A, v3;
	[tilespmem:v54+s11+$0x0] =	vst.idx.msk vm0, v1  }
0x144: {  	v60 =	vor.u32 $0x3B, v3;
	[tilespmem:v55+s11+$0x0] =	vst.idx.msk vm0, v1  }
0x145: {  	v61 =	vor.u32 $0x3C, v3;
	[tilespmem:v56+s11+$0x0] =	vst.idx.msk vm0, v1  }
0x146: {  	v62 =	vor.u32 $0x3D, v3;
	[tilespmem:v57+s11+$0x0] =	vst.idx.msk vm0, v1  }
0x147: {  	v63 =	vor.u32 $0x3E, v3;
	[tilespmem:v58+s11+$0x0] =	vst.idx.msk vm0, v1  }
0x148: {  	v3 =	vor.u32 $0x3F, v3;
	[tilespmem:v59+s11+$0x0] =	vst.idx.msk vm0, v1  }
.Ltmp8:
0x149: {  	[tilespmem:v60+s11+$0x0] =	vst.idx.msk vm0, v1;
	(pc) =	sbr.rel .LBB2_6-.Ltmp8, $4  }
0x14a: {  	[tilespmem:v61+s11+$0x0] =	vst.idx.msk vm0, v1  }
0x14b: {  	[tilespmem:v62+s11+$0x0] =	vst.idx.msk vm0, v1  }
0x14c: {  	[tilespmem:v63+s11+$0x0] =	vst.idx.msk vm0, v1  }
0x14d: {  	[tilespmem:v3+s11+$0x0] =	vst.idx.msk vm0, v1  }
.LBB2_7:
.Ltmp9:
0x14e: {  	(pc) =	sbr.rel .LBB2_8-.Ltmp9, $2  }
0x14f: {  	_ =	sdelay $0x2  }
0x150: {  	s1 =	simm.s32 $0x0;
	v2 =	vmov s0  }
.LBB2_10:
0x151: {  	s1 =	sadd.s32 $0x10, s1  }
0x152: {  	p0 =	sne.s32 s1, $0xD0  }
.Ltmp10:
0x153: {  	_ = 	snop;
	(pc) =	sbr.rel @!p0 .LBB2_11-.Ltmp10, $1  }
0x154: {  	_ =	sdelay $0x3  }
.LBB2_8:
0x155: {  	_ =	sdelay $0x2  }
0x156: {  	s0 =	smin.u32 s1, $0xB8  }
0x157: {  	v3 =	vld.idx.msk [tilespmem:v2+s0+$0x0 ss:$0x1], $0xffff;
	_ =	sdelay $0x4  }
0x158: {  	vm0 =	veq.s32 v3, $0x0  }
0x159: {  	v3 =	vmpcnt.ones.xlane vm0;
	_ =	sdelay $0x1  }
0x15a: {  	(v2sf) =	vpush v3, $0x0;
	_ =	sdelay $0xe  }
0x15b: {  	s10 =	spop (v2sf)  }
0x15c: {  	p0 =	seq.s32 s10, $0x0  }
.Ltmp11:
0x15d: {  	_ = 	snop;
	(pc) =	sbr.rel @p0 .LBB2_10-.Ltmp11, $1  }
0x15e: {  	_ =	sdelay $0x3  }
0x15f: {  	v3 =	vmov s0  }
0x160: {  	v3 =	vshll.u32 v3, $0x6  }
0x161: {  	v3 =	vadd.s32 v0, v3  }
0x162: {  	v4 =	vor.u32 $0x1, v3  }
0x163: {  	v5 =	vor.u32 $0x2, v3  }
0x164: {  	v6 =	vor.u32 $0x3, v3  }
0x165: {  	v7 =	vor.u32 $0x4, v3  }
0x166: {  	v8 =	vor.u32 $0x5, v3;
	[tilespmem:v3+s16+$0x0] =	vst.idx.msk vm0, v1  }
0x167: {  	v59 =	vor.u32 $0x6, v3;
	[tilespmem:v4+s16+$0x0] =	vst.idx.msk vm0, v1  }
0x168: {  	v60 =	vor.u32 $0x7, v3;
	[tilespmem:v5+s16+$0x0] =	vst.idx.msk vm0, v1  }
0x169: {  	v61 =	vor.u32 $0x8, v3;
	[tilespmem:v6+s16+$0x0] =	vst.idx.msk vm0, v1  }
0x16a: {  	v62 =	vor.u32 $0x9, v3;
	[tilespmem:v7+s16+$0x0] =	vst.idx.msk vm0, v1  }
0x16b: {  	v63 =	vor.u32 $0xA, v3;
	[tilespmem:v8+s16+$0x0] =	vst.idx.msk vm0, v1  }
0x16c: {  	v12 =	vor.u32 $0xB, v3;
	[tilespmem:v59+s16+$0x0] =	vst.idx.msk vm0, v1  }
0x16d: {  	v13 =	vor.u32 $0xC, v3;
	[tilespmem:v60+s16+$0x0] =	vst.idx.msk vm0, v1  }
0x16e: {  	v14 =	vor.u32 $0xD, v3;
	[tilespmem:v61+s16+$0x0] =	vst.idx.msk vm0, v1  }
0x16f: {  	v15 =	vor.u32 $0xE, v3;
	[tilespmem:v62+s16+$0x0] =	vst.idx.msk vm0, v1  }
0x170: {  	v16 =	vor.u32 $0xF, v3;
	[tilespmem:v63+s16+$0x0] =	vst.idx.msk vm0, v1  }
0x171: {  	v17 =	vor.u32 $0x10, v3;
	[tilespmem:v12+s16+$0x0] =	vst.idx.msk vm0, v1  }
0x172: {  	v18 =	vor.u32 $0x11, v3;
	[tilespmem:v13+s16+$0x0] =	vst.idx.msk vm0, v1  }
0x173: {  	v19 =	vor.u32 $0x12, v3;
	[tilespmem:v14+s16+$0x0] =	vst.idx.msk vm0, v1  }
0x174: {  	v20 =	vor.u32 $0x13, v3;
	[tilespmem:v15+s16+$0x0] =	vst.idx.msk vm0, v1  }
0x175: {  	v21 =	vor.u32 $0x14, v3;
	[tilespmem:v16+s16+$0x0] =	vst.idx.msk vm0, v1  }
0x176: {  	v22 =	vor.u32 $0x15, v3;
	[tilespmem:v17+s16+$0x0] =	vst.idx.msk vm0, v1  }
0x177: {  	v23 =	vor.u32 $0x16, v3;
	[tilespmem:v18+s16+$0x0] =	vst.idx.msk vm0, v1  }
0x178: {  	v24 =	vor.u32 $0x17, v3;
	[tilespmem:v19+s16+$0x0] =	vst.idx.msk vm0, v1  }
0x179: {  	v25 =	vor.u32 $0x18, v3;
	[tilespmem:v20+s16+$0x0] =	vst.idx.msk vm0, v1  }
0x17a: {  	v26 =	vor.u32 $0x19, v3;
	[tilespmem:v21+s16+$0x0] =	vst.idx.msk vm0, v1  }
0x17b: {  	v27 =	vor.u32 $0x1A, v3;
	[tilespmem:v22+s16+$0x0] =	vst.idx.msk vm0, v1  }
0x17c: {  	v28 =	vor.u32 $0x1B, v3;
	[tilespmem:v23+s16+$0x0] =	vst.idx.msk vm0, v1  }
0x17d: {  	v29 =	vor.u32 $0x1C, v3;
	[tilespmem:v24+s16+$0x0] =	vst.idx.msk vm0, v1  }
0x17e: {  	v30 =	vor.u32 $0x1D, v3;
	[tilespmem:v25+s16+$0x0] =	vst.idx.msk vm0, v1  }
0x17f: {  	v31 =	vor.u32 $0x1E, v3;
	[tilespmem:v26+s16+$0x0] =	vst.idx.msk vm0, v1  }
0x180: {  	v32 =	vor.u32 $0x1F, v3;
	[tilespmem:v27+s16+$0x0] =	vst.idx.msk vm0, v1  }
0x181: {  	v33 =	vor.u32 $0x20, v3;
	[tilespmem:v28+s16+$0x0] =	vst.idx.msk vm0, v1  }
0x182: {  	v34 =	vor.u32 $0x21, v3;
	[tilespmem:v29+s16+$0x0] =	vst.idx.msk vm0, v1  }
0x183: {  	v35 =	vor.u32 $0x22, v3;
	[tilespmem:v30+s16+$0x0] =	vst.idx.msk vm0, v1  }
0x184: {  	v36 =	vor.u32 $0x23, v3;
	[tilespmem:v31+s16+$0x0] =	vst.idx.msk vm0, v1  }
0x185: {  	v37 =	vor.u32 $0x24, v3;
	[tilespmem:v32+s16+$0x0] =	vst.idx.msk vm0, v1  }
0x186: {  	v38 =	vor.u32 $0x25, v3;
	[tilespmem:v33+s16+$0x0] =	vst.idx.msk vm0, v1  }
0x187: {  	v39 =	vor.u32 $0x26, v3;
	[tilespmem:v34+s16+$0x0] =	vst.idx.msk vm0, v1  }
0x188: {  	v40 =	vor.u32 $0x27, v3;
	[tilespmem:v35+s16+$0x0] =	vst.idx.msk vm0, v1  }
0x189: {  	v41 =	vor.u32 $0x28, v3;
	[tilespmem:v36+s16+$0x0] =	vst.idx.msk vm0, v1  }
0x18a: {  	v42 =	vor.u32 $0x29, v3;
	[tilespmem:v37+s16+$0x0] =	vst.idx.msk vm0, v1  }
0x18b: {  	v43 =	vor.u32 $0x2A, v3;
	[tilespmem:v38+s16+$0x0] =	vst.idx.msk vm0, v1  }
0x18c: {  	v44 =	vor.u32 $0x2B, v3;
	[tilespmem:v39+s16+$0x0] =	vst.idx.msk vm0, v1  }
0x18d: {  	v45 =	vor.u32 $0x2C, v3;
	[tilespmem:v40+s16+$0x0] =	vst.idx.msk vm0, v1  }
0x18e: {  	v46 =	vor.u32 $0x2D, v3;
	[tilespmem:v41+s16+$0x0] =	vst.idx.msk vm0, v1  }
0x18f: {  	v47 =	vor.u32 $0x2E, v3;
	[tilespmem:v42+s16+$0x0] =	vst.idx.msk vm0, v1  }
0x190: {  	v48 =	vor.u32 $0x2F, v3;
	[tilespmem:v43+s16+$0x0] =	vst.idx.msk vm0, v1  }
0x191: {  	v49 =	vor.u32 $0x30, v3;
	[tilespmem:v44+s16+$0x0] =	vst.idx.msk vm0, v1  }
0x192: {  	v50 =	vor.u32 $0x31, v3;
	[tilespmem:v45+s16+$0x0] =	vst.idx.msk vm0, v1  }
0x193: {  	v51 =	vor.u32 $0x32, v3;
	[tilespmem:v46+s16+$0x0] =	vst.idx.msk vm0, v1  }
0x194: {  	v52 =	vor.u32 $0x33, v3;
	[tilespmem:v47+s16+$0x0] =	vst.idx.msk vm0, v1  }
0x195: {  	v53 =	vor.u32 $0x34, v3;
	[tilespmem:v48+s16+$0x0] =	vst.idx.msk vm0, v1  }
0x196: {  	v54 =	vor.u32 $0x35, v3;
	[tilespmem:v49+s16+$0x0] =	vst.idx.msk vm0, v1  }
0x197: {  	v55 =	vor.u32 $0x36, v3;
	[tilespmem:v50+s16+$0x0] =	vst.idx.msk vm0, v1  }
0x198: {  	v56 =	vor.u32 $0x37, v3;
	[tilespmem:v51+s16+$0x0] =	vst.idx.msk vm0, v1  }
0x199: {  	v57 =	vor.u32 $0x38, v3;
	[tilespmem:v52+s16+$0x0] =	vst.idx.msk vm0, v1  }
0x19a: {  	v58 =	vor.u32 $0x39, v3;
	[tilespmem:v53+s16+$0x0] =	vst.idx.msk vm0, v1  }
0x19b: {  	v59 =	vor.u32 $0x3A, v3;
	[tilespmem:v54+s16+$0x0] =	vst.idx.msk vm0, v1  }
0x19c: {  	v60 =	vor.u32 $0x3B, v3;
	[tilespmem:v55+s16+$0x0] =	vst.idx.msk vm0, v1  }
0x19d: {  	v61 =	vor.u32 $0x3C, v3;
	[tilespmem:v56+s16+$0x0] =	vst.idx.msk vm0, v1  }
0x19e: {  	v62 =	vor.u32 $0x3D, v3;
	[tilespmem:v57+s16+$0x0] =	vst.idx.msk vm0, v1  }
0x19f: {  	v63 =	vor.u32 $0x3E, v3;
	[tilespmem:v58+s16+$0x0] =	vst.idx.msk vm0, v1  }
0x1a0: {  	v3 =	vor.u32 $0x3F, v3;
	[tilespmem:v59+s16+$0x0] =	vst.idx.msk vm0, v1  }
.Ltmp12:
0x1a1: {  	[tilespmem:v60+s16+$0x0] =	vst.idx.msk vm0, v1;
	(pc) =	sbr.rel .LBB2_10-.Ltmp12, $4  }
0x1a2: {  	[tilespmem:v61+s16+$0x0] =	vst.idx.msk vm0, v1  }
0x1a3: {  	[tilespmem:v62+s16+$0x0] =	vst.idx.msk vm0, v1  }
0x1a4: {  	[tilespmem:v63+s16+$0x0] =	vst.idx.msk vm0, v1  }
0x1a5: {  	[tilespmem:v3+s16+$0x0] =	vst.idx.msk vm0, v1  }
.LBB2_11:
0x1a6: {  	s0 =	sshll.u32 s2, $0x2;
	p0 =	sgt.u32 s6, $0x3E  }
.Ltmp13:
0x1a7: {  	s0 =	sadd.s32 s3, s0;
	(pc) =	sbr.rel @p0 .LBB2_13-.Ltmp13, $3  }
0x1a8: {  	s0 =	smul.u32 $0xC80, s0;
	_ =	sdelay $0x1  }
0x1a9: {  	s0 =	sadd.s32 s5, s0  }
0x1aa: {  	[hbm4b:s0+s29] =	stream.strided.scatter [tilespmem:s11], [sflag:$0x3], $0x6400, s9, s29, $0x38;
	[tilespmem:$0x12F20] =	vst v63  }
0x1ab: {  	_ =	swait.ge [sflag:s30], $0x6400  }
0x1ac: {  	[sflag:s30] =	ssyncset.done $0x0  }
0x1ad: {  	[sflag:s30] =	ssyncadd.s32 $0xFFFF9C00  }
0x1ae: {  	v2 =	vld [tilespmem:s8+$0x320];
	_ =	sdelay $0x4  }
0x1af: {  	v2 =	vshll.u32 v2, $0x1  }
0x1b0: {  	[tilespmem:$0x6400] =	vst v2  }
0x1b1: {  	v2 =	vld [tilespmem:s8+$0x330];
	_ =	sdelay $0x4  }
0x1b2: {  	v2 =	vshll.u32 v2, $0x1  }
0x1b3: {  	[tilespmem:$0x6410] =	vst v2  }
0x1b4: {  	v2 =	vld [tilespmem:s8+$0x340];
	_ =	sdelay $0x4  }
0x1b5: {  	v2 =	vshll.u32 v2, $0x1  }
0x1b6: {  	[tilespmem:$0x6420] =	vst v2  }
0x1b7: {  	v2 =	vld [tilespmem:s8+$0x350];
	_ =	sdelay $0x4  }
0x1b8: {  	v2 =	vshll.u32 v2, $0x1  }
0x1b9: {  	[tilespmem:$0x6430] =	vst v2  }
0x1ba: {  	v2 =	vld [tilespmem:s8+$0x360];
	_ =	sdelay $0x4  }
0x1bb: {  	v2 =	vshll.u32 v2, $0x1  }
0x1bc: {  	[tilespmem:$0x6440] =	vst v2  }
0x1bd: {  	v2 =	vld [tilespmem:s8+$0x370];
	_ =	sdelay $0x4  }
0x1be: {  	v2 =	vshll.u32 v2, $0x1  }
0x1bf: {  	[tilespmem:$0x6450] =	vst v2  }
0x1c0: {  	v2 =	vld [tilespmem:s8+$0x380];
	_ =	sdelay $0x4  }
0x1c1: {  	v2 =	vshll.u32 v2, $0x1  }
0x1c2: {  	[tilespmem:$0x6460] =	vst v2  }
0x1c3: {  	v2 =	vld [tilespmem:s8+$0x390];
	_ =	sdelay $0x4  }
0x1c4: {  	v2 =	vshll.u32 v2, $0x1  }
0x1c5: {  	[tilespmem:$0x6470] =	vst v2  }
0x1c6: {  	v2 =	vld [tilespmem:s8+$0x3A0];
	_ =	sdelay $0x4  }
0x1c7: {  	v2 =	vshll.u32 v2, $0x1  }
0x1c8: {  	[tilespmem:$0x6480] =	vst v2  }
0x1c9: {  	v2 =	vld [tilespmem:s8+$0x3B0];
	_ =	sdelay $0x4  }
0x1ca: {  	v2 =	vshll.u32 v2, $0x1  }
0x1cb: {  	[tilespmem:$0x6490] =	vst v2  }
0x1cc: {  	v2 =	vld [tilespmem:s8+$0x3C0];
	_ =	sdelay $0x4  }
0x1cd: {  	v2 =	vshll.u32 v2, $0x1  }
0x1ce: {  	[tilespmem:$0x64A0] =	vst v2  }
0x1cf: {  	v2 =	vld [tilespmem:s8+$0x3D0];
	_ =	sdelay $0x4  }
0x1d0: {  	v2 =	vshll.u32 v2, $0x1  }
0x1d1: {  	[tilespmem:$0x64B0] =	vst v2  }
0x1d2: {  	v2 =	vld [tilespmem:s8+$0x3D8];
	_ =	sdelay $0x4  }
0x1d3: {  	v2 =	vshll.u32 v2, $0x1  }
0x1d4: {  	s0 =	simm.s32 $0x6400;
	[tilespmem:$0x64B8] =	vst v2  }
0x1d5: {  	[tilespmem:s11], [sflag:$0x1] =	stream.indirect.gather [hbm4b:s4+s9], $0x40, s0, s9, $0xb8;
	[tilespmem:$0x12F20] =	vst v63  }
0x1d6: {  	s13 =	simm.s32 $0x6480  }
0x1d7: {  	[tilespmem:s14], [sflag:$0x1] =	stream.indirect.gather [hbm4b:s4+s12], $0x40, s13, s12, $0xb8;
	[tilespmem:$0x12F20] =	vst v63  }
0x1d8: {  	v2 =	vld [tilespmem:s8+$0x3E8];
	_ =	sdelay $0x4  }
0x1d9: {  	v2 =	vshll.u32 v2, $0x1  }
0x1da: {  	[tilespmem:$0x64C8] =	vst v2  }
0x1db: {  	v2 =	vld [tilespmem:s8+$0x3F8];
	_ =	sdelay $0x4  }
0x1dc: {  	v2 =	vshll.u32 v2, $0x1  }
0x1dd: {  	[tilespmem:$0x64D8] =	vst v2  }
0x1de: {  	v2 =	vld [tilespmem:s8+$0x408];
	_ =	sdelay $0x4  }
0x1df: {  	v2 =	vshll.u32 v2, $0x1  }
0x1e0: {  	[tilespmem:$0x64E8] =	vst v2  }
0x1e1: {  	v2 =	vld [tilespmem:s8+$0x418];
	_ =	sdelay $0x4  }
0x1e2: {  	v2 =	vshll.u32 v2, $0x1  }
0x1e3: {  	[tilespmem:$0x64F8] =	vst v2  }
0x1e4: {  	v2 =	vld [tilespmem:s8+$0x428];
	_ =	sdelay $0x4  }
0x1e5: {  	v2 =	vshll.u32 v2, $0x1  }
0x1e6: {  	[tilespmem:$0x6508] =	vst v2  }
0x1e7: {  	v2 =	vld [tilespmem:s8+$0x438];
	_ =	sdelay $0x4  }
0x1e8: {  	v2 =	vshll.u32 v2, $0x1  }
0x1e9: {  	[tilespmem:$0x6518] =	vst v2  }
0x1ea: {  	v2 =	vld [tilespmem:s8+$0x448];
	_ =	sdelay $0x4  }
0x1eb: {  	v2 =	vshll.u32 v2, $0x1  }
0x1ec: {  	[tilespmem:$0x6528] =	vst v2  }
0x1ed: {  	v2 =	vld [tilespmem:s8+$0x458];
	_ =	sdelay $0x4  }
0x1ee: {  	v2 =	vshll.u32 v2, $0x1  }
0x1ef: {  	[tilespmem:$0x6538] =	vst v2  }
0x1f0: {  	v2 =	vld [tilespmem:s8+$0x468];
	_ =	sdelay $0x4  }
0x1f1: {  	v2 =	vshll.u32 v2, $0x1  }
0x1f2: {  	[tilespmem:$0x6548] =	vst v2  }
0x1f3: {  	v2 =	vld [tilespmem:s8+$0x478];
	_ =	sdelay $0x4  }
0x1f4: {  	v2 =	vshll.u32 v2, $0x1  }
0x1f5: {  	[tilespmem:$0x6558] =	vst v2  }
0x1f6: {  	v2 =	vld [tilespmem:s8+$0x488];
	_ =	sdelay $0x4  }
0x1f7: {  	v2 =	vshll.u32 v2, $0x1  }
0x1f8: {  	[tilespmem:$0x6568] =	vst v2  }
0x1f9: {  	v2 =	vld [tilespmem:s8+$0x498];
	_ =	sdelay $0x4  }
0x1fa: {  	v2 =	vshll.u32 v2, $0x1  }
0x1fb: {  	[tilespmem:$0x6578] =	vst v2  }
0x1fc: {  	v2 =	vld [tilespmem:s8+$0x4A0];
	_ =	sdelay $0x4  }
0x1fd: {  	v2 =	vshll.u32 v2, $0x1  }
0x1fe: {  	[tilespmem:$0x6580] =	vst v2  }
0x1ff: {  	[tilespmem:s16], [sflag:$0x1] =	stream.indirect.gather [hbm4b:s4+s9], $0x40, s15, s9, $0xb8;
	[tilespmem:$0x12F20] =	vst v63  }
0x200: {  	_ = 	snop  }
0x201: {  	[tilespmem:s18], [sflag:$0x1] =	stream.indirect.gather [hbm4b:s4+s12], $0x40, s17, s12, $0xb8;
	[tilespmem:$0x12F20] =	vst v63  }
.LBB2_13:
0x202: {  	_ =	swait.ge [sflag:s31], $0x2000  }
0x203: {  	[sflag:s31] =	ssyncset.done $0x0  }
0x204: {  	[sflag:s31] =	ssyncadd.s32 $0xFFFFE000  }
0x205: {  	_ =	swait.ge [sflag:s31], $0x1200  }
0x206: {  	[sflag:s31] =	ssyncset.done $0x0  }
0x207: {  	[sflag:s31] =	ssyncadd.s32 $0xFFFFEE00  }
0x208: {  	_ =	swait.ge [sflag:s31], $0x2000  }
0x209: {  	[sflag:s31] =	ssyncset.done $0x0  }
0x20a: {  	[sflag:s31] =	ssyncadd.s32 $0xFFFFE000  }
0x20b: {  	_ =	swait.ge [sflag:s31], $0x1200  }
0x20c: {  	[sflag:s31] =	ssyncset.done $0x0  }
0x20d: {  	[sflag:s31] =	ssyncadd.s32 $0xFFFFEE00  }
0x20e: {  	v2 =	vld [tilespmem:s7+$0x0]  }
0x20f: {  	v3 =	vld [tilespmem:s7+$0x10];
	_ =	sdelay $0x1  }
0x210: {  	v4 =	vld [tilespmem:s7+$0x20];
	_ =	sdelay $0x1  }
0x211: {  	v5 =	vld [tilespmem:s7+$0x30]  }
0x212: {  	vm0 =	vlt.s32 v2, v3  }
0x213: {  	v2 =	vsel vm0, v2, v3;
	v3 =	vld [tilespmem:s7+$0x40]  }
0x214: {  	vm0 =	vlt.s32 v2, v4  }
0x215: {  	v50 =	vld [tilespmem:s7+$0x50];
	v2 =	vsel vm0, v2, v4  }
0x216: {  	vm0 =	vlt.s32 v2, v5  }
0x217: {  	v51 =	vld [tilespmem:s7+$0x60];
	v2 =	vsel vm0, v2, v5  }
0x218: {  	vm0 =	vlt.s32 v2, v3  }
0x219: {  	v2 =	vsel vm0, v2, v3;
	v3 =	vld [tilespmem:s7+$0x70]  }
0x21a: {  	vm0 =	vlt.s32 v2, v50  }
0x21b: {  	v52 =	vld [tilespmem:s7+$0x80];
	v2 =	vsel vm0, v2, v50  }
0x21c: {  	vm0 =	vlt.s32 v2, v51  }
0x21d: {  	v53 =	vld [tilespmem:s7+$0x90];
	v2 =	vsel vm0, v2, v51  }
0x21e: {  	vm0 =	vlt.s32 v2, v3  }
0x21f: {  	v2 =	vsel vm0, v2, v3;
	v3 =	vld [tilespmem:s7+$0xA0]  }
0x220: {  	vm0 =	vlt.s32 v2, v52  }
0x221: {  	v54 =	vld [tilespmem:s7+$0xB0];
	v2 =	vsel vm0, v2, v52  }
0x222: {  	vm0 =	vlt.s32 v2, v53  }
0x223: {  	v55 =	vld [tilespmem:s7+$0xB8];
	v2 =	vsel vm0, v2, v53  }
0x224: {  	vm0 =	vlt.s32 v2, v3  }
0x225: {  	v2 =	vsel vm0, v2, v3;
	v3 =	vld [tilespmem:s7+$0xC8]  }
0x226: {  	vm0 =	vlt.s32 v2, v54  }
0x227: {  	v56 =	vld [tilespmem:s7+$0xD8];
	v2 =	vsel vm0, v2, v54  }
0x228: {  	vm0 =	vlt.s32 v2, v55  }
0x229: {  	v57 =	vld [tilespmem:s7+$0xE8];
	v2 =	vsel vm0, v2, v55  }
0x22a: {  	vm0 =	vlt.s32 v2, v3  }
0x22b: {  	v2 =	vsel vm0, v2, v3;
	v3 =	vld [tilespmem:s7+$0xF8]  }
0x22c: {  	vm0 =	vlt.s32 v2, v56  }
0x22d: {  	v58 =	vld [tilespmem:s7+$0x108];
	v2 =	vsel vm0, v2, v56  }
0x22e: {  	vm0 =	vlt.s32 v2, v57  }
0x22f: {  	v59 =	vld [tilespmem:s7+$0x118];
	v2 =	vsel vm0, v2, v57  }
0x230: {  	vm0 =	vlt.s32 v2, v3  }
0x231: {  	v2 =	vsel vm0, v2, v3;
	v3 =	vld [tilespmem:s7+$0x128]  }
0x232: {  	vm0 =	vlt.s32 v2, v58  }
0x233: {  	v60 =	vld [tilespmem:s7+$0x138];
	v2 =	vsel vm0, v2, v58  }
0x234: {  	vm0 =	vlt.s32 v2, v59  }
0x235: {  	v61 =	vld [tilespmem:s7+$0x148];
	v2 =	vsel vm0, v2, v59  }
0x236: {  	vm0 =	vlt.s32 v2, v3  }
0x237: {  	v2 =	vsel vm0, v2, v3;
	v3 =	vld [tilespmem:s7+$0x158]  }
0x238: {  	vm0 =	vlt.s32 v2, v60  }
0x239: {  	v62 =	vld [tilespmem:s7+$0x168];
	v2 =	vsel vm0, v2, v60  }
0x23a: {  	vm0 =	vlt.s32 v2, v61  }
0x23b: {  	v63 =	vld [tilespmem:s7+$0x178];
	v2 =	vsel vm0, v2, v61  }
0x23c: {  	vm0 =	vlt.s32 v2, v3  }
0x23d: {  	v2 =	vsel vm0, v2, v3;
	v3 =	vld [tilespmem:s7+$0x180]  }
0x23e: {  	vm0 =	vlt.s32 v2, v62  }
0x23f: {  	v2 =	vsel vm0, v2, v62  }
0x240: {  	vm0 =	vlt.s32 v2, v63  }
0x241: {  	v2 =	vsel vm0, v2, v63  }
0x242: {  	vm0 =	vlt.s32 v2, v3  }
0x243: {  	v2 =	vsel vm0, v2, v3  }
0x244: {  	vm0 =	veq.s32 v2, $0x0  }
0x245: {  	v2 =	vmpcnt.ones.xlane vm0;
	_ =	sdelay $0x1  }
0x246: {  	(v2sf) =	vpush v2, $0x0;
	_ =	sdelay $0xe  }
0x247: {  	s0 =	spop (v2sf)  }
0x248: {  	p0 =	seq.s32 s0, $0x0  }
.Ltmp14:
0x249: {  	_ = 	snop;
	(pc) =	sbr.rel @p0 .LBB2_22-.Ltmp14, $1  }
0x24a: {  	_ =	sdelay $0x3  }
.Ltmp15:
0x24b: {  	(pc) =	sbr.rel .LBB2_15-.Ltmp15, $2  }
0x24c: {  	_ =	sdelay $0x2  }
0x24d: {  	s8 =	sadd.s32 $0xC8, s7;
	s0 =	simm.s32 $0x0;
	v2 =	vmov s7  }
.LBB2_17:
0x24e: {  	s0 =	sadd.s32 $0x10, s0  }
0x24f: {  	p0 =	sne.s32 s0, $0xD0  }
.Ltmp16:
0x250: {  	_ = 	snop;
	(pc) =	sbr.rel @!p0 .LBB2_18-.Ltmp16, $1  }
0x251: {  	_ =	sdelay $0x3  }
.LBB2_15:
0x252: {  	_ =	sdelay $0x2  }
0x253: {  	s1 =	smin.u32 s0, $0xB8  }
0x254: {  	v3 =	vld.idx.msk [tilespmem:v2+s1+$0x0 ss:$0x1], $0xffff;
	_ =	sdelay $0x4  }
0x255: {  	vm0 =	veq.s32 v3, $0x0  }
0x256: {  	v3 =	vmpcnt.ones.xlane vm0;
	_ =	sdelay $0x1  }
0x257: {  	(v2sf) =	vpush v3, $0x0;
	_ =	sdelay $0xe  }
0x258: {  	s7 =	spop (v2sf)  }
0x259: {  	p0 =	seq.s32 s7, $0x0  }
.Ltmp17:
0x25a: {  	_ = 	snop;
	(pc) =	sbr.rel @p0 .LBB2_17-.Ltmp17, $1  }
0x25b: {  	_ =	sdelay $0x3  }
0x25c: {  	v3 =	vmov s1  }
0x25d: {  	v3 =	vshll.u32 v3, $0x6  }
0x25e: {  	v3 =	vadd.s32 v0, v3  }
0x25f: {  	v4 =	vor.u32 $0x1, v3  }
0x260: {  	v5 =	vor.u32 $0x2, v3  }
0x261: {  	v6 =	vor.u32 $0x3, v3  }
0x262: {  	v7 =	vor.u32 $0x4, v3  }
0x263: {  	v8 =	vor.u32 $0x5, v3;
	[tilespmem:v3+s20+$0x0] =	vst.idx.msk vm0, v1  }
0x264: {  	v59 =	vor.u32 $0x6, v3;
	[tilespmem:v4+s20+$0x0] =	vst.idx.msk vm0, v1  }
0x265: {  	v60 =	vor.u32 $0x7, v3;
	[tilespmem:v5+s20+$0x0] =	vst.idx.msk vm0, v1  }
0x266: {  	v61 =	vor.u32 $0x8, v3;
	[tilespmem:v6+s20+$0x0] =	vst.idx.msk vm0, v1  }
0x267: {  	v62 =	vor.u32 $0x9, v3;
	[tilespmem:v7+s20+$0x0] =	vst.idx.msk vm0, v1  }
0x268: {  	v63 =	vor.u32 $0xA, v3;
	[tilespmem:v8+s20+$0x0] =	vst.idx.msk vm0, v1  }
0x269: {  	v12 =	vor.u32 $0xB, v3;
	[tilespmem:v59+s20+$0x0] =	vst.idx.msk vm0, v1  }
0x26a: {  	v13 =	vor.u32 $0xC, v3;
	[tilespmem:v60+s20+$0x0] =	vst.idx.msk vm0, v1  }
0x26b: {  	v14 =	vor.u32 $0xD, v3;
	[tilespmem:v61+s20+$0x0] =	vst.idx.msk vm0, v1  }
0x26c: {  	v15 =	vor.u32 $0xE, v3;
	[tilespmem:v62+s20+$0x0] =	vst.idx.msk vm0, v1  }
0x26d: {  	v16 =	vor.u32 $0xF, v3;
	[tilespmem:v63+s20+$0x0] =	vst.idx.msk vm0, v1  }
0x26e: {  	v17 =	vor.u32 $0x10, v3;
	[tilespmem:v12+s20+$0x0] =	vst.idx.msk vm0, v1  }
0x26f: {  	v18 =	vor.u32 $0x11, v3;
	[tilespmem:v13+s20+$0x0] =	vst.idx.msk vm0, v1  }
0x270: {  	v19 =	vor.u32 $0x12, v3;
	[tilespmem:v14+s20+$0x0] =	vst.idx.msk vm0, v1  }
0x271: {  	v20 =	vor.u32 $0x13, v3;
	[tilespmem:v15+s20+$0x0] =	vst.idx.msk vm0, v1  }
0x272: {  	v21 =	vor.u32 $0x14, v3;
	[tilespmem:v16+s20+$0x0] =	vst.idx.msk vm0, v1  }
0x273: {  	v22 =	vor.u32 $0x15, v3;
	[tilespmem:v17+s20+$0x0] =	vst.idx.msk vm0, v1  }
0x274: {  	v23 =	vor.u32 $0x16, v3;
	[tilespmem:v18+s20+$0x0] =	vst.idx.msk vm0, v1  }
0x275: {  	v24 =	vor.u32 $0x17, v3;
	[tilespmem:v19+s20+$0x0] =	vst.idx.msk vm0, v1  }
0x276: {  	v25 =	vor.u32 $0x18, v3;
	[tilespmem:v20+s20+$0x0] =	vst.idx.msk vm0, v1  }
0x277: {  	v26 =	vor.u32 $0x19, v3;
	[tilespmem:v21+s20+$0x0] =	vst.idx.msk vm0, v1  }
0x278: {  	v27 =	vor.u32 $0x1A, v3;
	[tilespmem:v22+s20+$0x0] =	vst.idx.msk vm0, v1  }
0x279: {  	v28 =	vor.u32 $0x1B, v3;
	[tilespmem:v23+s20+$0x0] =	vst.idx.msk vm0, v1  }
0x27a: {  	v29 =	vor.u32 $0x1C, v3;
	[tilespmem:v24+s20+$0x0] =	vst.idx.msk vm0, v1  }
0x27b: {  	v30 =	vor.u32 $0x1D, v3;
	[tilespmem:v25+s20+$0x0] =	vst.idx.msk vm0, v1  }
0x27c: {  	v31 =	vor.u32 $0x1E, v3;
	[tilespmem:v26+s20+$0x0] =	vst.idx.msk vm0, v1  }
0x27d: {  	v32 =	vor.u32 $0x1F, v3;
	[tilespmem:v27+s20+$0x0] =	vst.idx.msk vm0, v1  }
0x27e: {  	v33 =	vor.u32 $0x20, v3;
	[tilespmem:v28+s20+$0x0] =	vst.idx.msk vm0, v1  }
0x27f: {  	v34 =	vor.u32 $0x21, v3;
	[tilespmem:v29+s20+$0x0] =	vst.idx.msk vm0, v1  }
0x280: {  	v35 =	vor.u32 $0x22, v3;
	[tilespmem:v30+s20+$0x0] =	vst.idx.msk vm0, v1  }
0x281: {  	v36 =	vor.u32 $0x23, v3;
	[tilespmem:v31+s20+$0x0] =	vst.idx.msk vm0, v1  }
0x282: {  	v37 =	vor.u32 $0x24, v3;
	[tilespmem:v32+s20+$0x0] =	vst.idx.msk vm0, v1  }
0x283: {  	v38 =	vor.u32 $0x25, v3;
	[tilespmem:v33+s20+$0x0] =	vst.idx.msk vm0, v1  }
0x284: {  	v39 =	vor.u32 $0x26, v3;
	[tilespmem:v34+s20+$0x0] =	vst.idx.msk vm0, v1  }
0x285: {  	v40 =	vor.u32 $0x27, v3;
	[tilespmem:v35+s20+$0x0] =	vst.idx.msk vm0, v1  }
0x286: {  	v41 =	vor.u32 $0x28, v3;
	[tilespmem:v36+s20+$0x0] =	vst.idx.msk vm0, v1  }
0x287: {  	v42 =	vor.u32 $0x29, v3;
	[tilespmem:v37+s20+$0x0] =	vst.idx.msk vm0, v1  }
0x288: {  	v43 =	vor.u32 $0x2A, v3;
	[tilespmem:v38+s20+$0x0] =	vst.idx.msk vm0, v1  }
0x289: {  	v44 =	vor.u32 $0x2B, v3;
	[tilespmem:v39+s20+$0x0] =	vst.idx.msk vm0, v1  }
0x28a: {  	v45 =	vor.u32 $0x2C, v3;
	[tilespmem:v40+s20+$0x0] =	vst.idx.msk vm0, v1  }
0x28b: {  	v46 =	vor.u32 $0x2D, v3;
	[tilespmem:v41+s20+$0x0] =	vst.idx.msk vm0, v1  }
0x28c: {  	v47 =	vor.u32 $0x2E, v3;
	[tilespmem:v42+s20+$0x0] =	vst.idx.msk vm0, v1  }
0x28d: {  	v48 =	vor.u32 $0x2F, v3;
	[tilespmem:v43+s20+$0x0] =	vst.idx.msk vm0, v1  }
0x28e: {  	v49 =	vor.u32 $0x30, v3;
	[tilespmem:v44+s20+$0x0] =	vst.idx.msk vm0, v1  }
0x28f: {  	v50 =	vor.u32 $0x31, v3;
	[tilespmem:v45+s20+$0x0] =	vst.idx.msk vm0, v1  }
0x290: {  	v51 =	vor.u32 $0x32, v3;
	[tilespmem:v46+s20+$0x0] =	vst.idx.msk vm0, v1  }
0x291: {  	v52 =	vor.u32 $0x33, v3;
	[tilespmem:v47+s20+$0x0] =	vst.idx.msk vm0, v1  }
0x292: {  	v53 =	vor.u32 $0x34, v3;
	[tilespmem:v48+s20+$0x0] =	vst.idx.msk vm0, v1  }
0x293: {  	v54 =	vor.u32 $0x35, v3;
	[tilespmem:v49+s20+$0x0] =	vst.idx.msk vm0, v1  }
0x294: {  	v55 =	vor.u32 $0x36, v3;
	[tilespmem:v50+s20+$0x0] =	vst.idx.msk vm0, v1  }
0x295: {  	v56 =	vor.u32 $0x37, v3;
	[tilespmem:v51+s20+$0x0] =	vst.idx.msk vm0, v1  }
0x296: {  	v57 =	vor.u32 $0x38, v3;
	[tilespmem:v52+s20+$0x0] =	vst.idx.msk vm0, v1  }
0x297: {  	v58 =	vor.u32 $0x39, v3;
	[tilespmem:v53+s20+$0x0] =	vst.idx.msk vm0, v1  }
0x298: {  	v59 =	vor.u32 $0x3A, v3;
	[tilespmem:v54+s20+$0x0] =	vst.idx.msk vm0, v1  }
0x299: {  	v60 =	vor.u32 $0x3B, v3;
	[tilespmem:v55+s20+$0x0] =	vst.idx.msk vm0, v1  }
0x29a: {  	v61 =	vor.u32 $0x3C, v3;
	[tilespmem:v56+s20+$0x0] =	vst.idx.msk vm0, v1  }
0x29b: {  	v62 =	vor.u32 $0x3D, v3;
	[tilespmem:v57+s20+$0x0] =	vst.idx.msk vm0, v1  }
0x29c: {  	v63 =	vor.u32 $0x3E, v3;
	[tilespmem:v58+s20+$0x0] =	vst.idx.msk vm0, v1  }
0x29d: {  	v3 =	vor.u32 $0x3F, v3;
	[tilespmem:v59+s20+$0x0] =	vst.idx.msk vm0, v1  }
.Ltmp18:
0x29e: {  	[tilespmem:v60+s20+$0x0] =	vst.idx.msk vm0, v1;
	(pc) =	sbr.rel .LBB2_17-.Ltmp18, $4  }
0x29f: {  	[tilespmem:v61+s20+$0x0] =	vst.idx.msk vm0, v1  }
0x2a0: {  	[tilespmem:v62+s20+$0x0] =	vst.idx.msk vm0, v1  }
0x2a1: {  	[tilespmem:v63+s20+$0x0] =	vst.idx.msk vm0, v1  }
0x2a2: {  	[tilespmem:v3+s20+$0x0] =	vst.idx.msk vm0, v1  }
.LBB2_18:
.Ltmp19:
0x2a3: {  	(pc) =	sbr.rel .LBB2_19-.Ltmp19, $2  }
0x2a4: {  	_ =	sdelay $0x2  }
0x2a5: {  	s0 =	simm.s32 $0x0;
	v2 =	vmov s8  }
.LBB2_21:
0x2a6: {  	s0 =	sadd.s32 $0x10, s0  }
0x2a7: {  	p0 =	sne.s32 s0, $0xD0  }
.Ltmp20:
0x2a8: {  	_ = 	snop;
	(pc) =	sbr.rel @!p0 .LBB2_22-.Ltmp20, $1  }
0x2a9: {  	_ =	sdelay $0x3  }
.LBB2_19:
0x2aa: {  	_ =	sdelay $0x2  }
0x2ab: {  	s1 =	smin.u32 s0, $0xB8  }
0x2ac: {  	v3 =	vld.idx.msk [tilespmem:v2+s1+$0x0 ss:$0x1], $0xffff;
	_ =	sdelay $0x4  }
0x2ad: {  	vm0 =	veq.s32 v3, $0x0  }
0x2ae: {  	v3 =	vmpcnt.ones.xlane vm0;
	_ =	sdelay $0x1  }
0x2af: {  	(v2sf) =	vpush v3, $0x0;
	_ =	sdelay $0xe  }
0x2b0: {  	s7 =	spop (v2sf)  }
0x2b1: {  	p0 =	seq.s32 s7, $0x0  }
.Ltmp21:
0x2b2: {  	_ = 	snop;
	(pc) =	sbr.rel @p0 .LBB2_21-.Ltmp21, $1  }
0x2b3: {  	_ =	sdelay $0x3  }
0x2b4: {  	v3 =	vmov s1  }
0x2b5: {  	v3 =	vshll.u32 v3, $0x6  }
0x2b6: {  	v3 =	vadd.s32 v0, v3  }
0x2b7: {  	v4 =	vor.u32 $0x1, v3  }
0x2b8: {  	v5 =	vor.u32 $0x2, v3  }
0x2b9: {  	v6 =	vor.u32 $0x3, v3  }
0x2ba: {  	v7 =	vor.u32 $0x4, v3  }
0x2bb: {  	v8 =	vor.u32 $0x5, v3;
	[tilespmem:v3+s24+$0x0] =	vst.idx.msk vm0, v1  }
0x2bc: {  	v59 =	vor.u32 $0x6, v3;
	[tilespmem:v4+s24+$0x0] =	vst.idx.msk vm0, v1  }
0x2bd: {  	v60 =	vor.u32 $0x7, v3;
	[tilespmem:v5+s24+$0x0] =	vst.idx.msk vm0, v1  }
0x2be: {  	v61 =	vor.u32 $0x8, v3;
	[tilespmem:v6+s24+$0x0] =	vst.idx.msk vm0, v1  }
0x2bf: {  	v62 =	vor.u32 $0x9, v3;
	[tilespmem:v7+s24+$0x0] =	vst.idx.msk vm0, v1  }
0x2c0: {  	v63 =	vor.u32 $0xA, v3;
	[tilespmem:v8+s24+$0x0] =	vst.idx.msk vm0, v1  }
0x2c1: {  	v12 =	vor.u32 $0xB, v3;
	[tilespmem:v59+s24+$0x0] =	vst.idx.msk vm0, v1  }
0x2c2: {  	v13 =	vor.u32 $0xC, v3;
	[tilespmem:v60+s24+$0x0] =	vst.idx.msk vm0, v1  }
0x2c3: {  	v14 =	vor.u32 $0xD, v3;
	[tilespmem:v61+s24+$0x0] =	vst.idx.msk vm0, v1  }
0x2c4: {  	v15 =	vor.u32 $0xE, v3;
	[tilespmem:v62+s24+$0x0] =	vst.idx.msk vm0, v1  }
0x2c5: {  	v16 =	vor.u32 $0xF, v3;
	[tilespmem:v63+s24+$0x0] =	vst.idx.msk vm0, v1  }
0x2c6: {  	v17 =	vor.u32 $0x10, v3;
	[tilespmem:v12+s24+$0x0] =	vst.idx.msk vm0, v1  }
0x2c7: {  	v18 =	vor.u32 $0x11, v3;
	[tilespmem:v13+s24+$0x0] =	vst.idx.msk vm0, v1  }
0x2c8: {  	v19 =	vor.u32 $0x12, v3;
	[tilespmem:v14+s24+$0x0] =	vst.idx.msk vm0, v1  }
0x2c9: {  	v20 =	vor.u32 $0x13, v3;
	[tilespmem:v15+s24+$0x0] =	vst.idx.msk vm0, v1  }
0x2ca: {  	v21 =	vor.u32 $0x14, v3;
	[tilespmem:v16+s24+$0x0] =	vst.idx.msk vm0, v1  }
0x2cb: {  	v22 =	vor.u32 $0x15, v3;
	[tilespmem:v17+s24+$0x0] =	vst.idx.msk vm0, v1  }
0x2cc: {  	v23 =	vor.u32 $0x16, v3;
	[tilespmem:v18+s24+$0x0] =	vst.idx.msk vm0, v1  }
0x2cd: {  	v24 =	vor.u32 $0x17, v3;
	[tilespmem:v19+s24+$0x0] =	vst.idx.msk vm0, v1  }
0x2ce: {  	v25 =	vor.u32 $0x18, v3;
	[tilespmem:v20+s24+$0x0] =	vst.idx.msk vm0, v1  }
0x2cf: {  	v26 =	vor.u32 $0x19, v3;
	[tilespmem:v21+s24+$0x0] =	vst.idx.msk vm0, v1  }
0x2d0: {  	v27 =	vor.u32 $0x1A, v3;
	[tilespmem:v22+s24+$0x0] =	vst.idx.msk vm0, v1  }
0x2d1: {  	v28 =	vor.u32 $0x1B, v3;
	[tilespmem:v23+s24+$0x0] =	vst.idx.msk vm0, v1  }
0x2d2: {  	v29 =	vor.u32 $0x1C, v3;
	[tilespmem:v24+s24+$0x0] =	vst.idx.msk vm0, v1  }
0x2d3: {  	v30 =	vor.u32 $0x1D, v3;
	[tilespmem:v25+s24+$0x0] =	vst.idx.msk vm0, v1  }
0x2d4: {  	v31 =	vor.u32 $0x1E, v3;
	[tilespmem:v26+s24+$0x0] =	vst.idx.msk vm0, v1  }
0x2d5: {  	v32 =	vor.u32 $0x1F, v3;
	[tilespmem:v27+s24+$0x0] =	vst.idx.msk vm0, v1  }
0x2d6: {  	v33 =	vor.u32 $0x20, v3;
	[tilespmem:v28+s24+$0x0] =	vst.idx.msk vm0, v1  }
0x2d7: {  	v34 =	vor.u32 $0x21, v3;
	[tilespmem:v29+s24+$0x0] =	vst.idx.msk vm0, v1  }
0x2d8: {  	v35 =	vor.u32 $0x22, v3;
	[tilespmem:v30+s24+$0x0] =	vst.idx.msk vm0, v1  }
0x2d9: {  	v36 =	vor.u32 $0x23, v3;
	[tilespmem:v31+s24+$0x0] =	vst.idx.msk vm0, v1  }
0x2da: {  	v37 =	vor.u32 $0x24, v3;
	[tilespmem:v32+s24+$0x0] =	vst.idx.msk vm0, v1  }
0x2db: {  	v38 =	vor.u32 $0x25, v3;
	[tilespmem:v33+s24+$0x0] =	vst.idx.msk vm0, v1  }
0x2dc: {  	v39 =	vor.u32 $0x26, v3;
	[tilespmem:v34+s24+$0x0] =	vst.idx.msk vm0, v1  }
0x2dd: {  	v40 =	vor.u32 $0x27, v3;
	[tilespmem:v35+s24+$0x0] =	vst.idx.msk vm0, v1  }
0x2de: {  	v41 =	vor.u32 $0x28, v3;
	[tilespmem:v36+s24+$0x0] =	vst.idx.msk vm0, v1  }
0x2df: {  	v42 =	vor.u32 $0x29, v3;
	[tilespmem:v37+s24+$0x0] =	vst.idx.msk vm0, v1  }
0x2e0: {  	v43 =	vor.u32 $0x2A, v3;
	[tilespmem:v38+s24+$0x0] =	vst.idx.msk vm0, v1  }
0x2e1: {  	v44 =	vor.u32 $0x2B, v3;
	[tilespmem:v39+s24+$0x0] =	vst.idx.msk vm0, v1  }
0x2e2: {  	v45 =	vor.u32 $0x2C, v3;
	[tilespmem:v40+s24+$0x0] =	vst.idx.msk vm0, v1  }
0x2e3: {  	v46 =	vor.u32 $0x2D, v3;
	[tilespmem:v41+s24+$0x0] =	vst.idx.msk vm0, v1  }
0x2e4: {  	v47 =	vor.u32 $0x2E, v3;
	[tilespmem:v42+s24+$0x0] =	vst.idx.msk vm0, v1  }
0x2e5: {  	v48 =	vor.u32 $0x2F, v3;
	[tilespmem:v43+s24+$0x0] =	vst.idx.msk vm0, v1  }
0x2e6: {  	v49 =	vor.u32 $0x30, v3;
	[tilespmem:v44+s24+$0x0] =	vst.idx.msk vm0, v1  }
0x2e7: {  	v50 =	vor.u32 $0x31, v3;
	[tilespmem:v45+s24+$0x0] =	vst.idx.msk vm0, v1  }
0x2e8: {  	v51 =	vor.u32 $0x32, v3;
	[tilespmem:v46+s24+$0x0] =	vst.idx.msk vm0, v1  }
0x2e9: {  	v52 =	vor.u32 $0x33, v3;
	[tilespmem:v47+s24+$0x0] =	vst.idx.msk vm0, v1  }
0x2ea: {  	v53 =	vor.u32 $0x34, v3;
	[tilespmem:v48+s24+$0x0] =	vst.idx.msk vm0, v1  }
0x2eb: {  	v54 =	vor.u32 $0x35, v3;
	[tilespmem:v49+s24+$0x0] =	vst.idx.msk vm0, v1  }
0x2ec: {  	v55 =	vor.u32 $0x36, v3;
	[tilespmem:v50+s24+$0x0] =	vst.idx.msk vm0, v1  }
0x2ed: {  	v56 =	vor.u32 $0x37, v3;
	[tilespmem:v51+s24+$0x0] =	vst.idx.msk vm0, v1  }
0x2ee: {  	v57 =	vor.u32 $0x38, v3;
	[tilespmem:v52+s24+$0x0] =	vst.idx.msk vm0, v1  }
0x2ef: {  	v58 =	vor.u32 $0x39, v3;
	[tilespmem:v53+s24+$0x0] =	vst.idx.msk vm0, v1  }
0x2f0: {  	v59 =	vor.u32 $0x3A, v3;
	[tilespmem:v54+s24+$0x0] =	vst.idx.msk vm0, v1  }
0x2f1: {  	v60 =	vor.u32 $0x3B, v3;
	[tilespmem:v55+s24+$0x0] =	vst.idx.msk vm0, v1  }
0x2f2: {  	v61 =	vor.u32 $0x3C, v3;
	[tilespmem:v56+s24+$0x0] =	vst.idx.msk vm0, v1  }
0x2f3: {  	v62 =	vor.u32 $0x3D, v3;
	[tilespmem:v57+s24+$0x0] =	vst.idx.msk vm0, v1  }
0x2f4: {  	v63 =	vor.u32 $0x3E, v3;
	[tilespmem:v58+s24+$0x0] =	vst.idx.msk vm0, v1  }
0x2f5: {  	v3 =	vor.u32 $0x3F, v3;
	[tilespmem:v59+s24+$0x0] =	vst.idx.msk vm0, v1  }
.Ltmp22:
0x2f6: {  	[tilespmem:v60+s24+$0x0] =	vst.idx.msk vm0, v1;
	(pc) =	sbr.rel .LBB2_21-.Ltmp22, $4  }
0x2f7: {  	[tilespmem:v61+s24+$0x0] =	vst.idx.msk vm0, v1  }
0x2f8: {  	[tilespmem:v62+s24+$0x0] =	vst.idx.msk vm0, v1  }
0x2f9: {  	[tilespmem:v63+s24+$0x0] =	vst.idx.msk vm0, v1  }
0x2fa: {  	[tilespmem:v3+s24+$0x0] =	vst.idx.msk vm0, v1  }
.LBB2_24:
0x2fb: {  	_ =	sfence.sel $0x180000  }
0x2fc: {  	[bflag:$0x0] =	sbarrier.arrive $0xFFFF  }
0x2fd: {  	_ =	strace $0x9000004A  }
0x2fe: {  	s0 =	stileid.u32;
	[bflag:$0x2] =	sbarrier.arrive $0xFFFF  }
0x2ff: {  	p0 =	sne.s32 s0, $0x0;
	s0 =	rddreg [dreg:$0x2]  }
0x300: {  	s0 =	sadd.s32 @!p0 $0x100000, s0  }
0x301: {  	[sflag:s0] =	ssyncadd.tile.s32 @!p0 $0x1;
	_ =	shalt  }
.Lfunc_end2:
_tile_overlayer_lowered:
.L_overlay_start_2:
0x302: {  	(tag) =	ssettag $0x2  }
0x303: {  	s0 =	rddreg [dreg:$0x0];
	s2 =	stileid.u32  }
0x304: {  	s1 =	rddreg [dreg:$0x1];
	p0 =	sne.s32 s2, $0x0  }
0x305: {  	s3 =	rddreg [dreg:$0x2];
	[bflag:$0x3] =	sbarrier.arrive $0xFFFF;
	s2 =	simm.s32 @!p0 $0x1C05  }
0x306: {  	[timem:s3], [sflag:s2] =	dma.local @!p0 [hbm:s0], s1  }
0x307: {  	s0 =	simm.s32 @!p0 $0x5  }
0x308: {  	_ =	swait.ge @!p0 [sflag:s0], s1  }
0x309: {  	s1 =	ssub.s32 @!p0 $0x0, s1;
	[sflag:s0] =	ssyncset.done @!p0 $0x0  }
0x30a: {  	[sflag:s0] =	ssyncadd.s32 @!p0 s1  }
0x30b: {  	[bflag:$0x3] =	sbarrier.arrive $0xFFFF  }
0x30c: {  	_ =	shalt  }

// kernel: sparse-core-data-format-call.1.cloned.1.call-start
scs
called_computation.1_lowered:
.L_overlay_start_0:
0x0: {  	s2 =	sld [smem:$0x3FD9]  }
0x1: {  	s3 =	sld [smem:$0x3FFE];
	_ =	sdelay $0x1  }
0x2: {  	s1 =	srdreg.scid  }
0x3: {  	s0 =	sand.u32 $0x1, s1  }
0x4: {  	s18 =	sshll.u32 s0, $0xA;
	s2 =	sadd.s32 s3, s2  }
0x5: {  	s2 =	sadd.s32 s2, s18  }
0x6: {  	[smem:$0x3FC6] =	sst s2  }
0x7: {  	_ = 	snop  }
0x8: {  	s2 =	sld [smem:$0x3FC8];
	(tm) =	ssettm $0x1  }
0x9: {  	s19 =	sld [smem:$0x3FFB];
	_ =	sdelay $0x3  }
0xa: {  	_ =	strace s19  }
0xb: {  	s3 =	sld [smem:$0x3FFC];
	_ =	sdelay $0x3  }
0xc: {  	_ =	strace s3  }
0xd: {  	s3 =	sld [smem:$0x3FFD];
	_ =	sdelay $0x3  }
0xe: {  	_ =	strace s3  }
0xf: {  	_ =	strace $0x8FFFFFFF  }
0x10: {  	s20 =	sld [smem:$0x3FDB];
	_ =	sdelay $0x1  }
0x11: {  	s4 =	simm.s32 $_scs_section_size  }
0x12: {  	s5 =	simm.s32 $_size__tile_overlayer_lowered;
	s6 =	simm.s32 $_tile_overlayer_lowered  }
0x13: {  	s23 =	simm.s32 $0x1BFF;
	s22 =	sshll.u32 s6, $0x1;
	s3 =	sadd.s32 s4, s20  }
0x14: {  	s7 =	simm.s32 $0x0;
	s21 =	sshll.u32 s5, $0x1;
	s5 =	sadd.s32 s22, s3  }
0x15: {  	[timem:s7], [sflag:s23] =	dma.local [hbm:s5], s21  }
0x16: {  	_ =	swait.ge [sflag:s23], s21  }
0x17: {  	s4 =	ssub.s32 $0x0, s21;
	[sflag:s23] =	ssyncset.done $0x0  }
0x18: {  	[sflag:s23] =	ssyncadd.s32 s4;
	_ =	sdelay $0x1  }
0x19: {  	s24 =	simm.s32 $0x1B8B  }
0x1a: {  	_ =	swait.ge [sflag:s24], $0x1  }
0x1b: {  	[sflag:s24] =	ssyncset.done $0x0  }
0x1c: {  	s26 =	simm.s32 $0x1B8E;
	s25 =	sld [smem:$0x3FFE];
	[sflag:s24] =	ssyncadd.s32 $0xFFFFFFFF  }
0x1d: {  	s27 =	simm.s32 $execute0_lowered;
	[smem:$0x3FD2] =	sst s26  }
0x1e: {  	s5 =	sshll.u32 s27, $0x1;
	_ =	strace $0x80000046;
	[dreg:$0x1] =	wrdreg $0xFFFFFFFF  }
0x1f: {  	s28 =	simm.s32 $_size_execute0_lowered;
	s3 =	sadd.s32 s3, s5;
	[dreg:$0x0] =	wrdreg $0x0  }
0x20: {  	s5 =	sshll.u32 s28, $0x1;
	[dreg:$0x2] =	wrdreg s3  }
0x21: {  	[dreg:$0x3] =	wrdreg s5  }
0x22: {  	[dreg:$0x4] =	wrdreg $0xC0  }
0x23: {  	_ =	task [dreg:s7], $0x5FFFF  }
0x24: {  	[dreg:$0x1] =	wrdreg $0xFFFFFFFF  }
0x25: {  	[dreg:$0x0] =	wrdreg $0x60  }
0x26: {  	[dreg:$0x2] =	wrdreg s2  }
0x27: {  	[dreg:$0x3] =	wrdreg s25  }
0x28: {  	[dreg:$0x4] =	wrdreg $0x9  }
0x29: {  	_ =	task.clear_ibuf [dreg:s7], $0x5FFFF;
	_ =	strace $0x90000046  }
0x2a: {  	s29 =	simm.s32 $0x9;
	_ =	strace $0x80000048  }
0x2b: {  	_ =	swait.ge [sflag:s29], $0x1  }
0x2c: {  	[sflag:s29] =	ssyncadd.s32 $0xFFFFFFFF  }
0x2d: {  	_ =	strace $0x90000048  }
0x2e: {  	_ =	sfence  }
0x2f: {  	s30 =	sld [smem:$0x0];
	_ =	sdelay $0x2  }
0x30: {  	s31 =	sshll.u32 s1, $0xD;
	s1 =	sshrl.u32 s1, $0x2  }
0x31: {  	s3 =	sand.u32 $0x4000, s31;
	s1 =	sadd.s32 s1, s30  }
0x32: {  	s0 =	sor.u32 s3, s0;
	s1 =	sshll.u32 s1, $0x11  }
0x33: {  	s0 =	sor.u32 s1, s0  }
0x34: {  	s0 =	sadd.s32 $0x8F2B, s0  }
0x35: {  	[sflag:s0] =	ssyncadd.remote.s32 $0x1  }
0x36: {  	_ =	sfence.sel $0xFFFF  }
0x37: {  	[dreg:$0x0] =	wrdreg $0xFFFFFFFF;
	(pc) =	sbr.abs _section_cstart, $3  }
0x38: {  	[dreg:$0x1] =	wrdreg $0xFFFFFFFF  }
0x39: {  	_ =	task.clear_ibuf [dreg:s7], $0x2FFFF;
	_ =	strace $0x9FFFFFFF  }
0x3a: {  	(tm) =	ssettm $0x7FFFFFFF  }
0x3b: {  	_ =	shalt  }
tec
execute0_lowered:
.L_overlay_start_1:
0x0: {  	(tag) =	ssettag $0x1  }
0x1: {  	s0 =	srdreg.scid;
	s2 =	rddreg [dreg:$0x0]  }
0x2: {  	s5 =	rddreg [dreg:$0x1];
	s1 =	stileid.u32  }
0x3: {  	s4 =	simm.s32 $0x1;
	s6 =	simm.s32 $0x2;
	s15 =	simm.s32 $0x0  }
0x4: {  	p0 =	por $0x0, $0x0;
	s8 =	simm.s32 $0x80;
	s0 =	sshll.u32 s0, $0x4  }
0x5: {  	s14 =	simm.s32 $0x0;
	s9 =	simm.s32 $0x0;
	s3 =	sand.u32 $0x10, s0  }
.Ltmp0:
0x6: {  	s10 =	simm.s32 $0x0;
	s3 =	sor.u32 s1, s3;
	(pc) =	sbr.rel .LBB1_1-.Ltmp0, $4  }
0x7: {  	s0 =	rddreg [dreg:$0x2];
	_ =	strace $0x80000047;
	s3 =	sshll.u32 s3, $0x7  }
0x8: {  	s12 =	simm.s32 $0x0;
	[sflag:s4] =	ssyncpa.u1 $0x0;
	s7 =	ssub.s32 $0xF4200, s3  }
0x9: {  	s13 =	simm.s32 $0x0;
	[sflag:s6] =	ssyncpa.u1 $0x0;
	s6 =	sshrl.u32 s7, $0xC  }
0xa: {  	s5 =	sadd.s32 $0xE00, s5;
	s11 =	smov.u32 s3;
	s7 =	sadd.s32 $0x2, s6  }
.LBB1_5:
0xb: {  	p1 =	slt.u32 s13, $0x2  }
0xc: {  	s17 =	smov.u32 s15;
	p2 =	sgt.s32 @!p1 s15, $0xF41C0;
	s16 =	sshra.s32 @!p1 s15, $0x1F  }
0xd: {  	p3 =	sgt.s32 @!p1 s14, $0x40;
	s18 =	sshra.s32 @!p1 s14, $0x1F;
	p2 =	por !p2, p1  }
0xe: {  	s15 =	sand.u32 @!p1 s16, s15;
	p3 =	por !p3, p1;
	s16 =	smov.u32 s14  }
0xf: {  	s14 =	sand.u32 @!p1 s18, s14;
	s17 =	simm.s32 @p2 $0xF41C0;
	s16 =	simm.s32 @p3 $0x40  }
0x10: {  	s15 =	ssub.s32 @!p1 s17, s15;
	s14 =	ssub.s32 @!p1 s16, s14  }
0x11: {  	s18 =	smov.u32 s12;
	s16 =	sadd.s32 @!p1 $0xFFF0BE40, s15;
	s17 =	sadd.s32 @!p1 $0xFFFFFFC0, s14  }
0x12: {  	s15 =	ssub.s32 @!p1 $0xF4240, s15;
	p2 =	sgt.s32 @!p1 s16, $0x7F;
	p3 =	sgt.s32 @!p1 s17, $0x3F  }
0x13: {  	s14 =	ssub.s32 @!p1 $0x80, s14;
	p2 =	por !p2, p1;
	p3 =	por !p3, p1  }
0x14: {  	s16 =	sadd.s32 $0x1000, s11;
	s15 =	simm.s32 @!p2 $0x0;
	s14 =	simm.s32 @!p3 $0x0  }
0x15: {  	p2 =	sgt.s32 s16, $0xF423F;
	s14 =	smul.u32 @!p1 s14, s15;
	s15 =	sadd.s32 $0x40, s12  }
0x16: {  	s18 =	smov.u32 @p2 s15  }
0x17: {  	s16 =	smov.u32 @p2 s3;
	p2 =	sgt.s32 s18, $0x3F  }
0x18: {  	s18 =	simm.s32 @p2 $0x0;
	p2 =	sne.s32 s13, s7  }
.Ltmp1:
0x19: {  	p0 =	por !p0, !p0;
	s17 =	simm.s32 @!p1 $0x2;
	(pc) =	sbr.rel @!p2 .LBB1_6-.Ltmp1, $4  }
0x1a: {  	s15 =	smov.u32 s9;
	s9 =	smov.u32 s11;
	s14 =	sand.u32 @!p1 $0x3FFFFFFF, s14  }
0x1b: {  	s11 =	smov.u32 s16;
	_ =	swait.ge @!p1 [sflag:s17], s14;
	s19 =	ssub.s32 @!p1 $0x0, s14  }
0x1c: {  	s14 =	smov.u32 s10;
	s13 =	sadd.s32 $0x1, s13;
	[sflag:s17] =	ssyncset.done @!p1 $0x0  }
0x1d: {  	s10 =	smov.u32 s12;
	s12 =	smov.u32 s18;
	[sflag:s17] =	ssyncadd.s32 @!p1 s19  }
.LBB1_1:
0x1e: {  	p1 =	sgt.u32 s13, s6  }
0x1f: {  	s16 =	sshrl.u32 @!p1 s12, $0x3  }
0x20: {  	s17 =	sshll.u32 @!p1 s11, $0x3;
	s16 =	smul.u32 @!p1 $0x7A1400, s16  }
0x21: {  	s18 =	sshll.u32 @!p1 s12, $0x7;
	s17 =	sand.u32 @!p1 $0xFFFFFC00, s17  }
0x22: {  	s16 =	sadd.s32 @!p1 s16, s17;
	s17 =	sand.u32 @!p1 $0x380, s18  }
0x23: {  	s18 =	sand.u32 @!p1 $0x7F, s11;
	s16 =	sor.u32 @!p1 s17, s16  }
0x24: {  	s17 =	sor.u32 @!p1 s18, s16  }
0x25: {  	s18 =	smulhi.u32 @!p1 $0x218D6287, s17;
	_ =	sdelay $0x1  }
0x26: {  	s16 =	smulhi.u32 @!p1 $0x218D6287, s16;
	s18 =	sshrl.u32 @!p1 s18, $0x11  }
0x27: {  	s18 =	smul.u32 @!p1 $0xF4280, s18  }
0x28: {  	s19 =	sxor.u32 @!p1 $0xFFFFFFFF, s13;
	s16 =	sshrl.u32 @!p1 s16, $0x11  }
0x29: {  	s19 =	sshll.u32 @!p1 s19, $0xD;
	s16 =	sand.u32 @!p1 $0x3F, s16;
	s17 =	ssub.s32 @!p1 s17, s18  }
0x2a: {  	s16 =	smul.u32 @!p1 $0x1E850, s16;
	s18 =	sshrl.u32 @!p1 s17, $0x3;
	s17 =	sand.u32 @!p1 $0x7, s17  }
0x2b: {  	s19 =	sand.u32 @!p1 $0x2000, s19;
	s18 =	sadd.s32 @!p1 s2, s18;
	s17 =	sshll.u32 @!p1 s17, $0x12  }
0x2c: {  	s16 =	sadd.s32 @!p1 s16, s18;
	s17 =	sor.u32 @!p1 $0x400, s17;
	s18 =	simm.s32 @!p1 $0x7A1400  }
0x2d: {  	[tilespmem:s19], [sflag:$0x1] =	stream.strided.gather @!p1 [hbm4b:s16+s17], $0x2000, s18, s17, $0x38;
	[tilespmem:$0x8100] =	vst v63  }
0x2e: {  	p1 =	seq.s32 s13, $0x0  }
0x2f: {  	p2 =	sge.u32 @!p1 s13, s7  }
0x30: {  	p1 =	por p1, p2  }
.Ltmp2:
0x31: {  	_ = 	snop;
	(pc) =	sbr.rel @p1 .LBB1_5-.Ltmp2, $1  }
0x32: {  	_ =	sdelay $0x3  }
0x33: {  	s16 =	simm.s32 $0x1  }
0x34: {  	_ =	swait.ge [sflag:s4], $0x2000;
	s16 =	simm.s32 @!p0 $0x0  }
0x35: {  	[sflag:s4] =	ssyncset.done $0x0;
	s17 =	sshll.u32 s16, $0xD  }
0x36: {  	[sflag:s4] =	ssyncadd.s32 $0xFFFFE000;
	s17 =	sor.u32 $0x40, s17  }
0x37: {  	s16 =	smul.u32 $0x8200, s16;
	v0 =	vld [tilespmem:s17+$0x30]  }
0x38: {  	v1 =	vld [tilespmem:s17+$0xFFFFFFD0]  }
0x39: {  	s16 =	sshrl.u32 s16, $0x2;
	v5 =	vld [tilespmem:s17+$0xFFFFFFE0]  }
0x3a: {  	v6 =	vld [tilespmem:s17+$0xFFFFFFF0];
	s19 =	sor.u32 $0x4000, s16  }
0x3b: {  	s31 =	sand.u32 $0x1, s13;
	v4 =	vld [tilespmem:s17+$0x0];
	s18 =	sadd.s32 $0x0, s19  }
0x3c: {  	v3 =	vld [tilespmem:s17+$0x10];
	s16 =	smul.u32 $0x8200, s31;
	[tilespmem:s18+$0x1C70 ss:$0x41] =	vst.msk $0xffff, v0  }
0x3d: {  	v2 =	vld [tilespmem:s17+$0x20];
	[tilespmem:s18+$0x410 ss:$0x41] =	vst.msk $0xffff, v1  }
0x3e: {  	s16 =	sshrl.u32 s16, $0x2;
	v1 =	vld [tilespmem:s17+$0xFFFFFFC0];
	[tilespmem:s18+$0x820 ss:$0x41] =	vst.msk $0xffff, v5;
	s17 =	sadd.s32 $0x80, s17  }
0x3f: {  	s20 =	simm.s32 $0x4;
	s21 =	simm.s32 $0x8;
	s16 =	sor.u32 $0x4000, s16;
	[tilespmem:s18+$0xC30 ss:$0x41] =	vst.msk $0xffff, v6;
	v0 =	vld [tilespmem:s17+$0x30]  }
.LBB1_3:
0x40: {  	p1 =	sne.s32 s21, $0xFC;
	v5 =	vld [tilespmem:s17+$0xFFFFFFD0];
	[tilespmem:s18+$0x1040 ss:$0x41] =	vst.msk $0xffff, v4  }
0x41: {  	v6 =	vld [tilespmem:s17+$0xFFFFFFE0];
	[tilespmem:s18+$0x1450 ss:$0x41] =	vst.msk $0xffff, v3  }
0x42: {  	s22 =	sshra.s32 s20, $0x2;
	s20 =	smov.u32 s21;
	v7 =	vld [tilespmem:s17+$0xFFFFFFF0];
	[tilespmem:s18+$0x1860 ss:$0x41] =	vst.msk $0xffff, v2  }
.Ltmp3:
0x43: {  	v4 =	vld [tilespmem:s17+$0x0];
	[tilespmem:s18+$0x0 ss:$0x41] =	vst.msk $0xffff, v1;
	s18 =	sadd.s32 s22, s19;
	(pc) =	sbr.rel @p1 .LBB1_3-.Ltmp3, $4  }
0x44: {  	v3 =	vld [tilespmem:s17+$0x10];
	[tilespmem:s18+$0x1C70 ss:$0x41] =	vst.msk $0xffff, v0  }
0x45: {  	[tilespmem:s18+$0x410 ss:$0x41] =	vst.msk $0xffff, v5;
	v2 =	vld [tilespmem:s17+$0x20]  }
0x46: {  	v1 =	vld [tilespmem:s17+$0xFFFFFFC0];
	[tilespmem:s18+$0x820 ss:$0x41] =	vst.msk $0xffff, v6;
	s17 =	sadd.s32 $0x80, s17  }
0x47: {  	s21 =	sadd.s32 $0x4, s21;
	v0 =	vld [tilespmem:s17+$0x30];
	[tilespmem:s18+$0xC30 ss:$0x41] =	vst.msk $0xffff, v7  }
0x48: {  	s21 =	sshll.u32 s9, $0x7;
	s22 =	sshll.u32 s10, $0x3;
	s20 =	sshra.s32 s20, $0x2  }
0x49: {  	p1 =	sgt.s32 s9, $0xF41C0;
	s30 =	sshra.s32 s9, $0x1F;
	s25 =	sshra.s32 s10, $0x1F  }
0x4a: {  	v5 =	vld [tilespmem:s17+$0xFFFFFFD0];
	s28 =	sshrl.u32 s10, $0x3;
	s23 =	sand.u32 $0xFFFFFC00, s21;
	s22 =	sand.u32 $0xFFFFFC00, s22  }
0x4b: {  	[tilespmem:s18+$0x1040 ss:$0x41] =	vst.msk $0xffff, v4;
	v58 =	vld [tilespmem:s17+$0xFFFFFFE0];
	s21 =	sand.u32 $0x380, s21;
	s19 =	sadd.s32 s20, s19;
	s22 =	sadd.s32 s22, s23  }
0x4c: {  	v59 =	vld [tilespmem:s17+$0xFFFFFFF0];
	[tilespmem:s18+$0x1450 ss:$0x41] =	vst.msk $0xffff, v3;
	s29 =	sor.u32 s21, s22;
	s21 =	smov.u32 s9;
	s22 =	sand.u32 s30, s9  }
0x4d: {  	v60 =	vld [tilespmem:s17+$0x0];
	[tilespmem:s18+$0x1860 ss:$0x41] =	vst.msk $0xffff, v2;
	s30 =	sand.u32 $0x7, s10;
	s20 =	sshrl.u32 s29, $0x7;
	s21 =	simm.s32 @!p1 $0xF41C0  }
0x4e: {  	v61 =	vld [tilespmem:s17+$0x10];
	[tilespmem:s18+$0x0 ss:$0x41] =	vst.msk $0xffff, v1;
	p1 =	sgt.s32 s10, $0x40;
	s24 =	ssub.s32 s21, s22;
	s21 =	smov.u32 s10  }
0x4f: {  	v62 =	vld [tilespmem:s17+$0x20];
	[tilespmem:s19+$0x1C70 ss:$0x41] =	vst.msk $0xffff, v0;
	s31 =	smulhi.u32 $0x218DEF5, s20;
	s22 =	sand.u32 s25, s10;
	s21 =	simm.s32 @!p1 $0x40  }
0x50: {  	v63 =	vld [tilespmem:s17+$0xFFFFFFC0];
	[tilespmem:s19+$0x410 ss:$0x41] =	vst.msk $0xffff, v5;
	s26 =	sadd.s32 $0xFFF0BE40, s24;
	s17 =	ssub.s32 $0xF4240, s24;
	s21 =	ssub.s32 s21, s22  }
0x51: {  	[tilespmem:s19+$0x820 ss:$0x41] =	vst.msk $0xffff, v58;
	s23 =	sshrl.u32 s31, $0xD;
	p1 =	sgt.s32 s26, $0x7F;
	s27 =	sadd.s32 $0xFFFFFFC0, s21  }
0x52: {  	[tilespmem:s19+$0xC30 ss:$0x41] =	vst.msk $0xffff, v59;
	s23 =	smul.u32 $0xF4240, s23;
	s18 =	ssub.s32 $0x80, s21;
	p2 =	sgt.s32 s27, $0x3F  }
.Ltmp4:
0x53: {  	[tilespmem:s19+$0x1040 ss:$0x41] =	vst.msk $0xffff, v60;
	s17 =	simm.s32 @p1 $0x0;
	s18 =	simm.s32 @p2 $0x0;
	(pc) =	sbr.rel .LBB1_5-.Ltmp4, $4  }
0x54: {  	s29 =	sand.u32 $0xF, s28;
	[tilespmem:s19+$0x1450 ss:$0x41] =	vst.msk $0xffff, v61;
	s20 =	ssub.s32 s20, s23;
	s17 =	smul.u32 s18, s17  }
0x55: {  	[tilespmem:s19+$0x1860 ss:$0x41] =	vst.msk $0xffff, v62;
	s21 =	sshll.u32 s30, $0x12;
	s20 =	sshll.u32 s20, $0x4;
	s18 =	sadd.s32 s5, s29  }
0x56: {  	[tilespmem:s19+$0x0 ss:$0x41] =	vst.msk $0xffff, v63;
	s31 =	sor.u32 $0x40, s21;
	s18 =	sadd.s32 s20, s18;
	s17 =	sand.u32 $0x3FFFFFFF, s17  }
0x57: {  	[hbm4b:s18+s31] =	stream.strided.scatter [tilespmem:s16], [sflag:$0x2], s17, s8, s31, $0x18;
	[tilespmem:$0x8100] =	vst v63  }
.LBB1_6:
0x58: {  	_ =	sfence.sel $0x180000  }
0x59: {  	s2 =	simm.s32 $0x1;
	[bflag:$0x0] =	sbarrier.arrive $0xFFFF  }
0x5a: {  	s31 =	simm.s32 $0x2;
	[sflag:s2] =	ssyncpa.u1 $0x1  }
0x5b: {  	[sflag:s31] =	ssyncpa.u1 $0x1  }
0x5c: {  	p0 =	sne.s32 s1, $0x0;
	_ =	strace $0x90000047  }
0x5d: {  	s0 =	sadd.s32 @!p0 $0x100000, s0;
	[bflag:$0x2] =	sbarrier.arrive $0xFFFF  }
0x5e: {  	[sflag:s0] =	ssyncadd.tile.s32 @!p0 $0x1;
	_ =	shalt  }
.Lfunc_end1:
_tile_overlayer_lowered:
.L_overlay_start_2:
0x5f: {  	(tag) =	ssettag $0x2  }
0x60: {  	s0 =	rddreg [dreg:$0x0];
	s2 =	stileid.u32  }
0x61: {  	s1 =	rddreg [dreg:$0x1];
	p0 =	sne.s32 s2, $0x0  }
0x62: {  	s3 =	rddreg [dreg:$0x2];
	[bflag:$0x3] =	sbarrier.arrive $0xFFFF;
	s2 =	simm.s32 @!p0 $0x1C01  }
0x63: {  	[timem:s3], [sflag:s2] =	dma.local @!p0 [hbm:s0], s1  }
0x64: {  	s0 =	simm.s32 @!p0 $0x1  }
0x65: {  	_ =	swait.ge @!p0 [sflag:s0], s1  }
0x66: {  	s1 =	ssub.s32 @!p0 $0x0, s1;
	[sflag:s0] =	ssyncset.done @!p0 $0x0  }
0x67: {  	[sflag:s0] =	ssyncadd.s32 @!p0 s1  }
0x68: {  	[bflag:$0x3] =	sbarrier.arrive $0xFFFF  }
0x69: {  	_ =	shalt  }

// kernel: sparse-core-data-format-call.cloned.1.call-start
scs
called_computation_lowered:
.L_overlay_start_0:
0x0: {  	s2 =	sld [smem:$0x3FD9]  }
0x1: {  	s3 =	sld [smem:$0x3FFE];
	_ =	sdelay $0x1  }
0x2: {  	s1 =	srdreg.scid  }
0x3: {  	s0 =	sand.u32 $0x1, s1  }
0x4: {  	s18 =	sshll.u32 s0, $0xA;
	s2 =	sadd.s32 s3, s2  }
0x5: {  	s2 =	sadd.s32 s2, s18  }
0x6: {  	[smem:$0x3FC6] =	sst s2  }
0x7: {  	_ = 	snop  }
0x8: {  	s2 =	sld [smem:$0x3FD0];
	(tm) =	ssettm $0x1  }
0x9: {  	s19 =	sld [smem:$0x3FFB];
	_ =	sdelay $0x3  }
0xa: {  	_ =	strace s19  }
0xb: {  	s3 =	sld [smem:$0x3FFC];
	_ =	sdelay $0x3  }
0xc: {  	_ =	strace s3  }
0xd: {  	s3 =	sld [smem:$0x3FFD];
	_ =	sdelay $0x3  }
0xe: {  	_ =	strace s3  }
0xf: {  	_ =	strace $0x8FFFFFFF  }
0x10: {  	s20 =	sld [smem:$0x3FDB];
	_ =	sdelay $0x1  }
0x11: {  	s4 =	simm.s32 $_scs_section_size  }
0x12: {  	s5 =	simm.s32 $_size__tile_overlayer_lowered;
	s6 =	simm.s32 $_tile_overlayer_lowered  }
0x13: {  	s23 =	simm.s32 $0x1BFF;
	s22 =	sshll.u32 s6, $0x1;
	s3 =	sadd.s32 s4, s20  }
0x14: {  	s7 =	simm.s32 $0x0;
	s21 =	sshll.u32 s5, $0x1;
	s5 =	sadd.s32 s22, s3  }
0x15: {  	[timem:s7], [sflag:s23] =	dma.local [hbm:s5], s21  }
0x16: {  	_ =	swait.ge [sflag:s23], s21  }
0x17: {  	s4 =	ssub.s32 $0x0, s21;
	[sflag:s23] =	ssyncset.done $0x0  }
0x18: {  	[sflag:s23] =	ssyncadd.s32 s4;
	_ =	sdelay $0x1  }
0x19: {  	s24 =	simm.s32 $0x1B8B  }
0x1a: {  	_ =	swait.ge [sflag:s24], $0x1  }
0x1b: {  	[sflag:s24] =	ssyncset.done $0x0  }
0x1c: {  	s26 =	simm.s32 $0x1B8E;
	s25 =	sld [smem:$0x3FFE];
	[sflag:s24] =	ssyncadd.s32 $0xFFFFFFFF  }
0x1d: {  	s27 =	simm.s32 $execute0_lowered;
	[smem:$0x3FD2] =	sst s26  }
0x1e: {  	s5 =	sshll.u32 s27, $0x1;
	_ =	strace $0x8000004C;
	[dreg:$0x1] =	wrdreg $0xFFFFFFFF  }
0x1f: {  	s28 =	simm.s32 $_size_execute0_lowered;
	s3 =	sadd.s32 s3, s5;
	[dreg:$0x0] =	wrdreg $0x0  }
0x20: {  	s5 =	sshll.u32 s28, $0x1;
	[dreg:$0x2] =	wrdreg s3  }
0x21: {  	[dreg:$0x3] =	wrdreg s5  }
0x22: {  	[dreg:$0x4] =	wrdreg $0xC0  }
0x23: {  	_ =	task [dreg:s7], $0x5FFFF  }
0x24: {  	[dreg:$0x1] =	wrdreg $0xFFFFFFFF  }
0x25: {  	[dreg:$0x0] =	wrdreg $0x60  }
0x26: {  	[dreg:$0x2] =	wrdreg s25  }
0x27: {  	[dreg:$0x3] =	wrdreg s2  }
0x28: {  	[dreg:$0x4] =	wrdreg $0x9  }
0x29: {  	_ =	task.clear_ibuf [dreg:s7], $0x5FFFF;
	_ =	strace $0x9000004C  }
0x2a: {  	s29 =	simm.s32 $0x9;
	_ =	strace $0x8000004E  }
0x2b: {  	_ =	swait.ge [sflag:s29], $0x1  }
0x2c: {  	[sflag:s29] =	ssyncadd.s32 $0xFFFFFFFF  }
0x2d: {  	_ =	strace $0x9000004E  }
0x2e: {  	_ =	sfence  }
0x2f: {  	s30 =	sld [smem:$0x0];
	_ =	sdelay $0x2  }
0x30: {  	s31 =	sshll.u32 s1, $0xD;
	s1 =	sshrl.u32 s1, $0x2  }
0x31: {  	s3 =	sand.u32 $0x4000, s31;
	s1 =	sadd.s32 s1, s30  }
0x32: {  	s0 =	sor.u32 s3, s0;
	s1 =	sshll.u32 s1, $0x11  }
0x33: {  	s0 =	sor.u32 s1, s0  }
0x34: {  	s0 =	sadd.s32 $0x8F2B, s0  }
0x35: {  	[sflag:s0] =	ssyncadd.remote.s32 $0x1  }
0x36: {  	_ =	sfence.sel $0xFFFF  }
0x37: {  	[dreg:$0x0] =	wrdreg $0xFFFFFFFF;
	(pc) =	sbr.abs _section_cstart, $3  }
0x38: {  	[dreg:$0x1] =	wrdreg $0xFFFFFFFF  }
0x39: {  	_ =	task.clear_ibuf [dreg:s7], $0x2FFFF;
	_ =	strace $0x9FFFFFFF  }
0x3a: {  	(tm) =	ssettm $0x7FFFFFFF  }
0x3b: {  	_ =	shalt  }
tec
execute0_lowered:
.L_overlay_start_1:
0x0: {  	(tag) =	ssettag $0x1  }
0x1: {  	s0 =	srdreg.scid  }
0x2: {  	s1 =	sshll.u32 s0, $0x4  }
0x3: {  	s0 =	stileid.u32;
	s1 =	sand.u32 $0x10, s1  }
0x4: {  	s1 =	sor.u32 s0, s1  }
0x5: {  	s6 =	rddreg [dreg:$0x0];
	s4 =	simm.s32 $0x1;
	s2 =	sshll.u32 s1, $0x7  }
0x6: {  	s7 =	simm.s32 $0x2;
	s12 =	simm.s32 $0x0;
	s1 =	ssub.s32 $0x1000, s2  }
0x7: {  	s8 =	simm.s32 $0x8000;
	s13 =	simm.s32 $0x0;
	s3 =	sand.u32 $0xF80, s1  }
0x8: {  	s9 =	simm.s32 $0x0;
	s5 =	sshrl.u32 s1, $0xC;
	p0 =	sne.s32 s3, $0x0  }
.Ltmp0:
0x9: {  	s1 =	rddreg [dreg:$0x2];
	s4 =	simm.s32 @!p0 $0x0;
	(pc) =	sbr.rel .LBB1_1-.Ltmp0, $4  }
0xa: {  	s11 =	simm.s32 $0x0;
	s3 =	rddreg [dreg:$0x1];
	s5 =	sadd.s32 s4, s5  }
0xb: {  	_ =	strace $0x8000004D;
	s4 =	simm.s32 $0x1;
	s5 =	smul.u32 $0xC8, s5  }
0xc: {  	s6 =	sadd.s32 $0xE00, s6;
	s10 =	smov.u32 s2;
	[sflag:s4] =	ssyncpa.u1 $0x0  }
0xd: {  	p0 =	por $0x0, $0x0;
	[sflag:s7] =	ssyncpa.u1 $0x0;
	s7 =	sor.u32 $0x1, s5  }
.LBB1_4:
0xe: {  	s16 =	sshll.u32 s13, $0x3;
	s17 =	sand.u32 $0x78, s13  }
0xf: {  	s30 =	sand.u32 $0x7E00, s13;
	s12 =	sshll.u32 s12, $0xF;
	s16 =	sand.u32 $0xC00, s16  }
0x10: {  	[tilespmem:s15+$0x810 ss:$0x81] =	vst.msk $0xffff, v2;
	s31 =	sand.u32 $0x7, s13;
	s16 =	sor.u32 s17, s16;
	s17 =	sadd.s32 s3, s30  }
0x11: {  	[tilespmem:s15+$0x1020 ss:$0x81] =	vst.msk $0xffff, v0;
	s13 =	sshll.u32 s31, $0x12;
	s12 =	sadd.s32 s12, s17;
	s16 =	sshrl.u32 s16, $0x3  }
0x12: {  	[tilespmem:s15+$0x0 ss:$0x81] =	vst.msk $0xffff, v1;
	s13 =	sor.u32 $0x400, s13;
	s12 =	sadd.s32 s16, s12  }
0x13: {  	[hbm4b:s12+s13] =	stream.strided.scatter [tilespmem:s14], [sflag:$0x2], $0x2000, s8, s13, $0x20;
	[tilespmem:$0x8080] =	vst v63  }
.LBB1_5:
0x14: {  	s14 =	sadd.s32 $0x1, s9  }
0x15: {  	s12 =	sadd.s32 $0x1000, s10;
	s16 =	smov.u32 s10;
	p2 =	sgt.s32 s14, $0xC7  }
0x16: {  	s16 =	smov.u32 @p2 s12  }
0x17: {  	s14 =	simm.s32 @p2 $0x0;
	p2 =	sgt.s32 s16, $0xFFF  }
0x18: {  	s16 =	smov.u32 @p2 s2;
	p2 =	sne.s32 s11, s7  }
.Ltmp1:
0x19: {  	p1 =	slt.u32 s11, $0x2;
	(pc) =	sbr.rel @!p2 .LBB1_6-.Ltmp1, $4  }
0x1a: {  	s15 =	simm.s32 @!p1 $0x2  }
0x1b: {  	s13 =	smov.u32 s10;
	p0 =	por !p0, !p0;
	_ =	swait.ge @!p1 [sflag:s15], $0x2000  }
0x1c: {  	s12 =	smov.u32 s9;
	[sflag:s15] =	ssyncset.done @!p1 $0x0;
	s9 =	smov.u32 s14  }
0x1d: {  	s11 =	sadd.s32 $0x1, s11;
	[sflag:s15] =	ssyncadd.s32 @!p1 $0xFFFFE000;
	s10 =	smov.u32 s16  }
.LBB1_1:
0x1e: {  	p1 =	sge.u32 s11, s5  }
0x1f: {  	s14 =	sand.u32 @!p1 $0x1FFFFFF, s9  }
0x20: {  	s15 =	smulhi.u32 @!p1 $0x147AE15, s14;
	_ =	sdelay $0x1  }
0x21: {  	s15 =	smul.u32 @!p1 $0xC8, s15  }
0x22: {  	s16 =	sxor.u32 @!p1 $0xFFFFFFFF, s11;
	s17 =	smul.u32 @!p1 $0xC80, s10  }
0x23: {  	s31 =	sadd.s32 $0xFFFFFFFF, s11;
	s16 =	sshll.u32 @!p1 s16, $0xD;
	s14 =	ssub.s32 @!p1 s14, s15  }
0x24: {  	s15 =	sand.u32 @!p1 $0x2000, s16;
	s16 =	sadd.s32 @!p1 s6, s17;
	s14 =	sshll.u32 @!p1 s14, $0x4  }
0x25: {  	s17 =	simm.s32 @!p1 $0x6400;
	s14 =	sadd.s32 @!p1 s14, s16;
	s16 =	simm.s32 @!p1 $0x40  }
0x26: {  	[tilespmem:s15], [sflag:$0x1] =	stream.strided.gather @!p1 [hbm4b:s14+s16], $0x2000, s17, s16, $0x38;
	[tilespmem:$0x8080] =	vst v63  }
0x27: {  	p1 =	sge.u32 s31, s5  }
.Ltmp2:
0x28: {  	_ = 	snop;
	(pc) =	sbr.rel @p1 .LBB1_5-.Ltmp2, $1  }
0x29: {  	_ =	sdelay $0x3  }
0x2a: {  	s14 =	simm.s32 $0x1  }
0x2b: {  	_ =	swait.ge [sflag:s4], $0x2000;
	s14 =	simm.s32 @!p0 $0x0  }
0x2c: {  	[sflag:s4] =	ssyncset.done $0x0;
	s15 =	sshll.u32 s14, $0xD  }
0x2d: {  	[sflag:s4] =	ssyncadd.s32 $0xFFFFE000;
	s18 =	sor.u32 $0x20, s15  }
0x2e: {  	s14 =	smul.u32 $0x8100, s14;
	v3 =	vld [tilespmem:s18+$0x10]  }
0x2f: {  	s30 =	sand.u32 $0x1, s11;
	v2 =	vld [tilespmem:s18+$0xFFFFFFF0]  }
0x30: {  	s15 =	smul.u32 $0x8100, s30;
	s14 =	sshrl.u32 s14, $0x2;
	v0 =	vld [tilespmem:s18+$0x0]  }
0x31: {  	v1 =	vld [tilespmem:s18+$0xFFFFFFE0];
	s16 =	sor.u32 $0x4000, s14  }
0x32: {  	s31 =	sshrl.u32 s15, $0x2;
	s15 =	sadd.s32 $0x0, s16  }
0x33: {  	s17 =	simm.s32 $0x4;
	s18 =	sadd.s32 $0x40, s18;
	s14 =	sor.u32 $0x4000, s31;
	[tilespmem:s15+$0x1830 ss:$0x81] =	vst.msk $0xffff, v3  }
.LBB1_3:
0x34: {  	v3 =	vld [tilespmem:s18+$0x10];
	p1 =	sne.s32 s17, $0x1FC;
	[tilespmem:s15+$0x810 ss:$0x81] =	vst.msk $0xffff, v2;
	s19 =	smov.u32 s17;
	s17 =	sadd.s32 $0x4, s17  }
.Ltmp3:
0x35: {  	v2 =	vld [tilespmem:s18+$0xFFFFFFF0];
	[tilespmem:s15+$0x1020 ss:$0x81] =	vst.msk $0xffff, v0;
	(pc) =	sbr.rel @p1 .LBB1_3-.Ltmp3, $4  }
0x36: {  	v0 =	vld [tilespmem:s18+$0x0];
	[tilespmem:s15+$0x0 ss:$0x81] =	vst.msk $0xffff, v1  }
0x37: {  	s15 =	sshra.s32 s19, $0x2;
	v1 =	vld [tilespmem:s18+$0xFFFFFFE0]  }
0x38: {  	s15 =	sadd.s32 s15, s16  }
0x39: {  	s18 =	sadd.s32 $0x40, s18;
	[tilespmem:s15+$0x1830 ss:$0x81] =	vst.msk $0xffff, v3  }
.Ltmp4:
0x3a: {  	_ = 	snop;
	(pc) =	sbr.rel .LBB1_4-.Ltmp4, $1  }
0x3b: {  	_ =	sdelay $0x3  }
.LBB1_6:
0x3c: {  	_ =	sfence.sel $0x180000  }
0x3d: {  	s2 =	simm.s32 $0x1;
	[bflag:$0x0] =	sbarrier.arrive $0xFFFF  }
0x3e: {  	s31 =	simm.s32 $0x2;
	[sflag:s2] =	ssyncpa.u1 $0x1  }
0x3f: {  	[sflag:s31] =	ssyncpa.u1 $0x1  }
0x40: {  	p0 =	sne.s32 s0, $0x0;
	_ =	strace $0x9000004D  }
0x41: {  	s0 =	sadd.s32 @!p0 $0x100000, s1;
	[bflag:$0x2] =	sbarrier.arrive $0xFFFF  }
0x42: {  	[sflag:s0] =	ssyncadd.tile.s32 @!p0 $0x1;
	_ =	shalt  }
.Lfunc_end1:
_tile_overlayer_lowered:
.L_overlay_start_2:
0x43: {  	(tag) =	ssettag $0x2  }
0x44: {  	s0 =	rddreg [dreg:$0x0];
	s2 =	stileid.u32  }
0x45: {  	s1 =	rddreg [dreg:$0x1];
	p0 =	sne.s32 s2, $0x0  }
0x46: {  	s3 =	rddreg [dreg:$0x2];
	[bflag:$0x3] =	sbarrier.arrive $0xFFFF;
	s2 =	simm.s32 @!p0 $0x1C01  }
0x47: {  	[timem:s3], [sflag:s2] =	dma.local @!p0 [hbm:s0], s1  }
0x48: {  	s0 =	simm.s32 @!p0 $0x1  }
0x49: {  	_ =	swait.ge @!p0 [sflag:s0], s1  }
0x4a: {  	s1 =	ssub.s32 @!p0 $0x0, s1;
	[sflag:s0] =	ssyncset.done @!p0 $0x0  }
0x4b: {  	[sflag:s0] =	ssyncadd.s32 @!p0 s1  }
0x4c: {  	[bflag:$0x3] =	sbarrier.arrive $0xFFFF  }
0x4d: {  	_ =	shalt  }

</sc_bundles>
